<compile_context>
chip_gen: v7x
topology: tpu7x:2x2x1
jax: 0.10.2.dev20260603
libtpu: 0.0.44.dev20260713+nightly
codegen_flags: <defaults>
</compile_context>

<pallas_src>
import functools

import jax
import jax.numpy as jnp
from jax import lax
from jax.experimental import pallas as pl
from jax.experimental.pallas import tpu as pltpu
from jax.experimental.pallas import tpu_sc as plsc

D = 16
HB = 8
LB = 128
NH = 200
NB = 16384
HT = NH // HB
CT = NB // LB
N_SB = HT * CT
LP = LB + 1


@functools.cache
def _make_gather():
    info = plsc.get_sparse_core_info()
    NW = info.num_cores * info.num_subcores
    NC = info.num_cores
    sb_per_w = N_SB // NW
    assert sb_per_w % 2 == 0 and sb_per_w >= 8

    mesh = plsc.VectorSubcoreMesh(core_axis_name="c", subcore_axis_name="s")

    @functools.partial(
        pl.kernel,
        mesh=mesh,
        out_type=jax.ShapeDtypeStruct((NH, 2, CT, 8, LB), jnp.float32),
        scratch_types=[
            pltpu.VMEM((HB, LB), jnp.int32),
            pltpu.VMEM((HB, LB), jnp.int32),
            pltpu.VMEM((HB * LB, D), jnp.float32),
            pltpu.VMEM((HB * LB, D), jnp.float32),
            pltpu.VMEM((2, HB + 1, 8, LP), jnp.float32),
            pltpu.VMEM((2, HB + 1, 8, LP), jnp.float32),
            pltpu.SemaphoreType.DMA,
            pltpu.SemaphoreType.DMA,
            pltpu.SemaphoreType.DMA,
            pltpu.SemaphoreType.DMA,
            pltpu.SemaphoreType.DMA,
            pltpu.SemaphoreType.DMA,
        ],
        compiler_params=pltpu.CompilerParams(
            use_tc_tiling_on_sc=False, needs_layout_passes=False
        ),
    )
    def gather_kernel(
        xn, table, out5,
        idx0, idx1, rows0, rows1, ob0, ob1,
        g0, g1, s0, s1, i0, i1,
    ):
        wid = lax.axis_index("s") * NC + lax.axis_index("c")
        sb0 = wid * sb_per_w
        idxs = (idx0, idx1)
        rows = (rows0, rows1)
        obs = (ob0, ob1)
        gsem = (g0, g1)
        ssem = (s0, s1)
        isem = (i0, i1)
        iota = lax.iota(jnp.int32, 16)
        dt_pat = iota // 8
        din_pat = iota % 8

        def coords(sb):
            return sb // CT, sb % CT

        def idx_load(sb, b):
            ht, ct = coords(sb)
            pltpu.async_copy(xn.at[ht, ct], idxs[b], isem[b])

        def fire(b):
            pltpu.make_async_copy(xn.at[0, 0], idxs[b], isem[b]).wait()
            for hi in range(HB):
                pltpu.async_copy(
                    table.at[idxs[b].at[hi]],
                    rows[b].at[pl.ds(hi * LB, LB)],
                    gsem[b],
                )

        def drain_gathers(b):
            for hi in range(HB):
                pltpu.make_async_copy(
                    table.at[idxs[b].at[hi]],
                    rows[b].at[pl.ds(hi * LB, LB)],
                    gsem[b],
                ).wait()

        def transpose(b):
            @plsc.parallel_loop(0, HB * LB, step=8, unroll=2)
            def _(r):
                hi = r // LB
                hi_v = jnp.zeros((16,), jnp.int32) + hi
                rl = r % LB
                rl_v = jnp.zeros((16,), jnp.int32) + rl
                for k in range(8):
                    v = rows[b][r + k]
                    plsc.store_scatter(
                        obs[b],
                        [dt_pat, hi_v, din_pat, rl_v + k],
                        v,
                    )

        def store(sb, b):
            ht, ct = coords(sb)
            for dt in range(2):
                pltpu.async_copy(
                    obs[b].at[dt, pl.ds(0, HB), :, pl.ds(0, LB)],
                    out5.at[pl.ds(ht * HB, HB), dt, ct],
                    ssem[b],
                )

        def wait_store(b):
            for dt in range(2):
                pltpu.make_async_copy(
                    obs[b].at[dt, pl.ds(0, HB), :, pl.ds(0, LB)],
                    out5.at[pl.ds(0, HB), dt, 0],
                    ssem[b],
                ).wait()

        idx_load(sb0 + 0, 0)
        idx_load(sb0 + 1, 1)
        fire(0)
        fire(1)
        for b in range(2):
            drain_gathers(b)
            idx_load(sb0 + 2 + b, b)
            transpose(b)
            store(sb0 + b, b)
            fire(b)

        def loop_body(i, carry):
            for b in range(2):
                c = 2 * i + b
                drain_gathers(b)
                idx_load(sb0 + c + 2, b)
                wait_store(b)
                transpose(b)
                store(sb0 + c, b)
                fire(b)
            return carry

        lax.fori_loop(1, sb_per_w // 2 - 1, loop_body, 0)

        for b in range(2):
            c = sb_per_w - 2 + b
            drain_gathers(b)
            wait_store(b)
            transpose(b)
            store(sb0 + c, b)
        wait_store(0)
        wait_store(1)

    return gather_kernel


def kernel(x, W):
    xn = (
        x.T.astype(jnp.int32)
        .reshape(HT, HB, CT, LB)
        .transpose(0, 2, 1, 3)
    )
    o5 = _make_gather()(xn, W)
    return o5.transpose(2, 4, 0, 1, 3).reshape(NB, NH, D)

# --- scband reference (transcript-rebuilt; emitter-appended) ---
"""Pipeline reference for scband-riemannian-embedding-26886495273469 (READ-ONLY COPY).

The authoritative reference and input builder live on the scoring server;
editing this copy changes nothing except your own understanding.
"""

import jax, jax.numpy as jnp
import numpy as np

N_EXEMPLE = 1000000
EMBED_DIM = 16
BATCH = 16384
HIST = 200

def setup_inputs(seed: int = 0) -> dict:
    key = jax.random.key(seed)
    k1, k2 = jax.random.split(key)
    x = jax.random.randint(k1, (BATCH, HIST), 0, N_EXEMPLE, dtype=jnp.int64 if jax.config.jax_enable_x64 else jnp.int32)
    # Poincare embeddings are initialized with small norm so points lie inside the unit ball
    W = jax.random.uniform(k2, (N_EXEMPLE, EMBED_DIM), dtype=jnp.float32, minval=-0.001, maxval=0.001)
    return {"x": x, "W": W}

def reference(x, W):
    # RiemannianEmbedding.forward: return self.W(x) -> embedding lookup
    return jnp.take(W, x, axis=0)

if __name__ == "__main__":
    import jax
    _d = setup_inputs()
    print(jax.jit(kernel)(*tuple(_d.values())))

</pallas_src>

<mosaic_0001>
#map = affine_map<(d0, d1) -> (0, 0, 0, 0)>
#map1 = affine_map<(d0, d1) -> (0, 0)>
#map2 = affine_map<(d0, d1) -> (0, 0, 0, 0, 0)>
module attributes {stable_mosaic.version = 14 : i64} {
  func.func @gather_kernel(%arg0: i32, %arg1: i32, %arg2: memref<25x128x8x128xi32, #tpu.memory_space<hbm>>, %arg3: memref<1000000x16xf32, #tpu.memory_space<hbm>>, %arg4: memref<200x2x128x8x128xf32, #tpu.memory_space<hbm>>, %arg5: memref<8x128xi32, #tpu.memory_space<vmem>>, %arg6: memref<8x128xi32, #tpu.memory_space<vmem>>, %arg7: memref<1024x16xf32, #tpu.memory_space<vmem>>, %arg8: memref<1024x16xf32, #tpu.memory_space<vmem>>, %arg9: memref<2x9x8x129xf32, #tpu.memory_space<vmem>>, %arg10: memref<2x9x8x129xf32, #tpu.memory_space<vmem>>, %arg11: memref<!tpu.dma_semaphore, #tpu.memory_space<semaphore_mem>>, %arg12: memref<!tpu.dma_semaphore, #tpu.memory_space<semaphore_mem>>, %arg13: memref<!tpu.dma_semaphore, #tpu.memory_space<semaphore_mem>>, %arg14: memref<!tpu.dma_semaphore, #tpu.memory_space<semaphore_mem>>, %arg15: memref<!tpu.dma_semaphore, #tpu.memory_space<semaphore_mem>>, %arg16: memref<!tpu.dma_semaphore, #tpu.memory_space<semaphore_mem>>) attributes {dimension_semantics = [#tpu.dimension_semantics<core_parallel>, #tpu.dimension_semantics<subcore_parallel>], iteration_bounds = array<i64: 2, 16>, scalar_prefetch = 0 : i64, scratch_operands = 12 : i64, tpu.core_type = #tpu.core_type<sc_vector_subcore>, window_params = [{transform_indices = #map}, {transform_indices = #map1}, {transform_indices = #map2}]} {
    %mul3A = arith.constant 2 : i32
    %mul3A_0 = arith.muli %arg1, %mul3A : i32
    %add3A = arith.addi %mul3A_0, %arg0 : i32
    %mul3A_1 = arith.constant 100 : i32
    %mul3A_2 = arith.muli %add3A, %mul3A_1 : i32
    %iota3A = tpu.iota {dimensions = array<i32: 0>} : vector<16xi32>
    %jit3A = arith.constant 8 : i32
    %div3A = vector.broadcast %jit3A : i32 to vector<16xi32>
    %div3A_3 = arith.divsi %iota3A, %div3A : vector<16xi32>
    %sign3A = arith.constant 0 : i32
    %sign3A_4 = vector.broadcast %sign3A : i32 to vector<16xi32>
    %sign3A_5 = arith.cmpi sgt, %iota3A, %sign3A_4 : vector<16xi32>
    %sign3A_6 = arith.extui %sign3A_5 : vector<16xi1> to vector<16xi32>
    %sign3A_7 = arith.constant 0 : i32
    %sign3A_8 = vector.broadcast %sign3A_7 : i32 to vector<16xi32>
    %sign3A_9 = arith.cmpi slt, %iota3A, %sign3A_8 : vector<16xi32>
    %sign3A_10 = arith.extui %sign3A_9 : vector<16xi1> to vector<16xi32>
    %sign3A_11 = arith.subi %sign3A_6, %sign3A_10 : vector<16xi32>
    %sign3A_12 = arith.constant 0 : i32
    %sign3A_13 = arith.cmpi sgt, %jit3A, %sign3A_12 : i32
    %sign3A_14 = arith.extui %sign3A_13 : i1 to i32
    %sign3A_15 = arith.constant 0 : i32
    %sign3A_16 = arith.cmpi slt, %jit3A, %sign3A_15 : i32
    %sign3A_17 = arith.extui %sign3A_16 : i1 to i32
    %sign3A_18 = arith.subi %sign3A_14, %sign3A_17 : i32
    %ne3A = vector.broadcast %sign3A_18 : i32 to vector<16xi32>
    %ne3A_19 = arith.cmpi ne, %sign3A_11, %ne3A : vector<16xi32>
    %rem3A = vector.broadcast %jit3A : i32 to vector<16xi32>
    %rem3A_20 = arith.remsi %iota3A, %rem3A : vector<16xi32>
    %ne3A_21 = arith.constant 0 : i32
    %ne3A_22 = vector.broadcast %ne3A_21 : i32 to vector<16xi32>
    %ne3A_23 = arith.cmpi ne, %rem3A_20, %ne3A_22 : vector<16xi32>
    %and3A = arith.andi %ne3A_19, %ne3A_23 : vector<16xi1>
    %sub3A = arith.constant 1 : i32
    %sub3A_24 = vector.broadcast %sub3A : i32 to vector<16xi32>
    %sub3A_25 = arith.subi %div3A_3, %sub3A_24 : vector<16xi32>
    %select_n3A = arith.select %and3A, %sub3A_25, %div3A_3 : vector<16xi1>, vector<16xi32>
    %jit3A_26 = arith.constant 8 : i32
    %eq3A = arith.constant 0 : i32
    %eq3A_27 = arith.cmpi eq, %jit3A_26, %eq3A : i32
    %jit3A_28 = arith.constant 1 : i32
    %select_n3A_29 = arith.select %eq3A_27, %jit3A_28, %jit3A_26 : i32
    %rem3A_30 = vector.broadcast %select_n3A_29 : i32 to vector<16xi32>
    %rem3A_31 = arith.remsi %iota3A, %rem3A_30 : vector<16xi32>
    %ne3A_32 = arith.constant 0 : i32
    %ne3A_33 = vector.broadcast %ne3A_32 : i32 to vector<16xi32>
    %ne3A_34 = arith.cmpi ne, %rem3A_31, %ne3A_33 : vector<16xi32>
    %lt3A = arith.constant 0 : i32
    %lt3A_35 = vector.broadcast %lt3A : i32 to vector<16xi32>
    %lt3A_36 = arith.cmpi slt, %rem3A_31, %lt3A_35 : vector<16xi32>
    %lt3A_37 = arith.constant 0 : i32
    %lt3A_38 = arith.cmpi slt, %select_n3A_29, %lt3A_37 : i32
    %ne3A_39 = vector.broadcast %lt3A_38 : i1 to vector<16xi1>
    %ne3A_40 = vector.broadcast %ne3A_39 : vector<16xi1> to vector<16xi1>
    %ne3A_41 = arith.xori %lt3A_36, %ne3A_40 : vector<16xi1>
    %and3A_42 = arith.andi %ne3A_41, %ne3A_34 : vector<16xi1>
    %add3A_43 = vector.broadcast %select_n3A_29 : i32 to vector<16xi32>
    %add3A_44 = arith.addi %rem3A_31, %add3A_43 : vector<16xi32>
    %select_n3A_45 = arith.select %and3A_42, %add3A_44, %rem3A_31 : vector<16xi1>, vector<16xi32>
    %add3A_46 = arith.constant 0 : i32
    %add3A_47 = arith.addi %mul3A_2, %add3A_46 : i32
    %jit3A_48 = arith.constant 128 : i32
    %div3A_49 = arith.divsi %add3A_47, %jit3A_48 : i32
    %sign3A_50 = arith.constant 0 : i32
    %sign3A_51 = arith.cmpi sgt, %add3A_47, %sign3A_50 : i32
    %sign3A_52 = arith.extui %sign3A_51 : i1 to i32
    %sign3A_53 = arith.constant 0 : i32
    %sign3A_54 = arith.cmpi slt, %add3A_47, %sign3A_53 : i32
    %sign3A_55 = arith.extui %sign3A_54 : i1 to i32
    %sign3A_56 = arith.subi %sign3A_52, %sign3A_55 : i32
    %sign3A_57 = arith.constant 0 : i32
    %sign3A_58 = arith.cmpi sgt, %jit3A_48, %sign3A_57 : i32
    %sign3A_59 = arith.extui %sign3A_58 : i1 to i32
    %sign3A_60 = arith.constant 0 : i32
    %sign3A_61 = arith.cmpi slt, %jit3A_48, %sign3A_60 : i32
    %sign3A_62 = arith.extui %sign3A_61 : i1 to i32
    %sign3A_63 = arith.subi %sign3A_59, %sign3A_62 : i32
    %ne3A_64 = arith.cmpi ne, %sign3A_56, %sign3A_63 : i32
    %rem3A_65 = arith.remsi %add3A_47, %jit3A_48 : i32
    %ne3A_66 = arith.constant 0 : i32
    %ne3A_67 = arith.cmpi ne, %rem3A_65, %ne3A_66 : i32
    %and3A_68 = arith.andi %ne3A_64, %ne3A_67 : i1
    %sub3A_69 = arith.constant 1 : i32
    %sub3A_70 = arith.subi %div3A_49, %sub3A_69 : i32
    %select_n3A_71 = arith.select %and3A_68, %sub3A_70, %div3A_49 : i32
    %jit3A_72 = arith.constant 128 : i32
    %eq3A_73 = arith.constant 0 : i32
    %eq3A_74 = arith.cmpi eq, %jit3A_72, %eq3A_73 : i32
    %jit3A_75 = arith.constant 1 : i32
    %select_n3A_76 = arith.select %eq3A_74, %jit3A_75, %jit3A_72 : i32
    %rem3A_77 = arith.remsi %add3A_47, %select_n3A_76 : i32
    %ne3A_78 = arith.constant 0 : i32
    %ne3A_79 = arith.cmpi ne, %rem3A_77, %ne3A_78 : i32
    %lt3A_80 = arith.constant 0 : i32
    %lt3A_81 = arith.cmpi slt, %rem3A_77, %lt3A_80 : i32
    %lt3A_82 = arith.constant 0 : i32
    %lt3A_83 = arith.cmpi slt, %select_n3A_76, %lt3A_82 : i32
    %ne3A_84 = arith.xori %lt3A_81, %lt3A_83 : i1
    %and3A_85 = arith.andi %ne3A_84, %ne3A_79 : i1
    %add3A_86 = arith.addi %rem3A_77, %select_n3A_76 : i32
    %select_n3A_87 = arith.select %and3A_85, %add3A_86, %rem3A_77 : i32
    %dma_start3A = arith.constant 0 : i32
    %dma_start3A_88 = arith.constant 0 : i32
    %dma_start3A_89 = tpu.memref_slice %arg2[%select_n3A_71, %select_n3A_87, %dma_start3A, %dma_start3A_88] : memref<25x128x8x128xi32, #tpu.memory_space<hbm>> -> memref<1x1x8x128xi32, #tpu.memory_space<hbm>>
    %dma_start3A_90 = tpu.memref_squeeze %dma_start3A_89 : memref<1x1x8x128xi32, #tpu.memory_space<hbm>> -> memref<8x128xi32, #tpu.memory_space<hbm>>
    %dma_start3A_91 = arith.constant 0 : i32
    %dma_start3A_92 = arith.constant 0 : i32
    %dma_start3A_93 = tpu.memref_slice %arg2[%select_n3A_71, %select_n3A_87, %dma_start3A_91, %dma_start3A_92] : memref<25x128x8x128xi32, #tpu.memory_space<hbm>> -> memref<1x1x8x128xi32, #tpu.memory_space<hbm>>
    %dma_start3A_94 = tpu.memref_squeeze %dma_start3A_93 : memref<1x1x8x128xi32, #tpu.memory_space<hbm>> -> memref<8x128xi32, #tpu.memory_space<hbm>>
    tpu.enqueue_dma source(%dma_start3A_94 : memref<8x128xi32, #tpu.memory_space<hbm>>) target(%arg5 : memref<8x128xi32, #tpu.memory_space<vmem>>) target_semaphore(%arg15 : memref<!tpu.dma_semaphore, #tpu.memory_space<semaphore_mem>>)
    %add3A_95 = arith.constant 1 : i32
    %add3A_96 = arith.addi %mul3A_2, %add3A_95 : i32
    %jit3A_97 = arith.constant 128 : i32
    %div3A_98 = arith.divsi %add3A_96, %jit3A_97 : i32
    %sign3A_99 = arith.constant 0 : i32
    %sign3A_100 = arith.cmpi sgt, %add3A_96, %sign3A_99 : i32
    %sign3A_101 = arith.extui %sign3A_100 : i1 to i32
    %sign3A_102 = arith.constant 0 : i32
    %sign3A_103 = arith.cmpi slt, %add3A_96, %sign3A_102 : i32
    %sign3A_104 = arith.extui %sign3A_103 : i1 to i32
    %sign3A_105 = arith.subi %sign3A_101, %sign3A_104 : i32
    %sign3A_106 = arith.constant 0 : i32
    %sign3A_107 = arith.cmpi sgt, %jit3A_97, %sign3A_106 : i32
    %sign3A_108 = arith.extui %sign3A_107 : i1 to i32
    %sign3A_109 = arith.constant 0 : i32
    %sign3A_110 = arith.cmpi slt, %jit3A_97, %sign3A_109 : i32
    %sign3A_111 = arith.extui %sign3A_110 : i1 to i32
    %sign3A_112 = arith.subi %sign3A_108, %sign3A_111 : i32
    %ne3A_113 = arith.cmpi ne, %sign3A_105, %sign3A_112 : i32
    %rem3A_114 = arith.remsi %add3A_96, %jit3A_97 : i32
    %ne3A_115 = arith.constant 0 : i32
    %ne3A_116 = arith.cmpi ne, %rem3A_114, %ne3A_115 : i32
    %and3A_117 = arith.andi %ne3A_113, %ne3A_116 : i1
    %sub3A_118 = arith.constant 1 : i32
    %sub3A_119 = arith.subi %div3A_98, %sub3A_118 : i32
    %select_n3A_120 = arith.select %and3A_117, %sub3A_119, %div3A_98 : i32
    %jit3A_121 = arith.constant 128 : i32
    %eq3A_122 = arith.constant 0 : i32
    %eq3A_123 = arith.cmpi eq, %jit3A_121, %eq3A_122 : i32
    %jit3A_124 = arith.constant 1 : i32
    %select_n3A_125 = arith.select %eq3A_123, %jit3A_124, %jit3A_121 : i32
    %rem3A_126 = arith.remsi %add3A_96, %select_n3A_125 : i32
    %ne3A_127 = arith.constant 0 : i32
    %ne3A_128 = arith.cmpi ne, %rem3A_126, %ne3A_127 : i32
    %lt3A_129 = arith.constant 0 : i32
    %lt3A_130 = arith.cmpi slt, %rem3A_126, %lt3A_129 : i32
    %lt3A_131 = arith.constant 0 : i32
    %lt3A_132 = arith.cmpi slt, %select_n3A_125, %lt3A_131 : i32
    %ne3A_133 = arith.xori %lt3A_130, %lt3A_132 : i1
    %and3A_134 = arith.andi %ne3A_133, %ne3A_128 : i1
    %add3A_135 = arith.addi %rem3A_126, %select_n3A_125 : i32
    %select_n3A_136 = arith.select %and3A_134, %add3A_135, %rem3A_126 : i32
    %dma_start3A_137 = arith.constant 0 : i32
    %dma_start3A_138 = arith.constant 0 : i32
    %dma_start3A_139 = tpu.memref_slice %arg2[%select_n3A_120, %select_n3A_136, %dma_start3A_137, %dma_start3A_138] : memref<25x128x8x128xi32, #tpu.memory_space<hbm>> -> memref<1x1x8x128xi32, #tpu.memory_space<hbm>>
    %dma_start3A_140 = tpu.memref_squeeze %dma_start3A_139 : memref<1x1x8x128xi32, #tpu.memory_space<hbm>> -> memref<8x128xi32, #tpu.memory_space<hbm>>
    %dma_start3A_141 = arith.constant 0 : i32
    %dma_start3A_142 = arith.constant 0 : i32
    %dma_start3A_143 = tpu.memref_slice %arg2[%select_n3A_120, %select_n3A_136, %dma_start3A_141, %dma_start3A_142] : memref<25x128x8x128xi32, #tpu.memory_space<hbm>> -> memref<1x1x8x128xi32, #tpu.memory_space<hbm>>
    %dma_start3A_144 = tpu.memref_squeeze %dma_start3A_143 : memref<1x1x8x128xi32, #tpu.memory_space<hbm>> -> memref<8x128xi32, #tpu.memory_space<hbm>>
    tpu.enqueue_dma source(%dma_start3A_144 : memref<8x128xi32, #tpu.memory_space<hbm>>) target(%arg6 : memref<8x128xi32, #tpu.memory_space<vmem>>) target_semaphore(%arg16 : memref<!tpu.dma_semaphore, #tpu.memory_space<semaphore_mem>>)
    %dma_wait3A = arith.constant 0 : i32
    %dma_wait3A_145 = arith.constant 0 : i32
    %dma_wait3A_146 = arith.constant 0 : i32
    %dma_wait3A_147 = arith.constant 0 : i32
    %dma_wait3A_148 = tpu.memref_slice %arg2[%dma_wait3A, %dma_wait3A_145, %dma_wait3A_146, %dma_wait3A_147] : memref<25x128x8x128xi32, #tpu.memory_space<hbm>> -> memref<1x1x8x128xi32, #tpu.memory_space<hbm>>
    %dma_wait3A_149 = tpu.memref_squeeze %dma_wait3A_148 : memref<1x1x8x128xi32, #tpu.memory_space<hbm>> -> memref<8x128xi32, #tpu.memory_space<hbm>>
    %dma_wait3A_150 = arith.constant 0 : i32
    %dma_wait3A_151 = arith.constant 0 : i32
    %dma_wait3A_152 = tpu.memref_slice %arg2[%dma_wait3A, %dma_wait3A_145, %dma_wait3A_150, %dma_wait3A_151] : memref<25x128x8x128xi32, #tpu.memory_space<hbm>> -> memref<1x1x8x128xi32, #tpu.memory_space<hbm>>
    %dma_wait3A_153 = tpu.memref_squeeze %dma_wait3A_152 : memref<1x1x8x128xi32, #tpu.memory_space<hbm>> -> memref<8x128xi32, #tpu.memory_space<hbm>>
    tpu.wait_dma2 semaphore(%arg15 : memref<!tpu.dma_semaphore, #tpu.memory_space<semaphore_mem>>) src(%dma_wait3A_153 : memref<8x128xi32, #tpu.memory_space<hbm>>) dst(%arg5 : memref<8x128xi32, #tpu.memory_space<vmem>>)
    %dma_start3A_154 = arith.constant 0 : i32
    %dma_start3A_155 = arith.constant 0 : i32
    %dma_start3A_156 = arith.constant 0 : i32
    %dma_start3A_157 = tpu.memref_slice %arg7[%dma_start3A_155, %dma_start3A_156] : memref<1024x16xf32, #tpu.memory_space<vmem>> -> memref<128x16xf32, #tpu.memory_space<vmem>>
    %dma_start3A_158 = arith.constant 0 : i32
    %dma_start3A_159 = tpu.memref_slice %arg5[%dma_start3A_154, %dma_start3A_158] : memref<8x128xi32, #tpu.memory_space<vmem>> -> memref<1x128xi32, #tpu.memory_space<vmem>>
    %dma_start3A_160 = tpu.memref_squeeze %dma_start3A_159 : memref<1x128xi32, #tpu.memory_space<vmem>> -> memref<128xi32, #tpu.memory_space<vmem>>
    %dma_start3A_161 = arith.constant 0 : i32
    %dma_start3A_162 = arith.constant 0 : i32
    %dma_start3A_163 = tpu.memref_slice %arg3[%dma_start3A_161, %dma_start3A_162] : memref<1000000x16xf32, #tpu.memory_space<hbm>> -> memref<1000000x16xf32, #tpu.memory_space<hbm>>
    tpu.enqueue_indirect_dma source(%dma_start3A_163 : memref<1000000x16xf32, #tpu.memory_space<hbm>>) target(%dma_start3A_157 : memref<128x16xf32, #tpu.memory_space<vmem>>) offsets(%dma_start3A_160 : memref<128xi32, #tpu.memory_space<vmem>>) semaphore(%arg11 : memref<!tpu.dma_semaphore, #tpu.memory_space<semaphore_mem>>)
    %dma_start3A_164 = arith.constant 1 : i32
    %dma_start3A_165 = arith.constant 128 : i32
    %dma_start3A_166 = arith.constant 0 : i32
    %dma_start3A_167 = tpu.memref_slice %arg7[%dma_start3A_165, %dma_start3A_166] : memref<1024x16xf32, #tpu.memory_space<vmem>> -> memref<128x16xf32, #tpu.memory_space<vmem>>
    %dma_start3A_168 = arith.constant 0 : i32
    %dma_start3A_169 = tpu.memref_slice %arg5[%dma_start3A_164, %dma_start3A_168] : memref<8x128xi32, #tpu.memory_space<vmem>> -> memref<1x128xi32, #tpu.memory_space<vmem>>
    %dma_start3A_170 = tpu.memref_squeeze %dma_start3A_169 : memref<1x128xi32, #tpu.memory_space<vmem>> -> memref<128xi32, #tpu.memory_space<vmem>>
    %dma_start3A_171 = arith.constant 0 : i32
    %dma_start3A_172 = arith.constant 0 : i32
    %dma_start3A_173 = tpu.memref_slice %arg3[%dma_start3A_171, %dma_start3A_172] : memref<1000000x16xf32, #tpu.memory_space<hbm>> -> memref<1000000x16xf32, #tpu.memory_space<hbm>>
    tpu.enqueue_indirect_dma source(%dma_start3A_173 : memref<1000000x16xf32, #tpu.memory_space<hbm>>) target(%dma_start3A_167 : memref<128x16xf32, #tpu.memory_space<vmem>>) offsets(%dma_start3A_170 : memref<128xi32, #tpu.memory_space<vmem>>) semaphore(%arg11 : memref<!tpu.dma_semaphore, #tpu.memory_space<semaphore_mem>>)
    %dma_start3A_174 = arith.constant 2 : i32
    %dma_start3A_175 = arith.constant 256 : i32
    %dma_start3A_176 = arith.constant 0 : i32
    %dma_start3A_177 = tpu.memref_slice %arg7[%dma_start3A_175, %dma_start3A_176] : memref<1024x16xf32, #tpu.memory_space<vmem>> -> memref<128x16xf32, #tpu.memory_space<vmem>>
    %dma_start3A_178 = arith.constant 0 : i32
    %dma_start3A_179 = tpu.memref_slice %arg5[%dma_start3A_174, %dma_start3A_178] : memref<8x128xi32, #tpu.memory_space<vmem>> -> memref<1x128xi32, #tpu.memory_space<vmem>>
    %dma_start3A_180 = tpu.memref_squeeze %dma_start3A_179 : memref<1x128xi32, #tpu.memory_space<vmem>> -> memref<128xi32, #tpu.memory_space<vmem>>
    %dma_start3A_181 = arith.constant 0 : i32
    %dma_start3A_182 = arith.constant 0 : i32
    %dma_start3A_183 = tpu.memref_slice %arg3[%dma_start3A_181, %dma_start3A_182] : memref<1000000x16xf32, #tpu.memory_space<hbm>> -> memref<1000000x16xf32, #tpu.memory_space<hbm>>
    tpu.enqueue_indirect_dma source(%dma_start3A_183 : memref<1000000x16xf32, #tpu.memory_space<hbm>>) target(%dma_start3A_177 : memref<128x16xf32, #tpu.memory_space<vmem>>) offsets(%dma_start3A_180 : memref<128xi32, #tpu.memory_space<vmem>>) semaphore(%arg11 : memref<!tpu.dma_semaphore, #tpu.memory_space<semaphore_mem>>)
    %dma_start3A_184 = arith.constant 3 : i32
    %dma_start3A_185 = arith.constant 384 : i32
    %dma_start3A_186 = arith.constant 0 : i32
    %dma_start3A_187 = tpu.memref_slice %arg7[%dma_start3A_185, %dma_start3A_186] : memref<1024x16xf32, #tpu.memory_space<vmem>> -> memref<128x16xf32, #tpu.memory_space<vmem>>
    %dma_start3A_188 = arith.constant 0 : i32
    %dma_start3A_189 = tpu.memref_slice %arg5[%dma_start3A_184, %dma_start3A_188] : memref<8x128xi32, #tpu.memory_space<vmem>> -> memref<1x128xi32, #tpu.memory_space<vmem>>
    %dma_start3A_190 = tpu.memref_squeeze %dma_start3A_189 : memref<1x128xi32, #tpu.memory_space<vmem>> -> memref<128xi32, #tpu.memory_space<vmem>>
    %dma_start3A_191 = arith.constant 0 : i32
    %dma_start3A_192 = arith.constant 0 : i32
    %dma_start3A_193 = tpu.memref_slice %arg3[%dma_start3A_191, %dma_start3A_192] : memref<1000000x16xf32, #tpu.memory_space<hbm>> -> memref<1000000x16xf32, #tpu.memory_space<hbm>>
    tpu.enqueue_indirect_dma source(%dma_start3A_193 : memref<1000000x16xf32, #tpu.memory_space<hbm>>) target(%dma_start3A_187 : memref<128x16xf32, #tpu.memory_space<vmem>>) offsets(%dma_start3A_190 : memref<128xi32, #tpu.memory_space<vmem>>) semaphore(%arg11 : memref<!tpu.dma_semaphore, #tpu.memory_space<semaphore_mem>>)
    %dma_start3A_194 = arith.constant 4 : i32
    %dma_start3A_195 = arith.constant 512 : i32
    %dma_start3A_196 = arith.constant 0 : i32
    %dma_start3A_197 = tpu.memref_slice %arg7[%dma_start3A_195, %dma_start3A_196] : memref<1024x16xf32, #tpu.memory_space<vmem>> -> memref<128x16xf32, #tpu.memory_space<vmem>>
    %dma_start3A_198 = arith.constant 0 : i32
    %dma_start3A_199 = tpu.memref_slice %arg5[%dma_start3A_194, %dma_start3A_198] : memref<8x128xi32, #tpu.memory_space<vmem>> -> memref<1x128xi32, #tpu.memory_space<vmem>>
    %dma_start3A_200 = tpu.memref_squeeze %dma_start3A_199 : memref<1x128xi32, #tpu.memory_space<vmem>> -> memref<128xi32, #tpu.memory_space<vmem>>
    %dma_start3A_201 = arith.constant 0 : i32
    %dma_start3A_202 = arith.constant 0 : i32
    %dma_start3A_203 = tpu.memref_slice %arg3[%dma_start3A_201, %dma_start3A_202] : memref<1000000x16xf32, #tpu.memory_space<hbm>> -> memref<1000000x16xf32, #tpu.memory_space<hbm>>
    tpu.enqueue_indirect_dma source(%dma_start3A_203 : memref<1000000x16xf32, #tpu.memory_space<hbm>>) target(%dma_start3A_197 : memref<128x16xf32, #tpu.memory_space<vmem>>) offsets(%dma_start3A_200 : memref<128xi32, #tpu.memory_space<vmem>>) semaphore(%arg11 : memref<!tpu.dma_semaphore, #tpu.memory_space<semaphore_mem>>)
    %dma_start3A_204 = arith.constant 5 : i32
    %dma_start3A_205 = arith.constant 640 : i32
    %dma_start3A_206 = arith.constant 0 : i32
    %dma_start3A_207 = tpu.memref_slice %arg7[%dma_start3A_205, %dma_start3A_206] : memref<1024x16xf32, #tpu.memory_space<vmem>> -> memref<128x16xf32, #tpu.memory_space<vmem>>
    %dma_start3A_208 = arith.constant 0 : i32
    %dma_start3A_209 = tpu.memref_slice %arg5[%dma_start3A_204, %dma_start3A_208] : memref<8x128xi32, #tpu.memory_space<vmem>> -> memref<1x128xi32, #tpu.memory_space<vmem>>
    %dma_start3A_210 = tpu.memref_squeeze %dma_start3A_209 : memref<1x128xi32, #tpu.memory_space<vmem>> -> memref<128xi32, #tpu.memory_space<vmem>>
    %dma_start3A_211 = arith.constant 0 : i32
    %dma_start3A_212 = arith.constant 0 : i32
    %dma_start3A_213 = tpu.memref_slice %arg3[%dma_start3A_211, %dma_start3A_212] : memref<1000000x16xf32, #tpu.memory_space<hbm>> -> memref<1000000x16xf32, #tpu.memory_space<hbm>>
    tpu.enqueue_indirect_dma source(%dma_start3A_213 : memref<1000000x16xf32, #tpu.memory_space<hbm>>) target(%dma_start3A_207 : memref<128x16xf32, #tpu.memory_space<vmem>>) offsets(%dma_start3A_210 : memref<128xi32, #tpu.memory_space<vmem>>) semaphore(%arg11 : memref<!tpu.dma_semaphore, #tpu.memory_space<semaphore_mem>>)
    %dma_start3A_214 = arith.constant 6 : i32
    %dma_start3A_215 = arith.constant 768 : i32
    %dma_start3A_216 = arith.constant 0 : i32
    %dma_start3A_217 = tpu.memref_slice %arg7[%dma_start3A_215, %dma_start3A_216] : memref<1024x16xf32, #tpu.memory_space<vmem>> -> memref<128x16xf32, #tpu.memory_space<vmem>>
    %dma_start3A_218 = arith.constant 0 : i32
    %dma_start3A_219 = tpu.memref_slice %arg5[%dma_start3A_214, %dma_start3A_218] : memref<8x128xi32, #tpu.memory_space<vmem>> -> memref<1x128xi32, #tpu.memory_space<vmem>>
    %dma_start3A_220 = tpu.memref_squeeze %dma_start3A_219 : memref<1x128xi32, #tpu.memory_space<vmem>> -> memref<128xi32, #tpu.memory_space<vmem>>
    %dma_start3A_221 = arith.constant 0 : i32
    %dma_start3A_222 = arith.constant 0 : i32
    %dma_start3A_223 = tpu.memref_slice %arg3[%dma_start3A_221, %dma_start3A_222] : memref<1000000x16xf32, #tpu.memory_space<hbm>> -> memref<1000000x16xf32, #tpu.memory_space<hbm>>
    tpu.enqueue_indirect_dma source(%dma_start3A_223 : memref<1000000x16xf32, #tpu.memory_space<hbm>>) target(%dma_start3A_217 : memref<128x16xf32, #tpu.memory_space<vmem>>) offsets(%dma_start3A_220 : memref<128xi32, #tpu.memory_space<vmem>>) semaphore(%arg11 : memref<!tpu.dma_semaphore, #tpu.memory_space<semaphore_mem>>)
    %dma_start3A_224 = arith.constant 7 : i32
    %dma_start3A_225 = arith.constant 896 : i32
    %dma_start3A_226 = arith.constant 0 : i32
    %dma_start3A_227 = tpu.memref_slice %arg7[%dma_start3A_225, %dma_start3A_226] : memref<1024x16xf32, #tpu.memory_space<vmem>> -> memref<128x16xf32, #tpu.memory_space<vmem>>
    %dma_start3A_228 = arith.constant 0 : i32
    %dma_start3A_229 = tpu.memref_slice %arg5[%dma_start3A_224, %dma_start3A_228] : memref<8x128xi32, #tpu.memory_space<vmem>> -> memref<1x128xi32, #tpu.memory_space<vmem>>
    %dma_start3A_230 = tpu.memref_squeeze %dma_start3A_229 : memref<1x128xi32, #tpu.memory_space<vmem>> -> memref<128xi32, #tpu.memory_space<vmem>>
    %dma_start3A_231 = arith.constant 0 : i32
    %dma_start3A_232 = arith.constant 0 : i32
    %dma_start3A_233 = tpu.memref_slice %arg3[%dma_start3A_231, %dma_start3A_232] : memref<1000000x16xf32, #tpu.memory_space<hbm>> -> memref<1000000x16xf32, #tpu.memory_space<hbm>>
    tpu.enqueue_indirect_dma source(%dma_start3A_233 : memref<1000000x16xf32, #tpu.memory_space<hbm>>) target(%dma_start3A_227 : memref<128x16xf32, #tpu.memory_space<vmem>>) offsets(%dma_start3A_230 : memref<128xi32, #tpu.memory_space<vmem>>) semaphore(%arg11 : memref<!tpu.dma_semaphore, #tpu.memory_space<semaphore_mem>>)
    %dma_wait3A_234 = arith.constant 0 : i32
    %dma_wait3A_235 = arith.constant 0 : i32
    %dma_wait3A_236 = arith.constant 0 : i32
    %dma_wait3A_237 = arith.constant 0 : i32
    %dma_wait3A_238 = tpu.memref_slice %arg2[%dma_wait3A_234, %dma_wait3A_235, %dma_wait3A_236, %dma_wait3A_237] : memref<25x128x8x128xi32, #tpu.memory_space<hbm>> -> memref<1x1x8x128xi32, #tpu.memory_space<hbm>>
    %dma_wait3A_239 = tpu.memref_squeeze %dma_wait3A_238 : memref<1x1x8x128xi32, #tpu.memory_space<hbm>> -> memref<8x128xi32, #tpu.memory_space<hbm>>
    %dma_wait3A_240 = arith.constant 0 : i32
    %dma_wait3A_241 = arith.constant 0 : i32
    %dma_wait3A_242 = tpu.memref_slice %arg2[%dma_wait3A_234, %dma_wait3A_235, %dma_wait3A_240, %dma_wait3A_241] : memref<25x128x8x128xi32, #tpu.memory_space<hbm>> -> memref<1x1x8x128xi32, #tpu.memory_space<hbm>>
    %dma_wait3A_243 = tpu.memref_squeeze %dma_wait3A_242 : memref<1x1x8x128xi32, #tpu.memory_space<hbm>> -> memref<8x128xi32, #tpu.memory_space<hbm>>
    tpu.wait_dma2 semaphore(%arg16 : memref<!tpu.dma_semaphore, #tpu.memory_space<semaphore_mem>>) src(%dma_wait3A_243 : memref<8x128xi32, #tpu.memory_space<hbm>>) dst(%arg6 : memref<8x128xi32, #tpu.memory_space<vmem>>)
    %dma_start3A_244 = arith.constant 0 : i32
    %dma_start3A_245 = arith.constant 0 : i32
    %dma_start3A_246 = arith.constant 0 : i32
    %dma_start3A_247 = tpu.memref_slice %arg8[%dma_start3A_245, %dma_start3A_246] : memref<1024x16xf32, #tpu.memory_space<vmem>> -> memref<128x16xf32, #tpu.memory_space<vmem>>
    %dma_start3A_248 = arith.constant 0 : i32
    %dma_start3A_249 = tpu.memref_slice %arg6[%dma_start3A_244, %dma_start3A_248] : memref<8x128xi32, #tpu.memory_space<vmem>> -> memref<1x128xi32, #tpu.memory_space<vmem>>
    %dma_start3A_250 = tpu.memref_squeeze %dma_start3A_249 : memref<1x128xi32, #tpu.memory_space<vmem>> -> memref<128xi32, #tpu.memory_space<vmem>>
    %dma_start3A_251 = arith.constant 0 : i32
    %dma_start3A_252 = arith.constant 0 : i32
    %dma_start3A_253 = tpu.memref_slice %arg3[%dma_start3A_251, %dma_start3A_252] : memref<1000000x16xf32, #tpu.memory_space<hbm>> -> memref<1000000x16xf32, #tpu.memory_space<hbm>>
    tpu.enqueue_indirect_dma source(%dma_start3A_253 : memref<1000000x16xf32, #tpu.memory_space<hbm>>) target(%dma_start3A_247 : memref<128x16xf32, #tpu.memory_space<vmem>>) offsets(%dma_start3A_250 : memref<128xi32, #tpu.memory_space<vmem>>) semaphore(%arg12 : memref<!tpu.dma_semaphore, #tpu.memory_space<semaphore_mem>>)
    %dma_start3A_254 = arith.constant 1 : i32
    %dma_start3A_255 = arith.constant 128 : i32
    %dma_start3A_256 = arith.constant 0 : i32
    %dma_start3A_257 = tpu.memref_slice %arg8[%dma_start3A_255, %dma_start3A_256] : memref<1024x16xf32, #tpu.memory_space<vmem>> -> memref<128x16xf32, #tpu.memory_space<vmem>>
    %dma_start3A_258 = arith.constant 0 : i32
    %dma_start3A_259 = tpu.memref_slice %arg6[%dma_start3A_254, %dma_start3A_258] : memref<8x128xi32, #tpu.memory_space<vmem>> -> memref<1x128xi32, #tpu.memory_space<vmem>>
    %dma_start3A_260 = tpu.memref_squeeze %dma_start3A_259 : memref<1x128xi32, #tpu.memory_space<vmem>> -> memref<128xi32, #tpu.memory_space<vmem>>
    %dma_start3A_261 = arith.constant 0 : i32
    %dma_start3A_262 = arith.constant 0 : i32
    %dma_start3A_263 = tpu.memref_slice %arg3[%dma_start3A_261, %dma_start3A_262] : memref<1000000x16xf32, #tpu.memory_space<hbm>> -> memref<1000000x16xf32, #tpu.memory_space<hbm>>
    tpu.enqueue_indirect_dma source(%dma_start3A_263 : memref<1000000x16xf32, #tpu.memory_space<hbm>>) target(%dma_start3A_257 : memref<128x16xf32, #tpu.memory_space<vmem>>) offsets(%dma_start3A_260 : memref<128xi32, #tpu.memory_space<vmem>>) semaphore(%arg12 : memref<!tpu.dma_semaphore, #tpu.memory_space<semaphore_mem>>)
    %dma_start3A_264 = arith.constant 2 : i32
    %dma_start3A_265 = arith.constant 256 : i32
    %dma_start3A_266 = arith.constant 0 : i32
    %dma_start3A_267 = tpu.memref_slice %arg8[%dma_start3A_265, %dma_start3A_266] : memref<1024x16xf32, #tpu.memory_space<vmem>> -> memref<128x16xf32, #tpu.memory_space<vmem>>
    %dma_start3A_268 = arith.constant 0 : i32
    %dma_start3A_269 = tpu.memref_slice %arg6[%dma_start3A_264, %dma_start3A_268] : memref<8x128xi32, #tpu.memory_space<vmem>> -> memref<1x128xi32, #tpu.memory_space<vmem>>
    %dma_start3A_270 = tpu.memref_squeeze %dma_start3A_269 : memref<1x128xi32, #tpu.memory_space<vmem>> -> memref<128xi32, #tpu.memory_space<vmem>>
    %dma_start3A_271 = arith.constant 0 : i32
    %dma_start3A_272 = arith.constant 0 : i32
    %dma_start3A_273 = tpu.memref_slice %arg3[%dma_start3A_271, %dma_start3A_272] : memref<1000000x16xf32, #tpu.memory_space<hbm>> -> memref<1000000x16xf32, #tpu.memory_space<hbm>>
    tpu.enqueue_indirect_dma source(%dma_start3A_273 : memref<1000000x16xf32, #tpu.memory_space<hbm>>) target(%dma_start3A_267 : memref<128x16xf32, #tpu.memory_space<vmem>>) offsets(%dma_start3A_270 : memref<128xi32, #tpu.memory_space<vmem>>) semaphore(%arg12 : memref<!tpu.dma_semaphore, #tpu.memory_space<semaphore_mem>>)
    %dma_start3A_274 = arith.constant 3 : i32
    %dma_start3A_275 = arith.constant 384 : i32
    %dma_start3A_276 = arith.constant 0 : i32
    %dma_start3A_277 = tpu.memref_slice %arg8[%dma_start3A_275, %dma_start3A_276] : memref<1024x16xf32, #tpu.memory_space<vmem>> -> memref<128x16xf32, #tpu.memory_space<vmem>>
    %dma_start3A_278 = arith.constant 0 : i32
    %dma_start3A_279 = tpu.memref_slice %arg6[%dma_start3A_274, %dma_start3A_278] : memref<8x128xi32, #tpu.memory_space<vmem>> -> memref<1x128xi32, #tpu.memory_space<vmem>>
    %dma_start3A_280 = tpu.memref_squeeze %dma_start3A_279 : memref<1x128xi32, #tpu.memory_space<vmem>> -> memref<128xi32, #tpu.memory_space<vmem>>
    %dma_start3A_281 = arith.constant 0 : i32
    %dma_start3A_282 = arith.constant 0 : i32
    %dma_start3A_283 = tpu.memref_slice %arg3[%dma_start3A_281, %dma_start3A_282] : memref<1000000x16xf32, #tpu.memory_space<hbm>> -> memref<1000000x16xf32, #tpu.memory_space<hbm>>
    tpu.enqueue_indirect_dma source(%dma_start3A_283 : memref<1000000x16xf32, #tpu.memory_space<hbm>>) target(%dma_start3A_277 : memref<128x16xf32, #tpu.memory_space<vmem>>) offsets(%dma_start3A_280 : memref<128xi32, #tpu.memory_space<vmem>>) semaphore(%arg12 : memref<!tpu.dma_semaphore, #tpu.memory_space<semaphore_mem>>)
    %dma_start3A_284 = arith.constant 4 : i32
    %dma_start3A_285 = arith.constant 512 : i32
    %dma_start3A_286 = arith.constant 0 : i32
    %dma_start3A_287 = tpu.memref_slice %arg8[%dma_start3A_285, %dma_start3A_286] : memref<1024x16xf32, #tpu.memory_space<vmem>> -> memref<128x16xf32, #tpu.memory_space<vmem>>
    %dma_start3A_288 = arith.constant 0 : i32
    %dma_start3A_289 = tpu.memref_slice %arg6[%dma_start3A_284, %dma_start3A_288] : memref<8x128xi32, #tpu.memory_space<vmem>> -> memref<1x128xi32, #tpu.memory_space<vmem>>
    %dma_start3A_290 = tpu.memref_squeeze %dma_start3A_289 : memref<1x128xi32, #tpu.memory_space<vmem>> -> memref<128xi32, #tpu.memory_space<vmem>>
    %dma_start3A_291 = arith.constant 0 : i32
    %dma_start3A_292 = arith.constant 0 : i32
    %dma_start3A_293 = tpu.memref_slice %arg3[%dma_start3A_291, %dma_start3A_292] : memref<1000000x16xf32, #tpu.memory_space<hbm>> -> memref<1000000x16xf32, #tpu.memory_space<hbm>>
    tpu.enqueue_indirect_dma source(%dma_start3A_293 : memref<1000000x16xf32, #tpu.memory_space<hbm>>) target(%dma_start3A_287 : memref<128x16xf32, #tpu.memory_space<vmem>>) offsets(%dma_start3A_290 : memref<128xi32, #tpu.memory_space<vmem>>) semaphore(%arg12 : memref<!tpu.dma_semaphore, #tpu.memory_space<semaphore_mem>>)
    %dma_start3A_294 = arith.constant 5 : i32
    %dma_start3A_295 = arith.constant 640 : i32
    %dma_start3A_296 = arith.constant 0 : i32
    %dma_start3A_297 = tpu.memref_slice %arg8[%dma_start3A_295, %dma_start3A_296] : memref<1024x16xf32, #tpu.memory_space<vmem>> -> memref<128x16xf32, #tpu.memory_space<vmem>>
    %dma_start3A_298 = arith.constant 0 : i32
    %dma_start3A_299 = tpu.memref_slice %arg6[%dma_start3A_294, %dma_start3A_298] : memref<8x128xi32, #tpu.memory_space<vmem>> -> memref<1x128xi32, #tpu.memory_space<vmem>>
    %dma_start3A_300 = tpu.memref_squeeze %dma_start3A_299 : memref<1x128xi32, #tpu.memory_space<vmem>> -> memref<128xi32, #tpu.memory_space<vmem>>
    %dma_start3A_301 = arith.constant 0 : i32
    %dma_start3A_302 = arith.constant 0 : i32
    %dma_start3A_303 = tpu.memref_slice %arg3[%dma_start3A_301, %dma_start3A_302] : memref<1000000x16xf32, #tpu.memory_space<hbm>> -> memref<1000000x16xf32, #tpu.memory_space<hbm>>
    tpu.enqueue_indirect_dma source(%dma_start3A_303 : memref<1000000x16xf32, #tpu.memory_space<hbm>>) target(%dma_start3A_297 : memref<128x16xf32, #tpu.memory_space<vmem>>) offsets(%dma_start3A_300 : memref<128xi32, #tpu.memory_space<vmem>>) semaphore(%arg12 : memref<!tpu.dma_semaphore, #tpu.memory_space<semaphore_mem>>)
    %dma_start3A_304 = arith.constant 6 : i32
    %dma_start3A_305 = arith.constant 768 : i32
    %dma_start3A_306 = arith.constant 0 : i32
    %dma_start3A_307 = tpu.memref_slice %arg8[%dma_start3A_305, %dma_start3A_306] : memref<1024x16xf32, #tpu.memory_space<vmem>> -> memref<128x16xf32, #tpu.memory_space<vmem>>
    %dma_start3A_308 = arith.constant 0 : i32
    %dma_start3A_309 = tpu.memref_slice %arg6[%dma_start3A_304, %dma_start3A_308] : memref<8x128xi32, #tpu.memory_space<vmem>> -> memref<1x128xi32, #tpu.memory_space<vmem>>
    %dma_start3A_310 = tpu.memref_squeeze %dma_start3A_309 : memref<1x128xi32, #tpu.memory_space<vmem>> -> memref<128xi32, #tpu.memory_space<vmem>>
    %dma_start3A_311 = arith.constant 0 : i32
    %dma_start3A_312 = arith.constant 0 : i32
    %dma_start3A_313 = tpu.memref_slice %arg3[%dma_start3A_311, %dma_start3A_312] : memref<1000000x16xf32, #tpu.memory_space<hbm>> -> memref<1000000x16xf32, #tpu.memory_space<hbm>>
    tpu.enqueue_indirect_dma source(%dma_start3A_313 : memref<1000000x16xf32, #tpu.memory_space<hbm>>) target(%dma_start3A_307 : memref<128x16xf32, #tpu.memory_space<vmem>>) offsets(%dma_start3A_310 : memref<128xi32, #tpu.memory_space<vmem>>) semaphore(%arg12 : memref<!tpu.dma_semaphore, #tpu.memory_space<semaphore_mem>>)
    %dma_start3A_314 = arith.constant 7 : i32
    %dma_start3A_315 = arith.constant 896 : i32
    %dma_start3A_316 = arith.constant 0 : i32
    %dma_start3A_317 = tpu.memref_slice %arg8[%dma_start3A_315, %dma_start3A_316] : memref<1024x16xf32, #tpu.memory_space<vmem>> -> memref<128x16xf32, #tpu.memory_space<vmem>>
    %dma_start3A_318 = arith.constant 0 : i32
    %dma_start3A_319 = tpu.memref_slice %arg6[%dma_start3A_314, %dma_start3A_318] : memref<8x128xi32, #tpu.memory_space<vmem>> -> memref<1x128xi32, #tpu.memory_space<vmem>>
    %dma_start3A_320 = tpu.memref_squeeze %dma_start3A_319 : memref<1x128xi32, #tpu.memory_space<vmem>> -> memref<128xi32, #tpu.memory_space<vmem>>
    %dma_start3A_321 = arith.constant 0 : i32
    %dma_start3A_322 = arith.constant 0 : i32
    %dma_start3A_323 = tpu.memref_slice %arg3[%dma_start3A_321, %dma_start3A_322] : memref<1000000x16xf32, #tpu.memory_space<hbm>> -> memref<1000000x16xf32, #tpu.memory_space<hbm>>
    tpu.enqueue_indirect_dma source(%dma_start3A_323 : memref<1000000x16xf32, #tpu.memory_space<hbm>>) target(%dma_start3A_317 : memref<128x16xf32, #tpu.memory_space<vmem>>) offsets(%dma_start3A_320 : memref<128xi32, #tpu.memory_space<vmem>>) semaphore(%arg12 : memref<!tpu.dma_semaphore, #tpu.memory_space<semaphore_mem>>)
    %dma_wait3A_324 = arith.constant 0 : i32
    %dma_wait3A_325 = arith.constant 0 : i32
    %dma_wait3A_326 = arith.constant 0 : i32
    %dma_wait3A_327 = tpu.memref_slice %arg7[%dma_wait3A_325, %dma_wait3A_326] : memref<1024x16xf32, #tpu.memory_space<vmem>> -> memref<128x16xf32, #tpu.memory_space<vmem>>
    %dma_wait3A_328 = arith.constant 0 : i32
    %dma_wait3A_329 = tpu.memref_slice %arg5[%dma_wait3A_324, %dma_wait3A_328] : memref<8x128xi32, #tpu.memory_space<vmem>> -> memref<1x128xi32, #tpu.memory_space<vmem>>
    %dma_wait3A_330 = tpu.memref_squeeze %dma_wait3A_329 : memref<1x128xi32, #tpu.memory_space<vmem>> -> memref<128xi32, #tpu.memory_space<vmem>>
    %dma_wait3A_331 = arith.constant 0 : i32
    %dma_wait3A_332 = arith.constant 0 : i32
    %dma_wait3A_333 = tpu.memref_slice %arg3[%dma_wait3A_331, %dma_wait3A_332] : memref<1000000x16xf32, #tpu.memory_space<hbm>> -> memref<1000000x16xf32, #tpu.memory_space<hbm>>
    tpu.wait_indirect_dma semaphore(%arg11 : memref<!tpu.dma_semaphore, #tpu.memory_space<semaphore_mem>>) src(%dma_wait3A_333 : memref<1000000x16xf32, #tpu.memory_space<hbm>>) dst(%dma_wait3A_327 : memref<128x16xf32, #tpu.memory_space<vmem>>)
    %dma_wait3A_334 = arith.constant 1 : i32
    %dma_wait3A_335 = arith.constant 128 : i32
    %dma_wait3A_336 = arith.constant 0 : i32
    %dma_wait3A_337 = tpu.memref_slice %arg7[%dma_wait3A_335, %dma_wait3A_336] : memref<1024x16xf32, #tpu.memory_space<vmem>> -> memref<128x16xf32, #tpu.memory_space<vmem>>
    %dma_wait3A_338 = arith.constant 0 : i32
    %dma_wait3A_339 = tpu.memref_slice %arg5[%dma_wait3A_334, %dma_wait3A_338] : memref<8x128xi32, #tpu.memory_space<vmem>> -> memref<1x128xi32, #tpu.memory_space<vmem>>
    %dma_wait3A_340 = tpu.memref_squeeze %dma_wait3A_339 : memref<1x128xi32, #tpu.memory_space<vmem>> -> memref<128xi32, #tpu.memory_space<vmem>>
    %dma_wait3A_341 = arith.constant 0 : i32
    %dma_wait3A_342 = arith.constant 0 : i32
    %dma_wait3A_343 = tpu.memref_slice %arg3[%dma_wait3A_341, %dma_wait3A_342] : memref<1000000x16xf32, #tpu.memory_space<hbm>> -> memref<1000000x16xf32, #tpu.memory_space<hbm>>
    tpu.wait_indirect_dma semaphore(%arg11 : memref<!tpu.dma_semaphore, #tpu.memory_space<semaphore_mem>>) src(%dma_wait3A_343 : memref<1000000x16xf32, #tpu.memory_space<hbm>>) dst(%dma_wait3A_337 : memref<128x16xf32, #tpu.memory_space<vmem>>)
    %dma_wait3A_344 = arith.constant 2 : i32
    %dma_wait3A_345 = arith.constant 256 : i32
    %dma_wait3A_346 = arith.constant 0 : i32
    %dma_wait3A_347 = tpu.memref_slice %arg7[%dma_wait3A_345, %dma_wait3A_346] : memref<1024x16xf32, #tpu.memory_space<vmem>> -> memref<128x16xf32, #tpu.memory_space<vmem>>
    %dma_wait3A_348 = arith.constant 0 : i32
    %dma_wait3A_349 = tpu.memref_slice %arg5[%dma_wait3A_344, %dma_wait3A_348] : memref<8x128xi32, #tpu.memory_space<vmem>> -> memref<1x128xi32, #tpu.memory_space<vmem>>
    %dma_wait3A_350 = tpu.memref_squeeze %dma_wait3A_349 : memref<1x128xi32, #tpu.memory_space<vmem>> -> memref<128xi32, #tpu.memory_space<vmem>>
    %dma_wait3A_351 = arith.constant 0 : i32
    %dma_wait3A_352 = arith.constant 0 : i32
    %dma_wait3A_353 = tpu.memref_slice %arg3[%dma_wait3A_351, %dma_wait3A_352] : memref<1000000x16xf32, #tpu.memory_space<hbm>> -> memref<1000000x16xf32, #tpu.memory_space<hbm>>
    tpu.wait_indirect_dma semaphore(%arg11 : memref<!tpu.dma_semaphore, #tpu.memory_space<semaphore_mem>>) src(%dma_wait3A_353 : memref<1000000x16xf32, #tpu.memory_space<hbm>>) dst(%dma_wait3A_347 : memref<128x16xf32, #tpu.memory_space<vmem>>)
    %dma_wait3A_354 = arith.constant 3 : i32
    %dma_wait3A_355 = arith.constant 384 : i32
    %dma_wait3A_356 = arith.constant 0 : i32
    %dma_wait3A_357 = tpu.memref_slice %arg7[%dma_wait3A_355, %dma_wait3A_356] : memref<1024x16xf32, #tpu.memory_space<vmem>> -> memref<128x16xf32, #tpu.memory_space<vmem>>
    %dma_wait3A_358 = arith.constant 0 : i32
    %dma_wait3A_359 = tpu.memref_slice %arg5[%dma_wait3A_354, %dma_wait3A_358] : memref<8x128xi32, #tpu.memory_space<vmem>> -> memref<1x128xi32, #tpu.memory_space<vmem>>
    %dma_wait3A_360 = tpu.memref_squeeze %dma_wait3A_359 : memref<1x128xi32, #tpu.memory_space<vmem>> -> memref<128xi32, #tpu.memory_space<vmem>>
    %dma_wait3A_361 = arith.constant 0 : i32
    %dma_wait3A_362 = arith.constant 0 : i32
    %dma_wait3A_363 = tpu.memref_slice %arg3[%dma_wait3A_361, %dma_wait3A_362] : memref<1000000x16xf32, #tpu.memory_space<hbm>> -> memref<1000000x16xf32, #tpu.memory_space<hbm>>
    tpu.wait_indirect_dma semaphore(%arg11 : memref<!tpu.dma_semaphore, #tpu.memory_space<semaphore_mem>>) src(%dma_wait3A_363 : memref<1000000x16xf32, #tpu.memory_space<hbm>>) dst(%dma_wait3A_357 : memref<128x16xf32, #tpu.memory_space<vmem>>)
    %dma_wait3A_364 = arith.constant 4 : i32
    %dma_wait3A_365 = arith.constant 512 : i32
    %dma_wait3A_366 = arith.constant 0 : i32
    %dma_wait3A_367 = tpu.memref_slice %arg7[%dma_wait3A_365, %dma_wait3A_366] : memref<1024x16xf32, #tpu.memory_space<vmem>> -> memref<128x16xf32, #tpu.memory_space<vmem>>
    %dma_wait3A_368 = arith.constant 0 : i32
    %dma_wait3A_369 = tpu.memref_slice %arg5[%dma_wait3A_364, %dma_wait3A_368] : memref<8x128xi32, #tpu.memory_space<vmem>> -> memref<1x128xi32, #tpu.memory_space<vmem>>
    %dma_wait3A_370 = tpu.memref_squeeze %dma_wait3A_369 : memref<1x128xi32, #tpu.memory_space<vmem>> -> memref<128xi32, #tpu.memory_space<vmem>>
    %dma_wait3A_371 = arith.constant 0 : i32
    %dma_wait3A_372 = arith.constant 0 : i32
    %dma_wait3A_373 = tpu.memref_slice %arg3[%dma_wait3A_371, %dma_wait3A_372] : memref<1000000x16xf32, #tpu.memory_space<hbm>> -> memref<1000000x16xf32, #tpu.memory_space<hbm>>
    tpu.wait_indirect_dma semaphore(%arg11 : memref<!tpu.dma_semaphore, #tpu.memory_space<semaphore_mem>>) src(%dma_wait3A_373 : memref<1000000x16xf32, #tpu.memory_space<hbm>>) dst(%dma_wait3A_367 : memref<128x16xf32, #tpu.memory_space<vmem>>)
    %dma_wait3A_374 = arith.constant 5 : i32
    %dma_wait3A_375 = arith.constant 640 : i32
    %dma_wait3A_376 = arith.constant 0 : i32
    %dma_wait3A_377 = tpu.memref_slice %arg7[%dma_wait3A_375, %dma_wait3A_376] : memref<1024x16xf32, #tpu.memory_space<vmem>> -> memref<128x16xf32, #tpu.memory_space<vmem>>
    %dma_wait3A_378 = arith.constant 0 : i32
    %dma_wait3A_379 = tpu.memref_slice %arg5[%dma_wait3A_374, %dma_wait3A_378] : memref<8x128xi32, #tpu.memory_space<vmem>> -> memref<1x128xi32, #tpu.memory_space<vmem>>
    %dma_wait3A_380 = tpu.memref_squeeze %dma_wait3A_379 : memref<1x128xi32, #tpu.memory_space<vmem>> -> memref<128xi32, #tpu.memory_space<vmem>>
    %dma_wait3A_381 = arith.constant 0 : i32
    %dma_wait3A_382 = arith.constant 0 : i32
    %dma_wait3A_383 = tpu.memref_slice %arg3[%dma_wait3A_381, %dma_wait3A_382] : memref<1000000x16xf32, #tpu.memory_space<hbm>> -> memref<1000000x16xf32, #tpu.memory_space<hbm>>
    tpu.wait_indirect_dma semaphore(%arg11 : memref<!tpu.dma_semaphore, #tpu.memory_space<semaphore_mem>>) src(%dma_wait3A_383 : memref<1000000x16xf32, #tpu.memory_space<hbm>>) dst(%dma_wait3A_377 : memref<128x16xf32, #tpu.memory_space<vmem>>)
    %dma_wait3A_384 = arith.constant 6 : i32
    %dma_wait3A_385 = arith.constant 768 : i32
    %dma_wait3A_386 = arith.constant 0 : i32
    %dma_wait3A_387 = tpu.memref_slice %arg7[%dma_wait3A_385, %dma_wait3A_386] : memref<1024x16xf32, #tpu.memory_space<vmem>> -> memref<128x16xf32, #tpu.memory_space<vmem>>
    %dma_wait3A_388 = arith.constant 0 : i32
    %dma_wait3A_389 = tpu.memref_slice %arg5[%dma_wait3A_384, %dma_wait3A_388] : memref<8x128xi32, #tpu.memory_space<vmem>> -> memref<1x128xi32, #tpu.memory_space<vmem>>
    %dma_wait3A_390 = tpu.memref_squeeze %dma_wait3A_389 : memref<1x128xi32, #tpu.memory_space<vmem>> -> memref<128xi32, #tpu.memory_space<vmem>>
    %dma_wait3A_391 = arith.constant 0 : i32
    %dma_wait3A_392 = arith.constant 0 : i32
    %dma_wait3A_393 = tpu.memref_slice %arg3[%dma_wait3A_391, %dma_wait3A_392] : memref<1000000x16xf32, #tpu.memory_space<hbm>> -> memref<1000000x16xf32, #tpu.memory_space<hbm>>
    tpu.wait_indirect_dma semaphore(%arg11 : memref<!tpu.dma_semaphore, #tpu.memory_space<semaphore_mem>>) src(%dma_wait3A_393 : memref<1000000x16xf32, #tpu.memory_space<hbm>>) dst(%dma_wait3A_387 : memref<128x16xf32, #tpu.memory_space<vmem>>)
    %dma_wait3A_394 = arith.constant 7 : i32
    %dma_wait3A_395 = arith.constant 896 : i32
    %dma_wait3A_396 = arith.constant 0 : i32
    %dma_wait3A_397 = tpu.memref_slice %arg7[%dma_wait3A_395, %dma_wait3A_396] : memref<1024x16xf32, #tpu.memory_space<vmem>> -> memref<128x16xf32, #tpu.memory_space<vmem>>
    %dma_wait3A_398 = arith.constant 0 : i32
    %dma_wait3A_399 = tpu.memref_slice %arg5[%dma_wait3A_394, %dma_wait3A_398] : memref<8x128xi32, #tpu.memory_space<vmem>> -> memref<1x128xi32, #tpu.memory_space<vmem>>
    %dma_wait3A_400 = tpu.memref_squeeze %dma_wait3A_399 : memref<1x128xi32, #tpu.memory_space<vmem>> -> memref<128xi32, #tpu.memory_space<vmem>>
    %dma_wait3A_401 = arith.constant 0 : i32
    %dma_wait3A_402 = arith.constant 0 : i32
    %dma_wait3A_403 = tpu.memref_slice %arg3[%dma_wait3A_401, %dma_wait3A_402] : memref<1000000x16xf32, #tpu.memory_space<hbm>> -> memref<1000000x16xf32, #tpu.memory_space<hbm>>
    tpu.wait_indirect_dma semaphore(%arg11 : memref<!tpu.dma_semaphore, #tpu.memory_space<semaphore_mem>>) src(%dma_wait3A_403 : memref<1000000x16xf32, #tpu.memory_space<hbm>>) dst(%dma_wait3A_397 : memref<128x16xf32, #tpu.memory_space<vmem>>)
    %add3A_404 = arith.constant 2 : i32
    %add3A_405 = arith.addi %mul3A_2, %add3A_404 : i32
    %add3A_406 = arith.constant 0 : i32
    %add3A_407 = arith.addi %add3A_405, %add3A_406 : i32
    %jit3A_408 = arith.constant 128 : i32
    %div3A_409 = arith.divsi %add3A_407, %jit3A_408 : i32
    %sign3A_410 = arith.constant 0 : i32
    %sign3A_411 = arith.cmpi sgt, %add3A_407, %sign3A_410 : i32
    %sign3A_412 = arith.extui %sign3A_411 : i1 to i32
    %sign3A_413 = arith.constant 0 : i32
    %sign3A_414 = arith.cmpi slt, %add3A_407, %sign3A_413 : i32
    %sign3A_415 = arith.extui %sign3A_414 : i1 to i32
    %sign3A_416 = arith.subi %sign3A_412, %sign3A_415 : i32
    %sign3A_417 = arith.constant 0 : i32
    %sign3A_418 = arith.cmpi sgt, %jit3A_408, %sign3A_417 : i32
    %sign3A_419 = arith.extui %sign3A_418 : i1 to i32
    %sign3A_420 = arith.constant 0 : i32
    %sign3A_421 = arith.cmpi slt, %jit3A_408, %sign3A_420 : i32
    %sign3A_422 = arith.extui %sign3A_421 : i1 to i32
    %sign3A_423 = arith.subi %sign3A_419, %sign3A_422 : i32
    %ne3A_424 = arith.cmpi ne, %sign3A_416, %sign3A_423 : i32
    %rem3A_425 = arith.remsi %add3A_407, %jit3A_408 : i32
    %ne3A_426 = arith.constant 0 : i32
    %ne3A_427 = arith.cmpi ne, %rem3A_425, %ne3A_426 : i32
    %and3A_428 = arith.andi %ne3A_424, %ne3A_427 : i1
    %sub3A_429 = arith.constant 1 : i32
    %sub3A_430 = arith.subi %div3A_409, %sub3A_429 : i32
    %select_n3A_431 = arith.select %and3A_428, %sub3A_430, %div3A_409 : i32
    %jit3A_432 = arith.constant 128 : i32
    %eq3A_433 = arith.constant 0 : i32
    %eq3A_434 = arith.cmpi eq, %jit3A_432, %eq3A_433 : i32
    %jit3A_435 = arith.constant 1 : i32
    %select_n3A_436 = arith.select %eq3A_434, %jit3A_435, %jit3A_432 : i32
    %rem3A_437 = arith.remsi %add3A_407, %select_n3A_436 : i32
    %ne3A_438 = arith.constant 0 : i32
    %ne3A_439 = arith.cmpi ne, %rem3A_437, %ne3A_438 : i32
    %lt3A_440 = arith.constant 0 : i32
    %lt3A_441 = arith.cmpi slt, %rem3A_437, %lt3A_440 : i32
    %lt3A_442 = arith.constant 0 : i32
    %lt3A_443 = arith.cmpi slt, %select_n3A_436, %lt3A_442 : i32
    %ne3A_444 = arith.xori %lt3A_441, %lt3A_443 : i1
    %and3A_445 = arith.andi %ne3A_444, %ne3A_439 : i1
    %add3A_446 = arith.addi %rem3A_437, %select_n3A_436 : i32
    %select_n3A_447 = arith.select %and3A_445, %add3A_446, %rem3A_437 : i32
    %dma_start3A_448 = arith.constant 0 : i32
    %dma_start3A_449 = arith.constant 0 : i32
    %dma_start3A_450 = tpu.memref_slice %arg2[%select_n3A_431, %select_n3A_447, %dma_start3A_448, %dma_start3A_449] : memref<25x128x8x128xi32, #tpu.memory_space<hbm>> -> memref<1x1x8x128xi32, #tpu.memory_space<hbm>>
    %dma_start3A_451 = tpu.memref_squeeze %dma_start3A_450 : memref<1x1x8x128xi32, #tpu.memory_space<hbm>> -> memref<8x128xi32, #tpu.memory_space<hbm>>
    %dma_start3A_452 = arith.constant 0 : i32
    %dma_start3A_453 = arith.constant 0 : i32
    %dma_start3A_454 = tpu.memref_slice %arg2[%select_n3A_431, %select_n3A_447, %dma_start3A_452, %dma_start3A_453] : memref<25x128x8x128xi32, #tpu.memory_space<hbm>> -> memref<1x1x8x128xi32, #tpu.memory_space<hbm>>
    %dma_start3A_455 = tpu.memref_squeeze %dma_start3A_454 : memref<1x1x8x128xi32, #tpu.memory_space<hbm>> -> memref<8x128xi32, #tpu.memory_space<hbm>>
    tpu.enqueue_dma source(%dma_start3A_455 : memref<8x128xi32, #tpu.memory_space<hbm>>) target(%arg5 : memref<8x128xi32, #tpu.memory_space<vmem>>) target_semaphore(%arg15 : memref<!tpu.dma_semaphore, #tpu.memory_space<semaphore_mem>>)
    %parallel_loop3A = arith.constant 0 : i32
    %parallel_loop3A_456 = arith.constant 1024 : i32
    %parallel_loop3A_457 = arith.constant 8 : i32
    scf.for %parallel_loop3A_1472 = %parallel_loop3A to %parallel_loop3A_456 step %parallel_loop3A_457  : i32 {
      %parallel_loop3A_1473 = arith.constant 128 : i32
      %parallel_loop3A_1474 = arith.divsi %parallel_loop3A_1472, %parallel_loop3A_1473 : i32
      %parallel_loop3A_1475 = arith.constant 0 : i32
      %parallel_loop3A_1476 = arith.cmpi sgt, %parallel_loop3A_1472, %parallel_loop3A_1475 : i32
      %parallel_loop3A_1477 = arith.extui %parallel_loop3A_1476 : i1 to i32
      %parallel_loop3A_1478 = arith.constant 0 : i32
      %parallel_loop3A_1479 = arith.cmpi slt, %parallel_loop3A_1472, %parallel_loop3A_1478 : i32
      %parallel_loop3A_1480 = arith.extui %parallel_loop3A_1479 : i1 to i32
      %parallel_loop3A_1481 = arith.subi %parallel_loop3A_1477, %parallel_loop3A_1480 : i32
      %parallel_loop3A_1482 = arith.constant 0 : i32
      %parallel_loop3A_1483 = arith.cmpi sgt, %parallel_loop3A_1473, %parallel_loop3A_1482 : i32
      %parallel_loop3A_1484 = arith.extui %parallel_loop3A_1483 : i1 to i32
      %parallel_loop3A_1485 = arith.constant 0 : i32
      %parallel_loop3A_1486 = arith.cmpi slt, %parallel_loop3A_1473, %parallel_loop3A_1485 : i32
      %parallel_loop3A_1487 = arith.extui %parallel_loop3A_1486 : i1 to i32
      %parallel_loop3A_1488 = arith.subi %parallel_loop3A_1484, %parallel_loop3A_1487 : i32
      %parallel_loop3A_1489 = arith.cmpi ne, %parallel_loop3A_1481, %parallel_loop3A_1488 : i32
      %parallel_loop3A_1490 = arith.remsi %parallel_loop3A_1472, %parallel_loop3A_1473 : i32
      %parallel_loop3A_1491 = arith.constant 0 : i32
      %parallel_loop3A_1492 = arith.cmpi ne, %parallel_loop3A_1490, %parallel_loop3A_1491 : i32
      %parallel_loop3A_1493 = arith.andi %parallel_loop3A_1489, %parallel_loop3A_1492 : i1
      %parallel_loop3A_1494 = arith.constant 1 : i32
      %parallel_loop3A_1495 = arith.subi %parallel_loop3A_1474, %parallel_loop3A_1494 : i32
      %parallel_loop3A_1496 = arith.select %parallel_loop3A_1493, %parallel_loop3A_1495, %parallel_loop3A_1474 : i32
      %parallel_loop3A_1497 = arith.constant 0 : i32
      %parallel_loop3A_1498 = vector.broadcast %parallel_loop3A_1497 : i32 to vector<16xi32>
      %parallel_loop3A_1499 = vector.broadcast %parallel_loop3A_1496 : i32 to vector<16xi32>
      %parallel_loop3A_1500 = arith.addi %parallel_loop3A_1498, %parallel_loop3A_1499 : vector<16xi32>
      %parallel_loop3A_1501 = arith.constant 128 : i32
      %parallel_loop3A_1502 = arith.constant 0 : i32
      %parallel_loop3A_1503 = arith.cmpi eq, %parallel_loop3A_1501, %parallel_loop3A_1502 : i32
      %parallel_loop3A_1504 = arith.constant 1 : i32
      %parallel_loop3A_1505 = arith.select %parallel_loop3A_1503, %parallel_loop3A_1504, %parallel_loop3A_1501 : i32
      %parallel_loop3A_1506 = arith.remsi %parallel_loop3A_1472, %parallel_loop3A_1505 : i32
      %parallel_loop3A_1507 = arith.constant 0 : i32
      %parallel_loop3A_1508 = arith.cmpi ne, %parallel_loop3A_1506, %parallel_loop3A_1507 : i32
      %parallel_loop3A_1509 = arith.constant 0 : i32
      %parallel_loop3A_1510 = arith.cmpi slt, %parallel_loop3A_1506, %parallel_loop3A_1509 : i32
      %parallel_loop3A_1511 = arith.constant 0 : i32
      %parallel_loop3A_1512 = arith.cmpi slt, %parallel_loop3A_1505, %parallel_loop3A_1511 : i32
      %parallel_loop3A_1513 = arith.xori %parallel_loop3A_1510, %parallel_loop3A_1512 : i1
      %parallel_loop3A_1514 = arith.andi %parallel_loop3A_1513, %parallel_loop3A_1508 : i1
      %parallel_loop3A_1515 = arith.addi %parallel_loop3A_1506, %parallel_loop3A_1505 : i32
      %parallel_loop3A_1516 = arith.select %parallel_loop3A_1514, %parallel_loop3A_1515, %parallel_loop3A_1506 : i32
      %parallel_loop3A_1517 = arith.constant 0 : i32
      %parallel_loop3A_1518 = vector.broadcast %parallel_loop3A_1517 : i32 to vector<16xi32>
      %parallel_loop3A_1519 = vector.broadcast %parallel_loop3A_1516 : i32 to vector<16xi32>
      %parallel_loop3A_1520 = arith.addi %parallel_loop3A_1518, %parallel_loop3A_1519 : vector<16xi32>
      %parallel_loop3A_1521 = arith.constant 0 : i32
      %parallel_loop3A_1522 = arith.addi %parallel_loop3A_1472, %parallel_loop3A_1521 : i32
      %parallel_loop3A_1523 = arith.index_cast %parallel_loop3A_1522 : i32 to index
      %parallel_loop3A_1524 = arith.constant 0 : index
      %parallel_loop3A_1525 = tpu.vector_load %arg7[%parallel_loop3A_1523, %parallel_loop3A_1524] {strides = array<i32>} : memref<1024x16xf32, #tpu.memory_space<vmem>>, vector<16xf32>,
      %parallel_loop3A_1526 = arith.constant 0 : i32
      %parallel_loop3A_1527 = vector.broadcast %parallel_loop3A_1526 : i32 to vector<16xi32>
      %parallel_loop3A_1528 = arith.addi %parallel_loop3A_1520, %parallel_loop3A_1527 : vector<16xi32>
      tpu.vector_store_idx %arg9[%select_n3A, %parallel_loop3A_1500, %select_n3A_45, %parallel_loop3A_1528], %parallel_loop3A_1525 : memref<2x9x8x129xf32, #tpu.memory_space<vmem>>[vector<16xi32>, vector<16xi32>, vector<16xi32>, vector<16xi32>], vector<16xf32>,
      %parallel_loop3A_1529 = arith.constant 1 : i32
      %parallel_loop3A_1530 = arith.addi %parallel_loop3A_1472, %parallel_loop3A_1529 : i32
      %parallel_loop3A_1531 = arith.index_cast %parallel_loop3A_1530 : i32 to index
      %parallel_loop3A_1532 = arith.constant 0 : index
      %parallel_loop3A_1533 = tpu.vector_load %arg7[%parallel_loop3A_1531, %parallel_loop3A_1532] {strides = array<i32>} : memref<1024x16xf32, #tpu.memory_space<vmem>>, vector<16xf32>,
      %parallel_loop3A_1534 = arith.constant 1 : i32
      %parallel_loop3A_1535 = vector.broadcast %parallel_loop3A_1534 : i32 to vector<16xi32>
      %parallel_loop3A_1536 = arith.addi %parallel_loop3A_1520, %parallel_loop3A_1535 : vector<16xi32>
      tpu.vector_store_idx %arg9[%select_n3A, %parallel_loop3A_1500, %select_n3A_45, %parallel_loop3A_1536], %parallel_loop3A_1533 : memref<2x9x8x129xf32, #tpu.memory_space<vmem>>[vector<16xi32>, vector<16xi32>, vector<16xi32>, vector<16xi32>], vector<16xf32>,
      %parallel_loop3A_1537 = arith.constant 2 : i32
      %parallel_loop3A_1538 = arith.addi %parallel_loop3A_1472, %parallel_loop3A_1537 : i32
      %parallel_loop3A_1539 = arith.index_cast %parallel_loop3A_1538 : i32 to index
      %parallel_loop3A_1540 = arith.constant 0 : index
      %parallel_loop3A_1541 = tpu.vector_load %arg7[%parallel_loop3A_1539, %parallel_loop3A_1540] {strides = array<i32>} : memref<1024x16xf32, #tpu.memory_space<vmem>>, vector<16xf32>,
      %parallel_loop3A_1542 = arith.constant 2 : i32
      %parallel_loop3A_1543 = vector.broadcast %parallel_loop3A_1542 : i32 to vector<16xi32>
      %parallel_loop3A_1544 = arith.addi %parallel_loop3A_1520, %parallel_loop3A_1543 : vector<16xi32>
      tpu.vector_store_idx %arg9[%select_n3A, %parallel_loop3A_1500, %select_n3A_45, %parallel_loop3A_1544], %parallel_loop3A_1541 : memref<2x9x8x129xf32, #tpu.memory_space<vmem>>[vector<16xi32>, vector<16xi32>, vector<16xi32>, vector<16xi32>], vector<16xf32>,
      %parallel_loop3A_1545 = arith.constant 3 : i32
      %parallel_loop3A_1546 = arith.addi %parallel_loop3A_1472, %parallel_loop3A_1545 : i32
      %parallel_loop3A_1547 = arith.index_cast %parallel_loop3A_1546 : i32 to index
      %parallel_loop3A_1548 = arith.constant 0 : index
      %parallel_loop3A_1549 = tpu.vector_load %arg7[%parallel_loop3A_1547, %parallel_loop3A_1548] {strides = array<i32>} : memref<1024x16xf32, #tpu.memory_space<vmem>>, vector<16xf32>,
      %parallel_loop3A_1550 = arith.constant 3 : i32
      %parallel_loop3A_1551 = vector.broadcast %parallel_loop3A_1550 : i32 to vector<16xi32>
      %parallel_loop3A_1552 = arith.addi %parallel_loop3A_1520, %parallel_loop3A_1551 : vector<16xi32>
      tpu.vector_store_idx %arg9[%select_n3A, %parallel_loop3A_1500, %select_n3A_45, %parallel_loop3A_1552], %parallel_loop3A_1549 : memref<2x9x8x129xf32, #tpu.memory_space<vmem>>[vector<16xi32>, vector<16xi32>, vector<16xi32>, vector<16xi32>], vector<16xf32>,
      %parallel_loop3A_1553 = arith.constant 4 : i32
      %parallel_loop3A_1554 = arith.addi %parallel_loop3A_1472, %parallel_loop3A_1553 : i32
      %parallel_loop3A_1555 = arith.index_cast %parallel_loop3A_1554 : i32 to index
      %parallel_loop3A_1556 = arith.constant 0 : index
      %parallel_loop3A_1557 = tpu.vector_load %arg7[%parallel_loop3A_1555, %parallel_loop3A_1556] {strides = array<i32>} : memref<1024x16xf32, #tpu.memory_space<vmem>>, vector<16xf32>,
      %parallel_loop3A_1558 = arith.constant 4 : i32
      %parallel_loop3A_1559 = vector.broadcast %parallel_loop3A_1558 : i32 to vector<16xi32>
      %parallel_loop3A_1560 = arith.addi %parallel_loop3A_1520, %parallel_loop3A_1559 : vector<16xi32>
      tpu.vector_store_idx %arg9[%select_n3A, %parallel_loop3A_1500, %select_n3A_45, %parallel_loop3A_1560], %parallel_loop3A_1557 : memref<2x9x8x129xf32, #tpu.memory_space<vmem>>[vector<16xi32>, vector<16xi32>, vector<16xi32>, vector<16xi32>], vector<16xf32>,
      %parallel_loop3A_1561 = arith.constant 5 : i32
      %parallel_loop3A_1562 = arith.addi %parallel_loop3A_1472, %parallel_loop3A_1561 : i32
      %parallel_loop3A_1563 = arith.index_cast %parallel_loop3A_1562 : i32 to index
      %parallel_loop3A_1564 = arith.constant 0 : index
      %parallel_loop3A_1565 = tpu.vector_load %arg7[%parallel_loop3A_1563, %parallel_loop3A_1564] {strides = array<i32>} : memref<1024x16xf32, #tpu.memory_space<vmem>>, vector<16xf32>,
      %parallel_loop3A_1566 = arith.constant 5 : i32
      %parallel_loop3A_1567 = vector.broadcast %parallel_loop3A_1566 : i32 to vector<16xi32>
      %parallel_loop3A_1568 = arith.addi %parallel_loop3A_1520, %parallel_loop3A_1567 : vector<16xi32>
      tpu.vector_store_idx %arg9[%select_n3A, %parallel_loop3A_1500, %select_n3A_45, %parallel_loop3A_1568], %parallel_loop3A_1565 : memref<2x9x8x129xf32, #tpu.memory_space<vmem>>[vector<16xi32>, vector<16xi32>, vector<16xi32>, vector<16xi32>], vector<16xf32>,
      %parallel_loop3A_1569 = arith.constant 6 : i32
      %parallel_loop3A_1570 = arith.addi %parallel_loop3A_1472, %parallel_loop3A_1569 : i32
      %parallel_loop3A_1571 = arith.index_cast %parallel_loop3A_1570 : i32 to index
      %parallel_loop3A_1572 = arith.constant 0 : index
      %parallel_loop3A_1573 = tpu.vector_load %arg7[%parallel_loop3A_1571, %parallel_loop3A_1572] {strides = array<i32>} : memref<1024x16xf32, #tpu.memory_space<vmem>>, vector<16xf32>,
      %parallel_loop3A_1574 = arith.constant 6 : i32
      %parallel_loop3A_1575 = vector.broadcast %parallel_loop3A_1574 : i32 to vector<16xi32>
      %parallel_loop3A_1576 = arith.addi %parallel_loop3A_1520, %parallel_loop3A_1575 : vector<16xi32>
      tpu.vector_store_idx %arg9[%select_n3A, %parallel_loop3A_1500, %select_n3A_45, %parallel_loop3A_1576], %parallel_loop3A_1573 : memref<2x9x8x129xf32, #tpu.memory_space<vmem>>[vector<16xi32>, vector<16xi32>, vector<16xi32>, vector<16xi32>], vector<16xf32>,
      %parallel_loop3A_1577 = arith.constant 7 : i32
      %parallel_loop3A_1578 = arith.addi %parallel_loop3A_1472, %parallel_loop3A_1577 : i32
      %parallel_loop3A_1579 = arith.index_cast %parallel_loop3A_1578 : i32 to index
      %parallel_loop3A_1580 = arith.constant 0 : index
      %parallel_loop3A_1581 = tpu.vector_load %arg7[%parallel_loop3A_1579, %parallel_loop3A_1580] {strides = array<i32>} : memref<1024x16xf32, #tpu.memory_space<vmem>>, vector<16xf32>,
      %parallel_loop3A_1582 = arith.constant 7 : i32
      %parallel_loop3A_1583 = vector.broadcast %parallel_loop3A_1582 : i32 to vector<16xi32>
      %parallel_loop3A_1584 = arith.addi %parallel_loop3A_1520, %parallel_loop3A_1583 : vector<16xi32>
      tpu.vector_store_idx %arg9[%select_n3A, %parallel_loop3A_1500, %select_n3A_45, %parallel_loop3A_1584], %parallel_loop3A_1581 : memref<2x9x8x129xf32, #tpu.memory_space<vmem>>[vector<16xi32>, vector<16xi32>, vector<16xi32>, vector<16xi32>], vector<16xf32>,
    } {sc.loop_unroll_factor = 2 : i64, sc.parallel_access}
    %add3A_458 = arith.constant 0 : i32
    %add3A_459 = arith.addi %mul3A_2, %add3A_458 : i32
    %jit3A_460 = arith.constant 128 : i32
    %div3A_461 = arith.divsi %add3A_459, %jit3A_460 : i32
    %sign3A_462 = arith.constant 0 : i32
    %sign3A_463 = arith.cmpi sgt, %add3A_459, %sign3A_462 : i32
    %sign3A_464 = arith.extui %sign3A_463 : i1 to i32
    %sign3A_465 = arith.constant 0 : i32
    %sign3A_466 = arith.cmpi slt, %add3A_459, %sign3A_465 : i32
    %sign3A_467 = arith.extui %sign3A_466 : i1 to i32
    %sign3A_468 = arith.subi %sign3A_464, %sign3A_467 : i32
    %sign3A_469 = arith.constant 0 : i32
    %sign3A_470 = arith.cmpi sgt, %jit3A_460, %sign3A_469 : i32
    %sign3A_471 = arith.extui %sign3A_470 : i1 to i32
    %sign3A_472 = arith.constant 0 : i32
    %sign3A_473 = arith.cmpi slt, %jit3A_460, %sign3A_472 : i32
    %sign3A_474 = arith.extui %sign3A_473 : i1 to i32
    %sign3A_475 = arith.subi %sign3A_471, %sign3A_474 : i32
    %ne3A_476 = arith.cmpi ne, %sign3A_468, %sign3A_475 : i32
    %rem3A_477 = arith.remsi %add3A_459, %jit3A_460 : i32
    %ne3A_478 = arith.constant 0 : i32
    %ne3A_479 = arith.cmpi ne, %rem3A_477, %ne3A_478 : i32
    %and3A_480 = arith.andi %ne3A_476, %ne3A_479 : i1
    %sub3A_481 = arith.constant 1 : i32
    %sub3A_482 = arith.subi %div3A_461, %sub3A_481 : i32
    %select_n3A_483 = arith.select %and3A_480, %sub3A_482, %div3A_461 : i32
    %jit3A_484 = arith.constant 128 : i32
    %eq3A_485 = arith.constant 0 : i32
    %eq3A_486 = arith.cmpi eq, %jit3A_484, %eq3A_485 : i32
    %jit3A_487 = arith.constant 1 : i32
    %select_n3A_488 = arith.select %eq3A_486, %jit3A_487, %jit3A_484 : i32
    %rem3A_489 = arith.remsi %add3A_459, %select_n3A_488 : i32
    %ne3A_490 = arith.constant 0 : i32
    %ne3A_491 = arith.cmpi ne, %rem3A_489, %ne3A_490 : i32
    %lt3A_492 = arith.constant 0 : i32
    %lt3A_493 = arith.cmpi slt, %rem3A_489, %lt3A_492 : i32
    %lt3A_494 = arith.constant 0 : i32
    %lt3A_495 = arith.cmpi slt, %select_n3A_488, %lt3A_494 : i32
    %ne3A_496 = arith.xori %lt3A_493, %lt3A_495 : i1
    %and3A_497 = arith.andi %ne3A_496, %ne3A_491 : i1
    %add3A_498 = arith.addi %rem3A_489, %select_n3A_488 : i32
    %select_n3A_499 = arith.select %and3A_497, %add3A_498, %rem3A_489 : i32
    %mul3A_500 = arith.constant 8 : i32
    %mul3A_501 = arith.muli %select_n3A_483, %mul3A_500 : i32
    %dma_start3A_502 = arith.constant 0 : i32
    %dma_start3A_503 = arith.constant 0 : i32
    %dma_start3A_504 = arith.constant 0 : i32
    %dma_start3A_505 = arith.constant 0 : i32
    %dma_start3A_506 = arith.constant 0 : i32
    %dma_start3A_507 = tpu.memref_slice %arg9[%dma_start3A_502, %dma_start3A_504, %dma_start3A_505, %dma_start3A_506] : memref<2x9x8x129xf32, #tpu.memory_space<vmem>> -> memref<1x8x8x128xf32, #tpu.memory_space<vmem>>
    %dma_start3A_508 = tpu.memref_squeeze %dma_start3A_507 : memref<1x8x8x128xf32, #tpu.memory_space<vmem>> -> memref<8x8x128xf32, #tpu.memory_space<vmem>>
    %dma_start3A_509 = arith.constant 0 : i32
    %dma_start3A_510 = arith.constant 0 : i32
    %dma_start3A_511 = tpu.memref_slice %arg4[%mul3A_501, %dma_start3A_503, %select_n3A_499, %dma_start3A_509, %dma_start3A_510] : memref<200x2x128x8x128xf32, #tpu.memory_space<hbm>> -> memref<8x1x1x8x128xf32, #tpu.memory_space<hbm>>
    %dma_start3A_512 = tpu.memref_squeeze %dma_start3A_511 : memref<8x1x1x8x128xf32, #tpu.memory_space<hbm>> -> memref<8x8x128xf32, #tpu.memory_space<hbm>>
    %dma_start3A_513 = arith.constant 0 : i32
    %dma_start3A_514 = arith.constant 0 : i32
    %dma_start3A_515 = tpu.memref_slice %arg4[%mul3A_501, %dma_start3A_503, %select_n3A_499, %dma_start3A_513, %dma_start3A_514] : memref<200x2x128x8x128xf32, #tpu.memory_space<hbm>> -> memref<8x1x1x8x128xf32, #tpu.memory_space<hbm>>
    %dma_start3A_516 = tpu.memref_squeeze %dma_start3A_515 : memref<8x1x1x8x128xf32, #tpu.memory_space<hbm>> -> memref<8x8x128xf32, #tpu.memory_space<hbm>>
    %dma_start3A_517 = arith.constant 0 : i32
    %dma_start3A_518 = arith.constant 0 : i32
    %dma_start3A_519 = arith.constant 0 : i32
    %dma_start3A_520 = tpu.memref_slice %arg9[%dma_start3A_502, %dma_start3A_517, %dma_start3A_518, %dma_start3A_519] : memref<2x9x8x129xf32, #tpu.memory_space<vmem>> -> memref<1x8x8x128xf32, #tpu.memory_space<vmem>>
    %dma_start3A_521 = tpu.memref_squeeze %dma_start3A_520 : memref<1x8x8x128xf32, #tpu.memory_space<vmem>> -> memref<8x8x128xf32, #tpu.memory_space<vmem>>
    tpu.enqueue_dma source(%dma_start3A_521 : memref<8x8x128xf32, #tpu.memory_space<vmem>>) target(%dma_start3A_516 : memref<8x8x128xf32, #tpu.memory_space<hbm>>) target_semaphore(%arg13 : memref<!tpu.dma_semaphore, #tpu.memory_space<semaphore_mem>>)
    %mul3A_522 = arith.constant 8 : i32
    %mul3A_523 = arith.muli %select_n3A_483, %mul3A_522 : i32
    %dma_start3A_524 = arith.constant 1 : i32
    %dma_start3A_525 = arith.constant 1 : i32
    %dma_start3A_526 = arith.constant 0 : i32
    %dma_start3A_527 = arith.constant 0 : i32
    %dma_start3A_528 = arith.constant 0 : i32
    %dma_start3A_529 = tpu.memref_slice %arg9[%dma_start3A_524, %dma_start3A_526, %dma_start3A_527, %dma_start3A_528] : memref<2x9x8x129xf32, #tpu.memory_space<vmem>> -> memref<1x8x8x128xf32, #tpu.memory_space<vmem>>
    %dma_start3A_530 = tpu.memref_squeeze %dma_start3A_529 : memref<1x8x8x128xf32, #tpu.memory_space<vmem>> -> memref<8x8x128xf32, #tpu.memory_space<vmem>>
    %dma_start3A_531 = arith.constant 0 : i32
    %dma_start3A_532 = arith.constant 0 : i32
    %dma_start3A_533 = tpu.memref_slice %arg4[%mul3A_523, %dma_start3A_525, %select_n3A_499, %dma_start3A_531, %dma_start3A_532] : memref<200x2x128x8x128xf32, #tpu.memory_space<hbm>> -> memref<8x1x1x8x128xf32, #tpu.memory_space<hbm>>
    %dma_start3A_534 = tpu.memref_squeeze %dma_start3A_533 : memref<8x1x1x8x128xf32, #tpu.memory_space<hbm>> -> memref<8x8x128xf32, #tpu.memory_space<hbm>>
    %dma_start3A_535 = arith.constant 0 : i32
    %dma_start3A_536 = arith.constant 0 : i32
    %dma_start3A_537 = tpu.memref_slice %arg4[%mul3A_523, %dma_start3A_525, %select_n3A_499, %dma_start3A_535, %dma_start3A_536] : memref<200x2x128x8x128xf32, #tpu.memory_space<hbm>> -> memref<8x1x1x8x128xf32, #tpu.memory_space<hbm>>
    %dma_start3A_538 = tpu.memref_squeeze %dma_start3A_537 : memref<8x1x1x8x128xf32, #tpu.memory_space<hbm>> -> memref<8x8x128xf32, #tpu.memory_space<hbm>>
    %dma_start3A_539 = arith.constant 0 : i32
    %dma_start3A_540 = arith.constant 0 : i32
    %dma_start3A_541 = arith.constant 0 : i32
    %dma_start3A_542 = tpu.memref_slice %arg9[%dma_start3A_524, %dma_start3A_539, %dma_start3A_540, %dma_start3A_541] : memref<2x9x8x129xf32, #tpu.memory_space<vmem>> -> memref<1x8x8x128xf32, #tpu.memory_space<vmem>>
    %dma_start3A_543 = tpu.memref_squeeze %dma_start3A_542 : memref<1x8x8x128xf32, #tpu.memory_space<vmem>> -> memref<8x8x128xf32, #tpu.memory_space<vmem>>
    tpu.enqueue_dma source(%dma_start3A_543 : memref<8x8x128xf32, #tpu.memory_space<vmem>>) target(%dma_start3A_538 : memref<8x8x128xf32, #tpu.memory_space<hbm>>) target_semaphore(%arg13 : memref<!tpu.dma_semaphore, #tpu.memory_space<semaphore_mem>>)
    %dma_wait3A_544 = arith.constant 0 : i32
    %dma_wait3A_545 = arith.constant 0 : i32
    %dma_wait3A_546 = arith.constant 0 : i32
    %dma_wait3A_547 = arith.constant 0 : i32
    %dma_wait3A_548 = tpu.memref_slice %arg2[%dma_wait3A_544, %dma_wait3A_545, %dma_wait3A_546, %dma_wait3A_547] : memref<25x128x8x128xi32, #tpu.memory_space<hbm>> -> memref<1x1x8x128xi32, #tpu.memory_space<hbm>>
    %dma_wait3A_549 = tpu.memref_squeeze %dma_wait3A_548 : memref<1x1x8x128xi32, #tpu.memory_space<hbm>> -> memref<8x128xi32, #tpu.memory_space<hbm>>
    %dma_wait3A_550 = arith.constant 0 : i32
    %dma_wait3A_551 = arith.constant 0 : i32
    %dma_wait3A_552 = tpu.memref_slice %arg2[%dma_wait3A_544, %dma_wait3A_545, %dma_wait3A_550, %dma_wait3A_551] : memref<25x128x8x128xi32, #tpu.memory_space<hbm>> -> memref<1x1x8x128xi32, #tpu.memory_space<hbm>>
    %dma_wait3A_553 = tpu.memref_squeeze %dma_wait3A_552 : memref<1x1x8x128xi32, #tpu.memory_space<hbm>> -> memref<8x128xi32, #tpu.memory_space<hbm>>
    tpu.wait_dma2 semaphore(%arg15 : memref<!tpu.dma_semaphore, #tpu.memory_space<semaphore_mem>>) src(%dma_wait3A_553 : memref<8x128xi32, #tpu.memory_space<hbm>>) dst(%arg5 : memref<8x128xi32, #tpu.memory_space<vmem>>)
    %dma_start3A_554 = arith.constant 0 : i32
    %dma_start3A_555 = arith.constant 0 : i32
    %dma_start3A_556 = arith.constant 0 : i32
    %dma_start3A_557 = tpu.memref_slice %arg7[%dma_start3A_555, %dma_start3A_556] : memref<1024x16xf32, #tpu.memory_space<vmem>> -> memref<128x16xf32, #tpu.memory_space<vmem>>
    %dma_start3A_558 = arith.constant 0 : i32
    %dma_start3A_559 = tpu.memref_slice %arg5[%dma_start3A_554, %dma_start3A_558] : memref<8x128xi32, #tpu.memory_space<vmem>> -> memref<1x128xi32, #tpu.memory_space<vmem>>
    %dma_start3A_560 = tpu.memref_squeeze %dma_start3A_559 : memref<1x128xi32, #tpu.memory_space<vmem>> -> memref<128xi32, #tpu.memory_space<vmem>>
    %dma_start3A_561 = arith.constant 0 : i32
    %dma_start3A_562 = arith.constant 0 : i32
    %dma_start3A_563 = tpu.memref_slice %arg3[%dma_start3A_561, %dma_start3A_562] : memref<1000000x16xf32, #tpu.memory_space<hbm>> -> memref<1000000x16xf32, #tpu.memory_space<hbm>>
    tpu.enqueue_indirect_dma source(%dma_start3A_563 : memref<1000000x16xf32, #tpu.memory_space<hbm>>) target(%dma_start3A_557 : memref<128x16xf32, #tpu.memory_space<vmem>>) offsets(%dma_start3A_560 : memref<128xi32, #tpu.memory_space<vmem>>) semaphore(%arg11 : memref<!tpu.dma_semaphore, #tpu.memory_space<semaphore_mem>>)
    %dma_start3A_564 = arith.constant 1 : i32
    %dma_start3A_565 = arith.constant 128 : i32
    %dma_start3A_566 = arith.constant 0 : i32
    %dma_start3A_567 = tpu.memref_slice %arg7[%dma_start3A_565, %dma_start3A_566] : memref<1024x16xf32, #tpu.memory_space<vmem>> -> memref<128x16xf32, #tpu.memory_space<vmem>>
    %dma_start3A_568 = arith.constant 0 : i32
    %dma_start3A_569 = tpu.memref_slice %arg5[%dma_start3A_564, %dma_start3A_568] : memref<8x128xi32, #tpu.memory_space<vmem>> -> memref<1x128xi32, #tpu.memory_space<vmem>>
    %dma_start3A_570 = tpu.memref_squeeze %dma_start3A_569 : memref<1x128xi32, #tpu.memory_space<vmem>> -> memref<128xi32, #tpu.memory_space<vmem>>
    %dma_start3A_571 = arith.constant 0 : i32
    %dma_start3A_572 = arith.constant 0 : i32
    %dma_start3A_573 = tpu.memref_slice %arg3[%dma_start3A_571, %dma_start3A_572] : memref<1000000x16xf32, #tpu.memory_space<hbm>> -> memref<1000000x16xf32, #tpu.memory_space<hbm>>
    tpu.enqueue_indirect_dma source(%dma_start3A_573 : memref<1000000x16xf32, #tpu.memory_space<hbm>>) target(%dma_start3A_567 : memref<128x16xf32, #tpu.memory_space<vmem>>) offsets(%dma_start3A_570 : memref<128xi32, #tpu.memory_space<vmem>>) semaphore(%arg11 : memref<!tpu.dma_semaphore, #tpu.memory_space<semaphore_mem>>)
    %dma_start3A_574 = arith.constant 2 : i32
    %dma_start3A_575 = arith.constant 256 : i32
    %dma_start3A_576 = arith.constant 0 : i32
    %dma_start3A_577 = tpu.memref_slice %arg7[%dma_start3A_575, %dma_start3A_576] : memref<1024x16xf32, #tpu.memory_space<vmem>> -> memref<128x16xf32, #tpu.memory_space<vmem>>
    %dma_start3A_578 = arith.constant 0 : i32
    %dma_start3A_579 = tpu.memref_slice %arg5[%dma_start3A_574, %dma_start3A_578] : memref<8x128xi32, #tpu.memory_space<vmem>> -> memref<1x128xi32, #tpu.memory_space<vmem>>
    %dma_start3A_580 = tpu.memref_squeeze %dma_start3A_579 : memref<1x128xi32, #tpu.memory_space<vmem>> -> memref<128xi32, #tpu.memory_space<vmem>>
    %dma_start3A_581 = arith.constant 0 : i32
    %dma_start3A_582 = arith.constant 0 : i32
    %dma_start3A_583 = tpu.memref_slice %arg3[%dma_start3A_581, %dma_start3A_582] : memref<1000000x16xf32, #tpu.memory_space<hbm>> -> memref<1000000x16xf32, #tpu.memory_space<hbm>>
    tpu.enqueue_indirect_dma source(%dma_start3A_583 : memref<1000000x16xf32, #tpu.memory_space<hbm>>) target(%dma_start3A_577 : memref<128x16xf32, #tpu.memory_space<vmem>>) offsets(%dma_start3A_580 : memref<128xi32, #tpu.memory_space<vmem>>) semaphore(%arg11 : memref<!tpu.dma_semaphore, #tpu.memory_space<semaphore_mem>>)
    %dma_start3A_584 = arith.constant 3 : i32
    %dma_start3A_585 = arith.constant 384 : i32
    %dma_start3A_586 = arith.constant 0 : i32
    %dma_start3A_587 = tpu.memref_slice %arg7[%dma_start3A_585, %dma_start3A_586] : memref<1024x16xf32, #tpu.memory_space<vmem>> -> memref<128x16xf32, #tpu.memory_space<vmem>>
    %dma_start3A_588 = arith.constant 0 : i32
    %dma_start3A_589 = tpu.memref_slice %arg5[%dma_start3A_584, %dma_start3A_588] : memref<8x128xi32, #tpu.memory_space<vmem>> -> memref<1x128xi32, #tpu.memory_space<vmem>>
    %dma_start3A_590 = tpu.memref_squeeze %dma_start3A_589 : memref<1x128xi32, #tpu.memory_space<vmem>> -> memref<128xi32, #tpu.memory_space<vmem>>
    %dma_start3A_591 = arith.constant 0 : i32
    %dma_start3A_592 = arith.constant 0 : i32
    %dma_start3A_593 = tpu.memref_slice %arg3[%dma_start3A_591, %dma_start3A_592] : memref<1000000x16xf32, #tpu.memory_space<hbm>> -> memref<1000000x16xf32, #tpu.memory_space<hbm>>
    tpu.enqueue_indirect_dma source(%dma_start3A_593 : memref<1000000x16xf32, #tpu.memory_space<hbm>>) target(%dma_start3A_587 : memref<128x16xf32, #tpu.memory_space<vmem>>) offsets(%dma_start3A_590 : memref<128xi32, #tpu.memory_space<vmem>>) semaphore(%arg11 : memref<!tpu.dma_semaphore, #tpu.memory_space<semaphore_mem>>)
    %dma_start3A_594 = arith.constant 4 : i32
    %dma_start3A_595 = arith.constant 512 : i32
    %dma_start3A_596 = arith.constant 0 : i32
    %dma_start3A_597 = tpu.memref_slice %arg7[%dma_start3A_595, %dma_start3A_596] : memref<1024x16xf32, #tpu.memory_space<vmem>> -> memref<128x16xf32, #tpu.memory_space<vmem>>
    %dma_start3A_598 = arith.constant 0 : i32
    %dma_start3A_599 = tpu.memref_slice %arg5[%dma_start3A_594, %dma_start3A_598] : memref<8x128xi32, #tpu.memory_space<vmem>> -> memref<1x128xi32, #tpu.memory_space<vmem>>
    %dma_start3A_600 = tpu.memref_squeeze %dma_start3A_599 : memref<1x128xi32, #tpu.memory_space<vmem>> -> memref<128xi32, #tpu.memory_space<vmem>>
    %dma_start3A_601 = arith.constant 0 : i32
    %dma_start3A_602 = arith.constant 0 : i32
    %dma_start3A_603 = tpu.memref_slice %arg3[%dma_start3A_601, %dma_start3A_602] : memref<1000000x16xf32, #tpu.memory_space<hbm>> -> memref<1000000x16xf32, #tpu.memory_space<hbm>>
    tpu.enqueue_indirect_dma source(%dma_start3A_603 : memref<1000000x16xf32, #tpu.memory_space<hbm>>) target(%dma_start3A_597 : memref<128x16xf32, #tpu.memory_space<vmem>>) offsets(%dma_start3A_600 : memref<128xi32, #tpu.memory_space<vmem>>) semaphore(%arg11 : memref<!tpu.dma_semaphore, #tpu.memory_space<semaphore_mem>>)
    %dma_start3A_604 = arith.constant 5 : i32
    %dma_start3A_605 = arith.constant 640 : i32
    %dma_start3A_606 = arith.constant 0 : i32
    %dma_start3A_607 = tpu.memref_slice %arg7[%dma_start3A_605, %dma_start3A_606] : memref<1024x16xf32, #tpu.memory_space<vmem>> -> memref<128x16xf32, #tpu.memory_space<vmem>>
    %dma_start3A_608 = arith.constant 0 : i32
    %dma_start3A_609 = tpu.memref_slice %arg5[%dma_start3A_604, %dma_start3A_608] : memref<8x128xi32, #tpu.memory_space<vmem>> -> memref<1x128xi32, #tpu.memory_space<vmem>>
    %dma_start3A_610 = tpu.memref_squeeze %dma_start3A_609 : memref<1x128xi32, #tpu.memory_space<vmem>> -> memref<128xi32, #tpu.memory_space<vmem>>
    %dma_start3A_611 = arith.constant 0 : i32
    %dma_start3A_612 = arith.constant 0 : i32
    %dma_start3A_613 = tpu.memref_slice %arg3[%dma_start3A_611, %dma_start3A_612] : memref<1000000x16xf32, #tpu.memory_space<hbm>> -> memref<1000000x16xf32, #tpu.memory_space<hbm>>
    tpu.enqueue_indirect_dma source(%dma_start3A_613 : memref<1000000x16xf32, #tpu.memory_space<hbm>>) target(%dma_start3A_607 : memref<128x16xf32, #tpu.memory_space<vmem>>) offsets(%dma_start3A_610 : memref<128xi32, #tpu.memory_space<vmem>>) semaphore(%arg11 : memref<!tpu.dma_semaphore, #tpu.memory_space<semaphore_mem>>)
    %dma_start3A_614 = arith.constant 6 : i32
    %dma_start3A_615 = arith.constant 768 : i32
    %dma_start3A_616 = arith.constant 0 : i32
    %dma_start3A_617 = tpu.memref_slice %arg7[%dma_start3A_615, %dma_start3A_616] : memref<1024x16xf32, #tpu.memory_space<vmem>> -> memref<128x16xf32, #tpu.memory_space<vmem>>
    %dma_start3A_618 = arith.constant 0 : i32
    %dma_start3A_619 = tpu.memref_slice %arg5[%dma_start3A_614, %dma_start3A_618] : memref<8x128xi32, #tpu.memory_space<vmem>> -> memref<1x128xi32, #tpu.memory_space<vmem>>
    %dma_start3A_620 = tpu.memref_squeeze %dma_start3A_619 : memref<1x128xi32, #tpu.memory_space<vmem>> -> memref<128xi32, #tpu.memory_space<vmem>>
    %dma_start3A_621 = arith.constant 0 : i32
    %dma_start3A_622 = arith.constant 0 : i32
    %dma_start3A_623 = tpu.memref_slice %arg3[%dma_start3A_621, %dma_start3A_622] : memref<1000000x16xf32, #tpu.memory_space<hbm>> -> memref<1000000x16xf32, #tpu.memory_space<hbm>>
    tpu.enqueue_indirect_dma source(%dma_start3A_623 : memref<1000000x16xf32, #tpu.memory_space<hbm>>) target(%dma_start3A_617 : memref<128x16xf32, #tpu.memory_space<vmem>>) offsets(%dma_start3A_620 : memref<128xi32, #tpu.memory_space<vmem>>) semaphore(%arg11 : memref<!tpu.dma_semaphore, #tpu.memory_space<semaphore_mem>>)
    %dma_start3A_624 = arith.constant 7 : i32
    %dma_start3A_625 = arith.constant 896 : i32
    %dma_start3A_626 = arith.constant 0 : i32
    %dma_start3A_627 = tpu.memref_slice %arg7[%dma_start3A_625, %dma_start3A_626] : memref<1024x16xf32, #tpu.memory_space<vmem>> -> memref<128x16xf32, #tpu.memory_space<vmem>>
    %dma_start3A_628 = arith.constant 0 : i32
    %dma_start3A_629 = tpu.memref_slice %arg5[%dma_start3A_624, %dma_start3A_628] : memref<8x128xi32, #tpu.memory_space<vmem>> -> memref<1x128xi32, #tpu.memory_space<vmem>>
    %dma_start3A_630 = tpu.memref_squeeze %dma_start3A_629 : memref<1x128xi32, #tpu.memory_space<vmem>> -> memref<128xi32, #tpu.memory_space<vmem>>
    %dma_start3A_631 = arith.constant 0 : i32
    %dma_start3A_632 = arith.constant 0 : i32
    %dma_start3A_633 = tpu.memref_slice %arg3[%dma_start3A_631, %dma_start3A_632] : memref<1000000x16xf32, #tpu.memory_space<hbm>> -> memref<1000000x16xf32, #tpu.memory_space<hbm>>
    tpu.enqueue_indirect_dma source(%dma_start3A_633 : memref<1000000x16xf32, #tpu.memory_space<hbm>>) target(%dma_start3A_627 : memref<128x16xf32, #tpu.memory_space<vmem>>) offsets(%dma_start3A_630 : memref<128xi32, #tpu.memory_space<vmem>>) semaphore(%arg11 : memref<!tpu.dma_semaphore, #tpu.memory_space<semaphore_mem>>)
    %dma_wait3A_634 = arith.constant 0 : i32
    %dma_wait3A_635 = arith.constant 0 : i32
    %dma_wait3A_636 = arith.constant 0 : i32
    %dma_wait3A_637 = tpu.memref_slice %arg8[%dma_wait3A_635, %dma_wait3A_636] : memref<1024x16xf32, #tpu.memory_space<vmem>> -> memref<128x16xf32, #tpu.memory_space<vmem>>
    %dma_wait3A_638 = arith.constant 0 : i32
    %dma_wait3A_639 = tpu.memref_slice %arg6[%dma_wait3A_634, %dma_wait3A_638] : memref<8x128xi32, #tpu.memory_space<vmem>> -> memref<1x128xi32, #tpu.memory_space<vmem>>
    %dma_wait3A_640 = tpu.memref_squeeze %dma_wait3A_639 : memref<1x128xi32, #tpu.memory_space<vmem>> -> memref<128xi32, #tpu.memory_space<vmem>>
    %dma_wait3A_641 = arith.constant 0 : i32
    %dma_wait3A_642 = arith.constant 0 : i32
    %dma_wait3A_643 = tpu.memref_slice %arg3[%dma_wait3A_641, %dma_wait3A_642] : memref<1000000x16xf32, #tpu.memory_space<hbm>> -> memref<1000000x16xf32, #tpu.memory_space<hbm>>
    tpu.wait_indirect_dma semaphore(%arg12 : memref<!tpu.dma_semaphore, #tpu.memory_space<semaphore_mem>>) src(%dma_wait3A_643 : memref<1000000x16xf32, #tpu.memory_space<hbm>>) dst(%dma_wait3A_637 : memref<128x16xf32, #tpu.memory_space<vmem>>)
    %dma_wait3A_644 = arith.constant 1 : i32
    %dma_wait3A_645 = arith.constant 128 : i32
    %dma_wait3A_646 = arith.constant 0 : i32
    %dma_wait3A_647 = tpu.memref_slice %arg8[%dma_wait3A_645, %dma_wait3A_646] : memref<1024x16xf32, #tpu.memory_space<vmem>> -> memref<128x16xf32, #tpu.memory_space<vmem>>
    %dma_wait3A_648 = arith.constant 0 : i32
    %dma_wait3A_649 = tpu.memref_slice %arg6[%dma_wait3A_644, %dma_wait3A_648] : memref<8x128xi32, #tpu.memory_space<vmem>> -> memref<1x128xi32, #tpu.memory_space<vmem>>
    %dma_wait3A_650 = tpu.memref_squeeze %dma_wait3A_649 : memref<1x128xi32, #tpu.memory_space<vmem>> -> memref<128xi32, #tpu.memory_space<vmem>>
    %dma_wait3A_651 = arith.constant 0 : i32
    %dma_wait3A_652 = arith.constant 0 : i32
    %dma_wait3A_653 = tpu.memref_slice %arg3[%dma_wait3A_651, %dma_wait3A_652] : memref<1000000x16xf32, #tpu.memory_space<hbm>> -> memref<1000000x16xf32, #tpu.memory_space<hbm>>
    tpu.wait_indirect_dma semaphore(%arg12 : memref<!tpu.dma_semaphore, #tpu.memory_space<semaphore_mem>>) src(%dma_wait3A_653 : memref<1000000x16xf32, #tpu.memory_space<hbm>>) dst(%dma_wait3A_647 : memref<128x16xf32, #tpu.memory_space<vmem>>)
    %dma_wait3A_654 = arith.constant 2 : i32
    %dma_wait3A_655 = arith.constant 256 : i32
    %dma_wait3A_656 = arith.constant 0 : i32
    %dma_wait3A_657 = tpu.memref_slice %arg8[%dma_wait3A_655, %dma_wait3A_656] : memref<1024x16xf32, #tpu.memory_space<vmem>> -> memref<128x16xf32, #tpu.memory_space<vmem>>
    %dma_wait3A_658 = arith.constant 0 : i32
    %dma_wait3A_659 = tpu.memref_slice %arg6[%dma_wait3A_654, %dma_wait3A_658] : memref<8x128xi32, #tpu.memory_space<vmem>> -> memref<1x128xi32, #tpu.memory_space<vmem>>
    %dma_wait3A_660 = tpu.memref_squeeze %dma_wait3A_659 : memref<1x128xi32, #tpu.memory_space<vmem>> -> memref<128xi32, #tpu.memory_space<vmem>>
    %dma_wait3A_661 = arith.constant 0 : i32
    %dma_wait3A_662 = arith.constant 0 : i32
    %dma_wait3A_663 = tpu.memref_slice %arg3[%dma_wait3A_661, %dma_wait3A_662] : memref<1000000x16xf32, #tpu.memory_space<hbm>> -> memref<1000000x16xf32, #tpu.memory_space<hbm>>
    tpu.wait_indirect_dma semaphore(%arg12 : memref<!tpu.dma_semaphore, #tpu.memory_space<semaphore_mem>>) src(%dma_wait3A_663 : memref<1000000x16xf32, #tpu.memory_space<hbm>>) dst(%dma_wait3A_657 : memref<128x16xf32, #tpu.memory_space<vmem>>)
    %dma_wait3A_664 = arith.constant 3 : i32
    %dma_wait3A_665 = arith.constant 384 : i32
    %dma_wait3A_666 = arith.constant 0 : i32
    %dma_wait3A_667 = tpu.memref_slice %arg8[%dma_wait3A_665, %dma_wait3A_666] : memref<1024x16xf32, #tpu.memory_space<vmem>> -> memref<128x16xf32, #tpu.memory_space<vmem>>
    %dma_wait3A_668 = arith.constant 0 : i32
    %dma_wait3A_669 = tpu.memref_slice %arg6[%dma_wait3A_664, %dma_wait3A_668] : memref<8x128xi32, #tpu.memory_space<vmem>> -> memref<1x128xi32, #tpu.memory_space<vmem>>
    %dma_wait3A_670 = tpu.memref_squeeze %dma_wait3A_669 : memref<1x128xi32, #tpu.memory_space<vmem>> -> memref<128xi32, #tpu.memory_space<vmem>>
    %dma_wait3A_671 = arith.constant 0 : i32
    %dma_wait3A_672 = arith.constant 0 : i32
    %dma_wait3A_673 = tpu.memref_slice %arg3[%dma_wait3A_671, %dma_wait3A_672] : memref<1000000x16xf32, #tpu.memory_space<hbm>> -> memref<1000000x16xf32, #tpu.memory_space<hbm>>
    tpu.wait_indirect_dma semaphore(%arg12 : memref<!tpu.dma_semaphore, #tpu.memory_space<semaphore_mem>>) src(%dma_wait3A_673 : memref<1000000x16xf32, #tpu.memory_space<hbm>>) dst(%dma_wait3A_667 : memref<128x16xf32, #tpu.memory_space<vmem>>)
    %dma_wait3A_674 = arith.constant 4 : i32
    %dma_wait3A_675 = arith.constant 512 : i32
    %dma_wait3A_676 = arith.constant 0 : i32
    %dma_wait3A_677 = tpu.memref_slice %arg8[%dma_wait3A_675, %dma_wait3A_676] : memref<1024x16xf32, #tpu.memory_space<vmem>> -> memref<128x16xf32, #tpu.memory_space<vmem>>
    %dma_wait3A_678 = arith.constant 0 : i32
    %dma_wait3A_679 = tpu.memref_slice %arg6[%dma_wait3A_674, %dma_wait3A_678] : memref<8x128xi32, #tpu.memory_space<vmem>> -> memref<1x128xi32, #tpu.memory_space<vmem>>
    %dma_wait3A_680 = tpu.memref_squeeze %dma_wait3A_679 : memref<1x128xi32, #tpu.memory_space<vmem>> -> memref<128xi32, #tpu.memory_space<vmem>>
    %dma_wait3A_681 = arith.constant 0 : i32
    %dma_wait3A_682 = arith.constant 0 : i32
    %dma_wait3A_683 = tpu.memref_slice %arg3[%dma_wait3A_681, %dma_wait3A_682] : memref<1000000x16xf32, #tpu.memory_space<hbm>> -> memref<1000000x16xf32, #tpu.memory_space<hbm>>
    tpu.wait_indirect_dma semaphore(%arg12 : memref<!tpu.dma_semaphore, #tpu.memory_space<semaphore_mem>>) src(%dma_wait3A_683 : memref<1000000x16xf32, #tpu.memory_space<hbm>>) dst(%dma_wait3A_677 : memref<128x16xf32, #tpu.memory_space<vmem>>)
    %dma_wait3A_684 = arith.constant 5 : i32
    %dma_wait3A_685 = arith.constant 640 : i32
    %dma_wait3A_686 = arith.constant 0 : i32
    %dma_wait3A_687 = tpu.memref_slice %arg8[%dma_wait3A_685, %dma_wait3A_686] : memref<1024x16xf32, #tpu.memory_space<vmem>> -> memref<128x16xf32, #tpu.memory_space<vmem>>
    %dma_wait3A_688 = arith.constant 0 : i32
    %dma_wait3A_689 = tpu.memref_slice %arg6[%dma_wait3A_684, %dma_wait3A_688] : memref<8x128xi32, #tpu.memory_space<vmem>> -> memref<1x128xi32, #tpu.memory_space<vmem>>
    %dma_wait3A_690 = tpu.memref_squeeze %dma_wait3A_689 : memref<1x128xi32, #tpu.memory_space<vmem>> -> memref<128xi32, #tpu.memory_space<vmem>>
    %dma_wait3A_691 = arith.constant 0 : i32
    %dma_wait3A_692 = arith.constant 0 : i32
    %dma_wait3A_693 = tpu.memref_slice %arg3[%dma_wait3A_691, %dma_wait3A_692] : memref<1000000x16xf32, #tpu.memory_space<hbm>> -> memref<1000000x16xf32, #tpu.memory_space<hbm>>
    tpu.wait_indirect_dma semaphore(%arg12 : memref<!tpu.dma_semaphore, #tpu.memory_space<semaphore_mem>>) src(%dma_wait3A_693 : memref<1000000x16xf32, #tpu.memory_space<hbm>>) dst(%dma_wait3A_687 : memref<128x16xf32, #tpu.memory_space<vmem>>)
    %dma_wait3A_694 = arith.constant 6 : i32
    %dma_wait3A_695 = arith.constant 768 : i32
    %dma_wait3A_696 = arith.constant 0 : i32
    %dma_wait3A_697 = tpu.memref_slice %arg8[%dma_wait3A_695, %dma_wait3A_696] : memref<1024x16xf32, #tpu.memory_space<vmem>> -> memref<128x16xf32, #tpu.memory_space<vmem>>
    %dma_wait3A_698 = arith.constant 0 : i32
    %dma_wait3A_699 = tpu.memref_slice %arg6[%dma_wait3A_694, %dma_wait3A_698] : memref<8x128xi32, #tpu.memory_space<vmem>> -> memref<1x128xi32, #tpu.memory_space<vmem>>
    %dma_wait3A_700 = tpu.memref_squeeze %dma_wait3A_699 : memref<1x128xi32, #tpu.memory_space<vmem>> -> memref<128xi32, #tpu.memory_space<vmem>>
    %dma_wait3A_701 = arith.constant 0 : i32
    %dma_wait3A_702 = arith.constant 0 : i32
    %dma_wait3A_703 = tpu.memref_slice %arg3[%dma_wait3A_701, %dma_wait3A_702] : memref<1000000x16xf32, #tpu.memory_space<hbm>> -> memref<1000000x16xf32, #tpu.memory_space<hbm>>
    tpu.wait_indirect_dma semaphore(%arg12 : memref<!tpu.dma_semaphore, #tpu.memory_space<semaphore_mem>>) src(%dma_wait3A_703 : memref<1000000x16xf32, #tpu.memory_space<hbm>>) dst(%dma_wait3A_697 : memref<128x16xf32, #tpu.memory_space<vmem>>)
    %dma_wait3A_704 = arith.constant 7 : i32
    %dma_wait3A_705 = arith.constant 896 : i32
    %dma_wait3A_706 = arith.constant 0 : i32
    %dma_wait3A_707 = tpu.memref_slice %arg8[%dma_wait3A_705, %dma_wait3A_706] : memref<1024x16xf32, #tpu.memory_space<vmem>> -> memref<128x16xf32, #tpu.memory_space<vmem>>
    %dma_wait3A_708 = arith.constant 0 : i32
    %dma_wait3A_709 = tpu.memref_slice %arg6[%dma_wait3A_704, %dma_wait3A_708] : memref<8x128xi32, #tpu.memory_space<vmem>> -> memref<1x128xi32, #tpu.memory_space<vmem>>
    %dma_wait3A_710 = tpu.memref_squeeze %dma_wait3A_709 : memref<1x128xi32, #tpu.memory_space<vmem>> -> memref<128xi32, #tpu.memory_space<vmem>>
    %dma_wait3A_711 = arith.constant 0 : i32
    %dma_wait3A_712 = arith.constant 0 : i32
    %dma_wait3A_713 = tpu.memref_slice %arg3[%dma_wait3A_711, %dma_wait3A_712] : memref<1000000x16xf32, #tpu.memory_space<hbm>> -> memref<1000000x16xf32, #tpu.memory_space<hbm>>
    tpu.wait_indirect_dma semaphore(%arg12 : memref<!tpu.dma_semaphore, #tpu.memory_space<semaphore_mem>>) src(%dma_wait3A_713 : memref<1000000x16xf32, #tpu.memory_space<hbm>>) dst(%dma_wait3A_707 : memref<128x16xf32, #tpu.memory_space<vmem>>)
    %add3A_714 = arith.constant 2 : i32
    %add3A_715 = arith.addi %mul3A_2, %add3A_714 : i32
    %add3A_716 = arith.constant 1 : i32
    %add3A_717 = arith.addi %add3A_715, %add3A_716 : i32
    %jit3A_718 = arith.constant 128 : i32
    %div3A_719 = arith.divsi %add3A_717, %jit3A_718 : i32
    %sign3A_720 = arith.constant 0 : i32
    %sign3A_721 = arith.cmpi sgt, %add3A_717, %sign3A_720 : i32
    %sign3A_722 = arith.extui %sign3A_721 : i1 to i32
    %sign3A_723 = arith.constant 0 : i32
    %sign3A_724 = arith.cmpi slt, %add3A_717, %sign3A_723 : i32
    %sign3A_725 = arith.extui %sign3A_724 : i1 to i32
    %sign3A_726 = arith.subi %sign3A_722, %sign3A_725 : i32
    %sign3A_727 = arith.constant 0 : i32
    %sign3A_728 = arith.cmpi sgt, %jit3A_718, %sign3A_727 : i32
    %sign3A_729 = arith.extui %sign3A_728 : i1 to i32
    %sign3A_730 = arith.constant 0 : i32
    %sign3A_731 = arith.cmpi slt, %jit3A_718, %sign3A_730 : i32
    %sign3A_732 = arith.extui %sign3A_731 : i1 to i32
    %sign3A_733 = arith.subi %sign3A_729, %sign3A_732 : i32
    %ne3A_734 = arith.cmpi ne, %sign3A_726, %sign3A_733 : i32
    %rem3A_735 = arith.remsi %add3A_717, %jit3A_718 : i32
    %ne3A_736 = arith.constant 0 : i32
    %ne3A_737 = arith.cmpi ne, %rem3A_735, %ne3A_736 : i32
    %and3A_738 = arith.andi %ne3A_734, %ne3A_737 : i1
    %sub3A_739 = arith.constant 1 : i32
    %sub3A_740 = arith.subi %div3A_719, %sub3A_739 : i32
    %select_n3A_741 = arith.select %and3A_738, %sub3A_740, %div3A_719 : i32
    %jit3A_742 = arith.constant 128 : i32
    %eq3A_743 = arith.constant 0 : i32
    %eq3A_744 = arith.cmpi eq, %jit3A_742, %eq3A_743 : i32
    %jit3A_745 = arith.constant 1 : i32
    %select_n3A_746 = arith.select %eq3A_744, %jit3A_745, %jit3A_742 : i32
    %rem3A_747 = arith.remsi %add3A_717, %select_n3A_746 : i32
    %ne3A_748 = arith.constant 0 : i32
    %ne3A_749 = arith.cmpi ne, %rem3A_747, %ne3A_748 : i32
    %lt3A_750 = arith.constant 0 : i32
    %lt3A_751 = arith.cmpi slt, %rem3A_747, %lt3A_750 : i32
    %lt3A_752 = arith.constant 0 : i32
    %lt3A_753 = arith.cmpi slt, %select_n3A_746, %lt3A_752 : i32
    %ne3A_754 = arith.xori %lt3A_751, %lt3A_753 : i1
    %and3A_755 = arith.andi %ne3A_754, %ne3A_749 : i1
    %add3A_756 = arith.addi %rem3A_747, %select_n3A_746 : i32
    %select_n3A_757 = arith.select %and3A_755, %add3A_756, %rem3A_747 : i32
    %dma_start3A_758 = arith.constant 0 : i32
    %dma_start3A_759 = arith.constant 0 : i32
    %dma_start3A_760 = tpu.memref_slice %arg2[%select_n3A_741, %select_n3A_757, %dma_start3A_758, %dma_start3A_759] : memref<25x128x8x128xi32, #tpu.memory_space<hbm>> -> memref<1x1x8x128xi32, #tpu.memory_space<hbm>>
    %dma_start3A_761 = tpu.memref_squeeze %dma_start3A_760 : memref<1x1x8x128xi32, #tpu.memory_space<hbm>> -> memref<8x128xi32, #tpu.memory_space<hbm>>
    %dma_start3A_762 = arith.constant 0 : i32
    %dma_start3A_763 = arith.constant 0 : i32
    %dma_start3A_764 = tpu.memref_slice %arg2[%select_n3A_741, %select_n3A_757, %dma_start3A_762, %dma_start3A_763] : memref<25x128x8x128xi32, #tpu.memory_space<hbm>> -> memref<1x1x8x128xi32, #tpu.memory_space<hbm>>
    %dma_start3A_765 = tpu.memref_squeeze %dma_start3A_764 : memref<1x1x8x128xi32, #tpu.memory_space<hbm>> -> memref<8x128xi32, #tpu.memory_space<hbm>>
    tpu.enqueue_dma source(%dma_start3A_765 : memref<8x128xi32, #tpu.memory_space<hbm>>) target(%arg6 : memref<8x128xi32, #tpu.memory_space<vmem>>) target_semaphore(%arg16 : memref<!tpu.dma_semaphore, #tpu.memory_space<semaphore_mem>>)
    %parallel_loop3A_766 = arith.constant 0 : i32
    %parallel_loop3A_767 = arith.constant 1024 : i32
    %parallel_loop3A_768 = arith.constant 8 : i32
    scf.for %parallel_loop3A_1472 = %parallel_loop3A_766 to %parallel_loop3A_767 step %parallel_loop3A_768  : i32 {
      %parallel_loop3A_1473 = arith.constant 128 : i32
      %parallel_loop3A_1474 = arith.divsi %parallel_loop3A_1472, %parallel_loop3A_1473 : i32
      %parallel_loop3A_1475 = arith.constant 0 : i32
      %parallel_loop3A_1476 = arith.cmpi sgt, %parallel_loop3A_1472, %parallel_loop3A_1475 : i32
      %parallel_loop3A_1477 = arith.extui %parallel_loop3A_1476 : i1 to i32
      %parallel_loop3A_1478 = arith.constant 0 : i32
      %parallel_loop3A_1479 = arith.cmpi slt, %parallel_loop3A_1472, %parallel_loop3A_1478 : i32
      %parallel_loop3A_1480 = arith.extui %parallel_loop3A_1479 : i1 to i32
      %parallel_loop3A_1481 = arith.subi %parallel_loop3A_1477, %parallel_loop3A_1480 : i32
      %parallel_loop3A_1482 = arith.constant 0 : i32
      %parallel_loop3A_1483 = arith.cmpi sgt, %parallel_loop3A_1473, %parallel_loop3A_1482 : i32
      %parallel_loop3A_1484 = arith.extui %parallel_loop3A_1483 : i1 to i32
      %parallel_loop3A_1485 = arith.constant 0 : i32
      %parallel_loop3A_1486 = arith.cmpi slt, %parallel_loop3A_1473, %parallel_loop3A_1485 : i32
      %parallel_loop3A_1487 = arith.extui %parallel_loop3A_1486 : i1 to i32
      %parallel_loop3A_1488 = arith.subi %parallel_loop3A_1484, %parallel_loop3A_1487 : i32
      %parallel_loop3A_1489 = arith.cmpi ne, %parallel_loop3A_1481, %parallel_loop3A_1488 : i32
      %parallel_loop3A_1490 = arith.remsi %parallel_loop3A_1472, %parallel_loop3A_1473 : i32
      %parallel_loop3A_1491 = arith.constant 0 : i32
      %parallel_loop3A_1492 = arith.cmpi ne, %parallel_loop3A_1490, %parallel_loop3A_1491 : i32
      %parallel_loop3A_1493 = arith.andi %parallel_loop3A_1489, %parallel_loop3A_1492 : i1
      %parallel_loop3A_1494 = arith.constant 1 : i32
      %parallel_loop3A_1495 = arith.subi %parallel_loop3A_1474, %parallel_loop3A_1494 : i32
      %parallel_loop3A_1496 = arith.select %parallel_loop3A_1493, %parallel_loop3A_1495, %parallel_loop3A_1474 : i32
      %parallel_loop3A_1497 = arith.constant 0 : i32
      %parallel_loop3A_1498 = vector.broadcast %parallel_loop3A_1497 : i32 to vector<16xi32>
      %parallel_loop3A_1499 = vector.broadcast %parallel_loop3A_1496 : i32 to vector<16xi32>
      %parallel_loop3A_1500 = arith.addi %parallel_loop3A_1498, %parallel_loop3A_1499 : vector<16xi32>
      %parallel_loop3A_1501 = arith.constant 128 : i32
      %parallel_loop3A_1502 = arith.constant 0 : i32
      %parallel_loop3A_1503 = arith.cmpi eq, %parallel_loop3A_1501, %parallel_loop3A_1502 : i32
      %parallel_loop3A_1504 = arith.constant 1 : i32
      %parallel_loop3A_1505 = arith.select %parallel_loop3A_1503, %parallel_loop3A_1504, %parallel_loop3A_1501 : i32
      %parallel_loop3A_1506 = arith.remsi %parallel_loop3A_1472, %parallel_loop3A_1505 : i32
      %parallel_loop3A_1507 = arith.constant 0 : i32
      %parallel_loop3A_1508 = arith.cmpi ne, %parallel_loop3A_1506, %parallel_loop3A_1507 : i32
      %parallel_loop3A_1509 = arith.constant 0 : i32
      %parallel_loop3A_1510 = arith.cmpi slt, %parallel_loop3A_1506, %parallel_loop3A_1509 : i32
      %parallel_loop3A_1511 = arith.constant 0 : i32
      %parallel_loop3A_1512 = arith.cmpi slt, %parallel_loop3A_1505, %parallel_loop3A_1511 : i32
      %parallel_loop3A_1513 = arith.xori %parallel_loop3A_1510, %parallel_loop3A_1512 : i1
      %parallel_loop3A_1514 = arith.andi %parallel_loop3A_1513, %parallel_loop3A_1508 : i1
      %parallel_loop3A_1515 = arith.addi %parallel_loop3A_1506, %parallel_loop3A_1505 : i32
      %parallel_loop3A_1516 = arith.select %parallel_loop3A_1514, %parallel_loop3A_1515, %parallel_loop3A_1506 : i32
      %parallel_loop3A_1517 = arith.constant 0 : i32
      %parallel_loop3A_1518 = vector.broadcast %parallel_loop3A_1517 : i32 to vector<16xi32>
      %parallel_loop3A_1519 = vector.broadcast %parallel_loop3A_1516 : i32 to vector<16xi32>
      %parallel_loop3A_1520 = arith.addi %parallel_loop3A_1518, %parallel_loop3A_1519 : vector<16xi32>
      %parallel_loop3A_1521 = arith.constant 0 : i32
      %parallel_loop3A_1522 = arith.addi %parallel_loop3A_1472, %parallel_loop3A_1521 : i32
      %parallel_loop3A_1523 = arith.index_cast %parallel_loop3A_1522 : i32 to index
      %parallel_loop3A_1524 = arith.constant 0 : index
      %parallel_loop3A_1525 = tpu.vector_load %arg8[%parallel_loop3A_1523, %parallel_loop3A_1524] {strides = array<i32>} : memref<1024x16xf32, #tpu.memory_space<vmem>>, vector<16xf32>,
      %parallel_loop3A_1526 = arith.constant 0 : i32
      %parallel_loop3A_1527 = vector.broadcast %parallel_loop3A_1526 : i32 to vector<16xi32>
      %parallel_loop3A_1528 = arith.addi %parallel_loop3A_1520, %parallel_loop3A_1527 : vector<16xi32>
      tpu.vector_store_idx %arg10[%select_n3A, %parallel_loop3A_1500, %select_n3A_45, %parallel_loop3A_1528], %parallel_loop3A_1525 : memref<2x9x8x129xf32, #tpu.memory_space<vmem>>[vector<16xi32>, vector<16xi32>, vector<16xi32>, vector<16xi32>], vector<16xf32>,
      %parallel_loop3A_1529 = arith.constant 1 : i32
      %parallel_loop3A_1530 = arith.addi %parallel_loop3A_1472, %parallel_loop3A_1529 : i32
      %parallel_loop3A_1531 = arith.index_cast %parallel_loop3A_1530 : i32 to index
      %parallel_loop3A_1532 = arith.constant 0 : index
      %parallel_loop3A_1533 = tpu.vector_load %arg8[%parallel_loop3A_1531, %parallel_loop3A_1532] {strides = array<i32>} : memref<1024x16xf32, #tpu.memory_space<vmem>>, vector<16xf32>,
      %parallel_loop3A_1534 = arith.constant 1 : i32
      %parallel_loop3A_1535 = vector.broadcast %parallel_loop3A_1534 : i32 to vector<16xi32>
      %parallel_loop3A_1536 = arith.addi %parallel_loop3A_1520, %parallel_loop3A_1535 : vector<16xi32>
      tpu.vector_store_idx %arg10[%select_n3A, %parallel_loop3A_1500, %select_n3A_45, %parallel_loop3A_1536], %parallel_loop3A_1533 : memref<2x9x8x129xf32, #tpu.memory_space<vmem>>[vector<16xi32>, vector<16xi32>, vector<16xi32>, vector<16xi32>], vector<16xf32>,
      %parallel_loop3A_1537 = arith.constant 2 : i32
      %parallel_loop3A_1538 = arith.addi %parallel_loop3A_1472, %parallel_loop3A_1537 : i32
      %parallel_loop3A_1539 = arith.index_cast %parallel_loop3A_1538 : i32 to index
      %parallel_loop3A_1540 = arith.constant 0 : index
      %parallel_loop3A_1541 = tpu.vector_load %arg8[%parallel_loop3A_1539, %parallel_loop3A_1540] {strides = array<i32>} : memref<1024x16xf32, #tpu.memory_space<vmem>>, vector<16xf32>,
      %parallel_loop3A_1542 = arith.constant 2 : i32
      %parallel_loop3A_1543 = vector.broadcast %parallel_loop3A_1542 : i32 to vector<16xi32>
      %parallel_loop3A_1544 = arith.addi %parallel_loop3A_1520, %parallel_loop3A_1543 : vector<16xi32>
      tpu.vector_store_idx %arg10[%select_n3A, %parallel_loop3A_1500, %select_n3A_45, %parallel_loop3A_1544], %parallel_loop3A_1541 : memref<2x9x8x129xf32, #tpu.memory_space<vmem>>[vector<16xi32>, vector<16xi32>, vector<16xi32>, vector<16xi32>], vector<16xf32>,
      %parallel_loop3A_1545 = arith.constant 3 : i32
      %parallel_loop3A_1546 = arith.addi %parallel_loop3A_1472, %parallel_loop3A_1545 : i32
      %parallel_loop3A_1547 = arith.index_cast %parallel_loop3A_1546 : i32 to index
      %parallel_loop3A_1548 = arith.constant 0 : index
      %parallel_loop3A_1549 = tpu.vector_load %arg8[%parallel_loop3A_1547, %parallel_loop3A_1548] {strides = array<i32>} : memref<1024x16xf32, #tpu.memory_space<vmem>>, vector<16xf32>,
      %parallel_loop3A_1550 = arith.constant 3 : i32
      %parallel_loop3A_1551 = vector.broadcast %parallel_loop3A_1550 : i32 to vector<16xi32>
      %parallel_loop3A_1552 = arith.addi %parallel_loop3A_1520, %parallel_loop3A_1551 : vector<16xi32>
      tpu.vector_store_idx %arg10[%select_n3A, %parallel_loop3A_1500, %select_n3A_45, %parallel_loop3A_1552], %parallel_loop3A_1549 : memref<2x9x8x129xf32, #tpu.memory_space<vmem>>[vector<16xi32>, vector<16xi32>, vector<16xi32>, vector<16xi32>], vector<16xf32>,
      %parallel_loop3A_1553 = arith.constant 4 : i32
      %parallel_loop3A_1554 = arith.addi %parallel_loop3A_1472, %parallel_loop3A_1553 : i32
      %parallel_loop3A_1555 = arith.index_cast %parallel_loop3A_1554 : i32 to index
      %parallel_loop3A_1556 = arith.constant 0 : index
      %parallel_loop3A_1557 = tpu.vector_load %arg8[%parallel_loop3A_1555, %parallel_loop3A_1556] {strides = array<i32>} : memref<1024x16xf32, #tpu.memory_space<vmem>>, vector<16xf32>,
      %parallel_loop3A_1558 = arith.constant 4 : i32
      %parallel_loop3A_1559 = vector.broadcast %parallel_loop3A_1558 : i32 to vector<16xi32>
      %parallel_loop3A_1560 = arith.addi %parallel_loop3A_1520, %parallel_loop3A_1559 : vector<16xi32>
      tpu.vector_store_idx %arg10[%select_n3A, %parallel_loop3A_1500, %select_n3A_45, %parallel_loop3A_1560], %parallel_loop3A_1557 : memref<2x9x8x129xf32, #tpu.memory_space<vmem>>[vector<16xi32>, vector<16xi32>, vector<16xi32>, vector<16xi32>], vector<16xf32>,
      %parallel_loop3A_1561 = arith.constant 5 : i32
      %parallel_loop3A_1562 = arith.addi %parallel_loop3A_1472, %parallel_loop3A_1561 : i32
      %parallel_loop3A_1563 = arith.index_cast %parallel_loop3A_1562 : i32 to index
      %parallel_loop3A_1564 = arith.constant 0 : index
      %parallel_loop3A_1565 = tpu.vector_load %arg8[%parallel_loop3A_1563, %parallel_loop3A_1564] {strides = array<i32>} : memref<1024x16xf32, #tpu.memory_space<vmem>>, vector<16xf32>,
      %parallel_loop3A_1566 = arith.constant 5 : i32
      %parallel_loop3A_1567 = vector.broadcast %parallel_loop3A_1566 : i32 to vector<16xi32>
      %parallel_loop3A_1568 = arith.addi %parallel_loop3A_1520, %parallel_loop3A_1567 : vector<16xi32>
      tpu.vector_store_idx %arg10[%select_n3A, %parallel_loop3A_1500, %select_n3A_45, %parallel_loop3A_1568], %parallel_loop3A_1565 : memref<2x9x8x129xf32, #tpu.memory_space<vmem>>[vector<16xi32>, vector<16xi32>, vector<16xi32>, vector<16xi32>], vector<16xf32>,
      %parallel_loop3A_1569 = arith.constant 6 : i32
      %parallel_loop3A_1570 = arith.addi %parallel_loop3A_1472, %parallel_loop3A_1569 : i32
      %parallel_loop3A_1571 = arith.index_cast %parallel_loop3A_1570 : i32 to index
      %parallel_loop3A_1572 = arith.constant 0 : index
      %parallel_loop3A_1573 = tpu.vector_load %arg8[%parallel_loop3A_1571, %parallel_loop3A_1572] {strides = array<i32>} : memref<1024x16xf32, #tpu.memory_space<vmem>>, vector<16xf32>,
      %parallel_loop3A_1574 = arith.constant 6 : i32
      %parallel_loop3A_1575 = vector.broadcast %parallel_loop3A_1574 : i32 to vector<16xi32>
      %parallel_loop3A_1576 = arith.addi %parallel_loop3A_1520, %parallel_loop3A_1575 : vector<16xi32>
      tpu.vector_store_idx %arg10[%select_n3A, %parallel_loop3A_1500, %select_n3A_45, %parallel_loop3A_1576], %parallel_loop3A_1573 : memref<2x9x8x129xf32, #tpu.memory_space<vmem>>[vector<16xi32>, vector<16xi32>, vector<16xi32>, vector<16xi32>], vector<16xf32>,
      %parallel_loop3A_1577 = arith.constant 7 : i32
      %parallel_loop3A_1578 = arith.addi %parallel_loop3A_1472, %parallel_loop3A_1577 : i32
      %parallel_loop3A_1579 = arith.index_cast %parallel_loop3A_1578 : i32 to index
      %parallel_loop3A_1580 = arith.constant 0 : index
      %parallel_loop3A_1581 = tpu.vector_load %arg8[%parallel_loop3A_1579, %parallel_loop3A_1580] {strides = array<i32>} : memref<1024x16xf32, #tpu.memory_space<vmem>>, vector<16xf32>,
      %parallel_loop3A_1582 = arith.constant 7 : i32
      %parallel_loop3A_1583 = vector.broadcast %parallel_loop3A_1582 : i32 to vector<16xi32>
      %parallel_loop3A_1584 = arith.addi %parallel_loop3A_1520, %parallel_loop3A_1583 : vector<16xi32>
      tpu.vector_store_idx %arg10[%select_n3A, %parallel_loop3A_1500, %select_n3A_45, %parallel_loop3A_1584], %parallel_loop3A_1581 : memref<2x9x8x129xf32, #tpu.memory_space<vmem>>[vector<16xi32>, vector<16xi32>, vector<16xi32>, vector<16xi32>], vector<16xf32>,
    } {sc.loop_unroll_factor = 2 : i64, sc.parallel_access}
    %add3A_769 = arith.constant 1 : i32
    %add3A_770 = arith.addi %mul3A_2, %add3A_769 : i32
    %jit3A_771 = arith.constant 128 : i32
    %div3A_772 = arith.divsi %add3A_770, %jit3A_771 : i32
    %sign3A_773 = arith.constant 0 : i32
    %sign3A_774 = arith.cmpi sgt, %add3A_770, %sign3A_773 : i32
    %sign3A_775 = arith.extui %sign3A_774 : i1 to i32
    %sign3A_776 = arith.constant 0 : i32
    %sign3A_777 = arith.cmpi slt, %add3A_770, %sign3A_776 : i32
    %sign3A_778 = arith.extui %sign3A_777 : i1 to i32
    %sign3A_779 = arith.subi %sign3A_775, %sign3A_778 : i32
    %sign3A_780 = arith.constant 0 : i32
    %sign3A_781 = arith.cmpi sgt, %jit3A_771, %sign3A_780 : i32
    %sign3A_782 = arith.extui %sign3A_781 : i1 to i32
    %sign3A_783 = arith.constant 0 : i32
    %sign3A_784 = arith.cmpi slt, %jit3A_771, %sign3A_783 : i32
    %sign3A_785 = arith.extui %sign3A_784 : i1 to i32
    %sign3A_786 = arith.subi %sign3A_782, %sign3A_785 : i32
    %ne3A_787 = arith.cmpi ne, %sign3A_779, %sign3A_786 : i32
    %rem3A_788 = arith.remsi %add3A_770, %jit3A_771 : i32
    %ne3A_789 = arith.constant 0 : i32
    %ne3A_790 = arith.cmpi ne, %rem3A_788, %ne3A_789 : i32
    %and3A_791 = arith.andi %ne3A_787, %ne3A_790 : i1
    %sub3A_792 = arith.constant 1 : i32
    %sub3A_793 = arith.subi %div3A_772, %sub3A_792 : i32
    %select_n3A_794 = arith.select %and3A_791, %sub3A_793, %div3A_772 : i32
    %jit3A_795 = arith.constant 128 : i32
    %eq3A_796 = arith.constant 0 : i32
    %eq3A_797 = arith.cmpi eq, %jit3A_795, %eq3A_796 : i32
    %jit3A_798 = arith.constant 1 : i32
    %select_n3A_799 = arith.select %eq3A_797, %jit3A_798, %jit3A_795 : i32
    %rem3A_800 = arith.remsi %add3A_770, %select_n3A_799 : i32
    %ne3A_801 = arith.constant 0 : i32
    %ne3A_802 = arith.cmpi ne, %rem3A_800, %ne3A_801 : i32
    %lt3A_803 = arith.constant 0 : i32
    %lt3A_804 = arith.cmpi slt, %rem3A_800, %lt3A_803 : i32
    %lt3A_805 = arith.constant 0 : i32
    %lt3A_806 = arith.cmpi slt, %select_n3A_799, %lt3A_805 : i32
    %ne3A_807 = arith.xori %lt3A_804, %lt3A_806 : i1
    %and3A_808 = arith.andi %ne3A_807, %ne3A_802 : i1
    %add3A_809 = arith.addi %rem3A_800, %select_n3A_799 : i32
    %select_n3A_810 = arith.select %and3A_808, %add3A_809, %rem3A_800 : i32
    %mul3A_811 = arith.constant 8 : i32
    %mul3A_812 = arith.muli %select_n3A_794, %mul3A_811 : i32
    %dma_start3A_813 = arith.constant 0 : i32
    %dma_start3A_814 = arith.constant 0 : i32
    %dma_start3A_815 = arith.constant 0 : i32
    %dma_start3A_816 = arith.constant 0 : i32
    %dma_start3A_817 = arith.constant 0 : i32
    %dma_start3A_818 = tpu.memref_slice %arg10[%dma_start3A_813, %dma_start3A_815, %dma_start3A_816, %dma_start3A_817] : memref<2x9x8x129xf32, #tpu.memory_space<vmem>> -> memref<1x8x8x128xf32, #tpu.memory_space<vmem>>
    %dma_start3A_819 = tpu.memref_squeeze %dma_start3A_818 : memref<1x8x8x128xf32, #tpu.memory_space<vmem>> -> memref<8x8x128xf32, #tpu.memory_space<vmem>>
    %dma_start3A_820 = arith.constant 0 : i32
    %dma_start3A_821 = arith.constant 0 : i32
    %dma_start3A_822 = tpu.memref_slice %arg4[%mul3A_812, %dma_start3A_814, %select_n3A_810, %dma_start3A_820, %dma_start3A_821] : memref<200x2x128x8x128xf32, #tpu.memory_space<hbm>> -> memref<8x1x1x8x128xf32, #tpu.memory_space<hbm>>
    %dma_start3A_823 = tpu.memref_squeeze %dma_start3A_822 : memref<8x1x1x8x128xf32, #tpu.memory_space<hbm>> -> memref<8x8x128xf32, #tpu.memory_space<hbm>>
    %dma_start3A_824 = arith.constant 0 : i32
    %dma_start3A_825 = arith.constant 0 : i32
    %dma_start3A_826 = tpu.memref_slice %arg4[%mul3A_812, %dma_start3A_814, %select_n3A_810, %dma_start3A_824, %dma_start3A_825] : memref<200x2x128x8x128xf32, #tpu.memory_space<hbm>> -> memref<8x1x1x8x128xf32, #tpu.memory_space<hbm>>
    %dma_start3A_827 = tpu.memref_squeeze %dma_start3A_826 : memref<8x1x1x8x128xf32, #tpu.memory_space<hbm>> -> memref<8x8x128xf32, #tpu.memory_space<hbm>>
    %dma_start3A_828 = arith.constant 0 : i32
    %dma_start3A_829 = arith.constant 0 : i32
    %dma_start3A_830 = arith.constant 0 : i32
    %dma_start3A_831 = tpu.memref_slice %arg10[%dma_start3A_813, %dma_start3A_828, %dma_start3A_829, %dma_start3A_830] : memref<2x9x8x129xf32, #tpu.memory_space<vmem>> -> memref<1x8x8x128xf32, #tpu.memory_space<vmem>>
    %dma_start3A_832 = tpu.memref_squeeze %dma_start3A_831 : memref<1x8x8x128xf32, #tpu.memory_space<vmem>> -> memref<8x8x128xf32, #tpu.memory_space<vmem>>
    tpu.enqueue_dma source(%dma_start3A_832 : memref<8x8x128xf32, #tpu.memory_space<vmem>>) target(%dma_start3A_827 : memref<8x8x128xf32, #tpu.memory_space<hbm>>) target_semaphore(%arg14 : memref<!tpu.dma_semaphore, #tpu.memory_space<semaphore_mem>>)
    %mul3A_833 = arith.constant 8 : i32
    %mul3A_834 = arith.muli %select_n3A_794, %mul3A_833 : i32
    %dma_start3A_835 = arith.constant 1 : i32
    %dma_start3A_836 = arith.constant 1 : i32
    %dma_start3A_837 = arith.constant 0 : i32
    %dma_start3A_838 = arith.constant 0 : i32
    %dma_start3A_839 = arith.constant 0 : i32
    %dma_start3A_840 = tpu.memref_slice %arg10[%dma_start3A_835, %dma_start3A_837, %dma_start3A_838, %dma_start3A_839] : memref<2x9x8x129xf32, #tpu.memory_space<vmem>> -> memref<1x8x8x128xf32, #tpu.memory_space<vmem>>
    %dma_start3A_841 = tpu.memref_squeeze %dma_start3A_840 : memref<1x8x8x128xf32, #tpu.memory_space<vmem>> -> memref<8x8x128xf32, #tpu.memory_space<vmem>>
    %dma_start3A_842 = arith.constant 0 : i32
    %dma_start3A_843 = arith.constant 0 : i32
    %dma_start3A_844 = tpu.memref_slice %arg4[%mul3A_834, %dma_start3A_836, %select_n3A_810, %dma_start3A_842, %dma_start3A_843] : memref<200x2x128x8x128xf32, #tpu.memory_space<hbm>> -> memref<8x1x1x8x128xf32, #tpu.memory_space<hbm>>
    %dma_start3A_845 = tpu.memref_squeeze %dma_start3A_844 : memref<8x1x1x8x128xf32, #tpu.memory_space<hbm>> -> memref<8x8x128xf32, #tpu.memory_space<hbm>>
    %dma_start3A_846 = arith.constant 0 : i32
    %dma_start3A_847 = arith.constant 0 : i32
    %dma_start3A_848 = tpu.memref_slice %arg4[%mul3A_834, %dma_start3A_836, %select_n3A_810, %dma_start3A_846, %dma_start3A_847] : memref<200x2x128x8x128xf32, #tpu.memory_space<hbm>> -> memref<8x1x1x8x128xf32, #tpu.memory_space<hbm>>
    %dma_start3A_849 = tpu.memref_squeeze %dma_start3A_848 : memref<8x1x1x8x128xf32, #tpu.memory_space<hbm>> -> memref<8x8x128xf32, #tpu.memory_space<hbm>>
    %dma_start3A_850 = arith.constant 0 : i32
    %dma_start3A_851 = arith.constant 0 : i32
    %dma_start3A_852 = arith.constant 0 : i32
    %dma_start3A_853 = tpu.memref_slice %arg10[%dma_start3A_835, %dma_start3A_850, %dma_start3A_851, %dma_start3A_852] : memref<2x9x8x129xf32, #tpu.memory_space<vmem>> -> memref<1x8x8x128xf32, #tpu.memory_space<vmem>>
    %dma_start3A_854 = tpu.memref_squeeze %dma_start3A_853 : memref<1x8x8x128xf32, #tpu.memory_space<vmem>> -> memref<8x8x128xf32, #tpu.memory_space<vmem>>
    tpu.enqueue_dma source(%dma_start3A_854 : memref<8x8x128xf32, #tpu.memory_space<vmem>>) target(%dma_start3A_849 : memref<8x8x128xf32, #tpu.memory_space<hbm>>) target_semaphore(%arg14 : memref<!tpu.dma_semaphore, #tpu.memory_space<semaphore_mem>>)
    %dma_wait3A_855 = arith.constant 0 : i32
    %dma_wait3A_856 = arith.constant 0 : i32
    %dma_wait3A_857 = arith.constant 0 : i32
    %dma_wait3A_858 = arith.constant 0 : i32
    %dma_wait3A_859 = tpu.memref_slice %arg2[%dma_wait3A_855, %dma_wait3A_856, %dma_wait3A_857, %dma_wait3A_858] : memref<25x128x8x128xi32, #tpu.memory_space<hbm>> -> memref<1x1x8x128xi32, #tpu.memory_space<hbm>>
    %dma_wait3A_860 = tpu.memref_squeeze %dma_wait3A_859 : memref<1x1x8x128xi32, #tpu.memory_space<hbm>> -> memref<8x128xi32, #tpu.memory_space<hbm>>
    %dma_wait3A_861 = arith.constant 0 : i32
    %dma_wait3A_862 = arith.constant 0 : i32
    %dma_wait3A_863 = tpu.memref_slice %arg2[%dma_wait3A_855, %dma_wait3A_856, %dma_wait3A_861, %dma_wait3A_862] : memref<25x128x8x128xi32, #tpu.memory_space<hbm>> -> memref<1x1x8x128xi32, #tpu.memory_space<hbm>>
    %dma_wait3A_864 = tpu.memref_squeeze %dma_wait3A_863 : memref<1x1x8x128xi32, #tpu.memory_space<hbm>> -> memref<8x128xi32, #tpu.memory_space<hbm>>
    tpu.wait_dma2 semaphore(%arg16 : memref<!tpu.dma_semaphore, #tpu.memory_space<semaphore_mem>>) src(%dma_wait3A_864 : memref<8x128xi32, #tpu.memory_space<hbm>>) dst(%arg6 : memref<8x128xi32, #tpu.memory_space<vmem>>)
    %dma_start3A_865 = arith.constant 0 : i32
    %dma_start3A_866 = arith.constant 0 : i32
    %dma_start3A_867 = arith.constant 0 : i32
    %dma_start3A_868 = tpu.memref_slice %arg8[%dma_start3A_866, %dma_start3A_867] : memref<1024x16xf32, #tpu.memory_space<vmem>> -> memref<128x16xf32, #tpu.memory_space<vmem>>
    %dma_start3A_869 = arith.constant 0 : i32
    %dma_start3A_870 = tpu.memref_slice %arg6[%dma_start3A_865, %dma_start3A_869] : memref<8x128xi32, #tpu.memory_space<vmem>> -> memref<1x128xi32, #tpu.memory_space<vmem>>
    %dma_start3A_871 = tpu.memref_squeeze %dma_start3A_870 : memref<1x128xi32, #tpu.memory_space<vmem>> -> memref<128xi32, #tpu.memory_space<vmem>>
    %dma_start3A_872 = arith.constant 0 : i32
    %dma_start3A_873 = arith.constant 0 : i32
    %dma_start3A_874 = tpu.memref_slice %arg3[%dma_start3A_872, %dma_start3A_873] : memref<1000000x16xf32, #tpu.memory_space<hbm>> -> memref<1000000x16xf32, #tpu.memory_space<hbm>>
    tpu.enqueue_indirect_dma source(%dma_start3A_874 : memref<1000000x16xf32, #tpu.memory_space<hbm>>) target(%dma_start3A_868 : memref<128x16xf32, #tpu.memory_space<vmem>>) offsets(%dma_start3A_871 : memref<128xi32, #tpu.memory_space<vmem>>) semaphore(%arg12 : memref<!tpu.dma_semaphore, #tpu.memory_space<semaphore_mem>>)
    %dma_start3A_875 = arith.constant 1 : i32
    %dma_start3A_876 = arith.constant 128 : i32
    %dma_start3A_877 = arith.constant 0 : i32
    %dma_start3A_878 = tpu.memref_slice %arg8[%dma_start3A_876, %dma_start3A_877] : memref<1024x16xf32, #tpu.memory_space<vmem>> -> memref<128x16xf32, #tpu.memory_space<vmem>>
    %dma_start3A_879 = arith.constant 0 : i32
    %dma_start3A_880 = tpu.memref_slice %arg6[%dma_start3A_875, %dma_start3A_879] : memref<8x128xi32, #tpu.memory_space<vmem>> -> memref<1x128xi32, #tpu.memory_space<vmem>>
    %dma_start3A_881 = tpu.memref_squeeze %dma_start3A_880 : memref<1x128xi32, #tpu.memory_space<vmem>> -> memref<128xi32, #tpu.memory_space<vmem>>
    %dma_start3A_882 = arith.constant 0 : i32
    %dma_start3A_883 = arith.constant 0 : i32
    %dma_start3A_884 = tpu.memref_slice %arg3[%dma_start3A_882, %dma_start3A_883] : memref<1000000x16xf32, #tpu.memory_space<hbm>> -> memref<1000000x16xf32, #tpu.memory_space<hbm>>
    tpu.enqueue_indirect_dma source(%dma_start3A_884 : memref<1000000x16xf32, #tpu.memory_space<hbm>>) target(%dma_start3A_878 : memref<128x16xf32, #tpu.memory_space<vmem>>) offsets(%dma_start3A_881 : memref<128xi32, #tpu.memory_space<vmem>>) semaphore(%arg12 : memref<!tpu.dma_semaphore, #tpu.memory_space<semaphore_mem>>)
    %dma_start3A_885 = arith.constant 2 : i32
    %dma_start3A_886 = arith.constant 256 : i32
    %dma_start3A_887 = arith.constant 0 : i32
    %dma_start3A_888 = tpu.memref_slice %arg8[%dma_start3A_886, %dma_start3A_887] : memref<1024x16xf32, #tpu.memory_space<vmem>> -> memref<128x16xf32, #tpu.memory_space<vmem>>
    %dma_start3A_889 = arith.constant 0 : i32
    %dma_start3A_890 = tpu.memref_slice %arg6[%dma_start3A_885, %dma_start3A_889] : memref<8x128xi32, #tpu.memory_space<vmem>> -> memref<1x128xi32, #tpu.memory_space<vmem>>
    %dma_start3A_891 = tpu.memref_squeeze %dma_start3A_890 : memref<1x128xi32, #tpu.memory_space<vmem>> -> memref<128xi32, #tpu.memory_space<vmem>>
    %dma_start3A_892 = arith.constant 0 : i32
    %dma_start3A_893 = arith.constant 0 : i32
    %dma_start3A_894 = tpu.memref_slice %arg3[%dma_start3A_892, %dma_start3A_893] : memref<1000000x16xf32, #tpu.memory_space<hbm>> -> memref<1000000x16xf32, #tpu.memory_space<hbm>>
    tpu.enqueue_indirect_dma source(%dma_start3A_894 : memref<1000000x16xf32, #tpu.memory_space<hbm>>) target(%dma_start3A_888 : memref<128x16xf32, #tpu.memory_space<vmem>>) offsets(%dma_start3A_891 : memref<128xi32, #tpu.memory_space<vmem>>) semaphore(%arg12 : memref<!tpu.dma_semaphore, #tpu.memory_space<semaphore_mem>>)
    %dma_start3A_895 = arith.constant 3 : i32
    %dma_start3A_896 = arith.constant 384 : i32
    %dma_start3A_897 = arith.constant 0 : i32
    %dma_start3A_898 = tpu.memref_slice %arg8[%dma_start3A_896, %dma_start3A_897] : memref<1024x16xf32, #tpu.memory_space<vmem>> -> memref<128x16xf32, #tpu.memory_space<vmem>>
    %dma_start3A_899 = arith.constant 0 : i32
    %dma_start3A_900 = tpu.memref_slice %arg6[%dma_start3A_895, %dma_start3A_899] : memref<8x128xi32, #tpu.memory_space<vmem>> -> memref<1x128xi32, #tpu.memory_space<vmem>>
    %dma_start3A_901 = tpu.memref_squeeze %dma_start3A_900 : memref<1x128xi32, #tpu.memory_space<vmem>> -> memref<128xi32, #tpu.memory_space<vmem>>
    %dma_start3A_902 = arith.constant 0 : i32
    %dma_start3A_903 = arith.constant 0 : i32
    %dma_start3A_904 = tpu.memref_slice %arg3[%dma_start3A_902, %dma_start3A_903] : memref<1000000x16xf32, #tpu.memory_space<hbm>> -> memref<1000000x16xf32, #tpu.memory_space<hbm>>
    tpu.enqueue_indirect_dma source(%dma_start3A_904 : memref<1000000x16xf32, #tpu.memory_space<hbm>>) target(%dma_start3A_898 : memref<128x16xf32, #tpu.memory_space<vmem>>) offsets(%dma_start3A_901 : memref<128xi32, #tpu.memory_space<vmem>>) semaphore(%arg12 : memref<!tpu.dma_semaphore, #tpu.memory_space<semaphore_mem>>)
    %dma_start3A_905 = arith.constant 4 : i32
    %dma_start3A_906 = arith.constant 512 : i32
    %dma_start3A_907 = arith.constant 0 : i32
    %dma_start3A_908 = tpu.memref_slice %arg8[%dma_start3A_906, %dma_start3A_907] : memref<1024x16xf32, #tpu.memory_space<vmem>> -> memref<128x16xf32, #tpu.memory_space<vmem>>
    %dma_start3A_909 = arith.constant 0 : i32
    %dma_start3A_910 = tpu.memref_slice %arg6[%dma_start3A_905, %dma_start3A_909] : memref<8x128xi32, #tpu.memory_space<vmem>> -> memref<1x128xi32, #tpu.memory_space<vmem>>
    %dma_start3A_911 = tpu.memref_squeeze %dma_start3A_910 : memref<1x128xi32, #tpu.memory_space<vmem>> -> memref<128xi32, #tpu.memory_space<vmem>>
    %dma_start3A_912 = arith.constant 0 : i32
    %dma_start3A_913 = arith.constant 0 : i32
    %dma_start3A_914 = tpu.memref_slice %arg3[%dma_start3A_912, %dma_start3A_913] : memref<1000000x16xf32, #tpu.memory_space<hbm>> -> memref<1000000x16xf32, #tpu.memory_space<hbm>>
    tpu.enqueue_indirect_dma source(%dma_start3A_914 : memref<1000000x16xf32, #tpu.memory_space<hbm>>) target(%dma_start3A_908 : memref<128x16xf32, #tpu.memory_space<vmem>>) offsets(%dma_start3A_911 : memref<128xi32, #tpu.memory_space<vmem>>) semaphore(%arg12 : memref<!tpu.dma_semaphore, #tpu.memory_space<semaphore_mem>>)
    %dma_start3A_915 = arith.constant 5 : i32
    %dma_start3A_916 = arith.constant 640 : i32
    %dma_start3A_917 = arith.constant 0 : i32
    %dma_start3A_918 = tpu.memref_slice %arg8[%dma_start3A_916, %dma_start3A_917] : memref<1024x16xf32, #tpu.memory_space<vmem>> -> memref<128x16xf32, #tpu.memory_space<vmem>>
    %dma_start3A_919 = arith.constant 0 : i32
    %dma_start3A_920 = tpu.memref_slice %arg6[%dma_start3A_915, %dma_start3A_919] : memref<8x128xi32, #tpu.memory_space<vmem>> -> memref<1x128xi32, #tpu.memory_space<vmem>>
    %dma_start3A_921 = tpu.memref_squeeze %dma_start3A_920 : memref<1x128xi32, #tpu.memory_space<vmem>> -> memref<128xi32, #tpu.memory_space<vmem>>
    %dma_start3A_922 = arith.constant 0 : i32
    %dma_start3A_923 = arith.constant 0 : i32
    %dma_start3A_924 = tpu.memref_slice %arg3[%dma_start3A_922, %dma_start3A_923] : memref<1000000x16xf32, #tpu.memory_space<hbm>> -> memref<1000000x16xf32, #tpu.memory_space<hbm>>
    tpu.enqueue_indirect_dma source(%dma_start3A_924 : memref<1000000x16xf32, #tpu.memory_space<hbm>>) target(%dma_start3A_918 : memref<128x16xf32, #tpu.memory_space<vmem>>) offsets(%dma_start3A_921 : memref<128xi32, #tpu.memory_space<vmem>>) semaphore(%arg12 : memref<!tpu.dma_semaphore, #tpu.memory_space<semaphore_mem>>)
    %dma_start3A_925 = arith.constant 6 : i32
    %dma_start3A_926 = arith.constant 768 : i32
    %dma_start3A_927 = arith.constant 0 : i32
    %dma_start3A_928 = tpu.memref_slice %arg8[%dma_start3A_926, %dma_start3A_927] : memref<1024x16xf32, #tpu.memory_space<vmem>> -> memref<128x16xf32, #tpu.memory_space<vmem>>
    %dma_start3A_929 = arith.constant 0 : i32
    %dma_start3A_930 = tpu.memref_slice %arg6[%dma_start3A_925, %dma_start3A_929] : memref<8x128xi32, #tpu.memory_space<vmem>> -> memref<1x128xi32, #tpu.memory_space<vmem>>
    %dma_start3A_931 = tpu.memref_squeeze %dma_start3A_930 : memref<1x128xi32, #tpu.memory_space<vmem>> -> memref<128xi32, #tpu.memory_space<vmem>>
    %dma_start3A_932 = arith.constant 0 : i32
    %dma_start3A_933 = arith.constant 0 : i32
    %dma_start3A_934 = tpu.memref_slice %arg3[%dma_start3A_932, %dma_start3A_933] : memref<1000000x16xf32, #tpu.memory_space<hbm>> -> memref<1000000x16xf32, #tpu.memory_space<hbm>>
    tpu.enqueue_indirect_dma source(%dma_start3A_934 : memref<1000000x16xf32, #tpu.memory_space<hbm>>) target(%dma_start3A_928 : memref<128x16xf32, #tpu.memory_space<vmem>>) offsets(%dma_start3A_931 : memref<128xi32, #tpu.memory_space<vmem>>) semaphore(%arg12 : memref<!tpu.dma_semaphore, #tpu.memory_space<semaphore_mem>>)
    %dma_start3A_935 = arith.constant 7 : i32
    %dma_start3A_936 = arith.constant 896 : i32
    %dma_start3A_937 = arith.constant 0 : i32
    %dma_start3A_938 = tpu.memref_slice %arg8[%dma_start3A_936, %dma_start3A_937] : memref<1024x16xf32, #tpu.memory_space<vmem>> -> memref<128x16xf32, #tpu.memory_space<vmem>>
    %dma_start3A_939 = arith.constant 0 : i32
    %dma_start3A_940 = tpu.memref_slice %arg6[%dma_start3A_935, %dma_start3A_939] : memref<8x128xi32, #tpu.memory_space<vmem>> -> memref<1x128xi32, #tpu.memory_space<vmem>>
    %dma_start3A_941 = tpu.memref_squeeze %dma_start3A_940 : memref<1x128xi32, #tpu.memory_space<vmem>> -> memref<128xi32, #tpu.memory_space<vmem>>
    %dma_start3A_942 = arith.constant 0 : i32
    %dma_start3A_943 = arith.constant 0 : i32
    %dma_start3A_944 = tpu.memref_slice %arg3[%dma_start3A_942, %dma_start3A_943] : memref<1000000x16xf32, #tpu.memory_space<hbm>> -> memref<1000000x16xf32, #tpu.memory_space<hbm>>
    tpu.enqueue_indirect_dma source(%dma_start3A_944 : memref<1000000x16xf32, #tpu.memory_space<hbm>>) target(%dma_start3A_938 : memref<128x16xf32, #tpu.memory_space<vmem>>) offsets(%dma_start3A_941 : memref<128xi32, #tpu.memory_space<vmem>>) semaphore(%arg12 : memref<!tpu.dma_semaphore, #tpu.memory_space<semaphore_mem>>)
    %scan3A = arith.constant 0 : i32
    %scan3A_945 = arith.constant 1 : i32
    %scan3A_946 = arith.constant 48 : i32
    %scan3A_947 = arith.addi %scan3A_945, %scan3A_946 : i32
    %scan3A_948 = arith.constant 1 : i32
    scf.for %scan3A_1472 = %scan3A_945 to %scan3A_947 step %scan3A_948  : i32 {
      %mul3A_1473 = arith.constant 2 : i32
      %mul3A_1474 = arith.muli %mul3A_1473, %scan3A_1472 : i32
      %add3A_1475 = arith.constant 0 : i32
      %add3A_1476 = arith.addi %mul3A_1474, %add3A_1475 : i32
      %dma_wait3A_1477 = arith.constant 0 : i32
      %dma_wait3A_1478 = arith.constant 0 : i32
      %dma_wait3A_1479 = arith.constant 0 : i32
      %dma_wait3A_1480 = tpu.memref_slice %arg7[%dma_wait3A_1478, %dma_wait3A_1479] : memref<1024x16xf32, #tpu.memory_space<vmem>> -> memref<128x16xf32, #tpu.memory_space<vmem>>
      %dma_wait3A_1481 = arith.constant 0 : i32
      %dma_wait3A_1482 = tpu.memref_slice %arg5[%dma_wait3A_1477, %dma_wait3A_1481] : memref<8x128xi32, #tpu.memory_space<vmem>> -> memref<1x128xi32, #tpu.memory_space<vmem>>
      %dma_wait3A_1483 = tpu.memref_squeeze %dma_wait3A_1482 : memref<1x128xi32, #tpu.memory_space<vmem>> -> memref<128xi32, #tpu.memory_space<vmem>>
      %dma_wait3A_1484 = arith.constant 0 : i32
      %dma_wait3A_1485 = arith.constant 0 : i32
      %dma_wait3A_1486 = tpu.memref_slice %arg3[%dma_wait3A_1484, %dma_wait3A_1485] : memref<1000000x16xf32, #tpu.memory_space<hbm>> -> memref<1000000x16xf32, #tpu.memory_space<hbm>>
      tpu.wait_indirect_dma semaphore(%arg11 : memref<!tpu.dma_semaphore, #tpu.memory_space<semaphore_mem>>) src(%dma_wait3A_1486 : memref<1000000x16xf32, #tpu.memory_space<hbm>>) dst(%dma_wait3A_1480 : memref<128x16xf32, #tpu.memory_space<vmem>>)
      %dma_wait3A_1487 = arith.constant 1 : i32
      %dma_wait3A_1488 = arith.constant 128 : i32
      %dma_wait3A_1489 = arith.constant 0 : i32
      %dma_wait3A_1490 = tpu.memref_slice %arg7[%dma_wait3A_1488, %dma_wait3A_1489] : memref<1024x16xf32, #tpu.memory_space<vmem>> -> memref<128x16xf32, #tpu.memory_space<vmem>>
      %dma_wait3A_1491 = arith.constant 0 : i32
      %dma_wait3A_1492 = tpu.memref_slice %arg5[%dma_wait3A_1487, %dma_wait3A_1491] : memref<8x128xi32, #tpu.memory_space<vmem>> -> memref<1x128xi32, #tpu.memory_space<vmem>>
      %dma_wait3A_1493 = tpu.memref_squeeze %dma_wait3A_1492 : memref<1x128xi32, #tpu.memory_space<vmem>> -> memref<128xi32, #tpu.memory_space<vmem>>
      %dma_wait3A_1494 = arith.constant 0 : i32
      %dma_wait3A_1495 = arith.constant 0 : i32
      %dma_wait3A_1496 = tpu.memref_slice %arg3[%dma_wait3A_1494, %dma_wait3A_1495] : memref<1000000x16xf32, #tpu.memory_space<hbm>> -> memref<1000000x16xf32, #tpu.memory_space<hbm>>
      tpu.wait_indirect_dma semaphore(%arg11 : memref<!tpu.dma_semaphore, #tpu.memory_space<semaphore_mem>>) src(%dma_wait3A_1496 : memref<1000000x16xf32, #tpu.memory_space<hbm>>) dst(%dma_wait3A_1490 : memref<128x16xf32, #tpu.memory_space<vmem>>)
      %dma_wait3A_1497 = arith.constant 2 : i32
      %dma_wait3A_1498 = arith.constant 256 : i32
      %dma_wait3A_1499 = arith.constant 0 : i32
      %dma_wait3A_1500 = tpu.memref_slice %arg7[%dma_wait3A_1498, %dma_wait3A_1499] : memref<1024x16xf32, #tpu.memory_space<vmem>> -> memref<128x16xf32, #tpu.memory_space<vmem>>
      %dma_wait3A_1501 = arith.constant 0 : i32
      %dma_wait3A_1502 = tpu.memref_slice %arg5[%dma_wait3A_1497, %dma_wait3A_1501] : memref<8x128xi32, #tpu.memory_space<vmem>> -> memref<1x128xi32, #tpu.memory_space<vmem>>
      %dma_wait3A_1503 = tpu.memref_squeeze %dma_wait3A_1502 : memref<1x128xi32, #tpu.memory_space<vmem>> -> memref<128xi32, #tpu.memory_space<vmem>>
      %dma_wait3A_1504 = arith.constant 0 : i32
      %dma_wait3A_1505 = arith.constant 0 : i32
      %dma_wait3A_1506 = tpu.memref_slice %arg3[%dma_wait3A_1504, %dma_wait3A_1505] : memref<1000000x16xf32, #tpu.memory_space<hbm>> -> memref<1000000x16xf32, #tpu.memory_space<hbm>>
      tpu.wait_indirect_dma semaphore(%arg11 : memref<!tpu.dma_semaphore, #tpu.memory_space<semaphore_mem>>) src(%dma_wait3A_1506 : memref<1000000x16xf32, #tpu.memory_space<hbm>>) dst(%dma_wait3A_1500 : memref<128x16xf32, #tpu.memory_space<vmem>>)
      %dma_wait3A_1507 = arith.constant 3 : i32
      %dma_wait3A_1508 = arith.constant 384 : i32
      %dma_wait3A_1509 = arith.constant 0 : i32
      %dma_wait3A_1510 = tpu.memref_slice %arg7[%dma_wait3A_1508, %dma_wait3A_1509] : memref<1024x16xf32, #tpu.memory_space<vmem>> -> memref<128x16xf32, #tpu.memory_space<vmem>>
      %dma_wait3A_1511 = arith.constant 0 : i32
      %dma_wait3A_1512 = tpu.memref_slice %arg5[%dma_wait3A_1507, %dma_wait3A_1511] : memref<8x128xi32, #tpu.memory_space<vmem>> -> memref<1x128xi32, #tpu.memory_space<vmem>>
      %dma_wait3A_1513 = tpu.memref_squeeze %dma_wait3A_1512 : memref<1x128xi32, #tpu.memory_space<vmem>> -> memref<128xi32, #tpu.memory_space<vmem>>
      %dma_wait3A_1514 = arith.constant 0 : i32
      %dma_wait3A_1515 = arith.constant 0 : i32
      %dma_wait3A_1516 = tpu.memref_slice %arg3[%dma_wait3A_1514, %dma_wait3A_1515] : memref<1000000x16xf32, #tpu.memory_space<hbm>> -> memref<1000000x16xf32, #tpu.memory_space<hbm>>
      tpu.wait_indirect_dma semaphore(%arg11 : memref<!tpu.dma_semaphore, #tpu.memory_space<semaphore_mem>>) src(%dma_wait3A_1516 : memref<1000000x16xf32, #tpu.memory_space<hbm>>) dst(%dma_wait3A_1510 : memref<128x16xf32, #tpu.memory_space<vmem>>)
      %dma_wait3A_1517 = arith.constant 4 : i32
      %dma_wait3A_1518 = arith.constant 512 : i32
      %dma_wait3A_1519 = arith.constant 0 : i32
      %dma_wait3A_1520 = tpu.memref_slice %arg7[%dma_wait3A_1518, %dma_wait3A_1519] : memref<1024x16xf32, #tpu.memory_space<vmem>> -> memref<128x16xf32, #tpu.memory_space<vmem>>
      %dma_wait3A_1521 = arith.constant 0 : i32
      %dma_wait3A_1522 = tpu.memref_slice %arg5[%dma_wait3A_1517, %dma_wait3A_1521] : memref<8x128xi32, #tpu.memory_space<vmem>> -> memref<1x128xi32, #tpu.memory_space<vmem>>
      %dma_wait3A_1523 = tpu.memref_squeeze %dma_wait3A_1522 : memref<1x128xi32, #tpu.memory_space<vmem>> -> memref<128xi32, #tpu.memory_space<vmem>>
      %dma_wait3A_1524 = arith.constant 0 : i32
      %dma_wait3A_1525 = arith.constant 0 : i32
      %dma_wait3A_1526 = tpu.memref_slice %arg3[%dma_wait3A_1524, %dma_wait3A_1525] : memref<1000000x16xf32, #tpu.memory_space<hbm>> -> memref<1000000x16xf32, #tpu.memory_space<hbm>>
      tpu.wait_indirect_dma semaphore(%arg11 : memref<!tpu.dma_semaphore, #tpu.memory_space<semaphore_mem>>) src(%dma_wait3A_1526 : memref<1000000x16xf32, #tpu.memory_space<hbm>>) dst(%dma_wait3A_1520 : memref<128x16xf32, #tpu.memory_space<vmem>>)
      %dma_wait3A_1527 = arith.constant 5 : i32
      %dma_wait3A_1528 = arith.constant 640 : i32
      %dma_wait3A_1529 = arith.constant 0 : i32
      %dma_wait3A_1530 = tpu.memref_slice %arg7[%dma_wait3A_1528, %dma_wait3A_1529] : memref<1024x16xf32, #tpu.memory_space<vmem>> -> memref<128x16xf32, #tpu.memory_space<vmem>>
      %dma_wait3A_1531 = arith.constant 0 : i32
      %dma_wait3A_1532 = tpu.memref_slice %arg5[%dma_wait3A_1527, %dma_wait3A_1531] : memref<8x128xi32, #tpu.memory_space<vmem>> -> memref<1x128xi32, #tpu.memory_space<vmem>>
      %dma_wait3A_1533 = tpu.memref_squeeze %dma_wait3A_1532 : memref<1x128xi32, #tpu.memory_space<vmem>> -> memref<128xi32, #tpu.memory_space<vmem>>
      %dma_wait3A_1534 = arith.constant 0 : i32
      %dma_wait3A_1535 = arith.constant 0 : i32
      %dma_wait3A_1536 = tpu.memref_slice %arg3[%dma_wait3A_1534, %dma_wait3A_1535] : memref<1000000x16xf32, #tpu.memory_space<hbm>> -> memref<1000000x16xf32, #tpu.memory_space<hbm>>
      tpu.wait_indirect_dma semaphore(%arg11 : memref<!tpu.dma_semaphore, #tpu.memory_space<semaphore_mem>>) src(%dma_wait3A_1536 : memref<1000000x16xf32, #tpu.memory_space<hbm>>) dst(%dma_wait3A_1530 : memref<128x16xf32, #tpu.memory_space<vmem>>)
      %dma_wait3A_1537 = arith.constant 6 : i32
      %dma_wait3A_1538 = arith.constant 768 : i32
      %dma_wait3A_1539 = arith.constant 0 : i32
      %dma_wait3A_1540 = tpu.memref_slice %arg7[%dma_wait3A_1538, %dma_wait3A_1539] : memref<1024x16xf32, #tpu.memory_space<vmem>> -> memref<128x16xf32, #tpu.memory_space<vmem>>
      %dma_wait3A_1541 = arith.constant 0 : i32
      %dma_wait3A_1542 = tpu.memref_slice %arg5[%dma_wait3A_1537, %dma_wait3A_1541] : memref<8x128xi32, #tpu.memory_space<vmem>> -> memref<1x128xi32, #tpu.memory_space<vmem>>
      %dma_wait3A_1543 = tpu.memref_squeeze %dma_wait3A_1542 : memref<1x128xi32, #tpu.memory_space<vmem>> -> memref<128xi32, #tpu.memory_space<vmem>>
      %dma_wait3A_1544 = arith.constant 0 : i32
      %dma_wait3A_1545 = arith.constant 0 : i32
      %dma_wait3A_1546 = tpu.memref_slice %arg3[%dma_wait3A_1544, %dma_wait3A_1545] : memref<1000000x16xf32, #tpu.memory_space<hbm>> -> memref<1000000x16xf32, #tpu.memory_space<hbm>>
      tpu.wait_indirect_dma semaphore(%arg11 : memref<!tpu.dma_semaphore, #tpu.memory_space<semaphore_mem>>) src(%dma_wait3A_1546 : memref<1000000x16xf32, #tpu.memory_space<hbm>>) dst(%dma_wait3A_1540 : memref<128x16xf32, #tpu.memory_space<vmem>>)
      %dma_wait3A_1547 = arith.constant 7 : i32
      %dma_wait3A_1548 = arith.constant 896 : i32
      %dma_wait3A_1549 = arith.constant 0 : i32
      %dma_wait3A_1550 = tpu.memref_slice %arg7[%dma_wait3A_1548, %dma_wait3A_1549] : memref<1024x16xf32, #tpu.memory_space<vmem>> -> memref<128x16xf32, #tpu.memory_space<vmem>>
      %dma_wait3A_1551 = arith.constant 0 : i32
      %dma_wait3A_1552 = tpu.memref_slice %arg5[%dma_wait3A_1547, %dma_wait3A_1551] : memref<8x128xi32, #tpu.memory_space<vmem>> -> memref<1x128xi32, #tpu.memory_space<vmem>>
      %dma_wait3A_1553 = tpu.memref_squeeze %dma_wait3A_1552 : memref<1x128xi32, #tpu.memory_space<vmem>> -> memref<128xi32, #tpu.memory_space<vmem>>
      %dma_wait3A_1554 = arith.constant 0 : i32
      %dma_wait3A_1555 = arith.constant 0 : i32
      %dma_wait3A_1556 = tpu.memref_slice %arg3[%dma_wait3A_1554, %dma_wait3A_1555] : memref<1000000x16xf32, #tpu.memory_space<hbm>> -> memref<1000000x16xf32, #tpu.memory_space<hbm>>
      tpu.wait_indirect_dma semaphore(%arg11 : memref<!tpu.dma_semaphore, #tpu.memory_space<semaphore_mem>>) src(%dma_wait3A_1556 : memref<1000000x16xf32, #tpu.memory_space<hbm>>) dst(%dma_wait3A_1550 : memref<128x16xf32, #tpu.memory_space<vmem>>)
      %add3A_1557 = arith.addi %mul3A_2, %add3A_1476 : i32
      %add3A_1558 = arith.constant 2 : i32
      %add3A_1559 = arith.addi %add3A_1557, %add3A_1558 : i32
      %jit3A_1560 = arith.constant 128 : i32
      %div3A_1561 = arith.divsi %add3A_1559, %jit3A_1560 : i32
      %sign3A_1562 = arith.constant 0 : i32
      %sign3A_1563 = arith.cmpi sgt, %add3A_1559, %sign3A_1562 : i32
      %sign3A_1564 = arith.extui %sign3A_1563 : i1 to i32
      %sign3A_1565 = arith.constant 0 : i32
      %sign3A_1566 = arith.cmpi slt, %add3A_1559, %sign3A_1565 : i32
      %sign3A_1567 = arith.extui %sign3A_1566 : i1 to i32
      %sign3A_1568 = arith.subi %sign3A_1564, %sign3A_1567 : i32
      %sign3A_1569 = arith.constant 0 : i32
      %sign3A_1570 = arith.cmpi sgt, %jit3A_1560, %sign3A_1569 : i32
      %sign3A_1571 = arith.extui %sign3A_1570 : i1 to i32
      %sign3A_1572 = arith.constant 0 : i32
      %sign3A_1573 = arith.cmpi slt, %jit3A_1560, %sign3A_1572 : i32
      %sign3A_1574 = arith.extui %sign3A_1573 : i1 to i32
      %sign3A_1575 = arith.subi %sign3A_1571, %sign3A_1574 : i32
      %ne3A_1576 = arith.cmpi ne, %sign3A_1568, %sign3A_1575 : i32
      %rem3A_1577 = arith.remsi %add3A_1559, %jit3A_1560 : i32
      %ne3A_1578 = arith.constant 0 : i32
      %ne3A_1579 = arith.cmpi ne, %rem3A_1577, %ne3A_1578 : i32
      %and3A_1580 = arith.andi %ne3A_1576, %ne3A_1579 : i1
      %sub3A_1581 = arith.constant 1 : i32
      %sub3A_1582 = arith.subi %div3A_1561, %sub3A_1581 : i32
      %select_n3A_1583 = arith.select %and3A_1580, %sub3A_1582, %div3A_1561 : i32
      %jit3A_1584 = arith.constant 128 : i32
      %eq3A_1585 = arith.constant 0 : i32
      %eq3A_1586 = arith.cmpi eq, %jit3A_1584, %eq3A_1585 : i32
      %jit3A_1587 = arith.constant 1 : i32
      %select_n3A_1588 = arith.select %eq3A_1586, %jit3A_1587, %jit3A_1584 : i32
      %rem3A_1589 = arith.remsi %add3A_1559, %select_n3A_1588 : i32
      %ne3A_1590 = arith.constant 0 : i32
      %ne3A_1591 = arith.cmpi ne, %rem3A_1589, %ne3A_1590 : i32
      %lt3A_1592 = arith.constant 0 : i32
      %lt3A_1593 = arith.cmpi slt, %rem3A_1589, %lt3A_1592 : i32
      %lt3A_1594 = arith.constant 0 : i32
      %lt3A_1595 = arith.cmpi slt, %select_n3A_1588, %lt3A_1594 : i32
      %ne3A_1596 = arith.xori %lt3A_1593, %lt3A_1595 : i1
      %and3A_1597 = arith.andi %ne3A_1596, %ne3A_1591 : i1
      %add3A_1598 = arith.addi %rem3A_1589, %select_n3A_1588 : i32
      %select_n3A_1599 = arith.select %and3A_1597, %add3A_1598, %rem3A_1589 : i32
      %dma_start3A_1600 = arith.constant 0 : i32
      %dma_start3A_1601 = arith.constant 0 : i32
      %dma_start3A_1602 = tpu.memref_slice %arg2[%select_n3A_1583, %select_n3A_1599, %dma_start3A_1600, %dma_start3A_1601] : memref<25x128x8x128xi32, #tpu.memory_space<hbm>> -> memref<1x1x8x128xi32, #tpu.memory_space<hbm>>
      %dma_start3A_1603 = tpu.memref_squeeze %dma_start3A_1602 : memref<1x1x8x128xi32, #tpu.memory_space<hbm>> -> memref<8x128xi32, #tpu.memory_space<hbm>>
      %dma_start3A_1604 = arith.constant 0 : i32
      %dma_start3A_1605 = arith.constant 0 : i32
      %dma_start3A_1606 = tpu.memref_slice %arg2[%select_n3A_1583, %select_n3A_1599, %dma_start3A_1604, %dma_start3A_1605] : memref<25x128x8x128xi32, #tpu.memory_space<hbm>> -> memref<1x1x8x128xi32, #tpu.memory_space<hbm>>
      %dma_start3A_1607 = tpu.memref_squeeze %dma_start3A_1606 : memref<1x1x8x128xi32, #tpu.memory_space<hbm>> -> memref<8x128xi32, #tpu.memory_space<hbm>>
      tpu.enqueue_dma source(%dma_start3A_1607 : memref<8x128xi32, #tpu.memory_space<hbm>>) target(%arg5 : memref<8x128xi32, #tpu.memory_space<vmem>>) target_semaphore(%arg15 : memref<!tpu.dma_semaphore, #tpu.memory_space<semaphore_mem>>)
      %dma_wait3A_1608 = arith.constant 0 : i32
      %dma_wait3A_1609 = arith.constant 0 : i32
      %dma_wait3A_1610 = arith.constant 0 : i32
      %dma_wait3A_1611 = arith.constant 0 : i32
      %dma_wait3A_1612 = arith.constant 0 : i32
      %dma_wait3A_1613 = arith.constant 0 : i32
      %dma_wait3A_1614 = tpu.memref_slice %arg9[%dma_wait3A_1608, %dma_wait3A_1611, %dma_wait3A_1612, %dma_wait3A_1613] : memref<2x9x8x129xf32, #tpu.memory_space<vmem>> -> memref<1x8x8x128xf32, #tpu.memory_space<vmem>>
      %dma_wait3A_1615 = tpu.memref_squeeze %dma_wait3A_1614 : memref<1x8x8x128xf32, #tpu.memory_space<vmem>> -> memref<8x8x128xf32, #tpu.memory_space<vmem>>
      %dma_wait3A_1616 = arith.constant 0 : i32
      %dma_wait3A_1617 = arith.constant 0 : i32
      %dma_wait3A_1618 = arith.constant 0 : i32
      %dma_wait3A_1619 = tpu.memref_slice %arg4[%dma_wait3A_1616, %dma_wait3A_1609, %dma_wait3A_1610, %dma_wait3A_1617, %dma_wait3A_1618] : memref<200x2x128x8x128xf32, #tpu.memory_space<hbm>> -> memref<8x1x1x8x128xf32, #tpu.memory_space<hbm>>
      %dma_wait3A_1620 = tpu.memref_squeeze %dma_wait3A_1619 : memref<8x1x1x8x128xf32, #tpu.memory_space<hbm>> -> memref<8x8x128xf32, #tpu.memory_space<hbm>>
      %dma_wait3A_1621 = arith.constant 0 : i32
      %dma_wait3A_1622 = arith.constant 0 : i32
      %dma_wait3A_1623 = arith.constant 0 : i32
      %dma_wait3A_1624 = tpu.memref_slice %arg4[%dma_wait3A_1621, %dma_wait3A_1609, %dma_wait3A_1610, %dma_wait3A_1622, %dma_wait3A_1623] : memref<200x2x128x8x128xf32, #tpu.memory_space<hbm>> -> memref<8x1x1x8x128xf32, #tpu.memory_space<hbm>>
      %dma_wait3A_1625 = tpu.memref_squeeze %dma_wait3A_1624 : memref<8x1x1x8x128xf32, #tpu.memory_space<hbm>> -> memref<8x8x128xf32, #tpu.memory_space<hbm>>
      %dma_wait3A_1626 = arith.constant 0 : i32
      %dma_wait3A_1627 = arith.constant 0 : i32
      %dma_wait3A_1628 = arith.constant 0 : i32
      %dma_wait3A_1629 = tpu.memref_slice %arg9[%dma_wait3A_1608, %dma_wait3A_1626, %dma_wait3A_1627, %dma_wait3A_1628] : memref<2x9x8x129xf32, #tpu.memory_space<vmem>> -> memref<1x8x8x128xf32, #tpu.memory_space<vmem>>
      %dma_wait3A_1630 = tpu.memref_squeeze %dma_wait3A_1629 : memref<1x8x8x128xf32, #tpu.memory_space<vmem>> -> memref<8x8x128xf32, #tpu.memory_space<vmem>>
      tpu.wait_dma2 semaphore(%arg13 : memref<!tpu.dma_semaphore, #tpu.memory_space<semaphore_mem>>) src(%dma_wait3A_1630 : memref<8x8x128xf32, #tpu.memory_space<vmem>>) dst(%dma_wait3A_1625 : memref<8x8x128xf32, #tpu.memory_space<hbm>>)
      %dma_wait3A_1631 = arith.constant 1 : i32
      %dma_wait3A_1632 = arith.constant 1 : i32
      %dma_wait3A_1633 = arith.constant 0 : i32
      %dma_wait3A_1634 = arith.constant 0 : i32
      %dma_wait3A_1635 = arith.constant 0 : i32
      %dma_wait3A_1636 = arith.constant 0 : i32
      %dma_wait3A_1637 = tpu.memref_slice %arg9[%dma_wait3A_1631, %dma_wait3A_1634, %dma_wait3A_1635, %dma_wait3A_1636] : memref<2x9x8x129xf32, #tpu.memory_space<vmem>> -> memref<1x8x8x128xf32, #tpu.memory_space<vmem>>
      %dma_wait3A_1638 = tpu.memref_squeeze %dma_wait3A_1637 : memref<1x8x8x128xf32, #tpu.memory_space<vmem>> -> memref<8x8x128xf32, #tpu.memory_space<vmem>>
      %dma_wait3A_1639 = arith.constant 0 : i32
      %dma_wait3A_1640 = arith.constant 0 : i32
      %dma_wait3A_1641 = arith.constant 0 : i32
      %dma_wait3A_1642 = tpu.memref_slice %arg4[%dma_wait3A_1639, %dma_wait3A_1632, %dma_wait3A_1633, %dma_wait3A_1640, %dma_wait3A_1641] : memref<200x2x128x8x128xf32, #tpu.memory_space<hbm>> -> memref<8x1x1x8x128xf32, #tpu.memory_space<hbm>>
      %dma_wait3A_1643 = tpu.memref_squeeze %dma_wait3A_1642 : memref<8x1x1x8x128xf32, #tpu.memory_space<hbm>> -> memref<8x8x128xf32, #tpu.memory_space<hbm>>
      %dma_wait3A_1644 = arith.constant 0 : i32
      %dma_wait3A_1645 = arith.constant 0 : i32
      %dma_wait3A_1646 = arith.constant 0 : i32
      %dma_wait3A_1647 = tpu.memref_slice %arg4[%dma_wait3A_1644, %dma_wait3A_1632, %dma_wait3A_1633, %dma_wait3A_1645, %dma_wait3A_1646] : memref<200x2x128x8x128xf32, #tpu.memory_space<hbm>> -> memref<8x1x1x8x128xf32, #tpu.memory_space<hbm>>
      %dma_wait3A_1648 = tpu.memref_squeeze %dma_wait3A_1647 : memref<8x1x1x8x128xf32, #tpu.memory_space<hbm>> -> memref<8x8x128xf32, #tpu.memory_space<hbm>>
      %dma_wait3A_1649 = arith.constant 0 : i32
      %dma_wait3A_1650 = arith.constant 0 : i32
      %dma_wait3A_1651 = arith.constant 0 : i32
      %dma_wait3A_1652 = tpu.memref_slice %arg9[%dma_wait3A_1631, %dma_wait3A_1649, %dma_wait3A_1650, %dma_wait3A_1651] : memref<2x9x8x129xf32, #tpu.memory_space<vmem>> -> memref<1x8x8x128xf32, #tpu.memory_space<vmem>>
      %dma_wait3A_1653 = tpu.memref_squeeze %dma_wait3A_1652 : memref<1x8x8x128xf32, #tpu.memory_space<vmem>> -> memref<8x8x128xf32, #tpu.memory_space<vmem>>
      tpu.wait_dma2 semaphore(%arg13 : memref<!tpu.dma_semaphore, #tpu.memory_space<semaphore_mem>>) src(%dma_wait3A_1653 : memref<8x8x128xf32, #tpu.memory_space<vmem>>) dst(%dma_wait3A_1648 : memref<8x8x128xf32, #tpu.memory_space<hbm>>)
      %parallel_loop3A_1654 = arith.constant 0 : i32
      %parallel_loop3A_1655 = arith.constant 1024 : i32
      %parallel_loop3A_1656 = arith.constant 8 : i32
      scf.for %parallel_loop3A_2191 = %parallel_loop3A_1654 to %parallel_loop3A_1655 step %parallel_loop3A_1656  : i32 {
        %parallel_loop3A_2192 = arith.constant 128 : i32
        %parallel_loop3A_2193 = arith.divsi %parallel_loop3A_2191, %parallel_loop3A_2192 : i32
        %parallel_loop3A_2194 = arith.constant 0 : i32
        %parallel_loop3A_2195 = arith.cmpi sgt, %parallel_loop3A_2191, %parallel_loop3A_2194 : i32
        %parallel_loop3A_2196 = arith.extui %parallel_loop3A_2195 : i1 to i32
        %parallel_loop3A_2197 = arith.constant 0 : i32
        %parallel_loop3A_2198 = arith.cmpi slt, %parallel_loop3A_2191, %parallel_loop3A_2197 : i32
        %parallel_loop3A_2199 = arith.extui %parallel_loop3A_2198 : i1 to i32
        %parallel_loop3A_2200 = arith.subi %parallel_loop3A_2196, %parallel_loop3A_2199 : i32
        %parallel_loop3A_2201 = arith.constant 0 : i32
        %parallel_loop3A_2202 = arith.cmpi sgt, %parallel_loop3A_2192, %parallel_loop3A_2201 : i32
        %parallel_loop3A_2203 = arith.extui %parallel_loop3A_2202 : i1 to i32
        %parallel_loop3A_2204 = arith.constant 0 : i32
        %parallel_loop3A_2205 = arith.cmpi slt, %parallel_loop3A_2192, %parallel_loop3A_2204 : i32
        %parallel_loop3A_2206 = arith.extui %parallel_loop3A_2205 : i1 to i32
        %parallel_loop3A_2207 = arith.subi %parallel_loop3A_2203, %parallel_loop3A_2206 : i32
        %parallel_loop3A_2208 = arith.cmpi ne, %parallel_loop3A_2200, %parallel_loop3A_2207 : i32
        %parallel_loop3A_2209 = arith.remsi %parallel_loop3A_2191, %parallel_loop3A_2192 : i32
        %parallel_loop3A_2210 = arith.constant 0 : i32
        %parallel_loop3A_2211 = arith.cmpi ne, %parallel_loop3A_2209, %parallel_loop3A_2210 : i32
        %parallel_loop3A_2212 = arith.andi %parallel_loop3A_2208, %parallel_loop3A_2211 : i1
        %parallel_loop3A_2213 = arith.constant 1 : i32
        %parallel_loop3A_2214 = arith.subi %parallel_loop3A_2193, %parallel_loop3A_2213 : i32
        %parallel_loop3A_2215 = arith.select %parallel_loop3A_2212, %parallel_loop3A_2214, %parallel_loop3A_2193 : i32
        %parallel_loop3A_2216 = arith.constant 0 : i32
        %parallel_loop3A_2217 = vector.broadcast %parallel_loop3A_2216 : i32 to vector<16xi32>
        %parallel_loop3A_2218 = vector.broadcast %parallel_loop3A_2215 : i32 to vector<16xi32>
        %parallel_loop3A_2219 = arith.addi %parallel_loop3A_2217, %parallel_loop3A_2218 : vector<16xi32>
        %parallel_loop3A_2220 = arith.constant 128 : i32
        %parallel_loop3A_2221 = arith.constant 0 : i32
        %parallel_loop3A_2222 = arith.cmpi eq, %parallel_loop3A_2220, %parallel_loop3A_2221 : i32
        %parallel_loop3A_2223 = arith.constant 1 : i32
        %parallel_loop3A_2224 = arith.select %parallel_loop3A_2222, %parallel_loop3A_2223, %parallel_loop3A_2220 : i32
        %parallel_loop3A_2225 = arith.remsi %parallel_loop3A_2191, %parallel_loop3A_2224 : i32
        %parallel_loop3A_2226 = arith.constant 0 : i32
        %parallel_loop3A_2227 = arith.cmpi ne, %parallel_loop3A_2225, %parallel_loop3A_2226 : i32
        %parallel_loop3A_2228 = arith.constant 0 : i32
        %parallel_loop3A_2229 = arith.cmpi slt, %parallel_loop3A_2225, %parallel_loop3A_2228 : i32
        %parallel_loop3A_2230 = arith.constant 0 : i32
        %parallel_loop3A_2231 = arith.cmpi slt, %parallel_loop3A_2224, %parallel_loop3A_2230 : i32
        %parallel_loop3A_2232 = arith.xori %parallel_loop3A_2229, %parallel_loop3A_2231 : i1
        %parallel_loop3A_2233 = arith.andi %parallel_loop3A_2232, %parallel_loop3A_2227 : i1
        %parallel_loop3A_2234 = arith.addi %parallel_loop3A_2225, %parallel_loop3A_2224 : i32
        %parallel_loop3A_2235 = arith.select %parallel_loop3A_2233, %parallel_loop3A_2234, %parallel_loop3A_2225 : i32
        %parallel_loop3A_2236 = arith.constant 0 : i32
        %parallel_loop3A_2237 = vector.broadcast %parallel_loop3A_2236 : i32 to vector<16xi32>
        %parallel_loop3A_2238 = vector.broadcast %parallel_loop3A_2235 : i32 to vector<16xi32>
        %parallel_loop3A_2239 = arith.addi %parallel_loop3A_2237, %parallel_loop3A_2238 : vector<16xi32>
        %parallel_loop3A_2240 = arith.constant 0 : i32
        %parallel_loop3A_2241 = arith.addi %parallel_loop3A_2191, %parallel_loop3A_2240 : i32
        %parallel_loop3A_2242 = arith.index_cast %parallel_loop3A_2241 : i32 to index
        %parallel_loop3A_2243 = arith.constant 0 : index
        %parallel_loop3A_2244 = tpu.vector_load %arg7[%parallel_loop3A_2242, %parallel_loop3A_2243] {strides = array<i32>} : memref<1024x16xf32, #tpu.memory_space<vmem>>, vector<16xf32>,
        %parallel_loop3A_2245 = arith.constant 0 : i32
        %parallel_loop3A_2246 = vector.broadcast %parallel_loop3A_2245 : i32 to vector<16xi32>
        %parallel_loop3A_2247 = arith.addi %parallel_loop3A_2239, %parallel_loop3A_2246 : vector<16xi32>
        tpu.vector_store_idx %arg9[%select_n3A, %parallel_loop3A_2219, %select_n3A_45, %parallel_loop3A_2247], %parallel_loop3A_2244 : memref<2x9x8x129xf32, #tpu.memory_space<vmem>>[vector<16xi32>, vector<16xi32>, vector<16xi32>, vector<16xi32>], vector<16xf32>,
        %parallel_loop3A_2248 = arith.constant 1 : i32
        %parallel_loop3A_2249 = arith.addi %parallel_loop3A_2191, %parallel_loop3A_2248 : i32
        %parallel_loop3A_2250 = arith.index_cast %parallel_loop3A_2249 : i32 to index
        %parallel_loop3A_2251 = arith.constant 0 : index
        %parallel_loop3A_2252 = tpu.vector_load %arg7[%parallel_loop3A_2250, %parallel_loop3A_2251] {strides = array<i32>} : memref<1024x16xf32, #tpu.memory_space<vmem>>, vector<16xf32>,
        %parallel_loop3A_2253 = arith.constant 1 : i32
        %parallel_loop3A_2254 = vector.broadcast %parallel_loop3A_2253 : i32 to vector<16xi32>
        %parallel_loop3A_2255 = arith.addi %parallel_loop3A_2239, %parallel_loop3A_2254 : vector<16xi32>
        tpu.vector_store_idx %arg9[%select_n3A, %parallel_loop3A_2219, %select_n3A_45, %parallel_loop3A_2255], %parallel_loop3A_2252 : memref<2x9x8x129xf32, #tpu.memory_space<vmem>>[vector<16xi32>, vector<16xi32>, vector<16xi32>, vector<16xi32>], vector<16xf32>,
        %parallel_loop3A_2256 = arith.constant 2 : i32
        %parallel_loop3A_2257 = arith.addi %parallel_loop3A_2191, %parallel_loop3A_2256 : i32
        %parallel_loop3A_2258 = arith.index_cast %parallel_loop3A_2257 : i32 to index
        %parallel_loop3A_2259 = arith.constant 0 : index
        %parallel_loop3A_2260 = tpu.vector_load %arg7[%parallel_loop3A_2258, %parallel_loop3A_2259] {strides = array<i32>} : memref<1024x16xf32, #tpu.memory_space<vmem>>, vector<16xf32>,
        %parallel_loop3A_2261 = arith.constant 2 : i32
        %parallel_loop3A_2262 = vector.broadcast %parallel_loop3A_2261 : i32 to vector<16xi32>
        %parallel_loop3A_2263 = arith.addi %parallel_loop3A_2239, %parallel_loop3A_2262 : vector<16xi32>
        tpu.vector_store_idx %arg9[%select_n3A, %parallel_loop3A_2219, %select_n3A_45, %parallel_loop3A_2263], %parallel_loop3A_2260 : memref<2x9x8x129xf32, #tpu.memory_space<vmem>>[vector<16xi32>, vector<16xi32>, vector<16xi32>, vector<16xi32>], vector<16xf32>,
        %parallel_loop3A_2264 = arith.constant 3 : i32
        %parallel_loop3A_2265 = arith.addi %parallel_loop3A_2191, %parallel_loop3A_2264 : i32
        %parallel_loop3A_2266 = arith.index_cast %parallel_loop3A_2265 : i32 to index
        %parallel_loop3A_2267 = arith.constant 0 : index
        %parallel_loop3A_2268 = tpu.vector_load %arg7[%parallel_loop3A_2266, %parallel_loop3A_2267] {strides = array<i32>} : memref<1024x16xf32, #tpu.memory_space<vmem>>, vector<16xf32>,
        %parallel_loop3A_2269 = arith.constant 3 : i32
        %parallel_loop3A_2270 = vector.broadcast %parallel_loop3A_2269 : i32 to vector<16xi32>
        %parallel_loop3A_2271 = arith.addi %parallel_loop3A_2239, %parallel_loop3A_2270 : vector<16xi32>
        tpu.vector_store_idx %arg9[%select_n3A, %parallel_loop3A_2219, %select_n3A_45, %parallel_loop3A_2271], %parallel_loop3A_2268 : memref<2x9x8x129xf32, #tpu.memory_space<vmem>>[vector<16xi32>, vector<16xi32>, vector<16xi32>, vector<16xi32>], vector<16xf32>,
        %parallel_loop3A_2272 = arith.constant 4 : i32
        %parallel_loop3A_2273 = arith.addi %parallel_loop3A_2191, %parallel_loop3A_2272 : i32
        %parallel_loop3A_2274 = arith.index_cast %parallel_loop3A_2273 : i32 to index
        %parallel_loop3A_2275 = arith.constant 0 : index
        %parallel_loop3A_2276 = tpu.vector_load %arg7[%parallel_loop3A_2274, %parallel_loop3A_2275] {strides = array<i32>} : memref<1024x16xf32, #tpu.memory_space<vmem>>, vector<16xf32>,
        %parallel_loop3A_2277 = arith.constant 4 : i32
        %parallel_loop3A_2278 = vector.broadcast %parallel_loop3A_2277 : i32 to vector<16xi32>
        %parallel_loop3A_2279 = arith.addi %parallel_loop3A_2239, %parallel_loop3A_2278 : vector<16xi32>
        tpu.vector_store_idx %arg9[%select_n3A, %parallel_loop3A_2219, %select_n3A_45, %parallel_loop3A_2279], %parallel_loop3A_2276 : memref<2x9x8x129xf32, #tpu.memory_space<vmem>>[vector<16xi32>, vector<16xi32>, vector<16xi32>, vector<16xi32>], vector<16xf32>,
        %parallel_loop3A_2280 = arith.constant 5 : i32
        %parallel_loop3A_2281 = arith.addi %parallel_loop3A_2191, %parallel_loop3A_2280 : i32
        %parallel_loop3A_2282 = arith.index_cast %parallel_loop3A_2281 : i32 to index
        %parallel_loop3A_2283 = arith.constant 0 : index
        %parallel_loop3A_2284 = tpu.vector_load %arg7[%parallel_loop3A_2282, %parallel_loop3A_2283] {strides = array<i32>} : memref<1024x16xf32, #tpu.memory_space<vmem>>, vector<16xf32>,
        %parallel_loop3A_2285 = arith.constant 5 : i32
        %parallel_loop3A_2286 = vector.broadcast %parallel_loop3A_2285 : i32 to vector<16xi32>
        %parallel_loop3A_2287 = arith.addi %parallel_loop3A_2239, %parallel_loop3A_2286 : vector<16xi32>
        tpu.vector_store_idx %arg9[%select_n3A, %parallel_loop3A_2219, %select_n3A_45, %parallel_loop3A_2287], %parallel_loop3A_2284 : memref<2x9x8x129xf32, #tpu.memory_space<vmem>>[vector<16xi32>, vector<16xi32>, vector<16xi32>, vector<16xi32>], vector<16xf32>,
        %parallel_loop3A_2288 = arith.constant 6 : i32
        %parallel_loop3A_2289 = arith.addi %parallel_loop3A_2191, %parallel_loop3A_2288 : i32
        %parallel_loop3A_2290 = arith.index_cast %parallel_loop3A_2289 : i32 to index
        %parallel_loop3A_2291 = arith.constant 0 : index
        %parallel_loop3A_2292 = tpu.vector_load %arg7[%parallel_loop3A_2290, %parallel_loop3A_2291] {strides = array<i32>} : memref<1024x16xf32, #tpu.memory_space<vmem>>, vector<16xf32>,
        %parallel_loop3A_2293 = arith.constant 6 : i32
        %parallel_loop3A_2294 = vector.broadcast %parallel_loop3A_2293 : i32 to vector<16xi32>
        %parallel_loop3A_2295 = arith.addi %parallel_loop3A_2239, %parallel_loop3A_2294 : vector<16xi32>
        tpu.vector_store_idx %arg9[%select_n3A, %parallel_loop3A_2219, %select_n3A_45, %parallel_loop3A_2295], %parallel_loop3A_2292 : memref<2x9x8x129xf32, #tpu.memory_space<vmem>>[vector<16xi32>, vector<16xi32>, vector<16xi32>, vector<16xi32>], vector<16xf32>,
        %parallel_loop3A_2296 = arith.constant 7 : i32
        %parallel_loop3A_2297 = arith.addi %parallel_loop3A_2191, %parallel_loop3A_2296 : i32
        %parallel_loop3A_2298 = arith.index_cast %parallel_loop3A_2297 : i32 to index
        %parallel_loop3A_2299 = arith.constant 0 : index
        %parallel_loop3A_2300 = tpu.vector_load %arg7[%parallel_loop3A_2298, %parallel_loop3A_2299] {strides = array<i32>} : memref<1024x16xf32, #tpu.memory_space<vmem>>, vector<16xf32>,
        %parallel_loop3A_2301 = arith.constant 7 : i32
        %parallel_loop3A_2302 = vector.broadcast %parallel_loop3A_2301 : i32 to vector<16xi32>
        %parallel_loop3A_2303 = arith.addi %parallel_loop3A_2239, %parallel_loop3A_2302 : vector<16xi32>
        tpu.vector_store_idx %arg9[%select_n3A, %parallel_loop3A_2219, %select_n3A_45, %parallel_loop3A_2303], %parallel_loop3A_2300 : memref<2x9x8x129xf32, #tpu.memory_space<vmem>>[vector<16xi32>, vector<16xi32>, vector<16xi32>, vector<16xi32>], vector<16xf32>,
      } {sc.loop_unroll_factor = 2 : i64, sc.parallel_access}
      %add3A_1657 = arith.addi %mul3A_2, %add3A_1476 : i32
      %jit3A_1658 = arith.constant 128 : i32
      %div3A_1659 = arith.divsi %add3A_1657, %jit3A_1658 : i32
      %sign3A_1660 = arith.constant 0 : i32
      %sign3A_1661 = arith.cmpi sgt, %add3A_1657, %sign3A_1660 : i32
      %sign3A_1662 = arith.extui %sign3A_1661 : i1 to i32
      %sign3A_1663 = arith.constant 0 : i32
      %sign3A_1664 = arith.cmpi slt, %add3A_1657, %sign3A_1663 : i32
      %sign3A_1665 = arith.extui %sign3A_1664 : i1 to i32
      %sign3A_1666 = arith.subi %sign3A_1662, %sign3A_1665 : i32
      %sign3A_1667 = arith.constant 0 : i32
      %sign3A_1668 = arith.cmpi sgt, %jit3A_1658, %sign3A_1667 : i32
      %sign3A_1669 = arith.extui %sign3A_1668 : i1 to i32
      %sign3A_1670 = arith.constant 0 : i32
      %sign3A_1671 = arith.cmpi slt, %jit3A_1658, %sign3A_1670 : i32
      %sign3A_1672 = arith.extui %sign3A_1671 : i1 to i32
      %sign3A_1673 = arith.subi %sign3A_1669, %sign3A_1672 : i32
      %ne3A_1674 = arith.cmpi ne, %sign3A_1666, %sign3A_1673 : i32
      %rem3A_1675 = arith.remsi %add3A_1657, %jit3A_1658 : i32
      %ne3A_1676 = arith.constant 0 : i32
      %ne3A_1677 = arith.cmpi ne, %rem3A_1675, %ne3A_1676 : i32
      %and3A_1678 = arith.andi %ne3A_1674, %ne3A_1677 : i1
      %sub3A_1679 = arith.constant 1 : i32
      %sub3A_1680 = arith.subi %div3A_1659, %sub3A_1679 : i32
      %select_n3A_1681 = arith.select %and3A_1678, %sub3A_1680, %div3A_1659 : i32
      %jit3A_1682 = arith.constant 128 : i32
      %eq3A_1683 = arith.constant 0 : i32
      %eq3A_1684 = arith.cmpi eq, %jit3A_1682, %eq3A_1683 : i32
      %jit3A_1685 = arith.constant 1 : i32
      %select_n3A_1686 = arith.select %eq3A_1684, %jit3A_1685, %jit3A_1682 : i32
      %rem3A_1687 = arith.remsi %add3A_1657, %select_n3A_1686 : i32
      %ne3A_1688 = arith.constant 0 : i32
      %ne3A_1689 = arith.cmpi ne, %rem3A_1687, %ne3A_1688 : i32
      %lt3A_1690 = arith.constant 0 : i32
      %lt3A_1691 = arith.cmpi slt, %rem3A_1687, %lt3A_1690 : i32
      %lt3A_1692 = arith.constant 0 : i32
      %lt3A_1693 = arith.cmpi slt, %select_n3A_1686, %lt3A_1692 : i32
      %ne3A_1694 = arith.xori %lt3A_1691, %lt3A_1693 : i1
      %and3A_1695 = arith.andi %ne3A_1694, %ne3A_1689 : i1
      %add3A_1696 = arith.addi %rem3A_1687, %select_n3A_1686 : i32
      %select_n3A_1697 = arith.select %and3A_1695, %add3A_1696, %rem3A_1687 : i32
      %mul3A_1698 = arith.constant 8 : i32
      %mul3A_1699 = arith.muli %select_n3A_1681, %mul3A_1698 : i32
      %dma_start3A_1700 = arith.constant 0 : i32
      %dma_start3A_1701 = arith.constant 0 : i32
      %dma_start3A_1702 = arith.constant 0 : i32
      %dma_start3A_1703 = arith.constant 0 : i32
      %dma_start3A_1704 = arith.constant 0 : i32
      %dma_start3A_1705 = tpu.memref_slice %arg9[%dma_start3A_1700, %dma_start3A_1702, %dma_start3A_1703, %dma_start3A_1704] : memref<2x9x8x129xf32, #tpu.memory_space<vmem>> -> memref<1x8x8x128xf32, #tpu.memory_space<vmem>>
      %dma_start3A_1706 = tpu.memref_squeeze %dma_start3A_1705 : memref<1x8x8x128xf32, #tpu.memory_space<vmem>> -> memref<8x8x128xf32, #tpu.memory_space<vmem>>
      %dma_start3A_1707 = arith.constant 0 : i32
      %dma_start3A_1708 = arith.constant 0 : i32
      %dma_start3A_1709 = tpu.memref_slice %arg4[%mul3A_1699, %dma_start3A_1701, %select_n3A_1697, %dma_start3A_1707, %dma_start3A_1708] : memref<200x2x128x8x128xf32, #tpu.memory_space<hbm>> -> memref<8x1x1x8x128xf32, #tpu.memory_space<hbm>>
      %dma_start3A_1710 = tpu.memref_squeeze %dma_start3A_1709 : memref<8x1x1x8x128xf32, #tpu.memory_space<hbm>> -> memref<8x8x128xf32, #tpu.memory_space<hbm>>
      %dma_start3A_1711 = arith.constant 0 : i32
      %dma_start3A_1712 = arith.constant 0 : i32
      %dma_start3A_1713 = tpu.memref_slice %arg4[%mul3A_1699, %dma_start3A_1701, %select_n3A_1697, %dma_start3A_1711, %dma_start3A_1712] : memref<200x2x128x8x128xf32, #tpu.memory_space<hbm>> -> memref<8x1x1x8x128xf32, #tpu.memory_space<hbm>>
      %dma_start3A_1714 = tpu.memref_squeeze %dma_start3A_1713 : memref<8x1x1x8x128xf32, #tpu.memory_space<hbm>> -> memref<8x8x128xf32, #tpu.memory_space<hbm>>
      %dma_start3A_1715 = arith.constant 0 : i32
      %dma_start3A_1716 = arith.constant 0 : i32
      %dma_start3A_1717 = arith.constant 0 : i32
      %dma_start3A_1718 = tpu.memref_slice %arg9[%dma_start3A_1700, %dma_start3A_1715, %dma_start3A_1716, %dma_start3A_1717] : memref<2x9x8x129xf32, #tpu.memory_space<vmem>> -> memref<1x8x8x128xf32, #tpu.memory_space<vmem>>
      %dma_start3A_1719 = tpu.memref_squeeze %dma_start3A_1718 : memref<1x8x8x128xf32, #tpu.memory_space<vmem>> -> memref<8x8x128xf32, #tpu.memory_space<vmem>>
      tpu.enqueue_dma source(%dma_start3A_1719 : memref<8x8x128xf32, #tpu.memory_space<vmem>>) target(%dma_start3A_1714 : memref<8x8x128xf32, #tpu.memory_space<hbm>>) target_semaphore(%arg13 : memref<!tpu.dma_semaphore, #tpu.memory_space<semaphore_mem>>)
      %mul3A_1720 = arith.constant 8 : i32
      %mul3A_1721 = arith.muli %select_n3A_1681, %mul3A_1720 : i32
      %dma_start3A_1722 = arith.constant 1 : i32
      %dma_start3A_1723 = arith.constant 1 : i32
      %dma_start3A_1724 = arith.constant 0 : i32
      %dma_start3A_1725 = arith.constant 0 : i32
      %dma_start3A_1726 = arith.constant 0 : i32
      %dma_start3A_1727 = tpu.memref_slice %arg9[%dma_start3A_1722, %dma_start3A_1724, %dma_start3A_1725, %dma_start3A_1726] : memref<2x9x8x129xf32, #tpu.memory_space<vmem>> -> memref<1x8x8x128xf32, #tpu.memory_space<vmem>>
      %dma_start3A_1728 = tpu.memref_squeeze %dma_start3A_1727 : memref<1x8x8x128xf32, #tpu.memory_space<vmem>> -> memref<8x8x128xf32, #tpu.memory_space<vmem>>
      %dma_start3A_1729 = arith.constant 0 : i32
      %dma_start3A_1730 = arith.constant 0 : i32
      %dma_start3A_1731 = tpu.memref_slice %arg4[%mul3A_1721, %dma_start3A_1723, %select_n3A_1697, %dma_start3A_1729, %dma_start3A_1730] : memref<200x2x128x8x128xf32, #tpu.memory_space<hbm>> -> memref<8x1x1x8x128xf32, #tpu.memory_space<hbm>>
      %dma_start3A_1732 = tpu.memref_squeeze %dma_start3A_1731 : memref<8x1x1x8x128xf32, #tpu.memory_space<hbm>> -> memref<8x8x128xf32, #tpu.memory_space<hbm>>
      %dma_start3A_1733 = arith.constant 0 : i32
      %dma_start3A_1734 = arith.constant 0 : i32
      %dma_start3A_1735 = tpu.memref_slice %arg4[%mul3A_1721, %dma_start3A_1723, %select_n3A_1697, %dma_start3A_1733, %dma_start3A_1734] : memref<200x2x128x8x128xf32, #tpu.memory_space<hbm>> -> memref<8x1x1x8x128xf32, #tpu.memory_space<hbm>>
      %dma_start3A_1736 = tpu.memref_squeeze %dma_start3A_1735 : memref<8x1x1x8x128xf32, #tpu.memory_space<hbm>> -> memref<8x8x128xf32, #tpu.memory_space<hbm>>
      %dma_start3A_1737 = arith.constant 0 : i32
      %dma_start3A_1738 = arith.constant 0 : i32
      %dma_start3A_1739 = arith.constant 0 : i32
      %dma_start3A_1740 = tpu.memref_slice %arg9[%dma_start3A_1722, %dma_start3A_1737, %dma_start3A_1738, %dma_start3A_1739] : memref<2x9x8x129xf32, #tpu.memory_space<vmem>> -> memref<1x8x8x128xf32, #tpu.memory_space<vmem>>
      %dma_start3A_1741 = tpu.memref_squeeze %dma_start3A_1740 : memref<1x8x8x128xf32, #tpu.memory_space<vmem>> -> memref<8x8x128xf32, #tpu.memory_space<vmem>>
      tpu.enqueue_dma source(%dma_start3A_1741 : memref<8x8x128xf32, #tpu.memory_space<vmem>>) target(%dma_start3A_1736 : memref<8x8x128xf32, #tpu.memory_space<hbm>>) target_semaphore(%arg13 : memref<!tpu.dma_semaphore, #tpu.memory_space<semaphore_mem>>)
      %dma_wait3A_1742 = arith.constant 0 : i32
      %dma_wait3A_1743 = arith.constant 0 : i32
      %dma_wait3A_1744 = arith.constant 0 : i32
      %dma_wait3A_1745 = arith.constant 0 : i32
      %dma_wait3A_1746 = tpu.memref_slice %arg2[%dma_wait3A_1742, %dma_wait3A_1743, %dma_wait3A_1744, %dma_wait3A_1745] : memref<25x128x8x128xi32, #tpu.memory_space<hbm>> -> memref<1x1x8x128xi32, #tpu.memory_space<hbm>>
      %dma_wait3A_1747 = tpu.memref_squeeze %dma_wait3A_1746 : memref<1x1x8x128xi32, #tpu.memory_space<hbm>> -> memref<8x128xi32, #tpu.memory_space<hbm>>
      %dma_wait3A_1748 = arith.constant 0 : i32
      %dma_wait3A_1749 = arith.constant 0 : i32
      %dma_wait3A_1750 = tpu.memref_slice %arg2[%dma_wait3A_1742, %dma_wait3A_1743, %dma_wait3A_1748, %dma_wait3A_1749] : memref<25x128x8x128xi32, #tpu.memory_space<hbm>> -> memref<1x1x8x128xi32, #tpu.memory_space<hbm>>
      %dma_wait3A_1751 = tpu.memref_squeeze %dma_wait3A_1750 : memref<1x1x8x128xi32, #tpu.memory_space<hbm>> -> memref<8x128xi32, #tpu.memory_space<hbm>>
      tpu.wait_dma2 semaphore(%arg15 : memref<!tpu.dma_semaphore, #tpu.memory_space<semaphore_mem>>) src(%dma_wait3A_1751 : memref<8x128xi32, #tpu.memory_space<hbm>>) dst(%arg5 : memref<8x128xi32, #tpu.memory_space<vmem>>)
      %dma_start3A_1752 = arith.constant 0 : i32
      %dma_start3A_1753 = arith.constant 0 : i32
      %dma_start3A_1754 = arith.constant 0 : i32
      %dma_start3A_1755 = tpu.memref_slice %arg7[%dma_start3A_1753, %dma_start3A_1754] : memref<1024x16xf32, #tpu.memory_space<vmem>> -> memref<128x16xf32, #tpu.memory_space<vmem>>
      %dma_start3A_1756 = arith.constant 0 : i32
      %dma_start3A_1757 = tpu.memref_slice %arg5[%dma_start3A_1752, %dma_start3A_1756] : memref<8x128xi32, #tpu.memory_space<vmem>> -> memref<1x128xi32, #tpu.memory_space<vmem>>
      %dma_start3A_1758 = tpu.memref_squeeze %dma_start3A_1757 : memref<1x128xi32, #tpu.memory_space<vmem>> -> memref<128xi32, #tpu.memory_space<vmem>>
      %dma_start3A_1759 = arith.constant 0 : i32
      %dma_start3A_1760 = arith.constant 0 : i32
      %dma_start3A_1761 = tpu.memref_slice %arg3[%dma_start3A_1759, %dma_start3A_1760] : memref<1000000x16xf32, #tpu.memory_space<hbm>> -> memref<1000000x16xf32, #tpu.memory_space<hbm>>
      tpu.enqueue_indirect_dma source(%dma_start3A_1761 : memref<1000000x16xf32, #tpu.memory_space<hbm>>) target(%dma_start3A_1755 : memref<128x16xf32, #tpu.memory_space<vmem>>) offsets(%dma_start3A_1758 : memref<128xi32, #tpu.memory_space<vmem>>) semaphore(%arg11 : memref<!tpu.dma_semaphore, #tpu.memory_space<semaphore_mem>>)
      %dma_start3A_1762 = arith.constant 1 : i32
      %dma_start3A_1763 = arith.constant 128 : i32
      %dma_start3A_1764 = arith.constant 0 : i32
      %dma_start3A_1765 = tpu.memref_slice %arg7[%dma_start3A_1763, %dma_start3A_1764] : memref<1024x16xf32, #tpu.memory_space<vmem>> -> memref<128x16xf32, #tpu.memory_space<vmem>>
      %dma_start3A_1766 = arith.constant 0 : i32
      %dma_start3A_1767 = tpu.memref_slice %arg5[%dma_start3A_1762, %dma_start3A_1766] : memref<8x128xi32, #tpu.memory_space<vmem>> -> memref<1x128xi32, #tpu.memory_space<vmem>>
      %dma_start3A_1768 = tpu.memref_squeeze %dma_start3A_1767 : memref<1x128xi32, #tpu.memory_space<vmem>> -> memref<128xi32, #tpu.memory_space<vmem>>
      %dma_start3A_1769 = arith.constant 0 : i32
      %dma_start3A_1770 = arith.constant 0 : i32
      %dma_start3A_1771 = tpu.memref_slice %arg3[%dma_start3A_1769, %dma_start3A_1770] : memref<1000000x16xf32, #tpu.memory_space<hbm>> -> memref<1000000x16xf32, #tpu.memory_space<hbm>>
      tpu.enqueue_indirect_dma source(%dma_start3A_1771 : memref<1000000x16xf32, #tpu.memory_space<hbm>>) target(%dma_start3A_1765 : memref<128x16xf32, #tpu.memory_space<vmem>>) offsets(%dma_start3A_1768 : memref<128xi32, #tpu.memory_space<vmem>>) semaphore(%arg11 : memref<!tpu.dma_semaphore, #tpu.memory_space<semaphore_mem>>)
      %dma_start3A_1772 = arith.constant 2 : i32
      %dma_start3A_1773 = arith.constant 256 : i32
      %dma_start3A_1774 = arith.constant 0 : i32
      %dma_start3A_1775 = tpu.memref_slice %arg7[%dma_start3A_1773, %dma_start3A_1774] : memref<1024x16xf32, #tpu.memory_space<vmem>> -> memref<128x16xf32, #tpu.memory_space<vmem>>
      %dma_start3A_1776 = arith.constant 0 : i32
      %dma_start3A_1777 = tpu.memref_slice %arg5[%dma_start3A_1772, %dma_start3A_1776] : memref<8x128xi32, #tpu.memory_space<vmem>> -> memref<1x128xi32, #tpu.memory_space<vmem>>
      %dma_start3A_1778 = tpu.memref_squeeze %dma_start3A_1777 : memref<1x128xi32, #tpu.memory_space<vmem>> -> memref<128xi32, #tpu.memory_space<vmem>>
      %dma_start3A_1779 = arith.constant 0 : i32
      %dma_start3A_1780 = arith.constant 0 : i32
      %dma_start3A_1781 = tpu.memref_slice %arg3[%dma_start3A_1779, %dma_start3A_1780] : memref<1000000x16xf32, #tpu.memory_space<hbm>> -> memref<1000000x16xf32, #tpu.memory_space<hbm>>
      tpu.enqueue_indirect_dma source(%dma_start3A_1781 : memref<1000000x16xf32, #tpu.memory_space<hbm>>) target(%dma_start3A_1775 : memref<128x16xf32, #tpu.memory_space<vmem>>) offsets(%dma_start3A_1778 : memref<128xi32, #tpu.memory_space<vmem>>) semaphore(%arg11 : memref<!tpu.dma_semaphore, #tpu.memory_space<semaphore_mem>>)
      %dma_start3A_1782 = arith.constant 3 : i32
      %dma_start3A_1783 = arith.constant 384 : i32
      %dma_start3A_1784 = arith.constant 0 : i32
      %dma_start3A_1785 = tpu.memref_slice %arg7[%dma_start3A_1783, %dma_start3A_1784] : memref<1024x16xf32, #tpu.memory_space<vmem>> -> memref<128x16xf32, #tpu.memory_space<vmem>>
      %dma_start3A_1786 = arith.constant 0 : i32
      %dma_start3A_1787 = tpu.memref_slice %arg5[%dma_start3A_1782, %dma_start3A_1786] : memref<8x128xi32, #tpu.memory_space<vmem>> -> memref<1x128xi32, #tpu.memory_space<vmem>>
      %dma_start3A_1788 = tpu.memref_squeeze %dma_start3A_1787 : memref<1x128xi32, #tpu.memory_space<vmem>> -> memref<128xi32, #tpu.memory_space<vmem>>
      %dma_start3A_1789 = arith.constant 0 : i32
      %dma_start3A_1790 = arith.constant 0 : i32
      %dma_start3A_1791 = tpu.memref_slice %arg3[%dma_start3A_1789, %dma_start3A_1790] : memref<1000000x16xf32, #tpu.memory_space<hbm>> -> memref<1000000x16xf32, #tpu.memory_space<hbm>>
      tpu.enqueue_indirect_dma source(%dma_start3A_1791 : memref<1000000x16xf32, #tpu.memory_space<hbm>>) target(%dma_start3A_1785 : memref<128x16xf32, #tpu.memory_space<vmem>>) offsets(%dma_start3A_1788 : memref<128xi32, #tpu.memory_space<vmem>>) semaphore(%arg11 : memref<!tpu.dma_semaphore, #tpu.memory_space<semaphore_mem>>)
      %dma_start3A_1792 = arith.constant 4 : i32
      %dma_start3A_1793 = arith.constant 512 : i32
      %dma_start3A_1794 = arith.constant 0 : i32
      %dma_start3A_1795 = tpu.memref_slice %arg7[%dma_start3A_1793, %dma_start3A_1794] : memref<1024x16xf32, #tpu.memory_space<vmem>> -> memref<128x16xf32, #tpu.memory_space<vmem>>
      %dma_start3A_1796 = arith.constant 0 : i32
      %dma_start3A_1797 = tpu.memref_slice %arg5[%dma_start3A_1792, %dma_start3A_1796] : memref<8x128xi32, #tpu.memory_space<vmem>> -> memref<1x128xi32, #tpu.memory_space<vmem>>
      %dma_start3A_1798 = tpu.memref_squeeze %dma_start3A_1797 : memref<1x128xi32, #tpu.memory_space<vmem>> -> memref<128xi32, #tpu.memory_space<vmem>>
      %dma_start3A_1799 = arith.constant 0 : i32
      %dma_start3A_1800 = arith.constant 0 : i32
      %dma_start3A_1801 = tpu.memref_slice %arg3[%dma_start3A_1799, %dma_start3A_1800] : memref<1000000x16xf32, #tpu.memory_space<hbm>> -> memref<1000000x16xf32, #tpu.memory_space<hbm>>
      tpu.enqueue_indirect_dma source(%dma_start3A_1801 : memref<1000000x16xf32, #tpu.memory_space<hbm>>) target(%dma_start3A_1795 : memref<128x16xf32, #tpu.memory_space<vmem>>) offsets(%dma_start3A_1798 : memref<128xi32, #tpu.memory_space<vmem>>) semaphore(%arg11 : memref<!tpu.dma_semaphore, #tpu.memory_space<semaphore_mem>>)
      %dma_start3A_1802 = arith.constant 5 : i32
      %dma_start3A_1803 = arith.constant 640 : i32
      %dma_start3A_1804 = arith.constant 0 : i32
      %dma_start3A_1805 = tpu.memref_slice %arg7[%dma_start3A_1803, %dma_start3A_1804] : memref<1024x16xf32, #tpu.memory_space<vmem>> -> memref<128x16xf32, #tpu.memory_space<vmem>>
      %dma_start3A_1806 = arith.constant 0 : i32
      %dma_start3A_1807 = tpu.memref_slice %arg5[%dma_start3A_1802, %dma_start3A_1806] : memref<8x128xi32, #tpu.memory_space<vmem>> -> memref<1x128xi32, #tpu.memory_space<vmem>>
      %dma_start3A_1808 = tpu.memref_squeeze %dma_start3A_1807 : memref<1x128xi32, #tpu.memory_space<vmem>> -> memref<128xi32, #tpu.memory_space<vmem>>
      %dma_start3A_1809 = arith.constant 0 : i32
      %dma_start3A_1810 = arith.constant 0 : i32
      %dma_start3A_1811 = tpu.memref_slice %arg3[%dma_start3A_1809, %dma_start3A_1810] : memref<1000000x16xf32, #tpu.memory_space<hbm>> -> memref<1000000x16xf32, #tpu.memory_space<hbm>>
      tpu.enqueue_indirect_dma source(%dma_start3A_1811 : memref<1000000x16xf32, #tpu.memory_space<hbm>>) target(%dma_start3A_1805 : memref<128x16xf32, #tpu.memory_space<vmem>>) offsets(%dma_start3A_1808 : memref<128xi32, #tpu.memory_space<vmem>>) semaphore(%arg11 : memref<!tpu.dma_semaphore, #tpu.memory_space<semaphore_mem>>)
      %dma_start3A_1812 = arith.constant 6 : i32
      %dma_start3A_1813 = arith.constant 768 : i32
      %dma_start3A_1814 = arith.constant 0 : i32
      %dma_start3A_1815 = tpu.memref_slice %arg7[%dma_start3A_1813, %dma_start3A_1814] : memref<1024x16xf32, #tpu.memory_space<vmem>> -> memref<128x16xf32, #tpu.memory_space<vmem>>
      %dma_start3A_1816 = arith.constant 0 : i32
      %dma_start3A_1817 = tpu.memref_slice %arg5[%dma_start3A_1812, %dma_start3A_1816] : memref<8x128xi32, #tpu.memory_space<vmem>> -> memref<1x128xi32, #tpu.memory_space<vmem>>
      %dma_start3A_1818 = tpu.memref_squeeze %dma_start3A_1817 : memref<1x128xi32, #tpu.memory_space<vmem>> -> memref<128xi32, #tpu.memory_space<vmem>>
      %dma_start3A_1819 = arith.constant 0 : i32
      %dma_start3A_1820 = arith.constant 0 : i32
      %dma_start3A_1821 = tpu.memref_slice %arg3[%dma_start3A_1819, %dma_start3A_1820] : memref<1000000x16xf32, #tpu.memory_space<hbm>> -> memref<1000000x16xf32, #tpu.memory_space<hbm>>
      tpu.enqueue_indirect_dma source(%dma_start3A_1821 : memref<1000000x16xf32, #tpu.memory_space<hbm>>) target(%dma_start3A_1815 : memref<128x16xf32, #tpu.memory_space<vmem>>) offsets(%dma_start3A_1818 : memref<128xi32, #tpu.memory_space<vmem>>) semaphore(%arg11 : memref<!tpu.dma_semaphore, #tpu.memory_space<semaphore_mem>>)
      %dma_start3A_1822 = arith.constant 7 : i32
      %dma_start3A_1823 = arith.constant 896 : i32
      %dma_start3A_1824 = arith.constant 0 : i32
      %dma_start3A_1825 = tpu.memref_slice %arg7[%dma_start3A_1823, %dma_start3A_1824] : memref<1024x16xf32, #tpu.memory_space<vmem>> -> memref<128x16xf32, #tpu.memory_space<vmem>>
      %dma_start3A_1826 = arith.constant 0 : i32
      %dma_start3A_1827 = tpu.memref_slice %arg5[%dma_start3A_1822, %dma_start3A_1826] : memref<8x128xi32, #tpu.memory_space<vmem>> -> memref<1x128xi32, #tpu.memory_space<vmem>>
      %dma_start3A_1828 = tpu.memref_squeeze %dma_start3A_1827 : memref<1x128xi32, #tpu.memory_space<vmem>> -> memref<128xi32, #tpu.memory_space<vmem>>
      %dma_start3A_1829 = arith.constant 0 : i32
      %dma_start3A_1830 = arith.constant 0 : i32
      %dma_start3A_1831 = tpu.memref_slice %arg3[%dma_start3A_1829, %dma_start3A_1830] : memref<1000000x16xf32, #tpu.memory_space<hbm>> -> memref<1000000x16xf32, #tpu.memory_space<hbm>>
      tpu.enqueue_indirect_dma source(%dma_start3A_1831 : memref<1000000x16xf32, #tpu.memory_space<hbm>>) target(%dma_start3A_1825 : memref<128x16xf32, #tpu.memory_space<vmem>>) offsets(%dma_start3A_1828 : memref<128xi32, #tpu.memory_space<vmem>>) semaphore(%arg11 : memref<!tpu.dma_semaphore, #tpu.memory_space<semaphore_mem>>)
      %mul3A_1832 = arith.constant 2 : i32
      %mul3A_1833 = arith.muli %mul3A_1832, %scan3A_1472 : i32
      %add3A_1834 = arith.constant 1 : i32
      %add3A_1835 = arith.addi %mul3A_1833, %add3A_1834 : i32
      %dma_wait3A_1836 = arith.constant 0 : i32
      %dma_wait3A_1837 = arith.constant 0 : i32
      %dma_wait3A_1838 = arith.constant 0 : i32
      %dma_wait3A_1839 = tpu.memref_slice %arg8[%dma_wait3A_1837, %dma_wait3A_1838] : memref<1024x16xf32, #tpu.memory_space<vmem>> -> memref<128x16xf32, #tpu.memory_space<vmem>>
      %dma_wait3A_1840 = arith.constant 0 : i32
      %dma_wait3A_1841 = tpu.memref_slice %arg6[%dma_wait3A_1836, %dma_wait3A_1840] : memref<8x128xi32, #tpu.memory_space<vmem>> -> memref<1x128xi32, #tpu.memory_space<vmem>>
      %dma_wait3A_1842 = tpu.memref_squeeze %dma_wait3A_1841 : memref<1x128xi32, #tpu.memory_space<vmem>> -> memref<128xi32, #tpu.memory_space<vmem>>
      %dma_wait3A_1843 = arith.constant 0 : i32
      %dma_wait3A_1844 = arith.constant 0 : i32
      %dma_wait3A_1845 = tpu.memref_slice %arg3[%dma_wait3A_1843, %dma_wait3A_1844] : memref<1000000x16xf32, #tpu.memory_space<hbm>> -> memref<1000000x16xf32, #tpu.memory_space<hbm>>
      tpu.wait_indirect_dma semaphore(%arg12 : memref<!tpu.dma_semaphore, #tpu.memory_space<semaphore_mem>>) src(%dma_wait3A_1845 : memref<1000000x16xf32, #tpu.memory_space<hbm>>) dst(%dma_wait3A_1839 : memref<128x16xf32, #tpu.memory_space<vmem>>)
      %dma_wait3A_1846 = arith.constant 1 : i32
      %dma_wait3A_1847 = arith.constant 128 : i32
      %dma_wait3A_1848 = arith.constant 0 : i32
      %dma_wait3A_1849 = tpu.memref_slice %arg8[%dma_wait3A_1847, %dma_wait3A_1848] : memref<1024x16xf32, #tpu.memory_space<vmem>> -> memref<128x16xf32, #tpu.memory_space<vmem>>
      %dma_wait3A_1850 = arith.constant 0 : i32
      %dma_wait3A_1851 = tpu.memref_slice %arg6[%dma_wait3A_1846, %dma_wait3A_1850] : memref<8x128xi32, #tpu.memory_space<vmem>> -> memref<1x128xi32, #tpu.memory_space<vmem>>
      %dma_wait3A_1852 = tpu.memref_squeeze %dma_wait3A_1851 : memref<1x128xi32, #tpu.memory_space<vmem>> -> memref<128xi32, #tpu.memory_space<vmem>>
      %dma_wait3A_1853 = arith.constant 0 : i32
      %dma_wait3A_1854 = arith.constant 0 : i32
      %dma_wait3A_1855 = tpu.memref_slice %arg3[%dma_wait3A_1853, %dma_wait3A_1854] : memref<1000000x16xf32, #tpu.memory_space<hbm>> -> memref<1000000x16xf32, #tpu.memory_space<hbm>>
      tpu.wait_indirect_dma semaphore(%arg12 : memref<!tpu.dma_semaphore, #tpu.memory_space<semaphore_mem>>) src(%dma_wait3A_1855 : memref<1000000x16xf32, #tpu.memory_space<hbm>>) dst(%dma_wait3A_1849 : memref<128x16xf32, #tpu.memory_space<vmem>>)
      %dma_wait3A_1856 = arith.constant 2 : i32
      %dma_wait3A_1857 = arith.constant 256 : i32
      %dma_wait3A_1858 = arith.constant 0 : i32
      %dma_wait3A_1859 = tpu.memref_slice %arg8[%dma_wait3A_1857, %dma_wait3A_1858] : memref<1024x16xf32, #tpu.memory_space<vmem>> -> memref<128x16xf32, #tpu.memory_space<vmem>>
      %dma_wait3A_1860 = arith.constant 0 : i32
      %dma_wait3A_1861 = tpu.memref_slice %arg6[%dma_wait3A_1856, %dma_wait3A_1860] : memref<8x128xi32, #tpu.memory_space<vmem>> -> memref<1x128xi32, #tpu.memory_space<vmem>>
      %dma_wait3A_1862 = tpu.memref_squeeze %dma_wait3A_1861 : memref<1x128xi32, #tpu.memory_space<vmem>> -> memref<128xi32, #tpu.memory_space<vmem>>
      %dma_wait3A_1863 = arith.constant 0 : i32
      %dma_wait3A_1864 = arith.constant 0 : i32
      %dma_wait3A_1865 = tpu.memref_slice %arg3[%dma_wait3A_1863, %dma_wait3A_1864] : memref<1000000x16xf32, #tpu.memory_space<hbm>> -> memref<1000000x16xf32, #tpu.memory_space<hbm>>
      tpu.wait_indirect_dma semaphore(%arg12 : memref<!tpu.dma_semaphore, #tpu.memory_space<semaphore_mem>>) src(%dma_wait3A_1865 : memref<1000000x16xf32, #tpu.memory_space<hbm>>) dst(%dma_wait3A_1859 : memref<128x16xf32, #tpu.memory_space<vmem>>)
      %dma_wait3A_1866 = arith.constant 3 : i32
      %dma_wait3A_1867 = arith.constant 384 : i32
      %dma_wait3A_1868 = arith.constant 0 : i32
      %dma_wait3A_1869 = tpu.memref_slice %arg8[%dma_wait3A_1867, %dma_wait3A_1868] : memref<1024x16xf32, #tpu.memory_space<vmem>> -> memref<128x16xf32, #tpu.memory_space<vmem>>
      %dma_wait3A_1870 = arith.constant 0 : i32
      %dma_wait3A_1871 = tpu.memref_slice %arg6[%dma_wait3A_1866, %dma_wait3A_1870] : memref<8x128xi32, #tpu.memory_space<vmem>> -> memref<1x128xi32, #tpu.memory_space<vmem>>
      %dma_wait3A_1872 = tpu.memref_squeeze %dma_wait3A_1871 : memref<1x128xi32, #tpu.memory_space<vmem>> -> memref<128xi32, #tpu.memory_space<vmem>>
      %dma_wait3A_1873 = arith.constant 0 : i32
      %dma_wait3A_1874 = arith.constant 0 : i32
      %dma_wait3A_1875 = tpu.memref_slice %arg3[%dma_wait3A_1873, %dma_wait3A_1874] : memref<1000000x16xf32, #tpu.memory_space<hbm>> -> memref<1000000x16xf32, #tpu.memory_space<hbm>>
      tpu.wait_indirect_dma semaphore(%arg12 : memref<!tpu.dma_semaphore, #tpu.memory_space<semaphore_mem>>) src(%dma_wait3A_1875 : memref<1000000x16xf32, #tpu.memory_space<hbm>>) dst(%dma_wait3A_1869 : memref<128x16xf32, #tpu.memory_space<vmem>>)
      %dma_wait3A_1876 = arith.constant 4 : i32
      %dma_wait3A_1877 = arith.constant 512 : i32
      %dma_wait3A_1878 = arith.constant 0 : i32
      %dma_wait3A_1879 = tpu.memref_slice %arg8[%dma_wait3A_1877, %dma_wait3A_1878] : memref<1024x16xf32, #tpu.memory_space<vmem>> -> memref<128x16xf32, #tpu.memory_space<vmem>>
      %dma_wait3A_1880 = arith.constant 0 : i32
      %dma_wait3A_1881 = tpu.memref_slice %arg6[%dma_wait3A_1876, %dma_wait3A_1880] : memref<8x128xi32, #tpu.memory_space<vmem>> -> memref<1x128xi32, #tpu.memory_space<vmem>>
      %dma_wait3A_1882 = tpu.memref_squeeze %dma_wait3A_1881 : memref<1x128xi32, #tpu.memory_space<vmem>> -> memref<128xi32, #tpu.memory_space<vmem>>
      %dma_wait3A_1883 = arith.constant 0 : i32
      %dma_wait3A_1884 = arith.constant 0 : i32
      %dma_wait3A_1885 = tpu.memref_slice %arg3[%dma_wait3A_1883, %dma_wait3A_1884] : memref<1000000x16xf32, #tpu.memory_space<hbm>> -> memref<1000000x16xf32, #tpu.memory_space<hbm>>
      tpu.wait_indirect_dma semaphore(%arg12 : memref<!tpu.dma_semaphore, #tpu.memory_space<semaphore_mem>>) src(%dma_wait3A_1885 : memref<1000000x16xf32, #tpu.memory_space<hbm>>) dst(%dma_wait3A_1879 : memref<128x16xf32, #tpu.memory_space<vmem>>)
      %dma_wait3A_1886 = arith.constant 5 : i32
      %dma_wait3A_1887 = arith.constant 640 : i32
      %dma_wait3A_1888 = arith.constant 0 : i32
      %dma_wait3A_1889 = tpu.memref_slice %arg8[%dma_wait3A_1887, %dma_wait3A_1888] : memref<1024x16xf32, #tpu.memory_space<vmem>> -> memref<128x16xf32, #tpu.memory_space<vmem>>
      %dma_wait3A_1890 = arith.constant 0 : i32
      %dma_wait3A_1891 = tpu.memref_slice %arg6[%dma_wait3A_1886, %dma_wait3A_1890] : memref<8x128xi32, #tpu.memory_space<vmem>> -> memref<1x128xi32, #tpu.memory_space<vmem>>
      %dma_wait3A_1892 = tpu.memref_squeeze %dma_wait3A_1891 : memref<1x128xi32, #tpu.memory_space<vmem>> -> memref<128xi32, #tpu.memory_space<vmem>>
      %dma_wait3A_1893 = arith.constant 0 : i32
      %dma_wait3A_1894 = arith.constant 0 : i32
      %dma_wait3A_1895 = tpu.memref_slice %arg3[%dma_wait3A_1893, %dma_wait3A_1894] : memref<1000000x16xf32, #tpu.memory_space<hbm>> -> memref<1000000x16xf32, #tpu.memory_space<hbm>>
      tpu.wait_indirect_dma semaphore(%arg12 : memref<!tpu.dma_semaphore, #tpu.memory_space<semaphore_mem>>) src(%dma_wait3A_1895 : memref<1000000x16xf32, #tpu.memory_space<hbm>>) dst(%dma_wait3A_1889 : memref<128x16xf32, #tpu.memory_space<vmem>>)
      %dma_wait3A_1896 = arith.constant 6 : i32
      %dma_wait3A_1897 = arith.constant 768 : i32
      %dma_wait3A_1898 = arith.constant 0 : i32
      %dma_wait3A_1899 = tpu.memref_slice %arg8[%dma_wait3A_1897, %dma_wait3A_1898] : memref<1024x16xf32, #tpu.memory_space<vmem>> -> memref<128x16xf32, #tpu.memory_space<vmem>>
      %dma_wait3A_1900 = arith.constant 0 : i32
      %dma_wait3A_1901 = tpu.memref_slice %arg6[%dma_wait3A_1896, %dma_wait3A_1900] : memref<8x128xi32, #tpu.memory_space<vmem>> -> memref<1x128xi32, #tpu.memory_space<vmem>>
      %dma_wait3A_1902 = tpu.memref_squeeze %dma_wait3A_1901 : memref<1x128xi32, #tpu.memory_space<vmem>> -> memref<128xi32, #tpu.memory_space<vmem>>
      %dma_wait3A_1903 = arith.constant 0 : i32
      %dma_wait3A_1904 = arith.constant 0 : i32
      %dma_wait3A_1905 = tpu.memref_slice %arg3[%dma_wait3A_1903, %dma_wait3A_1904] : memref<1000000x16xf32, #tpu.memory_space<hbm>> -> memref<1000000x16xf32, #tpu.memory_space<hbm>>
      tpu.wait_indirect_dma semaphore(%arg12 : memref<!tpu.dma_semaphore, #tpu.memory_space<semaphore_mem>>) src(%dma_wait3A_1905 : memref<1000000x16xf32, #tpu.memory_space<hbm>>) dst(%dma_wait3A_1899 : memref<128x16xf32, #tpu.memory_space<vmem>>)
      %dma_wait3A_1906 = arith.constant 7 : i32
      %dma_wait3A_1907 = arith.constant 896 : i32
      %dma_wait3A_1908 = arith.constant 0 : i32
      %dma_wait3A_1909 = tpu.memref_slice %arg8[%dma_wait3A_1907, %dma_wait3A_1908] : memref<1024x16xf32, #tpu.memory_space<vmem>> -> memref<128x16xf32, #tpu.memory_space<vmem>>
      %dma_wait3A_1910 = arith.constant 0 : i32
      %dma_wait3A_1911 = tpu.memref_slice %arg6[%dma_wait3A_1906, %dma_wait3A_1910] : memref<8x128xi32, #tpu.memory_space<vmem>> -> memref<1x128xi32, #tpu.memory_space<vmem>>
      %dma_wait3A_1912 = tpu.memref_squeeze %dma_wait3A_1911 : memref<1x128xi32, #tpu.memory_space<vmem>> -> memref<128xi32, #tpu.memory_space<vmem>>
      %dma_wait3A_1913 = arith.constant 0 : i32
      %dma_wait3A_1914 = arith.constant 0 : i32
      %dma_wait3A_1915 = tpu.memref_slice %arg3[%dma_wait3A_1913, %dma_wait3A_1914] : memref<1000000x16xf32, #tpu.memory_space<hbm>> -> memref<1000000x16xf32, #tpu.memory_space<hbm>>
      tpu.wait_indirect_dma semaphore(%arg12 : memref<!tpu.dma_semaphore, #tpu.memory_space<semaphore_mem>>) src(%dma_wait3A_1915 : memref<1000000x16xf32, #tpu.memory_space<hbm>>) dst(%dma_wait3A_1909 : memref<128x16xf32, #tpu.memory_space<vmem>>)
      %add3A_1916 = arith.addi %mul3A_2, %add3A_1835 : i32
      %add3A_1917 = arith.constant 2 : i32
      %add3A_1918 = arith.addi %add3A_1916, %add3A_1917 : i32
      %jit3A_1919 = arith.constant 128 : i32
      %div3A_1920 = arith.divsi %add3A_1918, %jit3A_1919 : i32
      %sign3A_1921 = arith.constant 0 : i32
      %sign3A_1922 = arith.cmpi sgt, %add3A_1918, %sign3A_1921 : i32
      %sign3A_1923 = arith.extui %sign3A_1922 : i1 to i32
      %sign3A_1924 = arith.constant 0 : i32
      %sign3A_1925 = arith.cmpi slt, %add3A_1918, %sign3A_1924 : i32
      %sign3A_1926 = arith.extui %sign3A_1925 : i1 to i32
      %sign3A_1927 = arith.subi %sign3A_1923, %sign3A_1926 : i32
      %sign3A_1928 = arith.constant 0 : i32
      %sign3A_1929 = arith.cmpi sgt, %jit3A_1919, %sign3A_1928 : i32
      %sign3A_1930 = arith.extui %sign3A_1929 : i1 to i32
      %sign3A_1931 = arith.constant 0 : i32
      %sign3A_1932 = arith.cmpi slt, %jit3A_1919, %sign3A_1931 : i32
      %sign3A_1933 = arith.extui %sign3A_1932 : i1 to i32
      %sign3A_1934 = arith.subi %sign3A_1930, %sign3A_1933 : i32
      %ne3A_1935 = arith.cmpi ne, %sign3A_1927, %sign3A_1934 : i32
      %rem3A_1936 = arith.remsi %add3A_1918, %jit3A_1919 : i32
      %ne3A_1937 = arith.constant 0 : i32
      %ne3A_1938 = arith.cmpi ne, %rem3A_1936, %ne3A_1937 : i32
      %and3A_1939 = arith.andi %ne3A_1935, %ne3A_1938 : i1
      %sub3A_1940 = arith.constant 1 : i32
      %sub3A_1941 = arith.subi %div3A_1920, %sub3A_1940 : i32
      %select_n3A_1942 = arith.select %and3A_1939, %sub3A_1941, %div3A_1920 : i32
      %jit3A_1943 = arith.constant 128 : i32
      %eq3A_1944 = arith.constant 0 : i32
      %eq3A_1945 = arith.cmpi eq, %jit3A_1943, %eq3A_1944 : i32
      %jit3A_1946 = arith.constant 1 : i32
      %select_n3A_1947 = arith.select %eq3A_1945, %jit3A_1946, %jit3A_1943 : i32
      %rem3A_1948 = arith.remsi %add3A_1918, %select_n3A_1947 : i32
      %ne3A_1949 = arith.constant 0 : i32
      %ne3A_1950 = arith.cmpi ne, %rem3A_1948, %ne3A_1949 : i32
      %lt3A_1951 = arith.constant 0 : i32
      %lt3A_1952 = arith.cmpi slt, %rem3A_1948, %lt3A_1951 : i32
      %lt3A_1953 = arith.constant 0 : i32
      %lt3A_1954 = arith.cmpi slt, %select_n3A_1947, %lt3A_1953 : i32
      %ne3A_1955 = arith.xori %lt3A_1952, %lt3A_1954 : i1
      %and3A_1956 = arith.andi %ne3A_1955, %ne3A_1950 : i1
      %add3A_1957 = arith.addi %rem3A_1948, %select_n3A_1947 : i32
      %select_n3A_1958 = arith.select %and3A_1956, %add3A_1957, %rem3A_1948 : i32
      %dma_start3A_1959 = arith.constant 0 : i32
      %dma_start3A_1960 = arith.constant 0 : i32
      %dma_start3A_1961 = tpu.memref_slice %arg2[%select_n3A_1942, %select_n3A_1958, %dma_start3A_1959, %dma_start3A_1960] : memref<25x128x8x128xi32, #tpu.memory_space<hbm>> -> memref<1x1x8x128xi32, #tpu.memory_space<hbm>>
      %dma_start3A_1962 = tpu.memref_squeeze %dma_start3A_1961 : memref<1x1x8x128xi32, #tpu.memory_space<hbm>> -> memref<8x128xi32, #tpu.memory_space<hbm>>
      %dma_start3A_1963 = arith.constant 0 : i32
      %dma_start3A_1964 = arith.constant 0 : i32
      %dma_start3A_1965 = tpu.memref_slice %arg2[%select_n3A_1942, %select_n3A_1958, %dma_start3A_1963, %dma_start3A_1964] : memref<25x128x8x128xi32, #tpu.memory_space<hbm>> -> memref<1x1x8x128xi32, #tpu.memory_space<hbm>>
      %dma_start3A_1966 = tpu.memref_squeeze %dma_start3A_1965 : memref<1x1x8x128xi32, #tpu.memory_space<hbm>> -> memref<8x128xi32, #tpu.memory_space<hbm>>
      tpu.enqueue_dma source(%dma_start3A_1966 : memref<8x128xi32, #tpu.memory_space<hbm>>) target(%arg6 : memref<8x128xi32, #tpu.memory_space<vmem>>) target_semaphore(%arg16 : memref<!tpu.dma_semaphore, #tpu.memory_space<semaphore_mem>>)
      %dma_wait3A_1967 = arith.constant 0 : i32
      %dma_wait3A_1968 = arith.constant 0 : i32
      %dma_wait3A_1969 = arith.constant 0 : i32
      %dma_wait3A_1970 = arith.constant 0 : i32
      %dma_wait3A_1971 = arith.constant 0 : i32
      %dma_wait3A_1972 = arith.constant 0 : i32
      %dma_wait3A_1973 = tpu.memref_slice %arg10[%dma_wait3A_1967, %dma_wait3A_1970, %dma_wait3A_1971, %dma_wait3A_1972] : memref<2x9x8x129xf32, #tpu.memory_space<vmem>> -> memref<1x8x8x128xf32, #tpu.memory_space<vmem>>
      %dma_wait3A_1974 = tpu.memref_squeeze %dma_wait3A_1973 : memref<1x8x8x128xf32, #tpu.memory_space<vmem>> -> memref<8x8x128xf32, #tpu.memory_space<vmem>>
      %dma_wait3A_1975 = arith.constant 0 : i32
      %dma_wait3A_1976 = arith.constant 0 : i32
      %dma_wait3A_1977 = arith.constant 0 : i32
      %dma_wait3A_1978 = tpu.memref_slice %arg4[%dma_wait3A_1975, %dma_wait3A_1968, %dma_wait3A_1969, %dma_wait3A_1976, %dma_wait3A_1977] : memref<200x2x128x8x128xf32, #tpu.memory_space<hbm>> -> memref<8x1x1x8x128xf32, #tpu.memory_space<hbm>>
      %dma_wait3A_1979 = tpu.memref_squeeze %dma_wait3A_1978 : memref<8x1x1x8x128xf32, #tpu.memory_space<hbm>> -> memref<8x8x128xf32, #tpu.memory_space<hbm>>
      %dma_wait3A_1980 = arith.constant 0 : i32
      %dma_wait3A_1981 = arith.constant 0 : i32
      %dma_wait3A_1982 = arith.constant 0 : i32
      %dma_wait3A_1983 = tpu.memref_slice %arg4[%dma_wait3A_1980, %dma_wait3A_1968, %dma_wait3A_1969, %dma_wait3A_1981, %dma_wait3A_1982] : memref<200x2x128x8x128xf32, #tpu.memory_space<hbm>> -> memref<8x1x1x8x128xf32, #tpu.memory_space<hbm>>
      %dma_wait3A_1984 = tpu.memref_squeeze %dma_wait3A_1983 : memref<8x1x1x8x128xf32, #tpu.memory_space<hbm>> -> memref<8x8x128xf32, #tpu.memory_space<hbm>>
      %dma_wait3A_1985 = arith.constant 0 : i32
      %dma_wait3A_1986 = arith.constant 0 : i32
      %dma_wait3A_1987 = arith.constant 0 : i32
      %dma_wait3A_1988 = tpu.memref_slice %arg10[%dma_wait3A_1967, %dma_wait3A_1985, %dma_wait3A_1986, %dma_wait3A_1987] : memref<2x9x8x129xf32, #tpu.memory_space<vmem>> -> memref<1x8x8x128xf32, #tpu.memory_space<vmem>>
      %dma_wait3A_1989 = tpu.memref_squeeze %dma_wait3A_1988 : memref<1x8x8x128xf32, #tpu.memory_space<vmem>> -> memref<8x8x128xf32, #tpu.memory_space<vmem>>
      tpu.wait_dma2 semaphore(%arg14 : memref<!tpu.dma_semaphore, #tpu.memory_space<semaphore_mem>>) src(%dma_wait3A_1989 : memref<8x8x128xf32, #tpu.memory_space<vmem>>) dst(%dma_wait3A_1984 : memref<8x8x128xf32, #tpu.memory_space<hbm>>)
      %dma_wait3A_1990 = arith.constant 1 : i32
      %dma_wait3A_1991 = arith.constant 1 : i32
      %dma_wait3A_1992 = arith.constant 0 : i32
      %dma_wait3A_1993 = arith.constant 0 : i32
      %dma_wait3A_1994 = arith.constant 0 : i32
      %dma_wait3A_1995 = arith.constant 0 : i32
      %dma_wait3A_1996 = tpu.memref_slice %arg10[%dma_wait3A_1990, %dma_wait3A_1993, %dma_wait3A_1994, %dma_wait3A_1995] : memref<2x9x8x129xf32, #tpu.memory_space<vmem>> -> memref<1x8x8x128xf32, #tpu.memory_space<vmem>>
      %dma_wait3A_1997 = tpu.memref_squeeze %dma_wait3A_1996 : memref<1x8x8x128xf32, #tpu.memory_space<vmem>> -> memref<8x8x128xf32, #tpu.memory_space<vmem>>
      %dma_wait3A_1998 = arith.constant 0 : i32
      %dma_wait3A_1999 = arith.constant 0 : i32
      %dma_wait3A_2000 = arith.constant 0 : i32
      %dma_wait3A_2001 = tpu.memref_slice %arg4[%dma_wait3A_1998, %dma_wait3A_1991, %dma_wait3A_1992, %dma_wait3A_1999, %dma_wait3A_2000] : memref<200x2x128x8x128xf32, #tpu.memory_space<hbm>> -> memref<8x1x1x8x128xf32, #tpu.memory_space<hbm>>
      %dma_wait3A_2002 = tpu.memref_squeeze %dma_wait3A_2001 : memref<8x1x1x8x128xf32, #tpu.memory_space<hbm>> -> memref<8x8x128xf32, #tpu.memory_space<hbm>>
      %dma_wait3A_2003 = arith.constant 0 : i32
      %dma_wait3A_2004 = arith.constant 0 : i32
      %dma_wait3A_2005 = arith.constant 0 : i32
      %dma_wait3A_2006 = tpu.memref_slice %arg4[%dma_wait3A_2003, %dma_wait3A_1991, %dma_wait3A_1992, %dma_wait3A_2004, %dma_wait3A_2005] : memref<200x2x128x8x128xf32, #tpu.memory_space<hbm>> -> memref<8x1x1x8x128xf32, #tpu.memory_space<hbm>>
      %dma_wait3A_2007 = tpu.memref_squeeze %dma_wait3A_2006 : memref<8x1x1x8x128xf32, #tpu.memory_space<hbm>> -> memref<8x8x128xf32, #tpu.memory_space<hbm>>
      %dma_wait3A_2008 = arith.constant 0 : i32
      %dma_wait3A_2009 = arith.constant 0 : i32
      %dma_wait3A_2010 = arith.constant 0 : i32
      %dma_wait3A_2011 = tpu.memref_slice %arg10[%dma_wait3A_1990, %dma_wait3A_2008, %dma_wait3A_2009, %dma_wait3A_2010] : memref<2x9x8x129xf32, #tpu.memory_space<vmem>> -> memref<1x8x8x128xf32, #tpu.memory_space<vmem>>
      %dma_wait3A_2012 = tpu.memref_squeeze %dma_wait3A_2011 : memref<1x8x8x128xf32, #tpu.memory_space<vmem>> -> memref<8x8x128xf32, #tpu.memory_space<vmem>>
      tpu.wait_dma2 semaphore(%arg14 : memref<!tpu.dma_semaphore, #tpu.memory_space<semaphore_mem>>) src(%dma_wait3A_2012 : memref<8x8x128xf32, #tpu.memory_space<vmem>>) dst(%dma_wait3A_2007 : memref<8x8x128xf32, #tpu.memory_space<hbm>>)
      %parallel_loop3A_2013 = arith.constant 0 : i32
      %parallel_loop3A_2014 = arith.constant 1024 : i32
      %parallel_loop3A_2015 = arith.constant 8 : i32
      scf.for %parallel_loop3A_2191 = %parallel_loop3A_2013 to %parallel_loop3A_2014 step %parallel_loop3A_2015  : i32 {
        %parallel_loop3A_2192 = arith.constant 128 : i32
        %parallel_loop3A_2193 = arith.divsi %parallel_loop3A_2191, %parallel_loop3A_2192 : i32
        %parallel_loop3A_2194 = arith.constant 0 : i32
        %parallel_loop3A_2195 = arith.cmpi sgt, %parallel_loop3A_2191, %parallel_loop3A_2194 : i32
        %parallel_loop3A_2196 = arith.extui %parallel_loop3A_2195 : i1 to i32
        %parallel_loop3A_2197 = arith.constant 0 : i32
        %parallel_loop3A_2198 = arith.cmpi slt, %parallel_loop3A_2191, %parallel_loop3A_2197 : i32
        %parallel_loop3A_2199 = arith.extui %parallel_loop3A_2198 : i1 to i32
        %parallel_loop3A_2200 = arith.subi %parallel_loop3A_2196, %parallel_loop3A_2199 : i32
        %parallel_loop3A_2201 = arith.constant 0 : i32
        %parallel_loop3A_2202 = arith.cmpi sgt, %parallel_loop3A_2192, %parallel_loop3A_2201 : i32
        %parallel_loop3A_2203 = arith.extui %parallel_loop3A_2202 : i1 to i32
        %parallel_loop3A_2204 = arith.constant 0 : i32
        %parallel_loop3A_2205 = arith.cmpi slt, %parallel_loop3A_2192, %parallel_loop3A_2204 : i32
        %parallel_loop3A_2206 = arith.extui %parallel_loop3A_2205 : i1 to i32
        %parallel_loop3A_2207 = arith.subi %parallel_loop3A_2203, %parallel_loop3A_2206 : i32
        %parallel_loop3A_2208 = arith.cmpi ne, %parallel_loop3A_2200, %parallel_loop3A_2207 : i32
        %parallel_loop3A_2209 = arith.remsi %parallel_loop3A_2191, %parallel_loop3A_2192 : i32
        %parallel_loop3A_2210 = arith.constant 0 : i32
        %parallel_loop3A_2211 = arith.cmpi ne, %parallel_loop3A_2209, %parallel_loop3A_2210 : i32
        %parallel_loop3A_2212 = arith.andi %parallel_loop3A_2208, %parallel_loop3A_2211 : i1
        %parallel_loop3A_2213 = arith.constant 1 : i32
        %parallel_loop3A_2214 = arith.subi %parallel_loop3A_2193, %parallel_loop3A_2213 : i32
        %parallel_loop3A_2215 = arith.select %parallel_loop3A_2212, %parallel_loop3A_2214, %parallel_loop3A_2193 : i32
        %parallel_loop3A_2216 = arith.constant 0 : i32
        %parallel_loop3A_2217 = vector.broadcast %parallel_loop3A_2216 : i32 to vector<16xi32>
        %parallel_loop3A_2218 = vector.broadcast %parallel_loop3A_2215 : i32 to vector<16xi32>
        %parallel_loop3A_2219 = arith.addi %parallel_loop3A_2217, %parallel_loop3A_2218 : vector<16xi32>
        %parallel_loop3A_2220 = arith.constant 128 : i32
        %parallel_loop3A_2221 = arith.constant 0 : i32
        %parallel_loop3A_2222 = arith.cmpi eq, %parallel_loop3A_2220, %parallel_loop3A_2221 : i32
        %parallel_loop3A_2223 = arith.constant 1 : i32
        %parallel_loop3A_2224 = arith.select %parallel_loop3A_2222, %parallel_loop3A_2223, %parallel_loop3A_2220 : i32
        %parallel_loop3A_2225 = arith.remsi %parallel_loop3A_2191, %parallel_loop3A_2224 : i32
        %parallel_loop3A_2226 = arith.constant 0 : i32
        %parallel_loop3A_2227 = arith.cmpi ne, %parallel_loop3A_2225, %parallel_loop3A_2226 : i32
        %parallel_loop3A_2228 = arith.constant 0 : i32
        %parallel_loop3A_2229 = arith.cmpi slt, %parallel_loop3A_2225, %parallel_loop3A_2228 : i32
        %parallel_loop3A_2230 = arith.constant 0 : i32
        %parallel_loop3A_2231 = arith.cmpi slt, %parallel_loop3A_2224, %parallel_loop3A_2230 : i32
        %parallel_loop3A_2232 = arith.xori %parallel_loop3A_2229, %parallel_loop3A_2231 : i1
        %parallel_loop3A_2233 = arith.andi %parallel_loop3A_2232, %parallel_loop3A_2227 : i1
        %parallel_loop3A_2234 = arith.addi %parallel_loop3A_2225, %parallel_loop3A_2224 : i32
        %parallel_loop3A_2235 = arith.select %parallel_loop3A_2233, %parallel_loop3A_2234, %parallel_loop3A_2225 : i32
        %parallel_loop3A_2236 = arith.constant 0 : i32
        %parallel_loop3A_2237 = vector.broadcast %parallel_loop3A_2236 : i32 to vector<16xi32>
        %parallel_loop3A_2238 = vector.broadcast %parallel_loop3A_2235 : i32 to vector<16xi32>
        %parallel_loop3A_2239 = arith.addi %parallel_loop3A_2237, %parallel_loop3A_2238 : vector<16xi32>
        %parallel_loop3A_2240 = arith.constant 0 : i32
        %parallel_loop3A_2241 = arith.addi %parallel_loop3A_2191, %parallel_loop3A_2240 : i32
        %parallel_loop3A_2242 = arith.index_cast %parallel_loop3A_2241 : i32 to index
        %parallel_loop3A_2243 = arith.constant 0 : index
        %parallel_loop3A_2244 = tpu.vector_load %arg8[%parallel_loop3A_2242, %parallel_loop3A_2243] {strides = array<i32>} : memref<1024x16xf32, #tpu.memory_space<vmem>>, vector<16xf32>,
        %parallel_loop3A_2245 = arith.constant 0 : i32
        %parallel_loop3A_2246 = vector.broadcast %parallel_loop3A_2245 : i32 to vector<16xi32>
        %parallel_loop3A_2247 = arith.addi %parallel_loop3A_2239, %parallel_loop3A_2246 : vector<16xi32>
        tpu.vector_store_idx %arg10[%select_n3A, %parallel_loop3A_2219, %select_n3A_45, %parallel_loop3A_2247], %parallel_loop3A_2244 : memref<2x9x8x129xf32, #tpu.memory_space<vmem>>[vector<16xi32>, vector<16xi32>, vector<16xi32>, vector<16xi32>], vector<16xf32>,
        %parallel_loop3A_2248 = arith.constant 1 : i32
        %parallel_loop3A_2249 = arith.addi %parallel_loop3A_2191, %parallel_loop3A_2248 : i32
        %parallel_loop3A_2250 = arith.index_cast %parallel_loop3A_2249 : i32 to index
        %parallel_loop3A_2251 = arith.constant 0 : index
        %parallel_loop3A_2252 = tpu.vector_load %arg8[%parallel_loop3A_2250, %parallel_loop3A_2251] {strides = array<i32>} : memref<1024x16xf32, #tpu.memory_space<vmem>>, vector<16xf32>,
        %parallel_loop3A_2253 = arith.constant 1 : i32
        %parallel_loop3A_2254 = vector.broadcast %parallel_loop3A_2253 : i32 to vector<16xi32>
        %parallel_loop3A_2255 = arith.addi %parallel_loop3A_2239, %parallel_loop3A_2254 : vector<16xi32>
        tpu.vector_store_idx %arg10[%select_n3A, %parallel_loop3A_2219, %select_n3A_45, %parallel_loop3A_2255], %parallel_loop3A_2252 : memref<2x9x8x129xf32, #tpu.memory_space<vmem>>[vector<16xi32>, vector<16xi32>, vector<16xi32>, vector<16xi32>], vector<16xf32>,
        %parallel_loop3A_2256 = arith.constant 2 : i32
        %parallel_loop3A_2257 = arith.addi %parallel_loop3A_2191, %parallel_loop3A_2256 : i32
        %parallel_loop3A_2258 = arith.index_cast %parallel_loop3A_2257 : i32 to index
        %parallel_loop3A_2259 = arith.constant 0 : index
        %parallel_loop3A_2260 = tpu.vector_load %arg8[%parallel_loop3A_2258, %parallel_loop3A_2259] {strides = array<i32>} : memref<1024x16xf32, #tpu.memory_space<vmem>>, vector<16xf32>,
        %parallel_loop3A_2261 = arith.constant 2 : i32
        %parallel_loop3A_2262 = vector.broadcast %parallel_loop3A_2261 : i32 to vector<16xi32>
        %parallel_loop3A_2263 = arith.addi %parallel_loop3A_2239, %parallel_loop3A_2262 : vector<16xi32>
        tpu.vector_store_idx %arg10[%select_n3A, %parallel_loop3A_2219, %select_n3A_45, %parallel_loop3A_2263], %parallel_loop3A_2260 : memref<2x9x8x129xf32, #tpu.memory_space<vmem>>[vector<16xi32>, vector<16xi32>, vector<16xi32>, vector<16xi32>], vector<16xf32>,
        %parallel_loop3A_2264 = arith.constant 3 : i32
        %parallel_loop3A_2265 = arith.addi %parallel_loop3A_2191, %parallel_loop3A_2264 : i32
        %parallel_loop3A_2266 = arith.index_cast %parallel_loop3A_2265 : i32 to index
        %parallel_loop3A_2267 = arith.constant 0 : index
        %parallel_loop3A_2268 = tpu.vector_load %arg8[%parallel_loop3A_2266, %parallel_loop3A_2267] {strides = array<i32>} : memref<1024x16xf32, #tpu.memory_space<vmem>>, vector<16xf32>,
        %parallel_loop3A_2269 = arith.constant 3 : i32
        %parallel_loop3A_2270 = vector.broadcast %parallel_loop3A_2269 : i32 to vector<16xi32>
        %parallel_loop3A_2271 = arith.addi %parallel_loop3A_2239, %parallel_loop3A_2270 : vector<16xi32>
        tpu.vector_store_idx %arg10[%select_n3A, %parallel_loop3A_2219, %select_n3A_45, %parallel_loop3A_2271], %parallel_loop3A_2268 : memref<2x9x8x129xf32, #tpu.memory_space<vmem>>[vector<16xi32>, vector<16xi32>, vector<16xi32>, vector<16xi32>], vector<16xf32>,
        %parallel_loop3A_2272 = arith.constant 4 : i32
        %parallel_loop3A_2273 = arith.addi %parallel_loop3A_2191, %parallel_loop3A_2272 : i32
        %parallel_loop3A_2274 = arith.index_cast %parallel_loop3A_2273 : i32 to index
        %parallel_loop3A_2275 = arith.constant 0 : index
        %parallel_loop3A_2276 = tpu.vector_load %arg8[%parallel_loop3A_2274, %parallel_loop3A_2275] {strides = array<i32>} : memref<1024x16xf32, #tpu.memory_space<vmem>>, vector<16xf32>,
        %parallel_loop3A_2277 = arith.constant 4 : i32
        %parallel_loop3A_2278 = vector.broadcast %parallel_loop3A_2277 : i32 to vector<16xi32>
        %parallel_loop3A_2279 = arith.addi %parallel_loop3A_2239, %parallel_loop3A_2278 : vector<16xi32>
        tpu.vector_store_idx %arg10[%select_n3A, %parallel_loop3A_2219, %select_n3A_45, %parallel_loop3A_2279], %parallel_loop3A_2276 : memref<2x9x8x129xf32, #tpu.memory_space<vmem>>[vector<16xi32>, vector<16xi32>, vector<16xi32>, vector<16xi32>], vector<16xf32>,
        %parallel_loop3A_2280 = arith.constant 5 : i32
        %parallel_loop3A_2281 = arith.addi %parallel_loop3A_2191, %parallel_loop3A_2280 : i32
        %parallel_loop3A_2282 = arith.index_cast %parallel_loop3A_2281 : i32 to index
        %parallel_loop3A_2283 = arith.constant 0 : index
        %parallel_loop3A_2284 = tpu.vector_load %arg8[%parallel_loop3A_2282, %parallel_loop3A_2283] {strides = array<i32>} : memref<1024x16xf32, #tpu.memory_space<vmem>>, vector<16xf32>,
        %parallel_loop3A_2285 = arith.constant 5 : i32
        %parallel_loop3A_2286 = vector.broadcast %parallel_loop3A_2285 : i32 to vector<16xi32>
        %parallel_loop3A_2287 = arith.addi %parallel_loop3A_2239, %parallel_loop3A_2286 : vector<16xi32>
        tpu.vector_store_idx %arg10[%select_n3A, %parallel_loop3A_2219, %select_n3A_45, %parallel_loop3A_2287], %parallel_loop3A_2284 : memref<2x9x8x129xf32, #tpu.memory_space<vmem>>[vector<16xi32>, vector<16xi32>, vector<16xi32>, vector<16xi32>], vector<16xf32>,
        %parallel_loop3A_2288 = arith.constant 6 : i32
        %parallel_loop3A_2289 = arith.addi %parallel_loop3A_2191, %parallel_loop3A_2288 : i32
        %parallel_loop3A_2290 = arith.index_cast %parallel_loop3A_2289 : i32 to index
        %parallel_loop3A_2291 = arith.constant 0 : index
        %parallel_loop3A_2292 = tpu.vector_load %arg8[%parallel_loop3A_2290, %parallel_loop3A_2291] {strides = array<i32>} : memref<1024x16xf32, #tpu.memory_space<vmem>>, vector<16xf32>,
        %parallel_loop3A_2293 = arith.constant 6 : i32
        %parallel_loop3A_2294 = vector.broadcast %parallel_loop3A_2293 : i32 to vector<16xi32>
        %parallel_loop3A_2295 = arith.addi %parallel_loop3A_2239, %parallel_loop3A_2294 : vector<16xi32>
        tpu.vector_store_idx %arg10[%select_n3A, %parallel_loop3A_2219, %select_n3A_45, %parallel_loop3A_2295], %parallel_loop3A_2292 : memref<2x9x8x129xf32, #tpu.memory_space<vmem>>[vector<16xi32>, vector<16xi32>, vector<16xi32>, vector<16xi32>], vector<16xf32>,
        %parallel_loop3A_2296 = arith.constant 7 : i32
        %parallel_loop3A_2297 = arith.addi %parallel_loop3A_2191, %parallel_loop3A_2296 : i32
        %parallel_loop3A_2298 = arith.index_cast %parallel_loop3A_2297 : i32 to index
        %parallel_loop3A_2299 = arith.constant 0 : index
        %parallel_loop3A_2300 = tpu.vector_load %arg8[%parallel_loop3A_2298, %parallel_loop3A_2299] {strides = array<i32>} : memref<1024x16xf32, #tpu.memory_space<vmem>>, vector<16xf32>,
        %parallel_loop3A_2301 = arith.constant 7 : i32
        %parallel_loop3A_2302 = vector.broadcast %parallel_loop3A_2301 : i32 to vector<16xi32>
        %parallel_loop3A_2303 = arith.addi %parallel_loop3A_2239, %parallel_loop3A_2302 : vector<16xi32>
        tpu.vector_store_idx %arg10[%select_n3A, %parallel_loop3A_2219, %select_n3A_45, %parallel_loop3A_2303], %parallel_loop3A_2300 : memref<2x9x8x129xf32, #tpu.memory_space<vmem>>[vector<16xi32>, vector<16xi32>, vector<16xi32>, vector<16xi32>], vector<16xf32>,
      } {sc.loop_unroll_factor = 2 : i64, sc.parallel_access}
      %add3A_2016 = arith.addi %mul3A_2, %add3A_1835 : i32
      %jit3A_2017 = arith.constant 128 : i32
      %div3A_2018 = arith.divsi %add3A_2016, %jit3A_2017 : i32
      %sign3A_2019 = arith.constant 0 : i32
      %sign3A_2020 = arith.cmpi sgt, %add3A_2016, %sign3A_2019 : i32
      %sign3A_2021 = arith.extui %sign3A_2020 : i1 to i32
      %sign3A_2022 = arith.constant 0 : i32
      %sign3A_2023 = arith.cmpi slt, %add3A_2016, %sign3A_2022 : i32
      %sign3A_2024 = arith.extui %sign3A_2023 : i1 to i32
      %sign3A_2025 = arith.subi %sign3A_2021, %sign3A_2024 : i32
      %sign3A_2026 = arith.constant 0 : i32
      %sign3A_2027 = arith.cmpi sgt, %jit3A_2017, %sign3A_2026 : i32
      %sign3A_2028 = arith.extui %sign3A_2027 : i1 to i32
      %sign3A_2029 = arith.constant 0 : i32
      %sign3A_2030 = arith.cmpi slt, %jit3A_2017, %sign3A_2029 : i32
      %sign3A_2031 = arith.extui %sign3A_2030 : i1 to i32
      %sign3A_2032 = arith.subi %sign3A_2028, %sign3A_2031 : i32
      %ne3A_2033 = arith.cmpi ne, %sign3A_2025, %sign3A_2032 : i32
      %rem3A_2034 = arith.remsi %add3A_2016, %jit3A_2017 : i32
      %ne3A_2035 = arith.constant 0 : i32
      %ne3A_2036 = arith.cmpi ne, %rem3A_2034, %ne3A_2035 : i32
      %and3A_2037 = arith.andi %ne3A_2033, %ne3A_2036 : i1
      %sub3A_2038 = arith.constant 1 : i32
      %sub3A_2039 = arith.subi %div3A_2018, %sub3A_2038 : i32
      %select_n3A_2040 = arith.select %and3A_2037, %sub3A_2039, %div3A_2018 : i32
      %jit3A_2041 = arith.constant 128 : i32
      %eq3A_2042 = arith.constant 0 : i32
      %eq3A_2043 = arith.cmpi eq, %jit3A_2041, %eq3A_2042 : i32
      %jit3A_2044 = arith.constant 1 : i32
      %select_n3A_2045 = arith.select %eq3A_2043, %jit3A_2044, %jit3A_2041 : i32
      %rem3A_2046 = arith.remsi %add3A_2016, %select_n3A_2045 : i32
      %ne3A_2047 = arith.constant 0 : i32
      %ne3A_2048 = arith.cmpi ne, %rem3A_2046, %ne3A_2047 : i32
      %lt3A_2049 = arith.constant 0 : i32
      %lt3A_2050 = arith.cmpi slt, %rem3A_2046, %lt3A_2049 : i32
      %lt3A_2051 = arith.constant 0 : i32
      %lt3A_2052 = arith.cmpi slt, %select_n3A_2045, %lt3A_2051 : i32
      %ne3A_2053 = arith.xori %lt3A_2050, %lt3A_2052 : i1
      %and3A_2054 = arith.andi %ne3A_2053, %ne3A_2048 : i1
      %add3A_2055 = arith.addi %rem3A_2046, %select_n3A_2045 : i32
      %select_n3A_2056 = arith.select %and3A_2054, %add3A_2055, %rem3A_2046 : i32
      %mul3A_2057 = arith.constant 8 : i32
      %mul3A_2058 = arith.muli %select_n3A_2040, %mul3A_2057 : i32
      %dma_start3A_2059 = arith.constant 0 : i32
      %dma_start3A_2060 = arith.constant 0 : i32
      %dma_start3A_2061 = arith.constant 0 : i32
      %dma_start3A_2062 = arith.constant 0 : i32
      %dma_start3A_2063 = arith.constant 0 : i32
      %dma_start3A_2064 = tpu.memref_slice %arg10[%dma_start3A_2059, %dma_start3A_2061, %dma_start3A_2062, %dma_start3A_2063] : memref<2x9x8x129xf32, #tpu.memory_space<vmem>> -> memref<1x8x8x128xf32, #tpu.memory_space<vmem>>
      %dma_start3A_2065 = tpu.memref_squeeze %dma_start3A_2064 : memref<1x8x8x128xf32, #tpu.memory_space<vmem>> -> memref<8x8x128xf32, #tpu.memory_space<vmem>>
      %dma_start3A_2066 = arith.constant 0 : i32
      %dma_start3A_2067 = arith.constant 0 : i32
      %dma_start3A_2068 = tpu.memref_slice %arg4[%mul3A_2058, %dma_start3A_2060, %select_n3A_2056, %dma_start3A_2066, %dma_start3A_2067] : memref<200x2x128x8x128xf32, #tpu.memory_space<hbm>> -> memref<8x1x1x8x128xf32, #tpu.memory_space<hbm>>
      %dma_start3A_2069 = tpu.memref_squeeze %dma_start3A_2068 : memref<8x1x1x8x128xf32, #tpu.memory_space<hbm>> -> memref<8x8x128xf32, #tpu.memory_space<hbm>>
      %dma_start3A_2070 = arith.constant 0 : i32
      %dma_start3A_2071 = arith.constant 0 : i32
      %dma_start3A_2072 = tpu.memref_slice %arg4[%mul3A_2058, %dma_start3A_2060, %select_n3A_2056, %dma_start3A_2070, %dma_start3A_2071] : memref<200x2x128x8x128xf32, #tpu.memory_space<hbm>> -> memref<8x1x1x8x128xf32, #tpu.memory_space<hbm>>
      %dma_start3A_2073 = tpu.memref_squeeze %dma_start3A_2072 : memref<8x1x1x8x128xf32, #tpu.memory_space<hbm>> -> memref<8x8x128xf32, #tpu.memory_space<hbm>>
      %dma_start3A_2074 = arith.constant 0 : i32
      %dma_start3A_2075 = arith.constant 0 : i32
      %dma_start3A_2076 = arith.constant 0 : i32
      %dma_start3A_2077 = tpu.memref_slice %arg10[%dma_start3A_2059, %dma_start3A_2074, %dma_start3A_2075, %dma_start3A_2076] : memref<2x9x8x129xf32, #tpu.memory_space<vmem>> -> memref<1x8x8x128xf32, #tpu.memory_space<vmem>>
      %dma_start3A_2078 = tpu.memref_squeeze %dma_start3A_2077 : memref<1x8x8x128xf32, #tpu.memory_space<vmem>> -> memref<8x8x128xf32, #tpu.memory_space<vmem>>
      tpu.enqueue_dma source(%dma_start3A_2078 : memref<8x8x128xf32, #tpu.memory_space<vmem>>) target(%dma_start3A_2073 : memref<8x8x128xf32, #tpu.memory_space<hbm>>) target_semaphore(%arg14 : memref<!tpu.dma_semaphore, #tpu.memory_space<semaphore_mem>>)
      %mul3A_2079 = arith.constant 8 : i32
      %mul3A_2080 = arith.muli %select_n3A_2040, %mul3A_2079 : i32
      %dma_start3A_2081 = arith.constant 1 : i32
      %dma_start3A_2082 = arith.constant 1 : i32
      %dma_start3A_2083 = arith.constant 0 : i32
      %dma_start3A_2084 = arith.constant 0 : i32
      %dma_start3A_2085 = arith.constant 0 : i32
      %dma_start3A_2086 = tpu.memref_slice %arg10[%dma_start3A_2081, %dma_start3A_2083, %dma_start3A_2084, %dma_start3A_2085] : memref<2x9x8x129xf32, #tpu.memory_space<vmem>> -> memref<1x8x8x128xf32, #tpu.memory_space<vmem>>
      %dma_start3A_2087 = tpu.memref_squeeze %dma_start3A_2086 : memref<1x8x8x128xf32, #tpu.memory_space<vmem>> -> memref<8x8x128xf32, #tpu.memory_space<vmem>>
      %dma_start3A_2088 = arith.constant 0 : i32
      %dma_start3A_2089 = arith.constant 0 : i32
      %dma_start3A_2090 = tpu.memref_slice %arg4[%mul3A_2080, %dma_start3A_2082, %select_n3A_2056, %dma_start3A_2088, %dma_start3A_2089] : memref<200x2x128x8x128xf32, #tpu.memory_space<hbm>> -> memref<8x1x1x8x128xf32, #tpu.memory_space<hbm>>
      %dma_start3A_2091 = tpu.memref_squeeze %dma_start3A_2090 : memref<8x1x1x8x128xf32, #tpu.memory_space<hbm>> -> memref<8x8x128xf32, #tpu.memory_space<hbm>>
      %dma_start3A_2092 = arith.constant 0 : i32
      %dma_start3A_2093 = arith.constant 0 : i32
      %dma_start3A_2094 = tpu.memref_slice %arg4[%mul3A_2080, %dma_start3A_2082, %select_n3A_2056, %dma_start3A_2092, %dma_start3A_2093] : memref<200x2x128x8x128xf32, #tpu.memory_space<hbm>> -> memref<8x1x1x8x128xf32, #tpu.memory_space<hbm>>
      %dma_start3A_2095 = tpu.memref_squeeze %dma_start3A_2094 : memref<8x1x1x8x128xf32, #tpu.memory_space<hbm>> -> memref<8x8x128xf32, #tpu.memory_space<hbm>>
      %dma_start3A_2096 = arith.constant 0 : i32
      %dma_start3A_2097 = arith.constant 0 : i32
      %dma_start3A_2098 = arith.constant 0 : i32
      %dma_start3A_2099 = tpu.memref_slice %arg10[%dma_start3A_2081, %dma_start3A_2096, %dma_start3A_2097, %dma_start3A_2098] : memref<2x9x8x129xf32, #tpu.memory_space<vmem>> -> memref<1x8x8x128xf32, #tpu.memory_space<vmem>>
      %dma_start3A_2100 = tpu.memref_squeeze %dma_start3A_2099 : memref<1x8x8x128xf32, #tpu.memory_space<vmem>> -> memref<8x8x128xf32, #tpu.memory_space<vmem>>
      tpu.enqueue_dma source(%dma_start3A_2100 : memref<8x8x128xf32, #tpu.memory_space<vmem>>) target(%dma_start3A_2095 : memref<8x8x128xf32, #tpu.memory_space<hbm>>) target_semaphore(%arg14 : memref<!tpu.dma_semaphore, #tpu.memory_space<semaphore_mem>>)
      %dma_wait3A_2101 = arith.constant 0 : i32
      %dma_wait3A_2102 = arith.constant 0 : i32
      %dma_wait3A_2103 = arith.constant 0 : i32
      %dma_wait3A_2104 = arith.constant 0 : i32
      %dma_wait3A_2105 = tpu.memref_slice %arg2[%dma_wait3A_2101, %dma_wait3A_2102, %dma_wait3A_2103, %dma_wait3A_2104] : memref<25x128x8x128xi32, #tpu.memory_space<hbm>> -> memref<1x1x8x128xi32, #tpu.memory_space<hbm>>
      %dma_wait3A_2106 = tpu.memref_squeeze %dma_wait3A_2105 : memref<1x1x8x128xi32, #tpu.memory_space<hbm>> -> memref<8x128xi32, #tpu.memory_space<hbm>>
      %dma_wait3A_2107 = arith.constant 0 : i32
      %dma_wait3A_2108 = arith.constant 0 : i32
      %dma_wait3A_2109 = tpu.memref_slice %arg2[%dma_wait3A_2101, %dma_wait3A_2102, %dma_wait3A_2107, %dma_wait3A_2108] : memref<25x128x8x128xi32, #tpu.memory_space<hbm>> -> memref<1x1x8x128xi32, #tpu.memory_space<hbm>>
      %dma_wait3A_2110 = tpu.memref_squeeze %dma_wait3A_2109 : memref<1x1x8x128xi32, #tpu.memory_space<hbm>> -> memref<8x128xi32, #tpu.memory_space<hbm>>
      tpu.wait_dma2 semaphore(%arg16 : memref<!tpu.dma_semaphore, #tpu.memory_space<semaphore_mem>>) src(%dma_wait3A_2110 : memref<8x128xi32, #tpu.memory_space<hbm>>) dst(%arg6 : memref<8x128xi32, #tpu.memory_space<vmem>>)
      %dma_start3A_2111 = arith.constant 0 : i32
      %dma_start3A_2112 = arith.constant 0 : i32
      %dma_start3A_2113 = arith.constant 0 : i32
      %dma_start3A_2114 = tpu.memref_slice %arg8[%dma_start3A_2112, %dma_start3A_2113] : memref<1024x16xf32, #tpu.memory_space<vmem>> -> memref<128x16xf32, #tpu.memory_space<vmem>>
      %dma_start3A_2115 = arith.constant 0 : i32
      %dma_start3A_2116 = tpu.memref_slice %arg6[%dma_start3A_2111, %dma_start3A_2115] : memref<8x128xi32, #tpu.memory_space<vmem>> -> memref<1x128xi32, #tpu.memory_space<vmem>>
      %dma_start3A_2117 = tpu.memref_squeeze %dma_start3A_2116 : memref<1x128xi32, #tpu.memory_space<vmem>> -> memref<128xi32, #tpu.memory_space<vmem>>
      %dma_start3A_2118 = arith.constant 0 : i32
      %dma_start3A_2119 = arith.constant 0 : i32
      %dma_start3A_2120 = tpu.memref_slice %arg3[%dma_start3A_2118, %dma_start3A_2119] : memref<1000000x16xf32, #tpu.memory_space<hbm>> -> memref<1000000x16xf32, #tpu.memory_space<hbm>>
      tpu.enqueue_indirect_dma source(%dma_start3A_2120 : memref<1000000x16xf32, #tpu.memory_space<hbm>>) target(%dma_start3A_2114 : memref<128x16xf32, #tpu.memory_space<vmem>>) offsets(%dma_start3A_2117 : memref<128xi32, #tpu.memory_space<vmem>>) semaphore(%arg12 : memref<!tpu.dma_semaphore, #tpu.memory_space<semaphore_mem>>)
      %dma_start3A_2121 = arith.constant 1 : i32
      %dma_start3A_2122 = arith.constant 128 : i32
      %dma_start3A_2123 = arith.constant 0 : i32
      %dma_start3A_2124 = tpu.memref_slice %arg8[%dma_start3A_2122, %dma_start3A_2123] : memref<1024x16xf32, #tpu.memory_space<vmem>> -> memref<128x16xf32, #tpu.memory_space<vmem>>
      %dma_start3A_2125 = arith.constant 0 : i32
      %dma_start3A_2126 = tpu.memref_slice %arg6[%dma_start3A_2121, %dma_start3A_2125] : memref<8x128xi32, #tpu.memory_space<vmem>> -> memref<1x128xi32, #tpu.memory_space<vmem>>
      %dma_start3A_2127 = tpu.memref_squeeze %dma_start3A_2126 : memref<1x128xi32, #tpu.memory_space<vmem>> -> memref<128xi32, #tpu.memory_space<vmem>>
      %dma_start3A_2128 = arith.constant 0 : i32
      %dma_start3A_2129 = arith.constant 0 : i32
      %dma_start3A_2130 = tpu.memref_slice %arg3[%dma_start3A_2128, %dma_start3A_2129] : memref<1000000x16xf32, #tpu.memory_space<hbm>> -> memref<1000000x16xf32, #tpu.memory_space<hbm>>
      tpu.enqueue_indirect_dma source(%dma_start3A_2130 : memref<1000000x16xf32, #tpu.memory_space<hbm>>) target(%dma_start3A_2124 : memref<128x16xf32, #tpu.memory_space<vmem>>) offsets(%dma_start3A_2127 : memref<128xi32, #tpu.memory_space<vmem>>) semaphore(%arg12 : memref<!tpu.dma_semaphore, #tpu.memory_space<semaphore_mem>>)
      %dma_start3A_2131 = arith.constant 2 : i32
      %dma_start3A_2132 = arith.constant 256 : i32
      %dma_start3A_2133 = arith.constant 0 : i32
      %dma_start3A_2134 = tpu.memref_slice %arg8[%dma_start3A_2132, %dma_start3A_2133] : memref<1024x16xf32, #tpu.memory_space<vmem>> -> memref<128x16xf32, #tpu.memory_space<vmem>>
      %dma_start3A_2135 = arith.constant 0 : i32
      %dma_start3A_2136 = tpu.memref_slice %arg6[%dma_start3A_2131, %dma_start3A_2135] : memref<8x128xi32, #tpu.memory_space<vmem>> -> memref<1x128xi32, #tpu.memory_space<vmem>>
      %dma_start3A_2137 = tpu.memref_squeeze %dma_start3A_2136 : memref<1x128xi32, #tpu.memory_space<vmem>> -> memref<128xi32, #tpu.memory_space<vmem>>
      %dma_start3A_2138 = arith.constant 0 : i32
      %dma_start3A_2139 = arith.constant 0 : i32
      %dma_start3A_2140 = tpu.memref_slice %arg3[%dma_start3A_2138, %dma_start3A_2139] : memref<1000000x16xf32, #tpu.memory_space<hbm>> -> memref<1000000x16xf32, #tpu.memory_space<hbm>>
      tpu.enqueue_indirect_dma source(%dma_start3A_2140 : memref<1000000x16xf32, #tpu.memory_space<hbm>>) target(%dma_start3A_2134 : memref<128x16xf32, #tpu.memory_space<vmem>>) offsets(%dma_start3A_2137 : memref<128xi32, #tpu.memory_space<vmem>>) semaphore(%arg12 : memref<!tpu.dma_semaphore, #tpu.memory_space<semaphore_mem>>)
      %dma_start3A_2141 = arith.constant 3 : i32
      %dma_start3A_2142 = arith.constant 384 : i32
      %dma_start3A_2143 = arith.constant 0 : i32
      %dma_start3A_2144 = tpu.memref_slice %arg8[%dma_start3A_2142, %dma_start3A_2143] : memref<1024x16xf32, #tpu.memory_space<vmem>> -> memref<128x16xf32, #tpu.memory_space<vmem>>
      %dma_start3A_2145 = arith.constant 0 : i32
      %dma_start3A_2146 = tpu.memref_slice %arg6[%dma_start3A_2141, %dma_start3A_2145] : memref<8x128xi32, #tpu.memory_space<vmem>> -> memref<1x128xi32, #tpu.memory_space<vmem>>
      %dma_start3A_2147 = tpu.memref_squeeze %dma_start3A_2146 : memref<1x128xi32, #tpu.memory_space<vmem>> -> memref<128xi32, #tpu.memory_space<vmem>>
      %dma_start3A_2148 = arith.constant 0 : i32
      %dma_start3A_2149 = arith.constant 0 : i32
      %dma_start3A_2150 = tpu.memref_slice %arg3[%dma_start3A_2148, %dma_start3A_2149] : memref<1000000x16xf32, #tpu.memory_space<hbm>> -> memref<1000000x16xf32, #tpu.memory_space<hbm>>
      tpu.enqueue_indirect_dma source(%dma_start3A_2150 : memref<1000000x16xf32, #tpu.memory_space<hbm>>) target(%dma_start3A_2144 : memref<128x16xf32, #tpu.memory_space<vmem>>) offsets(%dma_start3A_2147 : memref<128xi32, #tpu.memory_space<vmem>>) semaphore(%arg12 : memref<!tpu.dma_semaphore, #tpu.memory_space<semaphore_mem>>)
      %dma_start3A_2151 = arith.constant 4 : i32
      %dma_start3A_2152 = arith.constant 512 : i32
      %dma_start3A_2153 = arith.constant 0 : i32
      %dma_start3A_2154 = tpu.memref_slice %arg8[%dma_start3A_2152, %dma_start3A_2153] : memref<1024x16xf32, #tpu.memory_space<vmem>> -> memref<128x16xf32, #tpu.memory_space<vmem>>
      %dma_start3A_2155 = arith.constant 0 : i32
      %dma_start3A_2156 = tpu.memref_slice %arg6[%dma_start3A_2151, %dma_start3A_2155] : memref<8x128xi32, #tpu.memory_space<vmem>> -> memref<1x128xi32, #tpu.memory_space<vmem>>
      %dma_start3A_2157 = tpu.memref_squeeze %dma_start3A_2156 : memref<1x128xi32, #tpu.memory_space<vmem>> -> memref<128xi32, #tpu.memory_space<vmem>>
      %dma_start3A_2158 = arith.constant 0 : i32
      %dma_start3A_2159 = arith.constant 0 : i32
      %dma_start3A_2160 = tpu.memref_slice %arg3[%dma_start3A_2158, %dma_start3A_2159] : memref<1000000x16xf32, #tpu.memory_space<hbm>> -> memref<1000000x16xf32, #tpu.memory_space<hbm>>
      tpu.enqueue_indirect_dma source(%dma_start3A_2160 : memref<1000000x16xf32, #tpu.memory_space<hbm>>) target(%dma_start3A_2154 : memref<128x16xf32, #tpu.memory_space<vmem>>) offsets(%dma_start3A_2157 : memref<128xi32, #tpu.memory_space<vmem>>) semaphore(%arg12 : memref<!tpu.dma_semaphore, #tpu.memory_space<semaphore_mem>>)
      %dma_start3A_2161 = arith.constant 5 : i32
      %dma_start3A_2162 = arith.constant 640 : i32
      %dma_start3A_2163 = arith.constant 0 : i32
      %dma_start3A_2164 = tpu.memref_slice %arg8[%dma_start3A_2162, %dma_start3A_2163] : memref<1024x16xf32, #tpu.memory_space<vmem>> -> memref<128x16xf32, #tpu.memory_space<vmem>>
      %dma_start3A_2165 = arith.constant 0 : i32
      %dma_start3A_2166 = tpu.memref_slice %arg6[%dma_start3A_2161, %dma_start3A_2165] : memref<8x128xi32, #tpu.memory_space<vmem>> -> memref<1x128xi32, #tpu.memory_space<vmem>>
      %dma_start3A_2167 = tpu.memref_squeeze %dma_start3A_2166 : memref<1x128xi32, #tpu.memory_space<vmem>> -> memref<128xi32, #tpu.memory_space<vmem>>
      %dma_start3A_2168 = arith.constant 0 : i32
      %dma_start3A_2169 = arith.constant 0 : i32
      %dma_start3A_2170 = tpu.memref_slice %arg3[%dma_start3A_2168, %dma_start3A_2169] : memref<1000000x16xf32, #tpu.memory_space<hbm>> -> memref<1000000x16xf32, #tpu.memory_space<hbm>>
      tpu.enqueue_indirect_dma source(%dma_start3A_2170 : memref<1000000x16xf32, #tpu.memory_space<hbm>>) target(%dma_start3A_2164 : memref<128x16xf32, #tpu.memory_space<vmem>>) offsets(%dma_start3A_2167 : memref<128xi32, #tpu.memory_space<vmem>>) semaphore(%arg12 : memref<!tpu.dma_semaphore, #tpu.memory_space<semaphore_mem>>)
      %dma_start3A_2171 = arith.constant 6 : i32
      %dma_start3A_2172 = arith.constant 768 : i32
      %dma_start3A_2173 = arith.constant 0 : i32
      %dma_start3A_2174 = tpu.memref_slice %arg8[%dma_start3A_2172, %dma_start3A_2173] : memref<1024x16xf32, #tpu.memory_space<vmem>> -> memref<128x16xf32, #tpu.memory_space<vmem>>
      %dma_start3A_2175 = arith.constant 0 : i32
      %dma_start3A_2176 = tpu.memref_slice %arg6[%dma_start3A_2171, %dma_start3A_2175] : memref<8x128xi32, #tpu.memory_space<vmem>> -> memref<1x128xi32, #tpu.memory_space<vmem>>
      %dma_start3A_2177 = tpu.memref_squeeze %dma_start3A_2176 : memref<1x128xi32, #tpu.memory_space<vmem>> -> memref<128xi32, #tpu.memory_space<vmem>>
      %dma_start3A_2178 = arith.constant 0 : i32
      %dma_start3A_2179 = arith.constant 0 : i32
      %dma_start3A_2180 = tpu.memref_slice %arg3[%dma_start3A_2178, %dma_start3A_2179] : memref<1000000x16xf32, #tpu.memory_space<hbm>> -> memref<1000000x16xf32, #tpu.memory_space<hbm>>
      tpu.enqueue_indirect_dma source(%dma_start3A_2180 : memref<1000000x16xf32, #tpu.memory_space<hbm>>) target(%dma_start3A_2174 : memref<128x16xf32, #tpu.memory_space<vmem>>) offsets(%dma_start3A_2177 : memref<128xi32, #tpu.memory_space<vmem>>) semaphore(%arg12 : memref<!tpu.dma_semaphore, #tpu.memory_space<semaphore_mem>>)
      %dma_start3A_2181 = arith.constant 7 : i32
      %dma_start3A_2182 = arith.constant 896 : i32
      %dma_start3A_2183 = arith.constant 0 : i32
      %dma_start3A_2184 = tpu.memref_slice %arg8[%dma_start3A_2182, %dma_start3A_2183] : memref<1024x16xf32, #tpu.memory_space<vmem>> -> memref<128x16xf32, #tpu.memory_space<vmem>>
      %dma_start3A_2185 = arith.constant 0 : i32
      %dma_start3A_2186 = tpu.memref_slice %arg6[%dma_start3A_2181, %dma_start3A_2185] : memref<8x128xi32, #tpu.memory_space<vmem>> -> memref<1x128xi32, #tpu.memory_space<vmem>>
      %dma_start3A_2187 = tpu.memref_squeeze %dma_start3A_2186 : memref<1x128xi32, #tpu.memory_space<vmem>> -> memref<128xi32, #tpu.memory_space<vmem>>
      %dma_start3A_2188 = arith.constant 0 : i32
      %dma_start3A_2189 = arith.constant 0 : i32
      %dma_start3A_2190 = tpu.memref_slice %arg3[%dma_start3A_2188, %dma_start3A_2189] : memref<1000000x16xf32, #tpu.memory_space<hbm>> -> memref<1000000x16xf32, #tpu.memory_space<hbm>>
      tpu.enqueue_indirect_dma source(%dma_start3A_2190 : memref<1000000x16xf32, #tpu.memory_space<hbm>>) target(%dma_start3A_2184 : memref<128x16xf32, #tpu.memory_space<vmem>>) offsets(%dma_start3A_2187 : memref<128xi32, #tpu.memory_space<vmem>>) semaphore(%arg12 : memref<!tpu.dma_semaphore, #tpu.memory_space<semaphore_mem>>)
    }
    %scan3A_949 = arith.constant 48 : i32
    %dma_wait3A_950 = arith.constant 0 : i32
    %dma_wait3A_951 = arith.constant 0 : i32
    %dma_wait3A_952 = arith.constant 0 : i32
    %dma_wait3A_953 = tpu.memref_slice %arg7[%dma_wait3A_951, %dma_wait3A_952] : memref<1024x16xf32, #tpu.memory_space<vmem>> -> memref<128x16xf32, #tpu.memory_space<vmem>>
    %dma_wait3A_954 = arith.constant 0 : i32
    %dma_wait3A_955 = tpu.memref_slice %arg5[%dma_wait3A_950, %dma_wait3A_954] : memref<8x128xi32, #tpu.memory_space<vmem>> -> memref<1x128xi32, #tpu.memory_space<vmem>>
    %dma_wait3A_956 = tpu.memref_squeeze %dma_wait3A_955 : memref<1x128xi32, #tpu.memory_space<vmem>> -> memref<128xi32, #tpu.memory_space<vmem>>
    %dma_wait3A_957 = arith.constant 0 : i32
    %dma_wait3A_958 = arith.constant 0 : i32
    %dma_wait3A_959 = tpu.memref_slice %arg3[%dma_wait3A_957, %dma_wait3A_958] : memref<1000000x16xf32, #tpu.memory_space<hbm>> -> memref<1000000x16xf32, #tpu.memory_space<hbm>>
    tpu.wait_indirect_dma semaphore(%arg11 : memref<!tpu.dma_semaphore, #tpu.memory_space<semaphore_mem>>) src(%dma_wait3A_959 : memref<1000000x16xf32, #tpu.memory_space<hbm>>) dst(%dma_wait3A_953 : memref<128x16xf32, #tpu.memory_space<vmem>>)
    %dma_wait3A_960 = arith.constant 1 : i32
    %dma_wait3A_961 = arith.constant 128 : i32
    %dma_wait3A_962 = arith.constant 0 : i32
    %dma_wait3A_963 = tpu.memref_slice %arg7[%dma_wait3A_961, %dma_wait3A_962] : memref<1024x16xf32, #tpu.memory_space<vmem>> -> memref<128x16xf32, #tpu.memory_space<vmem>>
    %dma_wait3A_964 = arith.constant 0 : i32
    %dma_wait3A_965 = tpu.memref_slice %arg5[%dma_wait3A_960, %dma_wait3A_964] : memref<8x128xi32, #tpu.memory_space<vmem>> -> memref<1x128xi32, #tpu.memory_space<vmem>>
    %dma_wait3A_966 = tpu.memref_squeeze %dma_wait3A_965 : memref<1x128xi32, #tpu.memory_space<vmem>> -> memref<128xi32, #tpu.memory_space<vmem>>
    %dma_wait3A_967 = arith.constant 0 : i32
    %dma_wait3A_968 = arith.constant 0 : i32
    %dma_wait3A_969 = tpu.memref_slice %arg3[%dma_wait3A_967, %dma_wait3A_968] : memref<1000000x16xf32, #tpu.memory_space<hbm>> -> memref<1000000x16xf32, #tpu.memory_space<hbm>>
    tpu.wait_indirect_dma semaphore(%arg11 : memref<!tpu.dma_semaphore, #tpu.memory_space<semaphore_mem>>) src(%dma_wait3A_969 : memref<1000000x16xf32, #tpu.memory_space<hbm>>) dst(%dma_wait3A_963 : memref<128x16xf32, #tpu.memory_space<vmem>>)
    %dma_wait3A_970 = arith.constant 2 : i32
    %dma_wait3A_971 = arith.constant 256 : i32
    %dma_wait3A_972 = arith.constant 0 : i32
    %dma_wait3A_973 = tpu.memref_slice %arg7[%dma_wait3A_971, %dma_wait3A_972] : memref<1024x16xf32, #tpu.memory_space<vmem>> -> memref<128x16xf32, #tpu.memory_space<vmem>>
    %dma_wait3A_974 = arith.constant 0 : i32
    %dma_wait3A_975 = tpu.memref_slice %arg5[%dma_wait3A_970, %dma_wait3A_974] : memref<8x128xi32, #tpu.memory_space<vmem>> -> memref<1x128xi32, #tpu.memory_space<vmem>>
    %dma_wait3A_976 = tpu.memref_squeeze %dma_wait3A_975 : memref<1x128xi32, #tpu.memory_space<vmem>> -> memref<128xi32, #tpu.memory_space<vmem>>
    %dma_wait3A_977 = arith.constant 0 : i32
    %dma_wait3A_978 = arith.constant 0 : i32
    %dma_wait3A_979 = tpu.memref_slice %arg3[%dma_wait3A_977, %dma_wait3A_978] : memref<1000000x16xf32, #tpu.memory_space<hbm>> -> memref<1000000x16xf32, #tpu.memory_space<hbm>>
    tpu.wait_indirect_dma semaphore(%arg11 : memref<!tpu.dma_semaphore, #tpu.memory_space<semaphore_mem>>) src(%dma_wait3A_979 : memref<1000000x16xf32, #tpu.memory_space<hbm>>) dst(%dma_wait3A_973 : memref<128x16xf32, #tpu.memory_space<vmem>>)
    %dma_wait3A_980 = arith.constant 3 : i32
    %dma_wait3A_981 = arith.constant 384 : i32
    %dma_wait3A_982 = arith.constant 0 : i32
    %dma_wait3A_983 = tpu.memref_slice %arg7[%dma_wait3A_981, %dma_wait3A_982] : memref<1024x16xf32, #tpu.memory_space<vmem>> -> memref<128x16xf32, #tpu.memory_space<vmem>>
    %dma_wait3A_984 = arith.constant 0 : i32
    %dma_wait3A_985 = tpu.memref_slice %arg5[%dma_wait3A_980, %dma_wait3A_984] : memref<8x128xi32, #tpu.memory_space<vmem>> -> memref<1x128xi32, #tpu.memory_space<vmem>>
    %dma_wait3A_986 = tpu.memref_squeeze %dma_wait3A_985 : memref<1x128xi32, #tpu.memory_space<vmem>> -> memref<128xi32, #tpu.memory_space<vmem>>
    %dma_wait3A_987 = arith.constant 0 : i32
    %dma_wait3A_988 = arith.constant 0 : i32
    %dma_wait3A_989 = tpu.memref_slice %arg3[%dma_wait3A_987, %dma_wait3A_988] : memref<1000000x16xf32, #tpu.memory_space<hbm>> -> memref<1000000x16xf32, #tpu.memory_space<hbm>>
    tpu.wait_indirect_dma semaphore(%arg11 : memref<!tpu.dma_semaphore, #tpu.memory_space<semaphore_mem>>) src(%dma_wait3A_989 : memref<1000000x16xf32, #tpu.memory_space<hbm>>) dst(%dma_wait3A_983 : memref<128x16xf32, #tpu.memory_space<vmem>>)
    %dma_wait3A_990 = arith.constant 4 : i32
    %dma_wait3A_991 = arith.constant 512 : i32
    %dma_wait3A_992 = arith.constant 0 : i32
    %dma_wait3A_993 = tpu.memref_slice %arg7[%dma_wait3A_991, %dma_wait3A_992] : memref<1024x16xf32, #tpu.memory_space<vmem>> -> memref<128x16xf32, #tpu.memory_space<vmem>>
    %dma_wait3A_994 = arith.constant 0 : i32
    %dma_wait3A_995 = tpu.memref_slice %arg5[%dma_wait3A_990, %dma_wait3A_994] : memref<8x128xi32, #tpu.memory_space<vmem>> -> memref<1x128xi32, #tpu.memory_space<vmem>>
    %dma_wait3A_996 = tpu.memref_squeeze %dma_wait3A_995 : memref<1x128xi32, #tpu.memory_space<vmem>> -> memref<128xi32, #tpu.memory_space<vmem>>
    %dma_wait3A_997 = arith.constant 0 : i32
    %dma_wait3A_998 = arith.constant 0 : i32
    %dma_wait3A_999 = tpu.memref_slice %arg3[%dma_wait3A_997, %dma_wait3A_998] : memref<1000000x16xf32, #tpu.memory_space<hbm>> -> memref<1000000x16xf32, #tpu.memory_space<hbm>>
    tpu.wait_indirect_dma semaphore(%arg11 : memref<!tpu.dma_semaphore, #tpu.memory_space<semaphore_mem>>) src(%dma_wait3A_999 : memref<1000000x16xf32, #tpu.memory_space<hbm>>) dst(%dma_wait3A_993 : memref<128x16xf32, #tpu.memory_space<vmem>>)
    %dma_wait3A_1000 = arith.constant 5 : i32
    %dma_wait3A_1001 = arith.constant 640 : i32
    %dma_wait3A_1002 = arith.constant 0 : i32
    %dma_wait3A_1003 = tpu.memref_slice %arg7[%dma_wait3A_1001, %dma_wait3A_1002] : memref<1024x16xf32, #tpu.memory_space<vmem>> -> memref<128x16xf32, #tpu.memory_space<vmem>>
    %dma_wait3A_1004 = arith.constant 0 : i32
    %dma_wait3A_1005 = tpu.memref_slice %arg5[%dma_wait3A_1000, %dma_wait3A_1004] : memref<8x128xi32, #tpu.memory_space<vmem>> -> memref<1x128xi32, #tpu.memory_space<vmem>>
    %dma_wait3A_1006 = tpu.memref_squeeze %dma_wait3A_1005 : memref<1x128xi32, #tpu.memory_space<vmem>> -> memref<128xi32, #tpu.memory_space<vmem>>
    %dma_wait3A_1007 = arith.constant 0 : i32
    %dma_wait3A_1008 = arith.constant 0 : i32
    %dma_wait3A_1009 = tpu.memref_slice %arg3[%dma_wait3A_1007, %dma_wait3A_1008] : memref<1000000x16xf32, #tpu.memory_space<hbm>> -> memref<1000000x16xf32, #tpu.memory_space<hbm>>
    tpu.wait_indirect_dma semaphore(%arg11 : memref<!tpu.dma_semaphore, #tpu.memory_space<semaphore_mem>>) src(%dma_wait3A_1009 : memref<1000000x16xf32, #tpu.memory_space<hbm>>) dst(%dma_wait3A_1003 : memref<128x16xf32, #tpu.memory_space<vmem>>)
    %dma_wait3A_1010 = arith.constant 6 : i32
    %dma_wait3A_1011 = arith.constant 768 : i32
    %dma_wait3A_1012 = arith.constant 0 : i32
    %dma_wait3A_1013 = tpu.memref_slice %arg7[%dma_wait3A_1011, %dma_wait3A_1012] : memref<1024x16xf32, #tpu.memory_space<vmem>> -> memref<128x16xf32, #tpu.memory_space<vmem>>
    %dma_wait3A_1014 = arith.constant 0 : i32
    %dma_wait3A_1015 = tpu.memref_slice %arg5[%dma_wait3A_1010, %dma_wait3A_1014] : memref<8x128xi32, #tpu.memory_space<vmem>> -> memref<1x128xi32, #tpu.memory_space<vmem>>
    %dma_wait3A_1016 = tpu.memref_squeeze %dma_wait3A_1015 : memref<1x128xi32, #tpu.memory_space<vmem>> -> memref<128xi32, #tpu.memory_space<vmem>>
    %dma_wait3A_1017 = arith.constant 0 : i32
    %dma_wait3A_1018 = arith.constant 0 : i32
    %dma_wait3A_1019 = tpu.memref_slice %arg3[%dma_wait3A_1017, %dma_wait3A_1018] : memref<1000000x16xf32, #tpu.memory_space<hbm>> -> memref<1000000x16xf32, #tpu.memory_space<hbm>>
    tpu.wait_indirect_dma semaphore(%arg11 : memref<!tpu.dma_semaphore, #tpu.memory_space<semaphore_mem>>) src(%dma_wait3A_1019 : memref<1000000x16xf32, #tpu.memory_space<hbm>>) dst(%dma_wait3A_1013 : memref<128x16xf32, #tpu.memory_space<vmem>>)
    %dma_wait3A_1020 = arith.constant 7 : i32
    %dma_wait3A_1021 = arith.constant 896 : i32
    %dma_wait3A_1022 = arith.constant 0 : i32
    %dma_wait3A_1023 = tpu.memref_slice %arg7[%dma_wait3A_1021, %dma_wait3A_1022] : memref<1024x16xf32, #tpu.memory_space<vmem>> -> memref<128x16xf32, #tpu.memory_space<vmem>>
    %dma_wait3A_1024 = arith.constant 0 : i32
    %dma_wait3A_1025 = tpu.memref_slice %arg5[%dma_wait3A_1020, %dma_wait3A_1024] : memref<8x128xi32, #tpu.memory_space<vmem>> -> memref<1x128xi32, #tpu.memory_space<vmem>>
    %dma_wait3A_1026 = tpu.memref_squeeze %dma_wait3A_1025 : memref<1x128xi32, #tpu.memory_space<vmem>> -> memref<128xi32, #tpu.memory_space<vmem>>
    %dma_wait3A_1027 = arith.constant 0 : i32
    %dma_wait3A_1028 = arith.constant 0 : i32
    %dma_wait3A_1029 = tpu.memref_slice %arg3[%dma_wait3A_1027, %dma_wait3A_1028] : memref<1000000x16xf32, #tpu.memory_space<hbm>> -> memref<1000000x16xf32, #tpu.memory_space<hbm>>
    tpu.wait_indirect_dma semaphore(%arg11 : memref<!tpu.dma_semaphore, #tpu.memory_space<semaphore_mem>>) src(%dma_wait3A_1029 : memref<1000000x16xf32, #tpu.memory_space<hbm>>) dst(%dma_wait3A_1023 : memref<128x16xf32, #tpu.memory_space<vmem>>)
    %dma_wait3A_1030 = arith.constant 0 : i32
    %dma_wait3A_1031 = arith.constant 0 : i32
    %dma_wait3A_1032 = arith.constant 0 : i32
    %dma_wait3A_1033 = arith.constant 0 : i32
    %dma_wait3A_1034 = arith.constant 0 : i32
    %dma_wait3A_1035 = arith.constant 0 : i32
    %dma_wait3A_1036 = tpu.memref_slice %arg9[%dma_wait3A_1030, %dma_wait3A_1033, %dma_wait3A_1034, %dma_wait3A_1035] : memref<2x9x8x129xf32, #tpu.memory_space<vmem>> -> memref<1x8x8x128xf32, #tpu.memory_space<vmem>>
    %dma_wait3A_1037 = tpu.memref_squeeze %dma_wait3A_1036 : memref<1x8x8x128xf32, #tpu.memory_space<vmem>> -> memref<8x8x128xf32, #tpu.memory_space<vmem>>
    %dma_wait3A_1038 = arith.constant 0 : i32
    %dma_wait3A_1039 = arith.constant 0 : i32
    %dma_wait3A_1040 = arith.constant 0 : i32
    %dma_wait3A_1041 = tpu.memref_slice %arg4[%dma_wait3A_1038, %dma_wait3A_1031, %dma_wait3A_1032, %dma_wait3A_1039, %dma_wait3A_1040] : memref<200x2x128x8x128xf32, #tpu.memory_space<hbm>> -> memref<8x1x1x8x128xf32, #tpu.memory_space<hbm>>
    %dma_wait3A_1042 = tpu.memref_squeeze %dma_wait3A_1041 : memref<8x1x1x8x128xf32, #tpu.memory_space<hbm>> -> memref<8x8x128xf32, #tpu.memory_space<hbm>>
    %dma_wait3A_1043 = arith.constant 0 : i32
    %dma_wait3A_1044 = arith.constant 0 : i32
    %dma_wait3A_1045 = arith.constant 0 : i32
    %dma_wait3A_1046 = tpu.memref_slice %arg4[%dma_wait3A_1043, %dma_wait3A_1031, %dma_wait3A_1032, %dma_wait3A_1044, %dma_wait3A_1045] : memref<200x2x128x8x128xf32, #tpu.memory_space<hbm>> -> memref<8x1x1x8x128xf32, #tpu.memory_space<hbm>>
    %dma_wait3A_1047 = tpu.memref_squeeze %dma_wait3A_1046 : memref<8x1x1x8x128xf32, #tpu.memory_space<hbm>> -> memref<8x8x128xf32, #tpu.memory_space<hbm>>
    %dma_wait3A_1048 = arith.constant 0 : i32
    %dma_wait3A_1049 = arith.constant 0 : i32
    %dma_wait3A_1050 = arith.constant 0 : i32
    %dma_wait3A_1051 = tpu.memref_slice %arg9[%dma_wait3A_1030, %dma_wait3A_1048, %dma_wait3A_1049, %dma_wait3A_1050] : memref<2x9x8x129xf32, #tpu.memory_space<vmem>> -> memref<1x8x8x128xf32, #tpu.memory_space<vmem>>
    %dma_wait3A_1052 = tpu.memref_squeeze %dma_wait3A_1051 : memref<1x8x8x128xf32, #tpu.memory_space<vmem>> -> memref<8x8x128xf32, #tpu.memory_space<vmem>>
    tpu.wait_dma2 semaphore(%arg13 : memref<!tpu.dma_semaphore, #tpu.memory_space<semaphore_mem>>) src(%dma_wait3A_1052 : memref<8x8x128xf32, #tpu.memory_space<vmem>>) dst(%dma_wait3A_1047 : memref<8x8x128xf32, #tpu.memory_space<hbm>>)
    %dma_wait3A_1053 = arith.constant 1 : i32
    %dma_wait3A_1054 = arith.constant 1 : i32
    %dma_wait3A_1055 = arith.constant 0 : i32
    %dma_wait3A_1056 = arith.constant 0 : i32
    %dma_wait3A_1057 = arith.constant 0 : i32
    %dma_wait3A_1058 = arith.constant 0 : i32
    %dma_wait3A_1059 = tpu.memref_slice %arg9[%dma_wait3A_1053, %dma_wait3A_1056, %dma_wait3A_1057, %dma_wait3A_1058] : memref<2x9x8x129xf32, #tpu.memory_space<vmem>> -> memref<1x8x8x128xf32, #tpu.memory_space<vmem>>
    %dma_wait3A_1060 = tpu.memref_squeeze %dma_wait3A_1059 : memref<1x8x8x128xf32, #tpu.memory_space<vmem>> -> memref<8x8x128xf32, #tpu.memory_space<vmem>>
    %dma_wait3A_1061 = arith.constant 0 : i32
    %dma_wait3A_1062 = arith.constant 0 : i32
    %dma_wait3A_1063 = arith.constant 0 : i32
    %dma_wait3A_1064 = tpu.memref_slice %arg4[%dma_wait3A_1061, %dma_wait3A_1054, %dma_wait3A_1055, %dma_wait3A_1062, %dma_wait3A_1063] : memref<200x2x128x8x128xf32, #tpu.memory_space<hbm>> -> memref<8x1x1x8x128xf32, #tpu.memory_space<hbm>>
    %dma_wait3A_1065 = tpu.memref_squeeze %dma_wait3A_1064 : memref<8x1x1x8x128xf32, #tpu.memory_space<hbm>> -> memref<8x8x128xf32, #tpu.memory_space<hbm>>
    %dma_wait3A_1066 = arith.constant 0 : i32
    %dma_wait3A_1067 = arith.constant 0 : i32
    %dma_wait3A_1068 = arith.constant 0 : i32
    %dma_wait3A_1069 = tpu.memref_slice %arg4[%dma_wait3A_1066, %dma_wait3A_1054, %dma_wait3A_1055, %dma_wait3A_1067, %dma_wait3A_1068] : memref<200x2x128x8x128xf32, #tpu.memory_space<hbm>> -> memref<8x1x1x8x128xf32, #tpu.memory_space<hbm>>
    %dma_wait3A_1070 = tpu.memref_squeeze %dma_wait3A_1069 : memref<8x1x1x8x128xf32, #tpu.memory_space<hbm>> -> memref<8x8x128xf32, #tpu.memory_space<hbm>>
    %dma_wait3A_1071 = arith.constant 0 : i32
    %dma_wait3A_1072 = arith.constant 0 : i32
    %dma_wait3A_1073 = arith.constant 0 : i32
    %dma_wait3A_1074 = tpu.memref_slice %arg9[%dma_wait3A_1053, %dma_wait3A_1071, %dma_wait3A_1072, %dma_wait3A_1073] : memref<2x9x8x129xf32, #tpu.memory_space<vmem>> -> memref<1x8x8x128xf32, #tpu.memory_space<vmem>>
    %dma_wait3A_1075 = tpu.memref_squeeze %dma_wait3A_1074 : memref<1x8x8x128xf32, #tpu.memory_space<vmem>> -> memref<8x8x128xf32, #tpu.memory_space<vmem>>
    tpu.wait_dma2 semaphore(%arg13 : memref<!tpu.dma_semaphore, #tpu.memory_space<semaphore_mem>>) src(%dma_wait3A_1075 : memref<8x8x128xf32, #tpu.memory_space<vmem>>) dst(%dma_wait3A_1070 : memref<8x8x128xf32, #tpu.memory_space<hbm>>)
    %parallel_loop3A_1076 = arith.constant 0 : i32
    %parallel_loop3A_1077 = arith.constant 1024 : i32
    %parallel_loop3A_1078 = arith.constant 8 : i32
    scf.for %parallel_loop3A_1472 = %parallel_loop3A_1076 to %parallel_loop3A_1077 step %parallel_loop3A_1078  : i32 {
      %parallel_loop3A_1473 = arith.constant 128 : i32
      %parallel_loop3A_1474 = arith.divsi %parallel_loop3A_1472, %parallel_loop3A_1473 : i32
      %parallel_loop3A_1475 = arith.constant 0 : i32
      %parallel_loop3A_1476 = arith.cmpi sgt, %parallel_loop3A_1472, %parallel_loop3A_1475 : i32
      %parallel_loop3A_1477 = arith.extui %parallel_loop3A_1476 : i1 to i32
      %parallel_loop3A_1478 = arith.constant 0 : i32
      %parallel_loop3A_1479 = arith.cmpi slt, %parallel_loop3A_1472, %parallel_loop3A_1478 : i32
      %parallel_loop3A_1480 = arith.extui %parallel_loop3A_1479 : i1 to i32
      %parallel_loop3A_1481 = arith.subi %parallel_loop3A_1477, %parallel_loop3A_1480 : i32
      %parallel_loop3A_1482 = arith.constant 0 : i32
      %parallel_loop3A_1483 = arith.cmpi sgt, %parallel_loop3A_1473, %parallel_loop3A_1482 : i32
      %parallel_loop3A_1484 = arith.extui %parallel_loop3A_1483 : i1 to i32
      %parallel_loop3A_1485 = arith.constant 0 : i32
      %parallel_loop3A_1486 = arith.cmpi slt, %parallel_loop3A_1473, %parallel_loop3A_1485 : i32
      %parallel_loop3A_1487 = arith.extui %parallel_loop3A_1486 : i1 to i32
      %parallel_loop3A_1488 = arith.subi %parallel_loop3A_1484, %parallel_loop3A_1487 : i32
      %parallel_loop3A_1489 = arith.cmpi ne, %parallel_loop3A_1481, %parallel_loop3A_1488 : i32
      %parallel_loop3A_1490 = arith.remsi %parallel_loop3A_1472, %parallel_loop3A_1473 : i32
      %parallel_loop3A_1491 = arith.constant 0 : i32
      %parallel_loop3A_1492 = arith.cmpi ne, %parallel_loop3A_1490, %parallel_loop3A_1491 : i32
      %parallel_loop3A_1493 = arith.andi %parallel_loop3A_1489, %parallel_loop3A_1492 : i1
      %parallel_loop3A_1494 = arith.constant 1 : i32
      %parallel_loop3A_1495 = arith.subi %parallel_loop3A_1474, %parallel_loop3A_1494 : i32
      %parallel_loop3A_1496 = arith.select %parallel_loop3A_1493, %parallel_loop3A_1495, %parallel_loop3A_1474 : i32
      %parallel_loop3A_1497 = arith.constant 0 : i32
      %parallel_loop3A_1498 = vector.broadcast %parallel_loop3A_1497 : i32 to vector<16xi32>
      %parallel_loop3A_1499 = vector.broadcast %parallel_loop3A_1496 : i32 to vector<16xi32>
      %parallel_loop3A_1500 = arith.addi %parallel_loop3A_1498, %parallel_loop3A_1499 : vector<16xi32>
      %parallel_loop3A_1501 = arith.constant 128 : i32
      %parallel_loop3A_1502 = arith.constant 0 : i32
      %parallel_loop3A_1503 = arith.cmpi eq, %parallel_loop3A_1501, %parallel_loop3A_1502 : i32
      %parallel_loop3A_1504 = arith.constant 1 : i32
      %parallel_loop3A_1505 = arith.select %parallel_loop3A_1503, %parallel_loop3A_1504, %parallel_loop3A_1501 : i32
      %parallel_loop3A_1506 = arith.remsi %parallel_loop3A_1472, %parallel_loop3A_1505 : i32
      %parallel_loop3A_1507 = arith.constant 0 : i32
      %parallel_loop3A_1508 = arith.cmpi ne, %parallel_loop3A_1506, %parallel_loop3A_1507 : i32
      %parallel_loop3A_1509 = arith.constant 0 : i32
      %parallel_loop3A_1510 = arith.cmpi slt, %parallel_loop3A_1506, %parallel_loop3A_1509 : i32
      %parallel_loop3A_1511 = arith.constant 0 : i32
      %parallel_loop3A_1512 = arith.cmpi slt, %parallel_loop3A_1505, %parallel_loop3A_1511 : i32
      %parallel_loop3A_1513 = arith.xori %parallel_loop3A_1510, %parallel_loop3A_1512 : i1
      %parallel_loop3A_1514 = arith.andi %parallel_loop3A_1513, %parallel_loop3A_1508 : i1
      %parallel_loop3A_1515 = arith.addi %parallel_loop3A_1506, %parallel_loop3A_1505 : i32
      %parallel_loop3A_1516 = arith.select %parallel_loop3A_1514, %parallel_loop3A_1515, %parallel_loop3A_1506 : i32
      %parallel_loop3A_1517 = arith.constant 0 : i32
      %parallel_loop3A_1518 = vector.broadcast %parallel_loop3A_1517 : i32 to vector<16xi32>
      %parallel_loop3A_1519 = vector.broadcast %parallel_loop3A_1516 : i32 to vector<16xi32>
      %parallel_loop3A_1520 = arith.addi %parallel_loop3A_1518, %parallel_loop3A_1519 : vector<16xi32>
      %parallel_loop3A_1521 = arith.constant 0 : i32
      %parallel_loop3A_1522 = arith.addi %parallel_loop3A_1472, %parallel_loop3A_1521 : i32
      %parallel_loop3A_1523 = arith.index_cast %parallel_loop3A_1522 : i32 to index
      %parallel_loop3A_1524 = arith.constant 0 : index
      %parallel_loop3A_1525 = tpu.vector_load %arg7[%parallel_loop3A_1523, %parallel_loop3A_1524] {strides = array<i32>} : memref<1024x16xf32, #tpu.memory_space<vmem>>, vector<16xf32>,
      %parallel_loop3A_1526 = arith.constant 0 : i32
      %parallel_loop3A_1527 = vector.broadcast %parallel_loop3A_1526 : i32 to vector<16xi32>
      %parallel_loop3A_1528 = arith.addi %parallel_loop3A_1520, %parallel_loop3A_1527 : vector<16xi32>
      tpu.vector_store_idx %arg9[%select_n3A, %parallel_loop3A_1500, %select_n3A_45, %parallel_loop3A_1528], %parallel_loop3A_1525 : memref<2x9x8x129xf32, #tpu.memory_space<vmem>>[vector<16xi32>, vector<16xi32>, vector<16xi32>, vector<16xi32>], vector<16xf32>,
      %parallel_loop3A_1529 = arith.constant 1 : i32
      %parallel_loop3A_1530 = arith.addi %parallel_loop3A_1472, %parallel_loop3A_1529 : i32
      %parallel_loop3A_1531 = arith.index_cast %parallel_loop3A_1530 : i32 to index
      %parallel_loop3A_1532 = arith.constant 0 : index
      %parallel_loop3A_1533 = tpu.vector_load %arg7[%parallel_loop3A_1531, %parallel_loop3A_1532] {strides = array<i32>} : memref<1024x16xf32, #tpu.memory_space<vmem>>, vector<16xf32>,
      %parallel_loop3A_1534 = arith.constant 1 : i32
      %parallel_loop3A_1535 = vector.broadcast %parallel_loop3A_1534 : i32 to vector<16xi32>
      %parallel_loop3A_1536 = arith.addi %parallel_loop3A_1520, %parallel_loop3A_1535 : vector<16xi32>
      tpu.vector_store_idx %arg9[%select_n3A, %parallel_loop3A_1500, %select_n3A_45, %parallel_loop3A_1536], %parallel_loop3A_1533 : memref<2x9x8x129xf32, #tpu.memory_space<vmem>>[vector<16xi32>, vector<16xi32>, vector<16xi32>, vector<16xi32>], vector<16xf32>,
      %parallel_loop3A_1537 = arith.constant 2 : i32
      %parallel_loop3A_1538 = arith.addi %parallel_loop3A_1472, %parallel_loop3A_1537 : i32
      %parallel_loop3A_1539 = arith.index_cast %parallel_loop3A_1538 : i32 to index
      %parallel_loop3A_1540 = arith.constant 0 : index
      %parallel_loop3A_1541 = tpu.vector_load %arg7[%parallel_loop3A_1539, %parallel_loop3A_1540] {strides = array<i32>} : memref<1024x16xf32, #tpu.memory_space<vmem>>, vector<16xf32>,
      %parallel_loop3A_1542 = arith.constant 2 : i32
      %parallel_loop3A_1543 = vector.broadcast %parallel_loop3A_1542 : i32 to vector<16xi32>
      %parallel_loop3A_1544 = arith.addi %parallel_loop3A_1520, %parallel_loop3A_1543 : vector<16xi32>
      tpu.vector_store_idx %arg9[%select_n3A, %parallel_loop3A_1500, %select_n3A_45, %parallel_loop3A_1544], %parallel_loop3A_1541 : memref<2x9x8x129xf32, #tpu.memory_space<vmem>>[vector<16xi32>, vector<16xi32>, vector<16xi32>, vector<16xi32>], vector<16xf32>,
      %parallel_loop3A_1545 = arith.constant 3 : i32
      %parallel_loop3A_1546 = arith.addi %parallel_loop3A_1472, %parallel_loop3A_1545 : i32
      %parallel_loop3A_1547 = arith.index_cast %parallel_loop3A_1546 : i32 to index
      %parallel_loop3A_1548 = arith.constant 0 : index
      %parallel_loop3A_1549 = tpu.vector_load %arg7[%parallel_loop3A_1547, %parallel_loop3A_1548] {strides = array<i32>} : memref<1024x16xf32, #tpu.memory_space<vmem>>, vector<16xf32>,
      %parallel_loop3A_1550 = arith.constant 3 : i32
      %parallel_loop3A_1551 = vector.broadcast %parallel_loop3A_1550 : i32 to vector<16xi32>
      %parallel_loop3A_1552 = arith.addi %parallel_loop3A_1520, %parallel_loop3A_1551 : vector<16xi32>
      tpu.vector_store_idx %arg9[%select_n3A, %parallel_loop3A_1500, %select_n3A_45, %parallel_loop3A_1552], %parallel_loop3A_1549 : memref<2x9x8x129xf32, #tpu.memory_space<vmem>>[vector<16xi32>, vector<16xi32>, vector<16xi32>, vector<16xi32>], vector<16xf32>,
      %parallel_loop3A_1553 = arith.constant 4 : i32
      %parallel_loop3A_1554 = arith.addi %parallel_loop3A_1472, %parallel_loop3A_1553 : i32
      %parallel_loop3A_1555 = arith.index_cast %parallel_loop3A_1554 : i32 to index
      %parallel_loop3A_1556 = arith.constant 0 : index
      %parallel_loop3A_1557 = tpu.vector_load %arg7[%parallel_loop3A_1555, %parallel_loop3A_1556] {strides = array<i32>} : memref<1024x16xf32, #tpu.memory_space<vmem>>, vector<16xf32>,
      %parallel_loop3A_1558 = arith.constant 4 : i32
      %parallel_loop3A_1559 = vector.broadcast %parallel_loop3A_1558 : i32 to vector<16xi32>
      %parallel_loop3A_1560 = arith.addi %parallel_loop3A_1520, %parallel_loop3A_1559 : vector<16xi32>
      tpu.vector_store_idx %arg9[%select_n3A, %parallel_loop3A_1500, %select_n3A_45, %parallel_loop3A_1560], %parallel_loop3A_1557 : memref<2x9x8x129xf32, #tpu.memory_space<vmem>>[vector<16xi32>, vector<16xi32>, vector<16xi32>, vector<16xi32>], vector<16xf32>,
      %parallel_loop3A_1561 = arith.constant 5 : i32
      %parallel_loop3A_1562 = arith.addi %parallel_loop3A_1472, %parallel_loop3A_1561 : i32
      %parallel_loop3A_1563 = arith.index_cast %parallel_loop3A_1562 : i32 to index
      %parallel_loop3A_1564 = arith.constant 0 : index
      %parallel_loop3A_1565 = tpu.vector_load %arg7[%parallel_loop3A_1563, %parallel_loop3A_1564] {strides = array<i32>} : memref<1024x16xf32, #tpu.memory_space<vmem>>, vector<16xf32>,
      %parallel_loop3A_1566 = arith.constant 5 : i32
      %parallel_loop3A_1567 = vector.broadcast %parallel_loop3A_1566 : i32 to vector<16xi32>
      %parallel_loop3A_1568 = arith.addi %parallel_loop3A_1520, %parallel_loop3A_1567 : vector<16xi32>
      tpu.vector_store_idx %arg9[%select_n3A, %parallel_loop3A_1500, %select_n3A_45, %parallel_loop3A_1568], %parallel_loop3A_1565 : memref<2x9x8x129xf32, #tpu.memory_space<vmem>>[vector<16xi32>, vector<16xi32>, vector<16xi32>, vector<16xi32>], vector<16xf32>,
      %parallel_loop3A_1569 = arith.constant 6 : i32
      %parallel_loop3A_1570 = arith.addi %parallel_loop3A_1472, %parallel_loop3A_1569 : i32
      %parallel_loop3A_1571 = arith.index_cast %parallel_loop3A_1570 : i32 to index
      %parallel_loop3A_1572 = arith.constant 0 : index
      %parallel_loop3A_1573 = tpu.vector_load %arg7[%parallel_loop3A_1571, %parallel_loop3A_1572] {strides = array<i32>} : memref<1024x16xf32, #tpu.memory_space<vmem>>, vector<16xf32>,
      %parallel_loop3A_1574 = arith.constant 6 : i32
      %parallel_loop3A_1575 = vector.broadcast %parallel_loop3A_1574 : i32 to vector<16xi32>
      %parallel_loop3A_1576 = arith.addi %parallel_loop3A_1520, %parallel_loop3A_1575 : vector<16xi32>
      tpu.vector_store_idx %arg9[%select_n3A, %parallel_loop3A_1500, %select_n3A_45, %parallel_loop3A_1576], %parallel_loop3A_1573 : memref<2x9x8x129xf32, #tpu.memory_space<vmem>>[vector<16xi32>, vector<16xi32>, vector<16xi32>, vector<16xi32>], vector<16xf32>,
      %parallel_loop3A_1577 = arith.constant 7 : i32
      %parallel_loop3A_1578 = arith.addi %parallel_loop3A_1472, %parallel_loop3A_1577 : i32
      %parallel_loop3A_1579 = arith.index_cast %parallel_loop3A_1578 : i32 to index
      %parallel_loop3A_1580 = arith.constant 0 : index
      %parallel_loop3A_1581 = tpu.vector_load %arg7[%parallel_loop3A_1579, %parallel_loop3A_1580] {strides = array<i32>} : memref<1024x16xf32, #tpu.memory_space<vmem>>, vector<16xf32>,
      %parallel_loop3A_1582 = arith.constant 7 : i32
      %parallel_loop3A_1583 = vector.broadcast %parallel_loop3A_1582 : i32 to vector<16xi32>
      %parallel_loop3A_1584 = arith.addi %parallel_loop3A_1520, %parallel_loop3A_1583 : vector<16xi32>
      tpu.vector_store_idx %arg9[%select_n3A, %parallel_loop3A_1500, %select_n3A_45, %parallel_loop3A_1584], %parallel_loop3A_1581 : memref<2x9x8x129xf32, #tpu.memory_space<vmem>>[vector<16xi32>, vector<16xi32>, vector<16xi32>, vector<16xi32>], vector<16xf32>,
    } {sc.loop_unroll_factor = 2 : i64, sc.parallel_access}
    %add3A_1079 = arith.constant 98 : i32
    %add3A_1080 = arith.addi %mul3A_2, %add3A_1079 : i32
    %jit3A_1081 = arith.constant 128 : i32
    %div3A_1082 = arith.divsi %add3A_1080, %jit3A_1081 : i32
    %sign3A_1083 = arith.constant 0 : i32
    %sign3A_1084 = arith.cmpi sgt, %add3A_1080, %sign3A_1083 : i32
    %sign3A_1085 = arith.extui %sign3A_1084 : i1 to i32
    %sign3A_1086 = arith.constant 0 : i32
    %sign3A_1087 = arith.cmpi slt, %add3A_1080, %sign3A_1086 : i32
    %sign3A_1088 = arith.extui %sign3A_1087 : i1 to i32
    %sign3A_1089 = arith.subi %sign3A_1085, %sign3A_1088 : i32
    %sign3A_1090 = arith.constant 0 : i32
    %sign3A_1091 = arith.cmpi sgt, %jit3A_1081, %sign3A_1090 : i32
    %sign3A_1092 = arith.extui %sign3A_1091 : i1 to i32
    %sign3A_1093 = arith.constant 0 : i32
    %sign3A_1094 = arith.cmpi slt, %jit3A_1081, %sign3A_1093 : i32
    %sign3A_1095 = arith.extui %sign3A_1094 : i1 to i32
    %sign3A_1096 = arith.subi %sign3A_1092, %sign3A_1095 : i32
    %ne3A_1097 = arith.cmpi ne, %sign3A_1089, %sign3A_1096 : i32
    %rem3A_1098 = arith.remsi %add3A_1080, %jit3A_1081 : i32
    %ne3A_1099 = arith.constant 0 : i32
    %ne3A_1100 = arith.cmpi ne, %rem3A_1098, %ne3A_1099 : i32
    %and3A_1101 = arith.andi %ne3A_1097, %ne3A_1100 : i1
    %sub3A_1102 = arith.constant 1 : i32
    %sub3A_1103 = arith.subi %div3A_1082, %sub3A_1102 : i32
    %select_n3A_1104 = arith.select %and3A_1101, %sub3A_1103, %div3A_1082 : i32
    %jit3A_1105 = arith.constant 128 : i32
    %eq3A_1106 = arith.constant 0 : i32
    %eq3A_1107 = arith.cmpi eq, %jit3A_1105, %eq3A_1106 : i32
    %jit3A_1108 = arith.constant 1 : i32
    %select_n3A_1109 = arith.select %eq3A_1107, %jit3A_1108, %jit3A_1105 : i32
    %rem3A_1110 = arith.remsi %add3A_1080, %select_n3A_1109 : i32
    %ne3A_1111 = arith.constant 0 : i32
    %ne3A_1112 = arith.cmpi ne, %rem3A_1110, %ne3A_1111 : i32
    %lt3A_1113 = arith.constant 0 : i32
    %lt3A_1114 = arith.cmpi slt, %rem3A_1110, %lt3A_1113 : i32
    %lt3A_1115 = arith.constant 0 : i32
    %lt3A_1116 = arith.cmpi slt, %select_n3A_1109, %lt3A_1115 : i32
    %ne3A_1117 = arith.xori %lt3A_1114, %lt3A_1116 : i1
    %and3A_1118 = arith.andi %ne3A_1117, %ne3A_1112 : i1
    %add3A_1119 = arith.addi %rem3A_1110, %select_n3A_1109 : i32
    %select_n3A_1120 = arith.select %and3A_1118, %add3A_1119, %rem3A_1110 : i32
    %mul3A_1121 = arith.constant 8 : i32
    %mul3A_1122 = arith.muli %select_n3A_1104, %mul3A_1121 : i32
    %dma_start3A_1123 = arith.constant 0 : i32
    %dma_start3A_1124 = arith.constant 0 : i32
    %dma_start3A_1125 = arith.constant 0 : i32
    %dma_start3A_1126 = arith.constant 0 : i32
    %dma_start3A_1127 = arith.constant 0 : i32
    %dma_start3A_1128 = tpu.memref_slice %arg9[%dma_start3A_1123, %dma_start3A_1125, %dma_start3A_1126, %dma_start3A_1127] : memref<2x9x8x129xf32, #tpu.memory_space<vmem>> -> memref<1x8x8x128xf32, #tpu.memory_space<vmem>>
    %dma_start3A_1129 = tpu.memref_squeeze %dma_start3A_1128 : memref<1x8x8x128xf32, #tpu.memory_space<vmem>> -> memref<8x8x128xf32, #tpu.memory_space<vmem>>
    %dma_start3A_1130 = arith.constant 0 : i32
    %dma_start3A_1131 = arith.constant 0 : i32
    %dma_start3A_1132 = tpu.memref_slice %arg4[%mul3A_1122, %dma_start3A_1124, %select_n3A_1120, %dma_start3A_1130, %dma_start3A_1131] : memref<200x2x128x8x128xf32, #tpu.memory_space<hbm>> -> memref<8x1x1x8x128xf32, #tpu.memory_space<hbm>>
    %dma_start3A_1133 = tpu.memref_squeeze %dma_start3A_1132 : memref<8x1x1x8x128xf32, #tpu.memory_space<hbm>> -> memref<8x8x128xf32, #tpu.memory_space<hbm>>
    %dma_start3A_1134 = arith.constant 0 : i32
    %dma_start3A_1135 = arith.constant 0 : i32
    %dma_start3A_1136 = tpu.memref_slice %arg4[%mul3A_1122, %dma_start3A_1124, %select_n3A_1120, %dma_start3A_1134, %dma_start3A_1135] : memref<200x2x128x8x128xf32, #tpu.memory_space<hbm>> -> memref<8x1x1x8x128xf32, #tpu.memory_space<hbm>>
    %dma_start3A_1137 = tpu.memref_squeeze %dma_start3A_1136 : memref<8x1x1x8x128xf32, #tpu.memory_space<hbm>> -> memref<8x8x128xf32, #tpu.memory_space<hbm>>
    %dma_start3A_1138 = arith.constant 0 : i32
    %dma_start3A_1139 = arith.constant 0 : i32
    %dma_start3A_1140 = arith.constant 0 : i32
    %dma_start3A_1141 = tpu.memref_slice %arg9[%dma_start3A_1123, %dma_start3A_1138, %dma_start3A_1139, %dma_start3A_1140] : memref<2x9x8x129xf32, #tpu.memory_space<vmem>> -> memref<1x8x8x128xf32, #tpu.memory_space<vmem>>
    %dma_start3A_1142 = tpu.memref_squeeze %dma_start3A_1141 : memref<1x8x8x128xf32, #tpu.memory_space<vmem>> -> memref<8x8x128xf32, #tpu.memory_space<vmem>>
    tpu.enqueue_dma source(%dma_start3A_1142 : memref<8x8x128xf32, #tpu.memory_space<vmem>>) target(%dma_start3A_1137 : memref<8x8x128xf32, #tpu.memory_space<hbm>>) target_semaphore(%arg13 : memref<!tpu.dma_semaphore, #tpu.memory_space<semaphore_mem>>)
    %mul3A_1143 = arith.constant 8 : i32
    %mul3A_1144 = arith.muli %select_n3A_1104, %mul3A_1143 : i32
    %dma_start3A_1145 = arith.constant 1 : i32
    %dma_start3A_1146 = arith.constant 1 : i32
    %dma_start3A_1147 = arith.constant 0 : i32
    %dma_start3A_1148 = arith.constant 0 : i32
    %dma_start3A_1149 = arith.constant 0 : i32
    %dma_start3A_1150 = tpu.memref_slice %arg9[%dma_start3A_1145, %dma_start3A_1147, %dma_start3A_1148, %dma_start3A_1149] : memref<2x9x8x129xf32, #tpu.memory_space<vmem>> -> memref<1x8x8x128xf32, #tpu.memory_space<vmem>>
    %dma_start3A_1151 = tpu.memref_squeeze %dma_start3A_1150 : memref<1x8x8x128xf32, #tpu.memory_space<vmem>> -> memref<8x8x128xf32, #tpu.memory_space<vmem>>
    %dma_start3A_1152 = arith.constant 0 : i32
    %dma_start3A_1153 = arith.constant 0 : i32
    %dma_start3A_1154 = tpu.memref_slice %arg4[%mul3A_1144, %dma_start3A_1146, %select_n3A_1120, %dma_start3A_1152, %dma_start3A_1153] : memref<200x2x128x8x128xf32, #tpu.memory_space<hbm>> -> memref<8x1x1x8x128xf32, #tpu.memory_space<hbm>>
    %dma_start3A_1155 = tpu.memref_squeeze %dma_start3A_1154 : memref<8x1x1x8x128xf32, #tpu.memory_space<hbm>> -> memref<8x8x128xf32, #tpu.memory_space<hbm>>
    %dma_start3A_1156 = arith.constant 0 : i32
    %dma_start3A_1157 = arith.constant 0 : i32
    %dma_start3A_1158 = tpu.memref_slice %arg4[%mul3A_1144, %dma_start3A_1146, %select_n3A_1120, %dma_start3A_1156, %dma_start3A_1157] : memref<200x2x128x8x128xf32, #tpu.memory_space<hbm>> -> memref<8x1x1x8x128xf32, #tpu.memory_space<hbm>>
    %dma_start3A_1159 = tpu.memref_squeeze %dma_start3A_1158 : memref<8x1x1x8x128xf32, #tpu.memory_space<hbm>> -> memref<8x8x128xf32, #tpu.memory_space<hbm>>
    %dma_start3A_1160 = arith.constant 0 : i32
    %dma_start3A_1161 = arith.constant 0 : i32
    %dma_start3A_1162 = arith.constant 0 : i32
    %dma_start3A_1163 = tpu.memref_slice %arg9[%dma_start3A_1145, %dma_start3A_1160, %dma_start3A_1161, %dma_start3A_1162] : memref<2x9x8x129xf32, #tpu.memory_space<vmem>> -> memref<1x8x8x128xf32, #tpu.memory_space<vmem>>
    %dma_start3A_1164 = tpu.memref_squeeze %dma_start3A_1163 : memref<1x8x8x128xf32, #tpu.memory_space<vmem>> -> memref<8x8x128xf32, #tpu.memory_space<vmem>>
    tpu.enqueue_dma source(%dma_start3A_1164 : memref<8x8x128xf32, #tpu.memory_space<vmem>>) target(%dma_start3A_1159 : memref<8x8x128xf32, #tpu.memory_space<hbm>>) target_semaphore(%arg13 : memref<!tpu.dma_semaphore, #tpu.memory_space<semaphore_mem>>)
    %dma_wait3A_1165 = arith.constant 0 : i32
    %dma_wait3A_1166 = arith.constant 0 : i32
    %dma_wait3A_1167 = arith.constant 0 : i32
    %dma_wait3A_1168 = tpu.memref_slice %arg8[%dma_wait3A_1166, %dma_wait3A_1167] : memref<1024x16xf32, #tpu.memory_space<vmem>> -> memref<128x16xf32, #tpu.memory_space<vmem>>
    %dma_wait3A_1169 = arith.constant 0 : i32
    %dma_wait3A_1170 = tpu.memref_slice %arg6[%dma_wait3A_1165, %dma_wait3A_1169] : memref<8x128xi32, #tpu.memory_space<vmem>> -> memref<1x128xi32, #tpu.memory_space<vmem>>
    %dma_wait3A_1171 = tpu.memref_squeeze %dma_wait3A_1170 : memref<1x128xi32, #tpu.memory_space<vmem>> -> memref<128xi32, #tpu.memory_space<vmem>>
    %dma_wait3A_1172 = arith.constant 0 : i32
    %dma_wait3A_1173 = arith.constant 0 : i32
    %dma_wait3A_1174 = tpu.memref_slice %arg3[%dma_wait3A_1172, %dma_wait3A_1173] : memref<1000000x16xf32, #tpu.memory_space<hbm>> -> memref<1000000x16xf32, #tpu.memory_space<hbm>>
    tpu.wait_indirect_dma semaphore(%arg12 : memref<!tpu.dma_semaphore, #tpu.memory_space<semaphore_mem>>) src(%dma_wait3A_1174 : memref<1000000x16xf32, #tpu.memory_space<hbm>>) dst(%dma_wait3A_1168 : memref<128x16xf32, #tpu.memory_space<vmem>>)
    %dma_wait3A_1175 = arith.constant 1 : i32
    %dma_wait3A_1176 = arith.constant 128 : i32
    %dma_wait3A_1177 = arith.constant 0 : i32
    %dma_wait3A_1178 = tpu.memref_slice %arg8[%dma_wait3A_1176, %dma_wait3A_1177] : memref<1024x16xf32, #tpu.memory_space<vmem>> -> memref<128x16xf32, #tpu.memory_space<vmem>>
    %dma_wait3A_1179 = arith.constant 0 : i32
    %dma_wait3A_1180 = tpu.memref_slice %arg6[%dma_wait3A_1175, %dma_wait3A_1179] : memref<8x128xi32, #tpu.memory_space<vmem>> -> memref<1x128xi32, #tpu.memory_space<vmem>>
    %dma_wait3A_1181 = tpu.memref_squeeze %dma_wait3A_1180 : memref<1x128xi32, #tpu.memory_space<vmem>> -> memref<128xi32, #tpu.memory_space<vmem>>
    %dma_wait3A_1182 = arith.constant 0 : i32
    %dma_wait3A_1183 = arith.constant 0 : i32
    %dma_wait3A_1184 = tpu.memref_slice %arg3[%dma_wait3A_1182, %dma_wait3A_1183] : memref<1000000x16xf32, #tpu.memory_space<hbm>> -> memref<1000000x16xf32, #tpu.memory_space<hbm>>
    tpu.wait_indirect_dma semaphore(%arg12 : memref<!tpu.dma_semaphore, #tpu.memory_space<semaphore_mem>>) src(%dma_wait3A_1184 : memref<1000000x16xf32, #tpu.memory_space<hbm>>) dst(%dma_wait3A_1178 : memref<128x16xf32, #tpu.memory_space<vmem>>)
    %dma_wait3A_1185 = arith.constant 2 : i32
    %dma_wait3A_1186 = arith.constant 256 : i32
    %dma_wait3A_1187 = arith.constant 0 : i32
    %dma_wait3A_1188 = tpu.memref_slice %arg8[%dma_wait3A_1186, %dma_wait3A_1187] : memref<1024x16xf32, #tpu.memory_space<vmem>> -> memref<128x16xf32, #tpu.memory_space<vmem>>
    %dma_wait3A_1189 = arith.constant 0 : i32
    %dma_wait3A_1190 = tpu.memref_slice %arg6[%dma_wait3A_1185, %dma_wait3A_1189] : memref<8x128xi32, #tpu.memory_space<vmem>> -> memref<1x128xi32, #tpu.memory_space<vmem>>
    %dma_wait3A_1191 = tpu.memref_squeeze %dma_wait3A_1190 : memref<1x128xi32, #tpu.memory_space<vmem>> -> memref<128xi32, #tpu.memory_space<vmem>>
    %dma_wait3A_1192 = arith.constant 0 : i32
    %dma_wait3A_1193 = arith.constant 0 : i32
    %dma_wait3A_1194 = tpu.memref_slice %arg3[%dma_wait3A_1192, %dma_wait3A_1193] : memref<1000000x16xf32, #tpu.memory_space<hbm>> -> memref<1000000x16xf32, #tpu.memory_space<hbm>>
    tpu.wait_indirect_dma semaphore(%arg12 : memref<!tpu.dma_semaphore, #tpu.memory_space<semaphore_mem>>) src(%dma_wait3A_1194 : memref<1000000x16xf32, #tpu.memory_space<hbm>>) dst(%dma_wait3A_1188 : memref<128x16xf32, #tpu.memory_space<vmem>>)
    %dma_wait3A_1195 = arith.constant 3 : i32
    %dma_wait3A_1196 = arith.constant 384 : i32
    %dma_wait3A_1197 = arith.constant 0 : i32
    %dma_wait3A_1198 = tpu.memref_slice %arg8[%dma_wait3A_1196, %dma_wait3A_1197] : memref<1024x16xf32, #tpu.memory_space<vmem>> -> memref<128x16xf32, #tpu.memory_space<vmem>>
    %dma_wait3A_1199 = arith.constant 0 : i32
    %dma_wait3A_1200 = tpu.memref_slice %arg6[%dma_wait3A_1195, %dma_wait3A_1199] : memref<8x128xi32, #tpu.memory_space<vmem>> -> memref<1x128xi32, #tpu.memory_space<vmem>>
    %dma_wait3A_1201 = tpu.memref_squeeze %dma_wait3A_1200 : memref<1x128xi32, #tpu.memory_space<vmem>> -> memref<128xi32, #tpu.memory_space<vmem>>
    %dma_wait3A_1202 = arith.constant 0 : i32
    %dma_wait3A_1203 = arith.constant 0 : i32
    %dma_wait3A_1204 = tpu.memref_slice %arg3[%dma_wait3A_1202, %dma_wait3A_1203] : memref<1000000x16xf32, #tpu.memory_space<hbm>> -> memref<1000000x16xf32, #tpu.memory_space<hbm>>
    tpu.wait_indirect_dma semaphore(%arg12 : memref<!tpu.dma_semaphore, #tpu.memory_space<semaphore_mem>>) src(%dma_wait3A_1204 : memref<1000000x16xf32, #tpu.memory_space<hbm>>) dst(%dma_wait3A_1198 : memref<128x16xf32, #tpu.memory_space<vmem>>)
    %dma_wait3A_1205 = arith.constant 4 : i32
    %dma_wait3A_1206 = arith.constant 512 : i32
    %dma_wait3A_1207 = arith.constant 0 : i32
    %dma_wait3A_1208 = tpu.memref_slice %arg8[%dma_wait3A_1206, %dma_wait3A_1207] : memref<1024x16xf32, #tpu.memory_space<vmem>> -> memref<128x16xf32, #tpu.memory_space<vmem>>
    %dma_wait3A_1209 = arith.constant 0 : i32
    %dma_wait3A_1210 = tpu.memref_slice %arg6[%dma_wait3A_1205, %dma_wait3A_1209] : memref<8x128xi32, #tpu.memory_space<vmem>> -> memref<1x128xi32, #tpu.memory_space<vmem>>
    %dma_wait3A_1211 = tpu.memref_squeeze %dma_wait3A_1210 : memref<1x128xi32, #tpu.memory_space<vmem>> -> memref<128xi32, #tpu.memory_space<vmem>>
    %dma_wait3A_1212 = arith.constant 0 : i32
    %dma_wait3A_1213 = arith.constant 0 : i32
    %dma_wait3A_1214 = tpu.memref_slice %arg3[%dma_wait3A_1212, %dma_wait3A_1213] : memref<1000000x16xf32, #tpu.memory_space<hbm>> -> memref<1000000x16xf32, #tpu.memory_space<hbm>>
    tpu.wait_indirect_dma semaphore(%arg12 : memref<!tpu.dma_semaphore, #tpu.memory_space<semaphore_mem>>) src(%dma_wait3A_1214 : memref<1000000x16xf32, #tpu.memory_space<hbm>>) dst(%dma_wait3A_1208 : memref<128x16xf32, #tpu.memory_space<vmem>>)
    %dma_wait3A_1215 = arith.constant 5 : i32
    %dma_wait3A_1216 = arith.constant 640 : i32
    %dma_wait3A_1217 = arith.constant 0 : i32
    %dma_wait3A_1218 = tpu.memref_slice %arg8[%dma_wait3A_1216, %dma_wait3A_1217] : memref<1024x16xf32, #tpu.memory_space<vmem>> -> memref<128x16xf32, #tpu.memory_space<vmem>>
    %dma_wait3A_1219 = arith.constant 0 : i32
    %dma_wait3A_1220 = tpu.memref_slice %arg6[%dma_wait3A_1215, %dma_wait3A_1219] : memref<8x128xi32, #tpu.memory_space<vmem>> -> memref<1x128xi32, #tpu.memory_space<vmem>>
    %dma_wait3A_1221 = tpu.memref_squeeze %dma_wait3A_1220 : memref<1x128xi32, #tpu.memory_space<vmem>> -> memref<128xi32, #tpu.memory_space<vmem>>
    %dma_wait3A_1222 = arith.constant 0 : i32
    %dma_wait3A_1223 = arith.constant 0 : i32
    %dma_wait3A_1224 = tpu.memref_slice %arg3[%dma_wait3A_1222, %dma_wait3A_1223] : memref<1000000x16xf32, #tpu.memory_space<hbm>> -> memref<1000000x16xf32, #tpu.memory_space<hbm>>
    tpu.wait_indirect_dma semaphore(%arg12 : memref<!tpu.dma_semaphore, #tpu.memory_space<semaphore_mem>>) src(%dma_wait3A_1224 : memref<1000000x16xf32, #tpu.memory_space<hbm>>) dst(%dma_wait3A_1218 : memref<128x16xf32, #tpu.memory_space<vmem>>)
    %dma_wait3A_1225 = arith.constant 6 : i32
    %dma_wait3A_1226 = arith.constant 768 : i32
    %dma_wait3A_1227 = arith.constant 0 : i32
    %dma_wait3A_1228 = tpu.memref_slice %arg8[%dma_wait3A_1226, %dma_wait3A_1227] : memref<1024x16xf32, #tpu.memory_space<vmem>> -> memref<128x16xf32, #tpu.memory_space<vmem>>
    %dma_wait3A_1229 = arith.constant 0 : i32
    %dma_wait3A_1230 = tpu.memref_slice %arg6[%dma_wait3A_1225, %dma_wait3A_1229] : memref<8x128xi32, #tpu.memory_space<vmem>> -> memref<1x128xi32, #tpu.memory_space<vmem>>
    %dma_wait3A_1231 = tpu.memref_squeeze %dma_wait3A_1230 : memref<1x128xi32, #tpu.memory_space<vmem>> -> memref<128xi32, #tpu.memory_space<vmem>>
    %dma_wait3A_1232 = arith.constant 0 : i32
    %dma_wait3A_1233 = arith.constant 0 : i32
    %dma_wait3A_1234 = tpu.memref_slice %arg3[%dma_wait3A_1232, %dma_wait3A_1233] : memref<1000000x16xf32, #tpu.memory_space<hbm>> -> memref<1000000x16xf32, #tpu.memory_space<hbm>>
    tpu.wait_indirect_dma semaphore(%arg12 : memref<!tpu.dma_semaphore, #tpu.memory_space<semaphore_mem>>) src(%dma_wait3A_1234 : memref<1000000x16xf32, #tpu.memory_space<hbm>>) dst(%dma_wait3A_1228 : memref<128x16xf32, #tpu.memory_space<vmem>>)
    %dma_wait3A_1235 = arith.constant 7 : i32
    %dma_wait3A_1236 = arith.constant 896 : i32
    %dma_wait3A_1237 = arith.constant 0 : i32
    %dma_wait3A_1238 = tpu.memref_slice %arg8[%dma_wait3A_1236, %dma_wait3A_1237] : memref<1024x16xf32, #tpu.memory_space<vmem>> -> memref<128x16xf32, #tpu.memory_space<vmem>>
    %dma_wait3A_1239 = arith.constant 0 : i32
    %dma_wait3A_1240 = tpu.memref_slice %arg6[%dma_wait3A_1235, %dma_wait3A_1239] : memref<8x128xi32, #tpu.memory_space<vmem>> -> memref<1x128xi32, #tpu.memory_space<vmem>>
    %dma_wait3A_1241 = tpu.memref_squeeze %dma_wait3A_1240 : memref<1x128xi32, #tpu.memory_space<vmem>> -> memref<128xi32, #tpu.memory_space<vmem>>
    %dma_wait3A_1242 = arith.constant 0 : i32
    %dma_wait3A_1243 = arith.constant 0 : i32
    %dma_wait3A_1244 = tpu.memref_slice %arg3[%dma_wait3A_1242, %dma_wait3A_1243] : memref<1000000x16xf32, #tpu.memory_space<hbm>> -> memref<1000000x16xf32, #tpu.memory_space<hbm>>
    tpu.wait_indirect_dma semaphore(%arg12 : memref<!tpu.dma_semaphore, #tpu.memory_space<semaphore_mem>>) src(%dma_wait3A_1244 : memref<1000000x16xf32, #tpu.memory_space<hbm>>) dst(%dma_wait3A_1238 : memref<128x16xf32, #tpu.memory_space<vmem>>)
    %dma_wait3A_1245 = arith.constant 0 : i32
    %dma_wait3A_1246 = arith.constant 0 : i32
    %dma_wait3A_1247 = arith.constant 0 : i32
    %dma_wait3A_1248 = arith.constant 0 : i32
    %dma_wait3A_1249 = arith.constant 0 : i32
    %dma_wait3A_1250 = arith.constant 0 : i32
    %dma_wait3A_1251 = tpu.memref_slice %arg10[%dma_wait3A_1245, %dma_wait3A_1248, %dma_wait3A_1249, %dma_wait3A_1250] : memref<2x9x8x129xf32, #tpu.memory_space<vmem>> -> memref<1x8x8x128xf32, #tpu.memory_space<vmem>>
    %dma_wait3A_1252 = tpu.memref_squeeze %dma_wait3A_1251 : memref<1x8x8x128xf32, #tpu.memory_space<vmem>> -> memref<8x8x128xf32, #tpu.memory_space<vmem>>
    %dma_wait3A_1253 = arith.constant 0 : i32
    %dma_wait3A_1254 = arith.constant 0 : i32
    %dma_wait3A_1255 = arith.constant 0 : i32
    %dma_wait3A_1256 = tpu.memref_slice %arg4[%dma_wait3A_1253, %dma_wait3A_1246, %dma_wait3A_1247, %dma_wait3A_1254, %dma_wait3A_1255] : memref<200x2x128x8x128xf32, #tpu.memory_space<hbm>> -> memref<8x1x1x8x128xf32, #tpu.memory_space<hbm>>
    %dma_wait3A_1257 = tpu.memref_squeeze %dma_wait3A_1256 : memref<8x1x1x8x128xf32, #tpu.memory_space<hbm>> -> memref<8x8x128xf32, #tpu.memory_space<hbm>>
    %dma_wait3A_1258 = arith.constant 0 : i32
    %dma_wait3A_1259 = arith.constant 0 : i32
    %dma_wait3A_1260 = arith.constant 0 : i32
    %dma_wait3A_1261 = tpu.memref_slice %arg4[%dma_wait3A_1258, %dma_wait3A_1246, %dma_wait3A_1247, %dma_wait3A_1259, %dma_wait3A_1260] : memref<200x2x128x8x128xf32, #tpu.memory_space<hbm>> -> memref<8x1x1x8x128xf32, #tpu.memory_space<hbm>>
    %dma_wait3A_1262 = tpu.memref_squeeze %dma_wait3A_1261 : memref<8x1x1x8x128xf32, #tpu.memory_space<hbm>> -> memref<8x8x128xf32, #tpu.memory_space<hbm>>
    %dma_wait3A_1263 = arith.constant 0 : i32
    %dma_wait3A_1264 = arith.constant 0 : i32
    %dma_wait3A_1265 = arith.constant 0 : i32
    %dma_wait3A_1266 = tpu.memref_slice %arg10[%dma_wait3A_1245, %dma_wait3A_1263, %dma_wait3A_1264, %dma_wait3A_1265] : memref<2x9x8x129xf32, #tpu.memory_space<vmem>> -> memref<1x8x8x128xf32, #tpu.memory_space<vmem>>
    %dma_wait3A_1267 = tpu.memref_squeeze %dma_wait3A_1266 : memref<1x8x8x128xf32, #tpu.memory_space<vmem>> -> memref<8x8x128xf32, #tpu.memory_space<vmem>>
    tpu.wait_dma2 semaphore(%arg14 : memref<!tpu.dma_semaphore, #tpu.memory_space<semaphore_mem>>) src(%dma_wait3A_1267 : memref<8x8x128xf32, #tpu.memory_space<vmem>>) dst(%dma_wait3A_1262 : memref<8x8x128xf32, #tpu.memory_space<hbm>>)
    %dma_wait3A_1268 = arith.constant 1 : i32
    %dma_wait3A_1269 = arith.constant 1 : i32
    %dma_wait3A_1270 = arith.constant 0 : i32
    %dma_wait3A_1271 = arith.constant 0 : i32
    %dma_wait3A_1272 = arith.constant 0 : i32
    %dma_wait3A_1273 = arith.constant 0 : i32
    %dma_wait3A_1274 = tpu.memref_slice %arg10[%dma_wait3A_1268, %dma_wait3A_1271, %dma_wait3A_1272, %dma_wait3A_1273] : memref<2x9x8x129xf32, #tpu.memory_space<vmem>> -> memref<1x8x8x128xf32, #tpu.memory_space<vmem>>
    %dma_wait3A_1275 = tpu.memref_squeeze %dma_wait3A_1274 : memref<1x8x8x128xf32, #tpu.memory_space<vmem>> -> memref<8x8x128xf32, #tpu.memory_space<vmem>>
    %dma_wait3A_1276 = arith.constant 0 : i32
    %dma_wait3A_1277 = arith.constant 0 : i32
    %dma_wait3A_1278 = arith.constant 0 : i32
    %dma_wait3A_1279 = tpu.memref_slice %arg4[%dma_wait3A_1276, %dma_wait3A_1269, %dma_wait3A_1270, %dma_wait3A_1277, %dma_wait3A_1278] : memref<200x2x128x8x128xf32, #tpu.memory_space<hbm>> -> memref<8x1x1x8x128xf32, #tpu.memory_space<hbm>>
    %dma_wait3A_1280 = tpu.memref_squeeze %dma_wait3A_1279 : memref<8x1x1x8x128xf32, #tpu.memory_space<hbm>> -> memref<8x8x128xf32, #tpu.memory_space<hbm>>
    %dma_wait3A_1281 = arith.constant 0 : i32
    %dma_wait3A_1282 = arith.constant 0 : i32
    %dma_wait3A_1283 = arith.constant 0 : i32
    %dma_wait3A_1284 = tpu.memref_slice %arg4[%dma_wait3A_1281, %dma_wait3A_1269, %dma_wait3A_1270, %dma_wait3A_1282, %dma_wait3A_1283] : memref<200x2x128x8x128xf32, #tpu.memory_space<hbm>> -> memref<8x1x1x8x128xf32, #tpu.memory_space<hbm>>
    %dma_wait3A_1285 = tpu.memref_squeeze %dma_wait3A_1284 : memref<8x1x1x8x128xf32, #tpu.memory_space<hbm>> -> memref<8x8x128xf32, #tpu.memory_space<hbm>>
    %dma_wait3A_1286 = arith.constant 0 : i32
    %dma_wait3A_1287 = arith.constant 0 : i32
    %dma_wait3A_1288 = arith.constant 0 : i32
    %dma_wait3A_1289 = tpu.memref_slice %arg10[%dma_wait3A_1268, %dma_wait3A_1286, %dma_wait3A_1287, %dma_wait3A_1288] : memref<2x9x8x129xf32, #tpu.memory_space<vmem>> -> memref<1x8x8x128xf32, #tpu.memory_space<vmem>>
    %dma_wait3A_1290 = tpu.memref_squeeze %dma_wait3A_1289 : memref<1x8x8x128xf32, #tpu.memory_space<vmem>> -> memref<8x8x128xf32, #tpu.memory_space<vmem>>
    tpu.wait_dma2 semaphore(%arg14 : memref<!tpu.dma_semaphore, #tpu.memory_space<semaphore_mem>>) src(%dma_wait3A_1290 : memref<8x8x128xf32, #tpu.memory_space<vmem>>) dst(%dma_wait3A_1285 : memref<8x8x128xf32, #tpu.memory_space<hbm>>)
    %parallel_loop3A_1291 = arith.constant 0 : i32
    %parallel_loop3A_1292 = arith.constant 1024 : i32
    %parallel_loop3A_1293 = arith.constant 8 : i32
    scf.for %parallel_loop3A_1472 = %parallel_loop3A_1291 to %parallel_loop3A_1292 step %parallel_loop3A_1293  : i32 {
      %parallel_loop3A_1473 = arith.constant 128 : i32
      %parallel_loop3A_1474 = arith.divsi %parallel_loop3A_1472, %parallel_loop3A_1473 : i32
      %parallel_loop3A_1475 = arith.constant 0 : i32
      %parallel_loop3A_1476 = arith.cmpi sgt, %parallel_loop3A_1472, %parallel_loop3A_1475 : i32
      %parallel_loop3A_1477 = arith.extui %parallel_loop3A_1476 : i1 to i32
      %parallel_loop3A_1478 = arith.constant 0 : i32
      %parallel_loop3A_1479 = arith.cmpi slt, %parallel_loop3A_1472, %parallel_loop3A_1478 : i32
      %parallel_loop3A_1480 = arith.extui %parallel_loop3A_1479 : i1 to i32
      %parallel_loop3A_1481 = arith.subi %parallel_loop3A_1477, %parallel_loop3A_1480 : i32
      %parallel_loop3A_1482 = arith.constant 0 : i32
      %parallel_loop3A_1483 = arith.cmpi sgt, %parallel_loop3A_1473, %parallel_loop3A_1482 : i32
      %parallel_loop3A_1484 = arith.extui %parallel_loop3A_1483 : i1 to i32
      %parallel_loop3A_1485 = arith.constant 0 : i32
      %parallel_loop3A_1486 = arith.cmpi slt, %parallel_loop3A_1473, %parallel_loop3A_1485 : i32
      %parallel_loop3A_1487 = arith.extui %parallel_loop3A_1486 : i1 to i32
      %parallel_loop3A_1488 = arith.subi %parallel_loop3A_1484, %parallel_loop3A_1487 : i32
      %parallel_loop3A_1489 = arith.cmpi ne, %parallel_loop3A_1481, %parallel_loop3A_1488 : i32
      %parallel_loop3A_1490 = arith.remsi %parallel_loop3A_1472, %parallel_loop3A_1473 : i32
      %parallel_loop3A_1491 = arith.constant 0 : i32
      %parallel_loop3A_1492 = arith.cmpi ne, %parallel_loop3A_1490, %parallel_loop3A_1491 : i32
      %parallel_loop3A_1493 = arith.andi %parallel_loop3A_1489, %parallel_loop3A_1492 : i1
      %parallel_loop3A_1494 = arith.constant 1 : i32
      %parallel_loop3A_1495 = arith.subi %parallel_loop3A_1474, %parallel_loop3A_1494 : i32
      %parallel_loop3A_1496 = arith.select %parallel_loop3A_1493, %parallel_loop3A_1495, %parallel_loop3A_1474 : i32
      %parallel_loop3A_1497 = arith.constant 0 : i32
      %parallel_loop3A_1498 = vector.broadcast %parallel_loop3A_1497 : i32 to vector<16xi32>
      %parallel_loop3A_1499 = vector.broadcast %parallel_loop3A_1496 : i32 to vector<16xi32>
      %parallel_loop3A_1500 = arith.addi %parallel_loop3A_1498, %parallel_loop3A_1499 : vector<16xi32>
      %parallel_loop3A_1501 = arith.constant 128 : i32
      %parallel_loop3A_1502 = arith.constant 0 : i32
      %parallel_loop3A_1503 = arith.cmpi eq, %parallel_loop3A_1501, %parallel_loop3A_1502 : i32
      %parallel_loop3A_1504 = arith.constant 1 : i32
      %parallel_loop3A_1505 = arith.select %parallel_loop3A_1503, %parallel_loop3A_1504, %parallel_loop3A_1501 : i32
      %parallel_loop3A_1506 = arith.remsi %parallel_loop3A_1472, %parallel_loop3A_1505 : i32
      %parallel_loop3A_1507 = arith.constant 0 : i32
      %parallel_loop3A_1508 = arith.cmpi ne, %parallel_loop3A_1506, %parallel_loop3A_1507 : i32
      %parallel_loop3A_1509 = arith.constant 0 : i32
      %parallel_loop3A_1510 = arith.cmpi slt, %parallel_loop3A_1506, %parallel_loop3A_1509 : i32
      %parallel_loop3A_1511 = arith.constant 0 : i32
      %parallel_loop3A_1512 = arith.cmpi slt, %parallel_loop3A_1505, %parallel_loop3A_1511 : i32
      %parallel_loop3A_1513 = arith.xori %parallel_loop3A_1510, %parallel_loop3A_1512 : i1
      %parallel_loop3A_1514 = arith.andi %parallel_loop3A_1513, %parallel_loop3A_1508 : i1
      %parallel_loop3A_1515 = arith.addi %parallel_loop3A_1506, %parallel_loop3A_1505 : i32
      %parallel_loop3A_1516 = arith.select %parallel_loop3A_1514, %parallel_loop3A_1515, %parallel_loop3A_1506 : i32
      %parallel_loop3A_1517 = arith.constant 0 : i32
      %parallel_loop3A_1518 = vector.broadcast %parallel_loop3A_1517 : i32 to vector<16xi32>
      %parallel_loop3A_1519 = vector.broadcast %parallel_loop3A_1516 : i32 to vector<16xi32>
      %parallel_loop3A_1520 = arith.addi %parallel_loop3A_1518, %parallel_loop3A_1519 : vector<16xi32>
      %parallel_loop3A_1521 = arith.constant 0 : i32
      %parallel_loop3A_1522 = arith.addi %parallel_loop3A_1472, %parallel_loop3A_1521 : i32
      %parallel_loop3A_1523 = arith.index_cast %parallel_loop3A_1522 : i32 to index
      %parallel_loop3A_1524 = arith.constant 0 : index
      %parallel_loop3A_1525 = tpu.vector_load %arg8[%parallel_loop3A_1523, %parallel_loop3A_1524] {strides = array<i32>} : memref<1024x16xf32, #tpu.memory_space<vmem>>, vector<16xf32>,
      %parallel_loop3A_1526 = arith.constant 0 : i32
      %parallel_loop3A_1527 = vector.broadcast %parallel_loop3A_1526 : i32 to vector<16xi32>
      %parallel_loop3A_1528 = arith.addi %parallel_loop3A_1520, %parallel_loop3A_1527 : vector<16xi32>
      tpu.vector_store_idx %arg10[%select_n3A, %parallel_loop3A_1500, %select_n3A_45, %parallel_loop3A_1528], %parallel_loop3A_1525 : memref<2x9x8x129xf32, #tpu.memory_space<vmem>>[vector<16xi32>, vector<16xi32>, vector<16xi32>, vector<16xi32>], vector<16xf32>,
      %parallel_loop3A_1529 = arith.constant 1 : i32
      %parallel_loop3A_1530 = arith.addi %parallel_loop3A_1472, %parallel_loop3A_1529 : i32
      %parallel_loop3A_1531 = arith.index_cast %parallel_loop3A_1530 : i32 to index
      %parallel_loop3A_1532 = arith.constant 0 : index
      %parallel_loop3A_1533 = tpu.vector_load %arg8[%parallel_loop3A_1531, %parallel_loop3A_1532] {strides = array<i32>} : memref<1024x16xf32, #tpu.memory_space<vmem>>, vector<16xf32>,
      %parallel_loop3A_1534 = arith.constant 1 : i32
      %parallel_loop3A_1535 = vector.broadcast %parallel_loop3A_1534 : i32 to vector<16xi32>
      %parallel_loop3A_1536 = arith.addi %parallel_loop3A_1520, %parallel_loop3A_1535 : vector<16xi32>
      tpu.vector_store_idx %arg10[%select_n3A, %parallel_loop3A_1500, %select_n3A_45, %parallel_loop3A_1536], %parallel_loop3A_1533 : memref<2x9x8x129xf32, #tpu.memory_space<vmem>>[vector<16xi32>, vector<16xi32>, vector<16xi32>, vector<16xi32>], vector<16xf32>,
      %parallel_loop3A_1537 = arith.constant 2 : i32
      %parallel_loop3A_1538 = arith.addi %parallel_loop3A_1472, %parallel_loop3A_1537 : i32
      %parallel_loop3A_1539 = arith.index_cast %parallel_loop3A_1538 : i32 to index
      %parallel_loop3A_1540 = arith.constant 0 : index
      %parallel_loop3A_1541 = tpu.vector_load %arg8[%parallel_loop3A_1539, %parallel_loop3A_1540] {strides = array<i32>} : memref<1024x16xf32, #tpu.memory_space<vmem>>, vector<16xf32>,
      %parallel_loop3A_1542 = arith.constant 2 : i32
      %parallel_loop3A_1543 = vector.broadcast %parallel_loop3A_1542 : i32 to vector<16xi32>
      %parallel_loop3A_1544 = arith.addi %parallel_loop3A_1520, %parallel_loop3A_1543 : vector<16xi32>
      tpu.vector_store_idx %arg10[%select_n3A, %parallel_loop3A_1500, %select_n3A_45, %parallel_loop3A_1544], %parallel_loop3A_1541 : memref<2x9x8x129xf32, #tpu.memory_space<vmem>>[vector<16xi32>, vector<16xi32>, vector<16xi32>, vector<16xi32>], vector<16xf32>,
      %parallel_loop3A_1545 = arith.constant 3 : i32
      %parallel_loop3A_1546 = arith.addi %parallel_loop3A_1472, %parallel_loop3A_1545 : i32
      %parallel_loop3A_1547 = arith.index_cast %parallel_loop3A_1546 : i32 to index
      %parallel_loop3A_1548 = arith.constant 0 : index
      %parallel_loop3A_1549 = tpu.vector_load %arg8[%parallel_loop3A_1547, %parallel_loop3A_1548] {strides = array<i32>} : memref<1024x16xf32, #tpu.memory_space<vmem>>, vector<16xf32>,
      %parallel_loop3A_1550 = arith.constant 3 : i32
      %parallel_loop3A_1551 = vector.broadcast %parallel_loop3A_1550 : i32 to vector<16xi32>
      %parallel_loop3A_1552 = arith.addi %parallel_loop3A_1520, %parallel_loop3A_1551 : vector<16xi32>
      tpu.vector_store_idx %arg10[%select_n3A, %parallel_loop3A_1500, %select_n3A_45, %parallel_loop3A_1552], %parallel_loop3A_1549 : memref<2x9x8x129xf32, #tpu.memory_space<vmem>>[vector<16xi32>, vector<16xi32>, vector<16xi32>, vector<16xi32>], vector<16xf32>,
      %parallel_loop3A_1553 = arith.constant 4 : i32
      %parallel_loop3A_1554 = arith.addi %parallel_loop3A_1472, %parallel_loop3A_1553 : i32
      %parallel_loop3A_1555 = arith.index_cast %parallel_loop3A_1554 : i32 to index
      %parallel_loop3A_1556 = arith.constant 0 : index
      %parallel_loop3A_1557 = tpu.vector_load %arg8[%parallel_loop3A_1555, %parallel_loop3A_1556] {strides = array<i32>} : memref<1024x16xf32, #tpu.memory_space<vmem>>, vector<16xf32>,
      %parallel_loop3A_1558 = arith.constant 4 : i32
      %parallel_loop3A_1559 = vector.broadcast %parallel_loop3A_1558 : i32 to vector<16xi32>
      %parallel_loop3A_1560 = arith.addi %parallel_loop3A_1520, %parallel_loop3A_1559 : vector<16xi32>
      tpu.vector_store_idx %arg10[%select_n3A, %parallel_loop3A_1500, %select_n3A_45, %parallel_loop3A_1560], %parallel_loop3A_1557 : memref<2x9x8x129xf32, #tpu.memory_space<vmem>>[vector<16xi32>, vector<16xi32>, vector<16xi32>, vector<16xi32>], vector<16xf32>,
      %parallel_loop3A_1561 = arith.constant 5 : i32
      %parallel_loop3A_1562 = arith.addi %parallel_loop3A_1472, %parallel_loop3A_1561 : i32
      %parallel_loop3A_1563 = arith.index_cast %parallel_loop3A_1562 : i32 to index
      %parallel_loop3A_1564 = arith.constant 0 : index
      %parallel_loop3A_1565 = tpu.vector_load %arg8[%parallel_loop3A_1563, %parallel_loop3A_1564] {strides = array<i32>} : memref<1024x16xf32, #tpu.memory_space<vmem>>, vector<16xf32>,
      %parallel_loop3A_1566 = arith.constant 5 : i32
      %parallel_loop3A_1567 = vector.broadcast %parallel_loop3A_1566 : i32 to vector<16xi32>
      %parallel_loop3A_1568 = arith.addi %parallel_loop3A_1520, %parallel_loop3A_1567 : vector<16xi32>
      tpu.vector_store_idx %arg10[%select_n3A, %parallel_loop3A_1500, %select_n3A_45, %parallel_loop3A_1568], %parallel_loop3A_1565 : memref<2x9x8x129xf32, #tpu.memory_space<vmem>>[vector<16xi32>, vector<16xi32>, vector<16xi32>, vector<16xi32>], vector<16xf32>,
      %parallel_loop3A_1569 = arith.constant 6 : i32
      %parallel_loop3A_1570 = arith.addi %parallel_loop3A_1472, %parallel_loop3A_1569 : i32
      %parallel_loop3A_1571 = arith.index_cast %parallel_loop3A_1570 : i32 to index
      %parallel_loop3A_1572 = arith.constant 0 : index
      %parallel_loop3A_1573 = tpu.vector_load %arg8[%parallel_loop3A_1571, %parallel_loop3A_1572] {strides = array<i32>} : memref<1024x16xf32, #tpu.memory_space<vmem>>, vector<16xf32>,
      %parallel_loop3A_1574 = arith.constant 6 : i32
      %parallel_loop3A_1575 = vector.broadcast %parallel_loop3A_1574 : i32 to vector<16xi32>
      %parallel_loop3A_1576 = arith.addi %parallel_loop3A_1520, %parallel_loop3A_1575 : vector<16xi32>
      tpu.vector_store_idx %arg10[%select_n3A, %parallel_loop3A_1500, %select_n3A_45, %parallel_loop3A_1576], %parallel_loop3A_1573 : memref<2x9x8x129xf32, #tpu.memory_space<vmem>>[vector<16xi32>, vector<16xi32>, vector<16xi32>, vector<16xi32>], vector<16xf32>,
      %parallel_loop3A_1577 = arith.constant 7 : i32
      %parallel_loop3A_1578 = arith.addi %parallel_loop3A_1472, %parallel_loop3A_1577 : i32
      %parallel_loop3A_1579 = arith.index_cast %parallel_loop3A_1578 : i32 to index
      %parallel_loop3A_1580 = arith.constant 0 : index
      %parallel_loop3A_1581 = tpu.vector_load %arg8[%parallel_loop3A_1579, %parallel_loop3A_1580] {strides = array<i32>} : memref<1024x16xf32, #tpu.memory_space<vmem>>, vector<16xf32>,
      %parallel_loop3A_1582 = arith.constant 7 : i32
      %parallel_loop3A_1583 = vector.broadcast %parallel_loop3A_1582 : i32 to vector<16xi32>
      %parallel_loop3A_1584 = arith.addi %parallel_loop3A_1520, %parallel_loop3A_1583 : vector<16xi32>
      tpu.vector_store_idx %arg10[%select_n3A, %parallel_loop3A_1500, %select_n3A_45, %parallel_loop3A_1584], %parallel_loop3A_1581 : memref<2x9x8x129xf32, #tpu.memory_space<vmem>>[vector<16xi32>, vector<16xi32>, vector<16xi32>, vector<16xi32>], vector<16xf32>,
    } {sc.loop_unroll_factor = 2 : i64, sc.parallel_access}
    %add3A_1294 = arith.constant 99 : i32
    %add3A_1295 = arith.addi %mul3A_2, %add3A_1294 : i32
    %jit3A_1296 = arith.constant 128 : i32
    %div3A_1297 = arith.divsi %add3A_1295, %jit3A_1296 : i32
    %sign3A_1298 = arith.constant 0 : i32
    %sign3A_1299 = arith.cmpi sgt, %add3A_1295, %sign3A_1298 : i32
    %sign3A_1300 = arith.extui %sign3A_1299 : i1 to i32
    %sign3A_1301 = arith.constant 0 : i32
    %sign3A_1302 = arith.cmpi slt, %add3A_1295, %sign3A_1301 : i32
    %sign3A_1303 = arith.extui %sign3A_1302 : i1 to i32
    %sign3A_1304 = arith.subi %sign3A_1300, %sign3A_1303 : i32
    %sign3A_1305 = arith.constant 0 : i32
    %sign3A_1306 = arith.cmpi sgt, %jit3A_1296, %sign3A_1305 : i32
    %sign3A_1307 = arith.extui %sign3A_1306 : i1 to i32
    %sign3A_1308 = arith.constant 0 : i32
    %sign3A_1309 = arith.cmpi slt, %jit3A_1296, %sign3A_1308 : i32
    %sign3A_1310 = arith.extui %sign3A_1309 : i1 to i32
    %sign3A_1311 = arith.subi %sign3A_1307, %sign3A_1310 : i32
    %ne3A_1312 = arith.cmpi ne, %sign3A_1304, %sign3A_1311 : i32
    %rem3A_1313 = arith.remsi %add3A_1295, %jit3A_1296 : i32
    %ne3A_1314 = arith.constant 0 : i32
    %ne3A_1315 = arith.cmpi ne, %rem3A_1313, %ne3A_1314 : i32
    %and3A_1316 = arith.andi %ne3A_1312, %ne3A_1315 : i1
    %sub3A_1317 = arith.constant 1 : i32
    %sub3A_1318 = arith.subi %div3A_1297, %sub3A_1317 : i32
    %select_n3A_1319 = arith.select %and3A_1316, %sub3A_1318, %div3A_1297 : i32
    %jit3A_1320 = arith.constant 128 : i32
    %eq3A_1321 = arith.constant 0 : i32
    %eq3A_1322 = arith.cmpi eq, %jit3A_1320, %eq3A_1321 : i32
    %jit3A_1323 = arith.constant 1 : i32
    %select_n3A_1324 = arith.select %eq3A_1322, %jit3A_1323, %jit3A_1320 : i32
    %rem3A_1325 = arith.remsi %add3A_1295, %select_n3A_1324 : i32
    %ne3A_1326 = arith.constant 0 : i32
    %ne3A_1327 = arith.cmpi ne, %rem3A_1325, %ne3A_1326 : i32
    %lt3A_1328 = arith.constant 0 : i32
    %lt3A_1329 = arith.cmpi slt, %rem3A_1325, %lt3A_1328 : i32
    %lt3A_1330 = arith.constant 0 : i32
    %lt3A_1331 = arith.cmpi slt, %select_n3A_1324, %lt3A_1330 : i32
    %ne3A_1332 = arith.xori %lt3A_1329, %lt3A_1331 : i1
    %and3A_1333 = arith.andi %ne3A_1332, %ne3A_1327 : i1
    %add3A_1334 = arith.addi %rem3A_1325, %select_n3A_1324 : i32
    %select_n3A_1335 = arith.select %and3A_1333, %add3A_1334, %rem3A_1325 : i32
    %mul3A_1336 = arith.constant 8 : i32
    %mul3A_1337 = arith.muli %select_n3A_1319, %mul3A_1336 : i32
    %dma_start3A_1338 = arith.constant 0 : i32
    %dma_start3A_1339 = arith.constant 0 : i32
    %dma_start3A_1340 = arith.constant 0 : i32
    %dma_start3A_1341 = arith.constant 0 : i32
    %dma_start3A_1342 = arith.constant 0 : i32
    %dma_start3A_1343 = tpu.memref_slice %arg10[%dma_start3A_1338, %dma_start3A_1340, %dma_start3A_1341, %dma_start3A_1342] : memref<2x9x8x129xf32, #tpu.memory_space<vmem>> -> memref<1x8x8x128xf32, #tpu.memory_space<vmem>>
    %dma_start3A_1344 = tpu.memref_squeeze %dma_start3A_1343 : memref<1x8x8x128xf32, #tpu.memory_space<vmem>> -> memref<8x8x128xf32, #tpu.memory_space<vmem>>
    %dma_start3A_1345 = arith.constant 0 : i32
    %dma_start3A_1346 = arith.constant 0 : i32
    %dma_start3A_1347 = tpu.memref_slice %arg4[%mul3A_1337, %dma_start3A_1339, %select_n3A_1335, %dma_start3A_1345, %dma_start3A_1346] : memref<200x2x128x8x128xf32, #tpu.memory_space<hbm>> -> memref<8x1x1x8x128xf32, #tpu.memory_space<hbm>>
    %dma_start3A_1348 = tpu.memref_squeeze %dma_start3A_1347 : memref<8x1x1x8x128xf32, #tpu.memory_space<hbm>> -> memref<8x8x128xf32, #tpu.memory_space<hbm>>
    %dma_start3A_1349 = arith.constant 0 : i32
    %dma_start3A_1350 = arith.constant 0 : i32
    %dma_start3A_1351 = tpu.memref_slice %arg4[%mul3A_1337, %dma_start3A_1339, %select_n3A_1335, %dma_start3A_1349, %dma_start3A_1350] : memref<200x2x128x8x128xf32, #tpu.memory_space<hbm>> -> memref<8x1x1x8x128xf32, #tpu.memory_space<hbm>>
    %dma_start3A_1352 = tpu.memref_squeeze %dma_start3A_1351 : memref<8x1x1x8x128xf32, #tpu.memory_space<hbm>> -> memref<8x8x128xf32, #tpu.memory_space<hbm>>
    %dma_start3A_1353 = arith.constant 0 : i32
    %dma_start3A_1354 = arith.constant 0 : i32
    %dma_start3A_1355 = arith.constant 0 : i32
    %dma_start3A_1356 = tpu.memref_slice %arg10[%dma_start3A_1338, %dma_start3A_1353, %dma_start3A_1354, %dma_start3A_1355] : memref<2x9x8x129xf32, #tpu.memory_space<vmem>> -> memref<1x8x8x128xf32, #tpu.memory_space<vmem>>
    %dma_start3A_1357 = tpu.memref_squeeze %dma_start3A_1356 : memref<1x8x8x128xf32, #tpu.memory_space<vmem>> -> memref<8x8x128xf32, #tpu.memory_space<vmem>>
    tpu.enqueue_dma source(%dma_start3A_1357 : memref<8x8x128xf32, #tpu.memory_space<vmem>>) target(%dma_start3A_1352 : memref<8x8x128xf32, #tpu.memory_space<hbm>>) target_semaphore(%arg14 : memref<!tpu.dma_semaphore, #tpu.memory_space<semaphore_mem>>)
    %mul3A_1358 = arith.constant 8 : i32
    %mul3A_1359 = arith.muli %select_n3A_1319, %mul3A_1358 : i32
    %dma_start3A_1360 = arith.constant 1 : i32
    %dma_start3A_1361 = arith.constant 1 : i32
    %dma_start3A_1362 = arith.constant 0 : i32
    %dma_start3A_1363 = arith.constant 0 : i32
    %dma_start3A_1364 = arith.constant 0 : i32
    %dma_start3A_1365 = tpu.memref_slice %arg10[%dma_start3A_1360, %dma_start3A_1362, %dma_start3A_1363, %dma_start3A_1364] : memref<2x9x8x129xf32, #tpu.memory_space<vmem>> -> memref<1x8x8x128xf32, #tpu.memory_space<vmem>>
    %dma_start3A_1366 = tpu.memref_squeeze %dma_start3A_1365 : memref<1x8x8x128xf32, #tpu.memory_space<vmem>> -> memref<8x8x128xf32, #tpu.memory_space<vmem>>
    %dma_start3A_1367 = arith.constant 0 : i32
    %dma_start3A_1368 = arith.constant 0 : i32
    %dma_start3A_1369 = tpu.memref_slice %arg4[%mul3A_1359, %dma_start3A_1361, %select_n3A_1335, %dma_start3A_1367, %dma_start3A_1368] : memref<200x2x128x8x128xf32, #tpu.memory_space<hbm>> -> memref<8x1x1x8x128xf32, #tpu.memory_space<hbm>>
    %dma_start3A_1370 = tpu.memref_squeeze %dma_start3A_1369 : memref<8x1x1x8x128xf32, #tpu.memory_space<hbm>> -> memref<8x8x128xf32, #tpu.memory_space<hbm>>
    %dma_start3A_1371 = arith.constant 0 : i32
    %dma_start3A_1372 = arith.constant 0 : i32
    %dma_start3A_1373 = tpu.memref_slice %arg4[%mul3A_1359, %dma_start3A_1361, %select_n3A_1335, %dma_start3A_1371, %dma_start3A_1372] : memref<200x2x128x8x128xf32, #tpu.memory_space<hbm>> -> memref<8x1x1x8x128xf32, #tpu.memory_space<hbm>>
    %dma_start3A_1374 = tpu.memref_squeeze %dma_start3A_1373 : memref<8x1x1x8x128xf32, #tpu.memory_space<hbm>> -> memref<8x8x128xf32, #tpu.memory_space<hbm>>
    %dma_start3A_1375 = arith.constant 0 : i32
    %dma_start3A_1376 = arith.constant 0 : i32
    %dma_start3A_1377 = arith.constant 0 : i32
    %dma_start3A_1378 = tpu.memref_slice %arg10[%dma_start3A_1360, %dma_start3A_1375, %dma_start3A_1376, %dma_start3A_1377] : memref<2x9x8x129xf32, #tpu.memory_space<vmem>> -> memref<1x8x8x128xf32, #tpu.memory_space<vmem>>
    %dma_start3A_1379 = tpu.memref_squeeze %dma_start3A_1378 : memref<1x8x8x128xf32, #tpu.memory_space<vmem>> -> memref<8x8x128xf32, #tpu.memory_space<vmem>>
    tpu.enqueue_dma source(%dma_start3A_1379 : memref<8x8x128xf32, #tpu.memory_space<vmem>>) target(%dma_start3A_1374 : memref<8x8x128xf32, #tpu.memory_space<hbm>>) target_semaphore(%arg14 : memref<!tpu.dma_semaphore, #tpu.memory_space<semaphore_mem>>)
    %dma_wait3A_1380 = arith.constant 0 : i32
    %dma_wait3A_1381 = arith.constant 0 : i32
    %dma_wait3A_1382 = arith.constant 0 : i32
    %dma_wait3A_1383 = arith.constant 0 : i32
    %dma_wait3A_1384 = arith.constant 0 : i32
    %dma_wait3A_1385 = arith.constant 0 : i32
    %dma_wait3A_1386 = tpu.memref_slice %arg9[%dma_wait3A_1380, %dma_wait3A_1383, %dma_wait3A_1384, %dma_wait3A_1385] : memref<2x9x8x129xf32, #tpu.memory_space<vmem>> -> memref<1x8x8x128xf32, #tpu.memory_space<vmem>>
    %dma_wait3A_1387 = tpu.memref_squeeze %dma_wait3A_1386 : memref<1x8x8x128xf32, #tpu.memory_space<vmem>> -> memref<8x8x128xf32, #tpu.memory_space<vmem>>
    %dma_wait3A_1388 = arith.constant 0 : i32
    %dma_wait3A_1389 = arith.constant 0 : i32
    %dma_wait3A_1390 = arith.constant 0 : i32
    %dma_wait3A_1391 = tpu.memref_slice %arg4[%dma_wait3A_1388, %dma_wait3A_1381, %dma_wait3A_1382, %dma_wait3A_1389, %dma_wait3A_1390] : memref<200x2x128x8x128xf32, #tpu.memory_space<hbm>> -> memref<8x1x1x8x128xf32, #tpu.memory_space<hbm>>
    %dma_wait3A_1392 = tpu.memref_squeeze %dma_wait3A_1391 : memref<8x1x1x8x128xf32, #tpu.memory_space<hbm>> -> memref<8x8x128xf32, #tpu.memory_space<hbm>>
    %dma_wait3A_1393 = arith.constant 0 : i32
    %dma_wait3A_1394 = arith.constant 0 : i32
    %dma_wait3A_1395 = arith.constant 0 : i32
    %dma_wait3A_1396 = tpu.memref_slice %arg4[%dma_wait3A_1393, %dma_wait3A_1381, %dma_wait3A_1382, %dma_wait3A_1394, %dma_wait3A_1395] : memref<200x2x128x8x128xf32, #tpu.memory_space<hbm>> -> memref<8x1x1x8x128xf32, #tpu.memory_space<hbm>>
    %dma_wait3A_1397 = tpu.memref_squeeze %dma_wait3A_1396 : memref<8x1x1x8x128xf32, #tpu.memory_space<hbm>> -> memref<8x8x128xf32, #tpu.memory_space<hbm>>
    %dma_wait3A_1398 = arith.constant 0 : i32
    %dma_wait3A_1399 = arith.constant 0 : i32
    %dma_wait3A_1400 = arith.constant 0 : i32
    %dma_wait3A_1401 = tpu.memref_slice %arg9[%dma_wait3A_1380, %dma_wait3A_1398, %dma_wait3A_1399, %dma_wait3A_1400] : memref<2x9x8x129xf32, #tpu.memory_space<vmem>> -> memref<1x8x8x128xf32, #tpu.memory_space<vmem>>
    %dma_wait3A_1402 = tpu.memref_squeeze %dma_wait3A_1401 : memref<1x8x8x128xf32, #tpu.memory_space<vmem>> -> memref<8x8x128xf32, #tpu.memory_space<vmem>>
    tpu.wait_dma2 semaphore(%arg13 : memref<!tpu.dma_semaphore, #tpu.memory_space<semaphore_mem>>) src(%dma_wait3A_1402 : memref<8x8x128xf32, #tpu.memory_space<vmem>>) dst(%dma_wait3A_1397 : memref<8x8x128xf32, #tpu.memory_space<hbm>>)
    %dma_wait3A_1403 = arith.constant 1 : i32
    %dma_wait3A_1404 = arith.constant 1 : i32
    %dma_wait3A_1405 = arith.constant 0 : i32
    %dma_wait3A_1406 = arith.constant 0 : i32
    %dma_wait3A_1407 = arith.constant 0 : i32
    %dma_wait3A_1408 = arith.constant 0 : i32
    %dma_wait3A_1409 = tpu.memref_slice %arg9[%dma_wait3A_1403, %dma_wait3A_1406, %dma_wait3A_1407, %dma_wait3A_1408] : memref<2x9x8x129xf32, #tpu.memory_space<vmem>> -> memref<1x8x8x128xf32, #tpu.memory_space<vmem>>
    %dma_wait3A_1410 = tpu.memref_squeeze %dma_wait3A_1409 : memref<1x8x8x128xf32, #tpu.memory_space<vmem>> -> memref<8x8x128xf32, #tpu.memory_space<vmem>>
    %dma_wait3A_1411 = arith.constant 0 : i32
    %dma_wait3A_1412 = arith.constant 0 : i32
    %dma_wait3A_1413 = arith.constant 0 : i32
    %dma_wait3A_1414 = tpu.memref_slice %arg4[%dma_wait3A_1411, %dma_wait3A_1404, %dma_wait3A_1405, %dma_wait3A_1412, %dma_wait3A_1413] : memref<200x2x128x8x128xf32, #tpu.memory_space<hbm>> -> memref<8x1x1x8x128xf32, #tpu.memory_space<hbm>>
    %dma_wait3A_1415 = tpu.memref_squeeze %dma_wait3A_1414 : memref<8x1x1x8x128xf32, #tpu.memory_space<hbm>> -> memref<8x8x128xf32, #tpu.memory_space<hbm>>
    %dma_wait3A_1416 = arith.constant 0 : i32
    %dma_wait3A_1417 = arith.constant 0 : i32
    %dma_wait3A_1418 = arith.constant 0 : i32
    %dma_wait3A_1419 = tpu.memref_slice %arg4[%dma_wait3A_1416, %dma_wait3A_1404, %dma_wait3A_1405, %dma_wait3A_1417, %dma_wait3A_1418] : memref<200x2x128x8x128xf32, #tpu.memory_space<hbm>> -> memref<8x1x1x8x128xf32, #tpu.memory_space<hbm>>
    %dma_wait3A_1420 = tpu.memref_squeeze %dma_wait3A_1419 : memref<8x1x1x8x128xf32, #tpu.memory_space<hbm>> -> memref<8x8x128xf32, #tpu.memory_space<hbm>>
    %dma_wait3A_1421 = arith.constant 0 : i32
    %dma_wait3A_1422 = arith.constant 0 : i32
    %dma_wait3A_1423 = arith.constant 0 : i32
    %dma_wait3A_1424 = tpu.memref_slice %arg9[%dma_wait3A_1403, %dma_wait3A_1421, %dma_wait3A_1422, %dma_wait3A_1423] : memref<2x9x8x129xf32, #tpu.memory_space<vmem>> -> memref<1x8x8x128xf32, #tpu.memory_space<vmem>>
    %dma_wait3A_1425 = tpu.memref_squeeze %dma_wait3A_1424 : memref<1x8x8x128xf32, #tpu.memory_space<vmem>> -> memref<8x8x128xf32, #tpu.memory_space<vmem>>
    tpu.wait_dma2 semaphore(%arg13 : memref<!tpu.dma_semaphore, #tpu.memory_space<semaphore_mem>>) src(%dma_wait3A_1425 : memref<8x8x128xf32, #tpu.memory_space<vmem>>) dst(%dma_wait3A_1420 : memref<8x8x128xf32, #tpu.memory_space<hbm>>)
    %dma_wait3A_1426 = arith.constant 0 : i32
    %dma_wait3A_1427 = arith.constant 0 : i32
    %dma_wait3A_1428 = arith.constant 0 : i32
    %dma_wait3A_1429 = arith.constant 0 : i32
    %dma_wait3A_1430 = arith.constant 0 : i32
    %dma_wait3A_1431 = arith.constant 0 : i32
    %dma_wait3A_1432 = tpu.memref_slice %arg10[%dma_wait3A_1426, %dma_wait3A_1429, %dma_wait3A_1430, %dma_wait3A_1431] : memref<2x9x8x129xf32, #tpu.memory_space<vmem>> -> memref<1x8x8x128xf32, #tpu.memory_space<vmem>>
    %dma_wait3A_1433 = tpu.memref_squeeze %dma_wait3A_1432 : memref<1x8x8x128xf32, #tpu.memory_space<vmem>> -> memref<8x8x128xf32, #tpu.memory_space<vmem>>
    %dma_wait3A_1434 = arith.constant 0 : i32
    %dma_wait3A_1435 = arith.constant 0 : i32
    %dma_wait3A_1436 = arith.constant 0 : i32
    %dma_wait3A_1437 = tpu.memref_slice %arg4[%dma_wait3A_1434, %dma_wait3A_1427, %dma_wait3A_1428, %dma_wait3A_1435, %dma_wait3A_1436] : memref<200x2x128x8x128xf32, #tpu.memory_space<hbm>> -> memref<8x1x1x8x128xf32, #tpu.memory_space<hbm>>
    %dma_wait3A_1438 = tpu.memref_squeeze %dma_wait3A_1437 : memref<8x1x1x8x128xf32, #tpu.memory_space<hbm>> -> memref<8x8x128xf32, #tpu.memory_space<hbm>>
    %dma_wait3A_1439 = arith.constant 0 : i32
    %dma_wait3A_1440 = arith.constant 0 : i32
    %dma_wait3A_1441 = arith.constant 0 : i32
    %dma_wait3A_1442 = tpu.memref_slice %arg4[%dma_wait3A_1439, %dma_wait3A_1427, %dma_wait3A_1428, %dma_wait3A_1440, %dma_wait3A_1441] : memref<200x2x128x8x128xf32, #tpu.memory_space<hbm>> -> memref<8x1x1x8x128xf32, #tpu.memory_space<hbm>>
    %dma_wait3A_1443 = tpu.memref_squeeze %dma_wait3A_1442 : memref<8x1x1x8x128xf32, #tpu.memory_space<hbm>> -> memref<8x8x128xf32, #tpu.memory_space<hbm>>
    %dma_wait3A_1444 = arith.constant 0 : i32
    %dma_wait3A_1445 = arith.constant 0 : i32
    %dma_wait3A_1446 = arith.constant 0 : i32
    %dma_wait3A_1447 = tpu.memref_slice %arg10[%dma_wait3A_1426, %dma_wait3A_1444, %dma_wait3A_1445, %dma_wait3A_1446] : memref<2x9x8x129xf32, #tpu.memory_space<vmem>> -> memref<1x8x8x128xf32, #tpu.memory_space<vmem>>
    %dma_wait3A_1448 = tpu.memref_squeeze %dma_wait3A_1447 : memref<1x8x8x128xf32, #tpu.memory_space<vmem>> -> memref<8x8x128xf32, #tpu.memory_space<vmem>>
    tpu.wait_dma2 semaphore(%arg14 : memref<!tpu.dma_semaphore, #tpu.memory_space<semaphore_mem>>) src(%dma_wait3A_1448 : memref<8x8x128xf32, #tpu.memory_space<vmem>>) dst(%dma_wait3A_1443 : memref<8x8x128xf32, #tpu.memory_space<hbm>>)
    %dma_wait3A_1449 = arith.constant 1 : i32
    %dma_wait3A_1450 = arith.constant 1 : i32
    %dma_wait3A_1451 = arith.constant 0 : i32
    %dma_wait3A_1452 = arith.constant 0 : i32
    %dma_wait3A_1453 = arith.constant 0 : i32
    %dma_wait3A_1454 = arith.constant 0 : i32
    %dma_wait3A_1455 = tpu.memref_slice %arg10[%dma_wait3A_1449, %dma_wait3A_1452, %dma_wait3A_1453, %dma_wait3A_1454] : memref<2x9x8x129xf32, #tpu.memory_space<vmem>> -> memref<1x8x8x128xf32, #tpu.memory_space<vmem>>
    %dma_wait3A_1456 = tpu.memref_squeeze %dma_wait3A_1455 : memref<1x8x8x128xf32, #tpu.memory_space<vmem>> -> memref<8x8x128xf32, #tpu.memory_space<vmem>>
    %dma_wait3A_1457 = arith.constant 0 : i32
    %dma_wait3A_1458 = arith.constant 0 : i32
    %dma_wait3A_1459 = arith.constant 0 : i32
    %dma_wait3A_1460 = tpu.memref_slice %arg4[%dma_wait3A_1457, %dma_wait3A_1450, %dma_wait3A_1451, %dma_wait3A_1458, %dma_wait3A_1459] : memref<200x2x128x8x128xf32, #tpu.memory_space<hbm>> -> memref<8x1x1x8x128xf32, #tpu.memory_space<hbm>>
    %dma_wait3A_1461 = tpu.memref_squeeze %dma_wait3A_1460 : memref<8x1x1x8x128xf32, #tpu.memory_space<hbm>> -> memref<8x8x128xf32, #tpu.memory_space<hbm>>
    %dma_wait3A_1462 = arith.constant 0 : i32
    %dma_wait3A_1463 = arith.constant 0 : i32
    %dma_wait3A_1464 = arith.constant 0 : i32
    %dma_wait3A_1465 = tpu.memref_slice %arg4[%dma_wait3A_1462, %dma_wait3A_1450, %dma_wait3A_1451, %dma_wait3A_1463, %dma_wait3A_1464] : memref<200x2x128x8x128xf32, #tpu.memory_space<hbm>> -> memref<8x1x1x8x128xf32, #tpu.memory_space<hbm>>
    %dma_wait3A_1466 = tpu.memref_squeeze %dma_wait3A_1465 : memref<8x1x1x8x128xf32, #tpu.memory_space<hbm>> -> memref<8x8x128xf32, #tpu.memory_space<hbm>>
    %dma_wait3A_1467 = arith.constant 0 : i32
    %dma_wait3A_1468 = arith.constant 0 : i32
    %dma_wait3A_1469 = arith.constant 0 : i32
    %dma_wait3A_1470 = tpu.memref_slice %arg10[%dma_wait3A_1449, %dma_wait3A_1467, %dma_wait3A_1468, %dma_wait3A_1469] : memref<2x9x8x129xf32, #tpu.memory_space<vmem>> -> memref<1x8x8x128xf32, #tpu.memory_space<vmem>>
    %dma_wait3A_1471 = tpu.memref_squeeze %dma_wait3A_1470 : memref<1x8x8x128xf32, #tpu.memory_space<vmem>> -> memref<8x8x128xf32, #tpu.memory_space<vmem>>
    tpu.wait_dma2 semaphore(%arg14 : memref<!tpu.dma_semaphore, #tpu.memory_space<semaphore_mem>>) src(%dma_wait3A_1471 : memref<8x8x128xf32, #tpu.memory_space<vmem>>) dst(%dma_wait3A_1466 : memref<8x8x128xf32, #tpu.memory_space<hbm>>)
    return
  }
}

</mosaic_0001>

<sc_bundles>
// kernel: kernel.3.cloned.1.call-start
scs
__scs_entry_jumppad:
0x0: {  	(pc) =	sbr.rel $0x88, $3  }
0x1: {  	(tag) =	ssettag $0x0;
	lr =	simm.s32 $0x1  }
0x2: {  	[smem:$0x3F9F] =	sst lr;
	_ =	strace $0xD0000000  }
0x3: {  	_ = 	snop  }
0x4: {  	_ = 	snop  }
0x5: {  	_ = 	snop  }
0x6: {  	_ = 	snop  }
0x7: {  	_ = 	snop  }
__scs_overlays_trampoline_lowered:
0x8: {  	[smem:$0x3FAE] =	sst s0  }
0x9: {  	[smem:$0x3FAF] =	sst s1  }
0xa: {  	[smem:$0x3FB0] =	sst s2  }
0xb: {  	[smem:$0x3FB1] =	sst s3  }
0xc: {  	[smem:$0x3FB2] =	sst s4  }
0xd: {  	[smem:$0x3FB3] =	sst s5  }
0xe: {  	[smem:$0x3FB4] =	sst s6  }
0xf: {  	[smem:$0x3FB5] =	sst s7  }
0x10: {  	[smem:$0x3FB6] =	sst s8  }
0x11: {  	[smem:$0x3FB7] =	sst s9;
	s0 =	simm.s32 @!p0 $0x0  }
0x12: {  	s1 =	sld [smem:$0x3F9D];
	s0 =	simm.s32 @p0 $0x1  }
0x13: {  	[smem:$0x3FB8] =	sst s0;
	s0 =	simm.s32 @!p1 $0x0  }
0x14: {  	s2 =	sld [smem:$0x3F9C];
	s0 =	simm.s32 @p1 $0x1  }
0x15: {  	[smem:$0x3FB9] =	sst s0;
	s0 =	simm.s32 @!p2 $0x0  }
0x16: {  	s3 =	sld [smem:$0x3FDB];
	s0 =	simm.s32 @p2 $0x1  }
0x17: {  	s4 =	simm.s32 $0x1BF5;
	[smem:$0x3FBB] =	sst s0  }
0x18: {  	s0 =	sld [smem:$0x3F9E];
	_ =	swait.ge [sflag:s4], $0x0  }
0x19: {  	s7 =	sld [smem:$0x3F9F]  }
0x1a: {  	s8 =	sadd.s32 $0xFFFFE003, lr  }
0x1b: {  	s9 =	sadd.s32 $0xFFFFFEF7, lr;
	s5 =	simm.s32 $0xFFFFFFFF;
	p2 =	slt.u32 s8, $0xFFFFF086  }
0x1c: {  	p1 =	slt.u32 s9, $0xF7A;
	s5 =	simm.s32 @!p2 $0x0  }
0x1d: {  	s5 =	simm.s32 @p1 $0x1;
	p0 =	seq.s32 s7, s2  }
0x1e: {  	s7 =	smul.u32 @!p0 $0xF7A, s2;
	p2 =	seq.s32 @!p0 s5, $0x0  }
0x1f: {  	s9 =	smul.u32 $0xF7A, s1;
	s8 =	simm.s32 @!p0 $0x1BF5;
	p2 =	por !p2, p0  }
0x20: {  	[sflag:s8] =	ssyncset.s32 @!p0 $0xFFFFF086;
	s6 =	sadd.s32 @!p0 s3, s7;
	s7 =	simm.s32 @!p0 $0x108  }
0x21: {  	s3 =	sadd.s32 s3, s9;
	s6 =	sadd.s32 @!p0 $0x88, s6;
	s7 =	simm.s32 @p2 $0x1082  }
0x22: {  	[simem:s7], [sflag:s8] =	dma.local @!p0 [hbm:s6], $0xF7A  }
0x23: {  	s9 =	sor.u32 $0xD0000000, s2;
	s6 =	simm.s32 $0x108;
	_ =	swait.ge @!p0 [sflag:s8], $0x0  }
0x24: {  	s3 =	sadd.s32 $0x88, s3;
	s6 =	simm.s32 @!p1 $0x1082;
	[sflag:s4] =	ssyncset.s32 $0xFFFFF086  }
0x25: {  	[simem:s6], [sflag:s4] =	dma.local [hbm:s3], $0xF7A  }
0x26: {  	[smem:$0x3F9F] =	sst s1;
	(tag) =	ssettag s2;
	_ =	strace s9  }
0x27: {  	s1 =	sld [smem:$0x3FAF]  }
0x28: {  	s2 =	sld [smem:$0x3FB0]  }
0x29: {  	s4 =	sld [smem:$0x3FB2]  }
0x2a: {  	p0 =	seq.s32 s5, $0x0;
	s5 =	sld [smem:$0x3FB3]  }
0x2b: {  	s6 =	sld [smem:$0x3FB4]  }
0x2c: {  	s7 =	sld [smem:$0x3FB5]  }
0x2d: {  	s3 =	simm.s32 $0x108;
	s8 =	sld [smem:$0x3FB6]  }
0x2e: {  	s3 =	simm.s32 @!p0 $0x1082;
	s9 =	sld [smem:$0x3FB7]  }
0x2f: {  	lr =	sadd.s32 s0, s3;
	s0 =	sld [smem:$0x3FAE]  }
0x30: {  	s3 =	sld [smem:$0x3FB1]  }
0x31: {  	[smem:$0x3FBA] =	sst s10  }
0x32: {  	s10 =	sld [smem:$0x3FB8];
	_ =	sdelay $0x3  }
0x33: {  	p0 =	seq.s32 s10, $0x1;
	s10 =	sld [smem:$0x3FBA];
	_ =	sdelay $0x3  }
0x34: {  	[smem:$0x3FBA] =	sst s10  }
0x35: {  	s10 =	sld [smem:$0x3FB9];
	_ =	sdelay $0x3  }
0x36: {  	p1 =	seq.s32 s10, $0x1;
	s10 =	sld [smem:$0x3FBA];
	_ =	sdelay $0x3  }
0x37: {  	[smem:$0x3FBA] =	sst s10  }
0x38: {  	s10 =	sld [smem:$0x3FBB]  }
0x39: {  	_ = 	snop;
	(pc) =	sbr.ind lr, $3  }
0x3a: {  	_ = 	snop  }
0x3b: {  	_ = 	snop  }
0x3c: {  	p2 =	seq.s32 s10, $0x1;
	s10 =	sld [smem:$0x3FBA]  }
0x3d: {  	_ =	shalt  }
0x3e: {  	_ =	shalt  }
0x3f: {  	_ =	shalt  }
0x40: {  	_ =	shalt  }
0x41: {  	_ =	shalt  }
0x42: {  	_ =	shalt  }
0x43: {  	_ =	shalt  }
0x44: {  	_ =	shalt  }
0x45: {  	_ =	shalt  }
0x46: {  	_ =	shalt  }
0x47: {  	_ =	shalt  }
0x48: {  	_ =	shalt  }
0x49: {  	_ =	shalt  }
0x4a: {  	_ =	shalt  }
0x4b: {  	_ =	shalt  }
0x4c: {  	_ =	shalt  }
0x4d: {  	_ =	shalt  }
0x4e: {  	_ =	shalt  }
0x4f: {  	_ =	shalt  }
0x50: {  	_ =	shalt  }
0x51: {  	_ =	shalt  }
0x52: {  	_ =	shalt  }
0x53: {  	_ =	shalt  }
0x54: {  	_ =	shalt  }
0x55: {  	_ =	shalt  }
0x56: {  	_ =	shalt  }
0x57: {  	_ =	shalt  }
0x58: {  	_ =	shalt  }
0x59: {  	_ =	shalt  }
0x5a: {  	_ =	shalt  }
0x5b: {  	_ =	shalt  }
0x5c: {  	_ =	shalt  }
0x5d: {  	_ =	shalt  }
0x5e: {  	_ =	shalt  }
0x5f: {  	_ =	shalt  }
0x60: {  	_ =	shalt  }
0x61: {  	_ =	shalt  }
0x62: {  	_ =	shalt  }
0x63: {  	_ =	shalt  }
0x64: {  	_ =	shalt  }
0x65: {  	_ =	shalt  }
0x66: {  	_ =	shalt  }
0x67: {  	_ =	shalt  }
0x68: {  	_ =	shalt  }
0x69: {  	_ =	shalt  }
0x6a: {  	_ =	shalt  }
0x6b: {  	_ =	shalt  }
0x6c: {  	_ =	shalt  }
0x6d: {  	_ =	shalt  }
0x6e: {  	_ =	shalt  }
0x6f: {  	_ =	shalt  }
0x70: {  	_ =	shalt  }
0x71: {  	_ =	shalt  }
0x72: {  	_ =	shalt  }
0x73: {  	_ =	shalt  }
0x74: {  	_ =	shalt  }
0x75: {  	_ =	shalt  }
0x76: {  	_ =	shalt  }
0x77: {  	_ =	shalt  }
0x78: {  	_ =	shalt  }
0x79: {  	_ =	shalt  }
0x7a: {  	_ =	shalt  }
0x7b: {  	_ =	shalt  }
0x7c: {  	_ =	shalt  }
0x7d: {  	_ =	shalt  }
0x7e: {  	_ =	shalt  }
0x7f: {  	_ =	shalt  }
0x80: {  	_ =	shalt  }
0x81: {  	_ =	shalt  }
0x82: {  	_ =	shalt  }
0x83: {  	_ =	shalt  }
0x84: {  	_ =	shalt  }
0x85: {  	_ =	shalt  }
0x86: {  	_ =	shalt  }
0x87: {  	_ =	shalt  }
.Lfunc_end0:
.L_simem_size_0:
called_computation_lowered:
.L_overlay_start_0:
0x88: {  	s2 =	sld [smem:$0x3FD9]  }
0x89: {  	s3 =	sld [smem:$0x3FFE];
	_ =	sdelay $0x1  }
0x8a: {  	s1 =	srdreg.scid  }
0x8b: {  	s0 =	sand.u32 $0x1, s1  }
0x8c: {  	s17 =	sshll.u32 s0, $0xA;
	s2 =	sadd.s32 s3, s2  }
0x8d: {  	s2 =	sadd.s32 s2, s17  }
0x8e: {  	[smem:$0x3FC6] =	sst s2  }
0x8f: {  	_ = 	snop  }
0x90: {  	s2 =	sld [smem:$0x3FC9]  }
0x91: {  	s18 =	sld [smem:$0x3FD0];
	(tm) =	ssettm $0x1  }
0x92: {  	s4 =	sld [smem:$0x3FFB];
	_ =	sdelay $0x3  }
0x93: {  	_ =	strace s4  }
0x94: {  	s4 =	sld [smem:$0x3FFC];
	_ =	sdelay $0x3  }
0x95: {  	_ =	strace s4  }
0x96: {  	s4 =	sld [smem:$0x3FFD];
	_ =	sdelay $0x3  }
0x97: {  	_ =	strace s4  }
0x98: {  	_ =	strace $0x8FFFFFFF  }
0x99: {  	s19 =	sld [smem:$0x3FDB];
	_ =	sdelay $0x1  }
0x9a: {  	s5 =	simm.s32 $_scs_section_size  }
0x9b: {  	s6 =	simm.s32 $_size__tile_overlayer_lowered;
	s7 =	simm.s32 $_tile_overlayer_lowered  }
0x9c: {  	s22 =	simm.s32 $0x1BFF;
	s21 =	sshll.u32 s7, $0x1;
	s4 =	sadd.s32 s5, s19  }
0x9d: {  	s8 =	simm.s32 $0x0;
	s20 =	sshll.u32 s6, $0x1;
	s6 =	sadd.s32 s21, s4  }
0x9e: {  	[timem:s8], [sflag:s22] =	dma.local [hbm:s6], s20  }
0x9f: {  	_ =	swait.ge [sflag:s22], s20  }
0xa0: {  	s5 =	ssub.s32 $0x0, s20;
	[sflag:s22] =	ssyncset.done $0x0  }
0xa1: {  	[sflag:s22] =	ssyncadd.s32 s5;
	_ =	sdelay $0x1  }
0xa2: {  	s23 =	simm.s32 $0x1B8B  }
0xa3: {  	_ =	swait.ge [sflag:s23], $0x1  }
0xa4: {  	[sflag:s23] =	ssyncset.done $0x0  }
0xa5: {  	s25 =	simm.s32 $0x1B8E;
	s24 =	sld [smem:$0x3FFE];
	[sflag:s23] =	ssyncadd.s32 $0xFFFFFFFF  }
0xa6: {  	s26 =	simm.s32 $execute0_lowered;
	[smem:$0x3FD2] =	sst s25  }
0xa7: {  	s6 =	sshll.u32 s26, $0x1;
	_ =	strace $0x80000046;
	[dreg:$0x1] =	wrdreg $0xFFFFFFFF  }
0xa8: {  	s28 =	simm.s32 $_size_execute0_lowered;
	s4 =	sadd.s32 s4, s6;
	[dreg:$0x0] =	wrdreg $0x0  }
0xa9: {  	s6 =	sshll.u32 s28, $0x1;
	[dreg:$0x2] =	wrdreg s4  }
0xaa: {  	[dreg:$0x3] =	wrdreg s6  }
0xab: {  	[dreg:$0x4] =	wrdreg $0xC0  }
0xac: {  	_ =	task [dreg:s8], $0x5FFFF  }
0xad: {  	[dreg:$0x1] =	wrdreg $0xFFFFFFFF  }
0xae: {  	[dreg:$0x0] =	wrdreg $0x60  }
0xaf: {  	[dreg:$0x2] =	wrdreg s2  }
0xb0: {  	[dreg:$0x3] =	wrdreg s24  }
0xb1: {  	[dreg:$0x4] =	wrdreg s18  }
0xb2: {  	[dreg:$0x5] =	wrdreg $0x9  }
0xb3: {  	_ =	task.clear_ibuf [dreg:s8], $0x6FFFF;
	_ =	strace $0x90000046  }
0xb4: {  	s29 =	simm.s32 $0x9;
	_ =	strace $0x80000048  }
0xb5: {  	_ =	swait.ge [sflag:s29], $0x1  }
0xb6: {  	[sflag:s29] =	ssyncadd.s32 $0xFFFFFFFF  }
0xb7: {  	_ =	strace $0x90000048  }
0xb8: {  	_ =	sfence  }
0xb9: {  	s30 =	sld [smem:$0x0];
	_ =	sdelay $0x2  }
0xba: {  	s31 =	sshll.u32 s1, $0xD;
	s1 =	sshrl.u32 s1, $0x2  }
0xbb: {  	s3 =	sand.u32 $0x4000, s31;
	s1 =	sadd.s32 s1, s30  }
0xbc: {  	s0 =	sor.u32 s3, s0;
	s1 =	sshll.u32 s1, $0x11  }
0xbd: {  	s0 =	sor.u32 s1, s0  }
0xbe: {  	s0 =	sadd.s32 $0x8F2B, s0  }
0xbf: {  	[sflag:s0] =	ssyncadd.remote.s32 $0x1  }
0xc0: {  	_ =	sfence.sel $0xFFFF  }
0xc1: {  	[dreg:$0x0] =	wrdreg $0xFFFFFFFF;
	(pc) =	sbr.abs _section_cstart, $3  }
0xc2: {  	[dreg:$0x1] =	wrdreg $0xFFFFFFFF  }
0xc3: {  	_ =	task.clear_ibuf [dreg:s8], $0x2FFFF;
	_ =	strace $0x9FFFFFFF  }
0xc4: {  	(tm) =	ssettm $0x7FFFFFFF  }
0xc5: {  	_ =	shalt  }
tec
execute0_lowered:
.L_overlay_start_1:
0x0: {  	(tag) =	ssettag $0x1  }
0x1: {  	s6 =	rddreg [dreg:$0x0]  }
0x2: {  	s0 =	srdreg.scid;
	s5 =	rddreg [dreg:$0x1]  }
0x3: {  	s1 =	stileid.u32;
	s3 =	rddreg [dreg:$0x2];
	s4 =	simm.s32 $0x0  }
0x4: {  	s29 =	simm.s32 $0x700;
	s0 =	sand.u32 $0x1, s0;
	s1 =	sshll.u32 s1, $0x1  }
0x5: {  	s30 =	simm.s32 $0x7800;
	s31 =	simm.s32 $0x780;
	s1 =	sor.u32 s0, s1  }
0x6: {  	s12 =	simm.s32 $0x3;
	s13 =	simm.s32 $0x0;
	s2 =	smul.u32 $0x64, s1  }
0x7: {  	[smem:$0x7FF] =	sst s4;
	s0 =	ssub.s32 $0x2, s0;
	s1 =	smul.u32 $0x19000, s1  }
0x8: {  	s5 =	sadd.s32 $0xF42800, s5;
	_ =	strace $0x80000047;
	s11 =	sshrl.u32 s0, $0x1  }
0x9: {  	s0 =	ssub.s32 s0, s11;
	s7 =	sshrl.u32 s2, $0x7;
	s8 =	sand.u32 $0x1F000, s1  }
0xa: {  	s1 =	sshrl.u32 s1, $0x3;
	s18 =	sadd.s32 $0x62, s2;
	s21 =	sadd.s32 $0x63, s2  }
0xb: {  	s0 =	smax.u32 s0, $0x1;
	s9 =	sshll.u32 s7, $0x11;
	s15 =	sor.u32 $0x400, s8  }
0xc: {  	s7 =	sshll.u32 s7, $0x15;
	s1 =	sadd.s32 s1, s6;
	s20 =	sshll.u32 s18, $0xB  }
0xd: {  	s22 =	sshll.u32 s21, $0xB;
	[dreg:$0x10] =	wrdreg s0;
	s0 =	simm.s32 $0x1  }
0xe: {  	s10 =	sor.u32 s8, s9;
	s9 =	sor.u32 s15, s9;
	s8 =	sor.u32 s8, s7  }
0xf: {  	v0 =	vimm.s32 $0x29F8;
	vm0 =	vcmask $0x300;
	s16 =	sadd.s32 $0x100, s1;
	s7 =	sor.u32 s15, s7;
	s1 =	sadd.s32 $0x180, s1  }
0x10: {  	vm14 =	vcmask $0x704;
	v0 =	vsel vm0, $0x0, v0;
	s23 =	sand.u32 $0xFC0000, s22;
	s22 =	simm.s32 $0x5;
	s10 =	sshrl.u32 s10, $0x3  }
0x11: {  	vm15 =	vcmask $0xB08;
	v0 =	vsel vm14, $0x88, v0;
	s9 =	sshrl.u32 s9, $0x3;
	[dreg:$0x6] =	wrdreg s16;
	s8 =	sshrl.u32 s8, $0x3  }
0x12: {  	vm4 =	vcmask $0xF0C;
	v0 =	vsel vm15, $0x110, v0;
	s7 =	sshrl.u32 s7, $0x3;
	[dreg:$0x9] =	wrdreg s1;
	s10 =	sadd.s32 s6, s10  }
0x13: {  	vm5 =	vcmask $0x1310;
	v0 =	vsel vm4, $0x198, v0;
	s1 =	sand.u32 $0xFC0000, s20;
	s9 =	sadd.s32 s6, s9;
	[dreg:$0x4] =	wrdreg s10  }
0x14: {  	vm6 =	vcmask $0x1714;
	v0 =	vsel vm5, $0x220, v0;
	s20 =	sadd.s32 $0x100, s6;
	s17 =	sadd.s32 s3, s8;
	[dreg:$0x5] =	wrdreg s9  }
0x15: {  	vm7 =	vcmask $0x1B18;
	v0 =	vsel vm6, $0x2A8, v0;
	s19 =	sadd.s32 s3, s7;
	s6 =	simm.s32 $0x8800;
	[dreg:$0x7] =	wrdreg s17  }
0x16: {  	vm8 =	vcmask $0x1F1C;
	v0 =	vsel vm7, $0x330, v0;
	s10 =	sadd.s32 $0x4000, s3;
	[dreg:$0xa] =	wrdreg s19;
	s9 =	sshll.u32 s21, $0x7  }
0x17: {  	vm9 =	vcmask $0x2320;
	v0 =	vsel vm8, $0x3B8, v0;
	s21 =	simm.s32 $0x400;
	s19 =	simm.s32 $0x4;
	s8 =	sadd.s32 s8, s10  }
0x18: {  	vm10 =	vcmask $0x2724;
	v0 =	vsel vm9, $0x2640, v0;
	s9 =	sand.u32 $0x3F80, s9;
	s7 =	sadd.s32 s7, s10;
	[dreg:$0x8] =	wrdreg s8  }
0x19: {  	vm11 =	vcmask $0x2B28;
	v0 =	vsel vm10, $0x26C8, v0;
	s8 =	sshll.u32 s18, $0x7;
	[dreg:$0xb] =	wrdreg s7;
	s25 =	sor.u32 s9, s23  }
0x1a: {  	vm12 =	vcmask $0x2F2C;
	v0 =	vsel vm11, $0x2750, v0;
	s23 =	simm.s32 $0x80;
	s8 =	sand.u32 $0x3F00, s8;
	s26 =	sadd.s32 s3, s25  }
0x1b: {  	vm13 =	vcmask $0x3330;
	v0 =	vsel vm12, $0x27D8, v0;
	s28 =	sadd.s32 s25, s10;
	s1 =	sor.u32 s8, s1;
	[dreg:$0xe] =	wrdreg s26  }
0x1c: {  	vm14 =	vcmask $0x3734;
	s9 =	simm.s32 $0x6;
	v0 =	vsel vm13, $0x2860, v0;
	[dreg:$0xf] =	wrdreg s28;
	s24 =	sadd.s32 s3, s1  }
0x1d: {  	vm15 =	vcmask $0x3B38;
	s7 =	simm.s32 $0x2;
	v0 =	vsel vm14, $0x28E8, v0;
	s1 =	sadd.s32 s1, s10;
	[dreg:$0xc] =	wrdreg s24  }
0x1e: {  	s8 =	simm.s32 $0xD480;
	v0 =	vsel vm15, $0x2970, v0;
	[dreg:$0xd] =	wrdreg s1;
	s1 =	simm.s32 $0x8000  }
.LBB2_1:
0x1f: {  	[dreg:$0x11] =	wrdreg s13  }
0x20: {  	s11 =	rddreg [dreg:$0x4]  }
0x21: {  	[tilespmem:s4], [sflag:$0x5] =	stream.linear.gather [hbm4b:s11+s4], $0x400, $0x38;
	[tilespmem:$0x12100] =	vst v63  }
0x22: {  	s16 =	rddreg [dreg:$0x5]  }
0x23: {  	[tilespmem:s21], [sflag:$0x6] =	stream.linear.gather [hbm4b:s16+s4], $0x400, $0x38;
	[tilespmem:$0x12100] =	vst v63  }
0x24: {  	_ =	swait.ge [sflag:s22], $0x400  }
0x25: {  	[sflag:s22] =	ssyncset.done $0x0  }
0x26: {  	s17 =	simm.s32 $0x800;
	[sflag:s22] =	ssyncadd.s32 $0xFFFFFC00  }
0x27: {  	[tilespmem:s17], [sflag:$0x1] =	stream.indirect.gather [hbm4b:s5+s23], $0x10, s4, s23, $0xb8;
	[tilespmem:$0x12100] =	vst v63  }
0x28: {  	s18 =	simm.s32 $0x1000  }
0x29: {  	[tilespmem:s18], [sflag:$0x1] =	stream.indirect.gather [hbm4b:s5+s23], $0x10, s23, s23, $0xb8;
	[tilespmem:$0x12100] =	vst v63  }
0x2a: {  	s24 =	simm.s32 $0x100;
	s25 =	simm.s32 $0x1800  }
0x2b: {  	[tilespmem:s25], [sflag:$0x1] =	stream.indirect.gather [hbm4b:s5+s23], $0x10, s24, s23, $0xb8;
	[tilespmem:$0x12100] =	vst v63  }
0x2c: {  	s26 =	simm.s32 $0x180;
	s28 =	simm.s32 $0x2000  }
0x2d: {  	[tilespmem:s28], [sflag:$0x1] =	stream.indirect.gather [hbm4b:s5+s23], $0x10, s26, s23, $0xb8;
	[tilespmem:$0x12100] =	vst v63  }
0x2e: {  	s14 =	simm.s32 $0x200;
	s15 =	simm.s32 $0x2800  }
0x2f: {  	[tilespmem:s15], [sflag:$0x1] =	stream.indirect.gather [hbm4b:s5+s23], $0x10, s14, s23, $0xb8;
	[tilespmem:$0x12100] =	vst v63  }
0x30: {  	s16 =	simm.s32 $0x280;
	s17 =	simm.s32 $0x3000  }
0x31: {  	[tilespmem:s17], [sflag:$0x1] =	stream.indirect.gather [hbm4b:s5+s23], $0x10, s16, s23, $0xb8;
	[tilespmem:$0x12100] =	vst v63  }
0x32: {  	s18 =	simm.s32 $0x300;
	s24 =	simm.s32 $0x3800  }
0x33: {  	[tilespmem:s24], [sflag:$0x1] =	stream.indirect.gather [hbm4b:s5+s23], $0x10, s18, s23, $0xb8;
	[tilespmem:$0x12100] =	vst v63  }
0x34: {  	s25 =	simm.s32 $0x380;
	s26 =	simm.s32 $0x4000  }
0x35: {  	[tilespmem:s26], [sflag:$0x1] =	stream.indirect.gather [hbm4b:s5+s23], $0x10, s25, s23, $0xb8;
	[tilespmem:$0x12100] =	vst v63  }
0x36: {  	_ =	swait.ge [sflag:s9], $0x400  }
0x37: {  	[sflag:s9] =	ssyncset.done $0x0  }
0x38: {  	s28 =	simm.s32 $0x4800;
	[sflag:s9] =	ssyncadd.s32 $0xFFFFFC00  }
0x39: {  	[tilespmem:s28], [sflag:$0x2] =	stream.indirect.gather [hbm4b:s5+s23], $0x10, s21, s23, $0xb8;
	[tilespmem:$0x12100] =	vst v63  }
0x3a: {  	s13 =	simm.s32 $0x480;
	s14 =	simm.s32 $0x5000  }
0x3b: {  	[tilespmem:s14], [sflag:$0x2] =	stream.indirect.gather [hbm4b:s5+s23], $0x10, s13, s23, $0xb8;
	[tilespmem:$0x12100] =	vst v63  }
0x3c: {  	s15 =	simm.s32 $0x500;
	s16 =	simm.s32 $0x5800  }
0x3d: {  	[tilespmem:s16], [sflag:$0x2] =	stream.indirect.gather [hbm4b:s5+s23], $0x10, s15, s23, $0xb8;
	[tilespmem:$0x12100] =	vst v63  }
0x3e: {  	s17 =	simm.s32 $0x580;
	s18 =	simm.s32 $0x6000  }
0x3f: {  	[tilespmem:s18], [sflag:$0x2] =	stream.indirect.gather [hbm4b:s5+s23], $0x10, s17, s23, $0xb8;
	[tilespmem:$0x12100] =	vst v63  }
0x40: {  	s24 =	simm.s32 $0x600;
	s25 =	simm.s32 $0x6800  }
0x41: {  	[tilespmem:s25], [sflag:$0x2] =	stream.indirect.gather [hbm4b:s5+s23], $0x10, s24, s23, $0xb8;
	[tilespmem:$0x12100] =	vst v63  }
0x42: {  	s26 =	simm.s32 $0x680;
	s28 =	simm.s32 $0x7000  }
0x43: {  	[tilespmem:s28], [sflag:$0x2] =	stream.indirect.gather [hbm4b:s5+s23], $0x10, s26, s23, $0xb8;
	[tilespmem:$0x12100] =	vst v63  }
0x44: {  	_ = 	snop  }
0x45: {  	[tilespmem:s30], [sflag:$0x2] =	stream.indirect.gather [hbm4b:s5+s23], $0x10, s29, s23, $0xb8;
	[tilespmem:$0x12100] =	vst v63  }
0x46: {  	_ = 	snop  }
0x47: {  	[tilespmem:s1], [sflag:$0x2] =	stream.indirect.gather [hbm4b:s5+s23], $0x10, s31, s23, $0xb8;
	[tilespmem:$0x12100] =	vst v63  }
0x48: {  	_ =	swait.ge [sflag:s0], $0x800  }
0x49: {  	[sflag:s0] =	ssyncset.done $0x0  }
0x4a: {  	[sflag:s0] =	ssyncadd.s32 $0xFFFFF800  }
0x4b: {  	_ =	swait.ge [sflag:s0], $0x800  }
0x4c: {  	[sflag:s0] =	ssyncset.done $0x0  }
0x4d: {  	[sflag:s0] =	ssyncadd.s32 $0xFFFFF800  }
0x4e: {  	_ =	swait.ge [sflag:s0], $0x800  }
0x4f: {  	[sflag:s0] =	ssyncset.done $0x0  }
0x50: {  	[sflag:s0] =	ssyncadd.s32 $0xFFFFF800  }
0x51: {  	_ =	swait.ge [sflag:s0], $0x800  }
0x52: {  	[sflag:s0] =	ssyncset.done $0x0  }
0x53: {  	[sflag:s0] =	ssyncadd.s32 $0xFFFFF800  }
0x54: {  	_ =	swait.ge [sflag:s0], $0x800  }
0x55: {  	[sflag:s0] =	ssyncset.done $0x0  }
0x56: {  	[sflag:s0] =	ssyncadd.s32 $0xFFFFF800  }
0x57: {  	_ =	swait.ge [sflag:s0], $0x800  }
0x58: {  	[sflag:s0] =	ssyncset.done $0x0  }
0x59: {  	[sflag:s0] =	ssyncadd.s32 $0xFFFFF800  }
0x5a: {  	s14 =	simm.s32 $0x0;
	_ =	swait.ge [sflag:s0], $0x800  }
0x5b: {  	v1 =	vmov s14;
	[sflag:s0] =	ssyncset.done $0x0  }
0x5c: {  	v1 =	vmul.u32 $0x440, v1;
	[sflag:s0] =	ssyncadd.s32 $0xFFFFF800  }
0x5d: {  	s11 =	simm.s32 $0x880;
	_ =	swait.ge [sflag:s0], $0x800  }
0x5e: {  	s14 =	simm.s32 $0x0;
	s16 =	simm.s32 $0x8;
	v1 =	vbroadcast v1, $0x0;
	[sflag:s0] =	ssyncset.done $0x0  }
0x5f: {  	s13 =	sand.u32 $0x78, s16;
	s15 =	rddreg [dreg:$0x6];
	[sflag:s0] =	ssyncadd.s32 $0xFFFFF800  }
0x60: {  	v2 =	vadd.s32 v0, v1;
	[tilespmem:s4], [sflag:$0x5] =	stream.linear.gather [hbm4b:s15+s4], $0x400, $0x38;
	[tilespmem:$0x12100] =	vst v63  }
0x61: {  	s14 =	sand.u32 $0x70, s14;
	v1 =	vadd.s32 s13, v2;
	v3 =	vld [tilespmem:s11+$0x0]  }
0x62: {  	v4 =	vadd.s32 s14, v2;
	v2 =	vld [tilespmem:s11+$0xFFFFFF80];
	_ =	sdelay $0x3  }
0x63: {  	[tilespmem:v1+s6+$0x0] =	vst.idx.msk $0xffff, v3  }
0x64: {  	[tilespmem:v4+s6+$0x0] =	vst.idx.msk $0xffff, v2;
	v3 =	vor.u32 $0x1, v1;
	v2 =	vld [tilespmem:s11+$0x10]  }
0x65: {  	v5 =	vor.u32 $0x1, v4;
	v6 =	vld [tilespmem:s11+$0xFFFFFF90];
	_ =	sdelay $0x1  }
0x66: {  	s17 =	simm.s32 $0x0  }
0x67: {  	v7 =	vmov s17  }
0x68: {  	v7 =	vmul.u32 $0x440, v7;
	[tilespmem:v3+s6+$0x0] =	vst.idx.msk $0xffff, v2  }
0x69: {  	[tilespmem:v5+s6+$0x0] =	vst.idx.msk $0xffff, v6;
	v5 =	vor.u32 $0x2, v1;
	v3 =	vld [tilespmem:s11+$0x20]  }
0x6a: {  	v6 =	vor.u32 $0x2, v4;
	v2 =	vbroadcast v7, $0x0;
	v7 =	vld [tilespmem:s11+$0xFFFFFFA0]  }
0x6b: {  	s18 =	simm.s32 $0x18  }
0x6c: {  	s24 =	simm.s32 $0x10;
	s13 =	simm.s32 $0x980;
	s15 =	sand.u32 $0x78, s18;
	v8 =	vadd.s32 v0, v2  }
0x6d: {  	s14 =	sand.u32 $0x70, s24;
	v9 =	vld [tilespmem:s13+$0x0];
	v2 =	vadd.s32 s15, v8  }
0x6e: {  	v10 =	vld [tilespmem:s13+$0xFFFFFF80];
	v8 =	vadd.s32 s14, v8;
	[tilespmem:v5+s6+$0x0] =	vst.idx.msk $0xffff, v3  }
0x6f: {  	[tilespmem:v6+s6+$0x0] =	vst.idx.msk $0xffff, v7;
	v5 =	vor.u32 $0x3, v1;
	v3 =	vld [tilespmem:s11+$0x30]  }
0x70: {  	v6 =	vor.u32 $0x3, v4;
	v7 =	vld [tilespmem:s11+$0xFFFFFFB0];
	_ =	sdelay $0x1  }
0x71: {  	[tilespmem:v2+s6+$0x0] =	vst.idx.msk $0xffff, v9  }
0x72: {  	[tilespmem:v8+s6+$0x0] =	vst.idx.msk $0xffff, v10;
	v10 =	vor.u32 $0x1, v2;
	v9 =	vld [tilespmem:s13+$0x10]  }
0x73: {  	v11 =	vor.u32 $0x1, v8;
	v12 =	vld [tilespmem:s13+$0xFFFFFF90];
	[tilespmem:v5+s6+$0x0] =	vst.idx.msk $0xffff, v3  }
0x74: {  	[tilespmem:v6+s6+$0x0] =	vst.idx.msk $0xffff, v7;
	v5 =	vor.u32 $0x4, v1;
	v3 =	vld [tilespmem:s11+$0x40]  }
0x75: {  	s25 =	simm.s32 $0x0;
	v6 =	vor.u32 $0x4, v4;
	v7 =	vld [tilespmem:s11+$0xFFFFFFC0]  }
0x76: {  	v13 =	vmov s25  }
0x77: {  	v13 =	vmul.u32 $0x440, v13;
	[tilespmem:v10+s6+$0x0] =	vst.idx.msk $0xffff, v9  }
0x78: {  	[tilespmem:v11+s6+$0x0] =	vst.idx.msk $0xffff, v12;
	v10 =	vor.u32 $0x2, v2;
	v9 =	vld [tilespmem:s13+$0x20]  }
0x79: {  	v11 =	vor.u32 $0x2, v8;
	v12 =	vbroadcast v13, $0x0;
	v13 =	vld [tilespmem:s13+$0xFFFFFFA0];
	[tilespmem:v5+s6+$0x0] =	vst.idx.msk $0xffff, v3  }
0x7a: {  	v14 =	vor.u32 $0x5, v1;
	s15 =	simm.s32 $0x20;
	[tilespmem:v6+s6+$0x0] =	vst.idx.msk $0xffff, v7;
	v6 =	vld [tilespmem:s11+$0x50]  }
0x7b: {  	s26 =	simm.s32 $0x28;
	v15 =	vor.u32 $0x5, v4;
	s14 =	simm.s32 $0xA80;
	s28 =	sand.u32 $0x70, s15;
	v3 =	vadd.s32 v0, v12;
	v16 =	vld [tilespmem:s11+$0xFFFFFFD0]  }
0x7c: {  	s16 =	sand.u32 $0x78, s26;
	v22 =	vld [tilespmem:s14+$0xFFFFFF80];
	v26 =	vor.u32 $0x3, v2;
	v5 =	vor.u32 $0x6, v4;
	v19 =	vadd.s32 s28, v3  }
0x7d: {  	v18 =	vld [tilespmem:s14+$0x0];
	v12 =	vor.u32 $0x3, v8;
	v7 =	vadd.s32 s16, v3;
	v3 =	vor.u32 $0x7, v4;
	[tilespmem:v10+s6+$0x0] =	vst.idx.msk $0xffff, v9  }
0x7e: {  	v4 =	vor.u32 $0x7, v8;
	[tilespmem:v11+s6+$0x0] =	vst.idx.msk $0xffff, v13;
	v11 =	vor.u32 $0x4, v8;
	v9 =	vor.u32 $0x5, v8  }
0x7f: {  	v17 =	vor.u32 $0x1, v19;
	v13 =	vor.u32 $0x2, v19;
	v20 =	vor.u32 $0x3, v19;
	v25 =	vld [tilespmem:s13+$0x30];
	[tilespmem:v14+s6+$0x0] =	vst.idx.msk $0xffff, v6  }
0x80: {  	v10 =	vor.u32 $0x5, v19;
	v21 =	vld [tilespmem:s13+$0xFFFFFFB0];
	v6 =	vor.u32 $0x6, v8;
	[tilespmem:v15+s6+$0x0] =	vst.idx.msk $0xffff, v16;
	v15 =	vor.u32 $0x4, v19  }
0x81: {  	v14 =	vor.u32 $0x6, v19;
	[tilespmem:v19+s6+$0x0] =	vst.idx.msk $0xffff, v22;
	v8 =	vor.u32 $0x7, v19;
	v19 =	vor.u32 $0x6, v1;
	v16 =	vld [tilespmem:s11+$0x60]  }
0x82: {  	[tilespmem:v7+s6+$0x0] =	vst.idx.msk $0xffff, v18;
	v18 =	vld [tilespmem:s11+$0xFFFFFFE0]  }
0x83: {  	v24 =	vor.u32 $0x1, v7;
	v22 =	vld [tilespmem:s14+$0x10]  }
0x84: {  	v23 =	vld [tilespmem:s14+$0xFFFFFF90];
	[tilespmem:v26+s6+$0x0] =	vst.idx.msk $0xffff, v25  }
.LBB2_2:
0x85: {  	[tilespmem:v12+s6+$0x0] =	vst.idx.msk $0xffff, v21;
	v21 =	vld [tilespmem:s13+$0x40];
	v25 =	vor.u32 $0x4, v2;
	v12 =	vmov v20;
	s16 =	smov.u32 s15;
	s15 =	sadd.s32 $0x10, s15  }
0x86: {  	s17 =	sshrl.u32 s15, $0x7;
	s18 =	sand.u32 $0x70, s15;
	p0 =	slt.u32 s15, $0x3F0;
	v20 =	vld [tilespmem:s13+$0xFFFFFFC0];
	[tilespmem:v19+s6+$0x0] =	vst.idx.msk $0xffff, v16  }
0x87: {  	v19 =	vor.u32 $0x7, v1;
	v1 =	vmovc v2;
	v2 =	vmovc v7;
	v16 =	vmov s17;
	[tilespmem:v5+s6+$0x0] =	vst.idx.msk $0xffff, v18;
	v18 =	vld [tilespmem:s11+$0x70];
	v5 =	vmov v6  }
0x88: {  	v6 =	vmov v14;
	v7 =	vmul.u32 $0x440, v16;
	[tilespmem:v24+s6+$0x0] =	vst.idx.msk $0xffff, v22;
	v16 =	vld [tilespmem:s11+$0xFFFFFFF0];
	s11 =	smov.u32 s13;
	s13 =	smov.u32 s14  }
0x89: {  	v22 =	vor.u32 $0x2, v2;
	[tilespmem:v17+s6+$0x0] =	vst.idx.msk $0xffff, v23;
	v14 =	vld [tilespmem:s14+$0x20]  }
0x8a: {  	v7 =	vbroadcast v7, $0x0;
	v23 =	vld [tilespmem:s14+$0xFFFFFFA0];
	[tilespmem:v25+s6+$0x0] =	vst.idx.msk $0xffff, v21  }
0x8b: {  	s16 =	sadd.s32 $0x18, s16;
	v25 =	vor.u32 $0x5, v1;
	[tilespmem:v11+s6+$0x0] =	vst.idx.msk $0xffff, v20;
	v24 =	vld [tilespmem:s11+$0x50];
	v11 =	vmov v15  }
0x8c: {  	s16 =	sand.u32 $0x78, s16;
	s14 =	sadd.s32 $0x100, s14;
	v7 =	vadd.s32 v0, v7;
	v26 =	vld [tilespmem:s11+$0xFFFFFFD0];
	[tilespmem:v19+s6+$0x0] =	vst.idx.msk $0xffff, v18  }
0x8d: {  	v27 =	vadd.s32 s18, v7;
	v18 =	vld [tilespmem:s14+$0x0];
	v7 =	vadd.s32 s16, v7;
	[tilespmem:v3+s6+$0x0] =	vst.idx.msk $0xffff, v16;
	v3 =	vmovc v4;
	v4 =	vmov v8  }
0x8e: {  	v28 =	vld [tilespmem:s14+$0xFFFFFF80];
	v17 =	vor.u32 $0x1, v27;
	v8 =	vor.u32 $0x2, v27;
	v20 =	vor.u32 $0x3, v27;
	[tilespmem:v22+s6+$0x0] =	vst.idx.msk $0xffff, v14  }
0x8f: {  	v30 =	vor.u32 $0x3, v2;
	v15 =	vor.u32 $0x4, v27;
	v22 =	vor.u32 $0x5, v27;
	[tilespmem:v13+s6+$0x0] =	vst.idx.msk $0xffff, v23;
	v29 =	vld [tilespmem:s13+$0x30];
	v13 =	vmovc v8  }
.Ltmp0:
0x90: {  	v14 =	vor.u32 $0x6, v27;
	v8 =	vor.u32 $0x7, v27;
	v21 =	vld [tilespmem:s13+$0xFFFFFFB0];
	[tilespmem:v25+s6+$0x0] =	vst.idx.msk $0xffff, v24;
	(pc) =	sbr.rel @p0 .LBB2_2-.Ltmp0, $4  }
0x91: {  	v19 =	vor.u32 $0x6, v1;
	[tilespmem:v9+s6+$0x0] =	vst.idx.msk $0xffff, v26;
	v16 =	vld [tilespmem:s11+$0x60];
	v9 =	vmov v10;
	v10 =	vmov v22  }
0x92: {  	[tilespmem:v7+s6+$0x0] =	vst.idx.msk $0xffff, v18;
	v18 =	vld [tilespmem:s11+$0xFFFFFFE0]  }
0x93: {  	v24 =	vor.u32 $0x1, v7;
	[tilespmem:v27+s6+$0x0] =	vst.idx.msk $0xffff, v28;
	v22 =	vld [tilespmem:s14+$0x10]  }
0x94: {  	v23 =	vld [tilespmem:s14+$0xFFFFFF90];
	[tilespmem:v30+s6+$0x0] =	vst.idx.msk $0xffff, v29  }
0x95: {  	_ =	sdelay $0x3  }
0x96: {  	[tilespmem:v24+s6+$0x0] =	vst.idx.msk $0xffff, v22  }
0x97: {  	v40 =	vor.u32 $0x2, v7;
	[tilespmem:v17+s6+$0x0] =	vst.idx.msk $0xffff, v23;
	v39 =	vld [tilespmem:s14+$0x20]  }
0x98: {  	v23 =	vld [tilespmem:s14+$0xFFFFFFA0];
	_ =	sdelay $0x3  }
0x99: {  	[tilespmem:v40+s6+$0x0] =	vst.idx.msk $0xffff, v39  }
0x9a: {  	v42 =	vor.u32 $0x3, v7;
	[tilespmem:v13+s6+$0x0] =	vst.idx.msk $0xffff, v23;
	v41 =	vld [tilespmem:s14+$0x30]  }
0x9b: {  	v43 =	vld [tilespmem:s14+$0xFFFFFFB0];
	_ =	sdelay $0x2  }
0x9c: {  	[tilespmem:v12+s6+$0x0] =	vst.idx.msk $0xffff, v21;
	v44 =	vld [tilespmem:s13+$0x40];
	v45 =	vor.u32 $0x4, v2  }
0x9d: {  	v46 =	vld [tilespmem:s13+$0xFFFFFFC0];
	[tilespmem:v42+s6+$0x0] =	vst.idx.msk $0xffff, v41  }
0x9e: {  	v47 =	vor.u32 $0x4, v7;
	[tilespmem:v20+s6+$0x0] =	vst.idx.msk $0xffff, v43;
	v13 =	vld [tilespmem:s14+$0x40]  }
0x9f: {  	v20 =	vld [tilespmem:s14+$0xFFFFFFC0];
	_ =	sdelay $0x1  }
0xa0: {  	[tilespmem:v45+s6+$0x0] =	vst.idx.msk $0xffff, v44  }
0xa1: {  	v49 =	vor.u32 $0x5, v2;
	[tilespmem:v11+s6+$0x0] =	vst.idx.msk $0xffff, v46;
	v48 =	vld [tilespmem:s13+$0x50]  }
0xa2: {  	v50 =	vld [tilespmem:s13+$0xFFFFFFD0];
	[tilespmem:v47+s6+$0x0] =	vst.idx.msk $0xffff, v13  }
0xa3: {  	v51 =	vor.u32 $0x5, v7;
	[tilespmem:v15+s6+$0x0] =	vst.idx.msk $0xffff, v20;
	v13 =	vld [tilespmem:s14+$0x50]  }
0xa4: {  	v52 =	vld [tilespmem:s14+$0xFFFFFFD0];
	_ =	sdelay $0x1  }
0xa5: {  	[tilespmem:v49+s6+$0x0] =	vst.idx.msk $0xffff, v48  }
0xa6: {  	v54 =	vor.u32 $0x6, v2;
	[tilespmem:v9+s6+$0x0] =	vst.idx.msk $0xffff, v50;
	v53 =	vld [tilespmem:s13+$0x60]  }
0xa7: {  	v55 =	vld [tilespmem:s13+$0xFFFFFFE0];
	[tilespmem:v51+s6+$0x0] =	vst.idx.msk $0xffff, v13  }
0xa8: {  	v57 =	vor.u32 $0x6, v7;
	[tilespmem:v10+s6+$0x0] =	vst.idx.msk $0xffff, v52;
	v56 =	vld [tilespmem:s14+$0x60]  }
0xa9: {  	[tilespmem:v19+s6+$0x0] =	vst.idx.msk $0xffff, v16;
	v58 =	vld [tilespmem:s14+$0xFFFFFFE0]  }
0xaa: {  	v1 =	vor.u32 $0x7, v1;
	[tilespmem:v5+s6+$0x0] =	vst.idx.msk $0xffff, v18;
	v59 =	vld [tilespmem:s11+$0x70]  }
0xab: {  	v60 =	vld [tilespmem:s11+$0xFFFFFFF0];
	[tilespmem:v54+s6+$0x0] =	vst.idx.msk $0xffff, v53  }
0xac: {  	v2 =	vor.u32 $0x7, v2;
	[tilespmem:v6+s6+$0x0] =	vst.idx.msk $0xffff, v55;
	v61 =	vld [tilespmem:s13+$0x70]  }
0xad: {  	v62 =	vld [tilespmem:s13+$0xFFFFFFF0];
	[tilespmem:v57+s6+$0x0] =	vst.idx.msk $0xffff, v56  }
0xae: {  	v63 =	vor.u32 $0x7, v7;
	[tilespmem:v14+s6+$0x0] =	vst.idx.msk $0xffff, v58;
	v10 =	vld [tilespmem:s14+$0x70]  }
0xaf: {  	[tilespmem:v1+s6+$0x0] =	vst.idx.msk $0xffff, v59;
	v1 =	vld [tilespmem:s14+$0xFFFFFFF0]  }
0xb0: {  	[tilespmem:v3+s6+$0x0] =	vst.idx.msk $0xffff, v60  }
0xb1: {  	[tilespmem:v2+s6+$0x0] =	vst.idx.msk $0xffff, v61  }
0xb2: {  	[tilespmem:v4+s6+$0x0] =	vst.idx.msk $0xffff, v62  }
0xb3: {  	[tilespmem:v63+s6+$0x0] =	vst.idx.msk $0xffff, v10  }
0xb4: {  	[tilespmem:v8+s6+$0x0] =	vst.idx.msk $0xffff, v1  }
0xb5: {  	s18 =	simm.s32 $0x8800;
	s17 =	rddreg [dreg:$0x7]  }
0xb6: {  	[hbm4b:s17+s4] =	stream.linear.scatter [tilespmem:s18], [sflag:$0x3], $0x80, $0x38;
	[tilespmem:$0x12100] =	vst v63  }
0xb7: {  	s24 =	simm.s32 $0x8888;
	s25 =	sadd.s32 $0x10, s17  }
0xb8: {  	[hbm4b:s25+s4] =	stream.linear.scatter [tilespmem:s24], [sflag:$0x3], $0x80, $0x38;
	[tilespmem:$0x12100] =	vst v63  }
0xb9: {  	s26 =	simm.s32 $0x8910;
	s16 =	simm.s32 $0x8A20;
	s28 =	sadd.s32 $0x20, s17  }
0xba: {  	[hbm4b:s28+s4] =	stream.linear.scatter [tilespmem:s26], [sflag:$0x3], $0x80, $0x38;
	[tilespmem:$0x12100] =	vst v63  }
0xbb: {  	s11 =	simm.s32 $0x440;
	s14 =	simm.s32 $0x8998;
	s15 =	sadd.s32 $0x30, s17  }
0xbc: {  	[hbm4b:s15+s4] =	stream.linear.scatter [tilespmem:s14], [sflag:$0x3], $0x80, $0x38;
	[tilespmem:$0x12100] =	vst v63  }
0xbd: {  	s18 =	sadd.s32 $0x40, s17;
	s13 =	sadd.s32 $0x8000, s17;
	s24 =	simm.s32 $0x8AA8  }
0xbe: {  	[hbm4b:s18+s4] =	stream.linear.scatter [tilespmem:s16], [sflag:$0x3], $0x80, $0x38;
	[tilespmem:$0x12100] =	vst v63  }
0xbf: {  	s25 =	sadd.s32 $0x50, s17;
	s26 =	simm.s32 $0x8B30;
	s28 =	sadd.s32 $0x60, s17  }
0xc0: {  	[hbm4b:s25+s4] =	stream.linear.scatter [tilespmem:s24], [sflag:$0x3], $0x80, $0x38;
	[tilespmem:$0x12100] =	vst v63  }
0xc1: {  	s14 =	simm.s32 $0x2200;
	s15 =	simm.s32 $0x8BB8;
	s16 =	sadd.s32 $0x70, s17  }
0xc2: {  	[hbm4b:s28+s4] =	stream.linear.scatter [tilespmem:s26], [sflag:$0x3], $0x80, $0x38;
	[tilespmem:$0x12100] =	vst v63  }
.LBB2_4:
0xc3: {  	[hbm4b:s16+s4] =	stream.linear.scatter [tilespmem:s15], [sflag:$0x3], $0x80, $0x38;
	[tilespmem:$0x12100] =	vst v63  }
0xc4: {  	s15 =	smov.u32 s11;
	s11 =	smov.u32 s14  }
0xc5: {  	s17 =	sadd.s32 $0x1100, s14;
	s11 =	sshra.s32 s11, $0x2;
	s16 =	sadd.s32 $0x8800, s15  }
0xc6: {  	[hbm4b:s13+s4] =	stream.linear.scatter [tilespmem:s16], [sflag:$0x3], $0x80, $0x38;
	[tilespmem:$0x12100] =	vst v63  }
0xc7: {  	p0 =	sne.s32 s14, $0x7700;
	s14 =	sadd.s32 $0x8888, s15;
	s16 =	sadd.s32 $0x10, s13  }
0xc8: {  	[hbm4b:s16+s4] =	stream.linear.scatter [tilespmem:s14], [sflag:$0x3], $0x80, $0x38;
	[tilespmem:$0x12100] =	vst v63  }
0xc9: {  	s14 =	sadd.s32 $0x8910, s15;
	s16 =	sadd.s32 $0x20, s13  }
0xca: {  	[hbm4b:s16+s4] =	stream.linear.scatter [tilespmem:s14], [sflag:$0x3], $0x80, $0x38;
	[tilespmem:$0x12100] =	vst v63  }
0xcb: {  	s14 =	sadd.s32 $0x8998, s15;
	s16 =	sadd.s32 $0x30, s13  }
0xcc: {  	[hbm4b:s16+s4] =	stream.linear.scatter [tilespmem:s14], [sflag:$0x3], $0x80, $0x38;
	[tilespmem:$0x12100] =	vst v63  }
0xcd: {  	s14 =	sadd.s32 $0x8A20, s15;
	s16 =	sadd.s32 $0x40, s13  }
0xce: {  	[hbm4b:s16+s4] =	stream.linear.scatter [tilespmem:s14], [sflag:$0x3], $0x80, $0x38;
	[tilespmem:$0x12100] =	vst v63  }
.Ltmp1:
0xcf: {  	s14 =	sadd.s32 $0x8AA8, s15;
	s16 =	sadd.s32 $0x50, s13;
	(pc) =	sbr.rel @p0 .LBB2_4-.Ltmp1, $4  }
0xd0: {  	[hbm4b:s16+s4] =	stream.linear.scatter [tilespmem:s14], [sflag:$0x3], $0x80, $0x38;
	[tilespmem:$0x12100] =	vst v63  }
0xd1: {  	s14 =	sadd.s32 $0x8B30, s15;
	s16 =	sadd.s32 $0x60, s13;
	s15 =	sadd.s32 $0x8BB8, s15  }
0xd2: {  	[hbm4b:s16+s4] =	stream.linear.scatter [tilespmem:s14], [sflag:$0x3], $0x80, $0x38;
	[tilespmem:$0x12100] =	vst v63  }
0xd3: {  	s16 =	sadd.s32 $0x70, s13;
	s13 =	sadd.s32 $0x8000, s13;
	s14 =	smov.u32 s17  }
0xd4: {  	[hbm4b:s16+s4] =	stream.linear.scatter [tilespmem:s15], [sflag:$0x3], $0x80, $0x38;
	[tilespmem:$0x12100] =	vst v63  }
0xd5: {  	s14 =	sadd.s32 $0x8800, s11  }
0xd6: {  	[hbm4b:s13+s4] =	stream.linear.scatter [tilespmem:s14], [sflag:$0x3], $0x80, $0x38;
	[tilespmem:$0x12100] =	vst v63  }
0xd7: {  	s24 =	sadd.s32 $0x8888, s11;
	s25 =	sadd.s32 $0x10, s13  }
0xd8: {  	[hbm4b:s25+s4] =	stream.linear.scatter [tilespmem:s24], [sflag:$0x3], $0x80, $0x38;
	[tilespmem:$0x12100] =	vst v63  }
0xd9: {  	s26 =	sadd.s32 $0x8910, s11;
	s28 =	sadd.s32 $0x20, s13  }
0xda: {  	[hbm4b:s28+s4] =	stream.linear.scatter [tilespmem:s26], [sflag:$0x3], $0x80, $0x38;
	[tilespmem:$0x12100] =	vst v63  }
0xdb: {  	s15 =	sadd.s32 $0x8998, s11;
	s16 =	sadd.s32 $0x30, s13  }
0xdc: {  	[hbm4b:s16+s4] =	stream.linear.scatter [tilespmem:s15], [sflag:$0x3], $0x80, $0x38;
	[tilespmem:$0x12100] =	vst v63  }
0xdd: {  	s17 =	sadd.s32 $0x8A20, s11;
	s18 =	sadd.s32 $0x40, s13  }
0xde: {  	[hbm4b:s18+s4] =	stream.linear.scatter [tilespmem:s17], [sflag:$0x3], $0x80, $0x38;
	[tilespmem:$0x12100] =	vst v63  }
0xdf: {  	s24 =	sadd.s32 $0x8AA8, s11;
	s25 =	sadd.s32 $0x50, s13  }
0xe0: {  	[hbm4b:s25+s4] =	stream.linear.scatter [tilespmem:s24], [sflag:$0x3], $0x80, $0x38;
	[tilespmem:$0x12100] =	vst v63  }
0xe1: {  	s26 =	sadd.s32 $0x8B30, s11;
	s28 =	sadd.s32 $0x60, s13  }
0xe2: {  	[hbm4b:s28+s4] =	stream.linear.scatter [tilespmem:s26], [sflag:$0x3], $0x80, $0x38;
	[tilespmem:$0x12100] =	vst v63  }
0xe3: {  	s16 =	sadd.s32 $0x8BB8, s11;
	s17 =	sadd.s32 $0x70, s13  }
0xe4: {  	[hbm4b:s17+s4] =	stream.linear.scatter [tilespmem:s16], [sflag:$0x3], $0x80, $0x38;
	[tilespmem:$0x12100] =	vst v63  }
0xe5: {  	s18 =	simm.s32 $0xAE40;
	s17 =	rddreg [dreg:$0x8]  }
0xe6: {  	[hbm4b:s17+s4] =	stream.linear.scatter [tilespmem:s18], [sflag:$0x3], $0x80, $0x38;
	[tilespmem:$0x12100] =	vst v63  }
0xe7: {  	s24 =	simm.s32 $0xAEC8;
	s25 =	sadd.s32 $0x10, s17  }
0xe8: {  	[hbm4b:s25+s4] =	stream.linear.scatter [tilespmem:s24], [sflag:$0x3], $0x80, $0x38;
	[tilespmem:$0x12100] =	vst v63  }
0xe9: {  	s14 =	simm.s32 $0xAFD8;
	s26 =	simm.s32 $0xAF50;
	s28 =	sadd.s32 $0x20, s17  }
0xea: {  	[hbm4b:s28+s4] =	stream.linear.scatter [tilespmem:s26], [sflag:$0x3], $0x80, $0x38;
	[tilespmem:$0x12100] =	vst v63  }
0xeb: {  	s11 =	simm.s32 $0x440;
	s16 =	simm.s32 $0xB060;
	s15 =	sadd.s32 $0x30, s17  }
0xec: {  	[hbm4b:s15+s4] =	stream.linear.scatter [tilespmem:s14], [sflag:$0x3], $0x80, $0x38;
	[tilespmem:$0x12100] =	vst v63  }
0xed: {  	s13 =	sadd.s32 $0x8000, s17;
	s18 =	sadd.s32 $0x40, s17;
	s24 =	simm.s32 $0xB0E8  }
0xee: {  	[hbm4b:s18+s4] =	stream.linear.scatter [tilespmem:s16], [sflag:$0x3], $0x80, $0x38;
	[tilespmem:$0x12100] =	vst v63  }
0xef: {  	s25 =	sadd.s32 $0x50, s17;
	s26 =	simm.s32 $0xB170;
	s28 =	sadd.s32 $0x60, s17  }
0xf0: {  	[hbm4b:s25+s4] =	stream.linear.scatter [tilespmem:s24], [sflag:$0x3], $0x80, $0x38;
	[tilespmem:$0x12100] =	vst v63  }
0xf1: {  	s14 =	simm.s32 $0x2200;
	s15 =	simm.s32 $0xB1F8;
	s16 =	sadd.s32 $0x70, s17  }
0xf2: {  	[hbm4b:s28+s4] =	stream.linear.scatter [tilespmem:s26], [sflag:$0x3], $0x80, $0x38;
	[tilespmem:$0x12100] =	vst v63  }
.LBB2_6:
0xf3: {  	[hbm4b:s16+s4] =	stream.linear.scatter [tilespmem:s15], [sflag:$0x3], $0x80, $0x38;
	[tilespmem:$0x12100] =	vst v63  }
0xf4: {  	s15 =	smov.u32 s11;
	s11 =	smov.u32 s14  }
0xf5: {  	s17 =	sadd.s32 $0x1100, s14;
	s11 =	sshra.s32 s11, $0x2;
	s16 =	sadd.s32 $0xAE40, s15  }
0xf6: {  	[hbm4b:s13+s4] =	stream.linear.scatter [tilespmem:s16], [sflag:$0x3], $0x80, $0x38;
	[tilespmem:$0x12100] =	vst v63  }
0xf7: {  	p0 =	sne.s32 s14, $0x7700;
	s14 =	sadd.s32 $0xAEC8, s15;
	s16 =	sadd.s32 $0x10, s13  }
0xf8: {  	[hbm4b:s16+s4] =	stream.linear.scatter [tilespmem:s14], [sflag:$0x3], $0x80, $0x38;
	[tilespmem:$0x12100] =	vst v63  }
0xf9: {  	s14 =	sadd.s32 $0xAF50, s15;
	s16 =	sadd.s32 $0x20, s13  }
0xfa: {  	[hbm4b:s16+s4] =	stream.linear.scatter [tilespmem:s14], [sflag:$0x3], $0x80, $0x38;
	[tilespmem:$0x12100] =	vst v63  }
0xfb: {  	s14 =	sadd.s32 $0xAFD8, s15;
	s16 =	sadd.s32 $0x30, s13  }
0xfc: {  	[hbm4b:s16+s4] =	stream.linear.scatter [tilespmem:s14], [sflag:$0x3], $0x80, $0x38;
	[tilespmem:$0x12100] =	vst v63  }
0xfd: {  	s14 =	sadd.s32 $0xB060, s15;
	s16 =	sadd.s32 $0x40, s13  }
0xfe: {  	[hbm4b:s16+s4] =	stream.linear.scatter [tilespmem:s14], [sflag:$0x3], $0x80, $0x38;
	[tilespmem:$0x12100] =	vst v63  }
.Ltmp2:
0xff: {  	s14 =	sadd.s32 $0xB0E8, s15;
	s16 =	sadd.s32 $0x50, s13;
	(pc) =	sbr.rel @p0 .LBB2_6-.Ltmp2, $4  }
0x100: {  	[hbm4b:s16+s4] =	stream.linear.scatter [tilespmem:s14], [sflag:$0x3], $0x80, $0x38;
	[tilespmem:$0x12100] =	vst v63  }
0x101: {  	s14 =	sadd.s32 $0xB170, s15;
	s16 =	sadd.s32 $0x60, s13;
	s15 =	sadd.s32 $0xB1F8, s15  }
0x102: {  	[hbm4b:s16+s4] =	stream.linear.scatter [tilespmem:s14], [sflag:$0x3], $0x80, $0x38;
	[tilespmem:$0x12100] =	vst v63  }
0x103: {  	s16 =	sadd.s32 $0x70, s13;
	s13 =	sadd.s32 $0x8000, s13;
	s14 =	smov.u32 s17  }
0x104: {  	[hbm4b:s16+s4] =	stream.linear.scatter [tilespmem:s15], [sflag:$0x3], $0x80, $0x38;
	[tilespmem:$0x12100] =	vst v63  }
0x105: {  	s14 =	sadd.s32 $0xAE40, s11  }
0x106: {  	[hbm4b:s13+s4] =	stream.linear.scatter [tilespmem:s14], [sflag:$0x3], $0x80, $0x38;
	[tilespmem:$0x12100] =	vst v63  }
0x107: {  	s17 =	sadd.s32 $0xAEC8, s11;
	s18 =	sadd.s32 $0x10, s13  }
0x108: {  	[hbm4b:s18+s4] =	stream.linear.scatter [tilespmem:s17], [sflag:$0x3], $0x80, $0x38;
	[tilespmem:$0x12100] =	vst v63  }
0x109: {  	s24 =	sadd.s32 $0xAF50, s11;
	s25 =	sadd.s32 $0x20, s13  }
0x10a: {  	[hbm4b:s25+s4] =	stream.linear.scatter [tilespmem:s24], [sflag:$0x3], $0x80, $0x38;
	[tilespmem:$0x12100] =	vst v63  }
0x10b: {  	s26 =	sadd.s32 $0xAFD8, s11;
	s28 =	sadd.s32 $0x30, s13  }
0x10c: {  	[hbm4b:s28+s4] =	stream.linear.scatter [tilespmem:s26], [sflag:$0x3], $0x80, $0x38;
	[tilespmem:$0x12100] =	vst v63  }
0x10d: {  	s16 =	sadd.s32 $0xB060, s11;
	s17 =	sadd.s32 $0x40, s13  }
0x10e: {  	[hbm4b:s17+s4] =	stream.linear.scatter [tilespmem:s16], [sflag:$0x3], $0x80, $0x38;
	[tilespmem:$0x12100] =	vst v63  }
0x10f: {  	s18 =	sadd.s32 $0xB0E8, s11;
	s24 =	sadd.s32 $0x50, s13  }
0x110: {  	[hbm4b:s24+s4] =	stream.linear.scatter [tilespmem:s18], [sflag:$0x3], $0x80, $0x38;
	[tilespmem:$0x12100] =	vst v63  }
0x111: {  	s25 =	sadd.s32 $0xB170, s11;
	s26 =	sadd.s32 $0x60, s13  }
0x112: {  	[hbm4b:s26+s4] =	stream.linear.scatter [tilespmem:s25], [sflag:$0x3], $0x80, $0x38;
	[tilespmem:$0x12100] =	vst v63  }
0x113: {  	s14 =	sadd.s32 $0x70, s13;
	s28 =	sadd.s32 $0xB1F8, s11  }
0x114: {  	[hbm4b:s14+s4] =	stream.linear.scatter [tilespmem:s28], [sflag:$0x3], $0x80, $0x38;
	[tilespmem:$0x12100] =	vst v63  }
0x115: {  	_ =	swait.ge [sflag:s22], $0x400  }
0x116: {  	[sflag:s22] =	ssyncset.done $0x0  }
0x117: {  	s15 =	simm.s32 $0x800;
	[sflag:s22] =	ssyncadd.s32 $0xFFFFFC00  }
0x118: {  	[tilespmem:s15], [sflag:$0x1] =	stream.indirect.gather [hbm4b:s5+s23], $0x10, s4, s23, $0xb8;
	[tilespmem:$0x12100] =	vst v63  }
0x119: {  	s16 =	simm.s32 $0x1000  }
0x11a: {  	[tilespmem:s16], [sflag:$0x1] =	stream.indirect.gather [hbm4b:s5+s23], $0x10, s23, s23, $0xb8;
	[tilespmem:$0x12100] =	vst v63  }
0x11b: {  	s17 =	simm.s32 $0x100;
	s18 =	simm.s32 $0x1800  }
0x11c: {  	[tilespmem:s18], [sflag:$0x1] =	stream.indirect.gather [hbm4b:s5+s23], $0x10, s17, s23, $0xb8;
	[tilespmem:$0x12100] =	vst v63  }
0x11d: {  	s24 =	simm.s32 $0x180;
	s25 =	simm.s32 $0x2000  }
0x11e: {  	[tilespmem:s25], [sflag:$0x1] =	stream.indirect.gather [hbm4b:s5+s23], $0x10, s24, s23, $0xb8;
	[tilespmem:$0x12100] =	vst v63  }
0x11f: {  	s26 =	simm.s32 $0x200;
	s28 =	simm.s32 $0x2800  }
0x120: {  	[tilespmem:s28], [sflag:$0x1] =	stream.indirect.gather [hbm4b:s5+s23], $0x10, s26, s23, $0xb8;
	[tilespmem:$0x12100] =	vst v63  }
0x121: {  	s13 =	simm.s32 $0x280;
	s14 =	simm.s32 $0x3000  }
0x122: {  	[tilespmem:s14], [sflag:$0x1] =	stream.indirect.gather [hbm4b:s5+s23], $0x10, s13, s23, $0xb8;
	[tilespmem:$0x12100] =	vst v63  }
0x123: {  	s15 =	simm.s32 $0x300;
	s16 =	simm.s32 $0x3800  }
0x124: {  	[tilespmem:s16], [sflag:$0x1] =	stream.indirect.gather [hbm4b:s5+s23], $0x10, s15, s23, $0xb8;
	[tilespmem:$0x12100] =	vst v63  }
0x125: {  	s17 =	simm.s32 $0x380;
	s18 =	simm.s32 $0x4000  }
0x126: {  	[tilespmem:s18], [sflag:$0x1] =	stream.indirect.gather [hbm4b:s5+s23], $0x10, s17, s23, $0xb8;
	[tilespmem:$0x12100] =	vst v63  }
0x127: {  	_ =	swait.ge [sflag:s7], $0x800  }
0x128: {  	[sflag:s7] =	ssyncset.done $0x0  }
0x129: {  	[sflag:s7] =	ssyncadd.s32 $0xFFFFF800  }
0x12a: {  	_ =	swait.ge [sflag:s7], $0x800  }
0x12b: {  	[sflag:s7] =	ssyncset.done $0x0  }
0x12c: {  	[sflag:s7] =	ssyncadd.s32 $0xFFFFF800  }
0x12d: {  	_ =	swait.ge [sflag:s7], $0x800  }
0x12e: {  	[sflag:s7] =	ssyncset.done $0x0  }
0x12f: {  	[sflag:s7] =	ssyncadd.s32 $0xFFFFF800  }
0x130: {  	_ =	swait.ge [sflag:s7], $0x800  }
0x131: {  	[sflag:s7] =	ssyncset.done $0x0  }
0x132: {  	[sflag:s7] =	ssyncadd.s32 $0xFFFFF800  }
0x133: {  	_ =	swait.ge [sflag:s7], $0x800  }
0x134: {  	[sflag:s7] =	ssyncset.done $0x0  }
0x135: {  	[sflag:s7] =	ssyncadd.s32 $0xFFFFF800  }
0x136: {  	_ =	swait.ge [sflag:s7], $0x800  }
0x137: {  	[sflag:s7] =	ssyncset.done $0x0  }
0x138: {  	[sflag:s7] =	ssyncadd.s32 $0xFFFFF800  }
0x139: {  	s24 =	simm.s32 $0x0;
	_ =	swait.ge [sflag:s7], $0x800  }
0x13a: {  	v1 =	vmov s24;
	[sflag:s7] =	ssyncset.done $0x0  }
0x13b: {  	v1 =	vmul.u32 $0x440, v1;
	[sflag:s7] =	ssyncadd.s32 $0xFFFFF800  }
0x13c: {  	s11 =	simm.s32 $0x4880;
	_ =	swait.ge [sflag:s7], $0x800  }
0x13d: {  	s26 =	simm.s32 $0x8;
	s28 =	simm.s32 $0x0;
	v1 =	vbroadcast v1, $0x0;
	[sflag:s7] =	ssyncset.done $0x0  }
0x13e: {  	s13 =	sand.u32 $0x78, s26;
	s25 =	rddreg [dreg:$0x9];
	[sflag:s7] =	ssyncadd.s32 $0xFFFFF800  }
0x13f: {  	v2 =	vadd.s32 v0, v1;
	[tilespmem:s21], [sflag:$0x6] =	stream.linear.gather [hbm4b:s25+s4], $0x400, $0x38;
	[tilespmem:$0x12100] =	vst v63  }
0x140: {  	s14 =	sand.u32 $0x70, s28;
	v1 =	vadd.s32 s13, v2;
	v3 =	vld [tilespmem:s11+$0x0]  }
0x141: {  	v4 =	vadd.s32 s14, v2;
	v2 =	vld [tilespmem:s11+$0xFFFFFF80];
	_ =	sdelay $0x3  }
0x142: {  	[tilespmem:v1+s8+$0x0] =	vst.idx.msk $0xffff, v3  }
0x143: {  	[tilespmem:v4+s8+$0x0] =	vst.idx.msk $0xffff, v2;
	v3 =	vor.u32 $0x1, v1;
	v2 =	vld [tilespmem:s11+$0x10]  }
0x144: {  	v5 =	vor.u32 $0x1, v4;
	v6 =	vld [tilespmem:s11+$0xFFFFFF90];
	_ =	sdelay $0x1  }
0x145: {  	s15 =	simm.s32 $0x0  }
0x146: {  	v7 =	vmov s15  }
0x147: {  	v7 =	vmul.u32 $0x440, v7;
	[tilespmem:v3+s8+$0x0] =	vst.idx.msk $0xffff, v2  }
0x148: {  	[tilespmem:v5+s8+$0x0] =	vst.idx.msk $0xffff, v6;
	v5 =	vor.u32 $0x2, v1;
	v3 =	vld [tilespmem:s11+$0x20]  }
0x149: {  	v6 =	vor.u32 $0x2, v4;
	v2 =	vbroadcast v7, $0x0;
	v7 =	vld [tilespmem:s11+$0xFFFFFFA0]  }
0x14a: {  	s16 =	simm.s32 $0x18  }
0x14b: {  	s13 =	simm.s32 $0x4980;
	s17 =	simm.s32 $0x10;
	s18 =	sand.u32 $0x78, s16;
	v8 =	vadd.s32 v0, v2  }
0x14c: {  	s14 =	sand.u32 $0x70, s17;
	v9 =	vld [tilespmem:s13+$0x0];
	v2 =	vadd.s32 s18, v8  }
0x14d: {  	v10 =	vld [tilespmem:s13+$0xFFFFFF80];
	v8 =	vadd.s32 s14, v8;
	[tilespmem:v5+s8+$0x0] =	vst.idx.msk $0xffff, v3  }
0x14e: {  	[tilespmem:v6+s8+$0x0] =	vst.idx.msk $0xffff, v7;
	v5 =	vor.u32 $0x3, v1;
	v3 =	vld [tilespmem:s11+$0x30]  }
0x14f: {  	v6 =	vor.u32 $0x3, v4;
	v7 =	vld [tilespmem:s11+$0xFFFFFFB0];
	_ =	sdelay $0x1  }
0x150: {  	[tilespmem:v2+s8+$0x0] =	vst.idx.msk $0xffff, v9  }
0x151: {  	[tilespmem:v8+s8+$0x0] =	vst.idx.msk $0xffff, v10;
	v10 =	vor.u32 $0x1, v2;
	v9 =	vld [tilespmem:s13+$0x10]  }
0x152: {  	v11 =	vor.u32 $0x1, v8;
	v12 =	vld [tilespmem:s13+$0xFFFFFF90];
	[tilespmem:v5+s8+$0x0] =	vst.idx.msk $0xffff, v3  }
0x153: {  	[tilespmem:v6+s8+$0x0] =	vst.idx.msk $0xffff, v7;
	v5 =	vor.u32 $0x4, v1;
	v3 =	vld [tilespmem:s11+$0x40]  }
0x154: {  	s24 =	simm.s32 $0x0;
	v6 =	vor.u32 $0x4, v4;
	v7 =	vld [tilespmem:s11+$0xFFFFFFC0]  }
0x155: {  	v13 =	vmov s24  }
0x156: {  	v13 =	vmul.u32 $0x440, v13;
	[tilespmem:v10+s8+$0x0] =	vst.idx.msk $0xffff, v9  }
0x157: {  	[tilespmem:v11+s8+$0x0] =	vst.idx.msk $0xffff, v12;
	v10 =	vor.u32 $0x2, v2;
	v9 =	vld [tilespmem:s13+$0x20]  }
0x158: {  	v11 =	vor.u32 $0x2, v8;
	v12 =	vbroadcast v13, $0x0;
	v13 =	vld [tilespmem:s13+$0xFFFFFFA0];
	[tilespmem:v5+s8+$0x0] =	vst.idx.msk $0xffff, v3  }
0x159: {  	s15 =	simm.s32 $0x20;
	v14 =	vor.u32 $0x5, v1;
	[tilespmem:v6+s8+$0x0] =	vst.idx.msk $0xffff, v7;
	v6 =	vld [tilespmem:s11+$0x50]  }
0x15a: {  	v15 =	vor.u32 $0x5, v4;
	s28 =	sand.u32 $0x70, s15;
	s25 =	simm.s32 $0x28;
	s14 =	simm.s32 $0x4A80;
	v3 =	vadd.s32 v0, v12;
	v16 =	vld [tilespmem:s11+$0xFFFFFFD0]  }
0x15b: {  	s26 =	sand.u32 $0x78, s25;
	v22 =	vld [tilespmem:s14+$0xFFFFFF80];
	v26 =	vor.u32 $0x3, v2;
	v5 =	vor.u32 $0x6, v4;
	v19 =	vadd.s32 s28, v3  }
0x15c: {  	v18 =	vld [tilespmem:s14+$0x0];
	v12 =	vor.u32 $0x3, v8;
	v7 =	vadd.s32 s26, v3;
	v3 =	vor.u32 $0x7, v4;
	[tilespmem:v10+s8+$0x0] =	vst.idx.msk $0xffff, v9  }
0x15d: {  	v4 =	vor.u32 $0x7, v8;
	[tilespmem:v11+s8+$0x0] =	vst.idx.msk $0xffff, v13;
	v11 =	vor.u32 $0x4, v8;
	v9 =	vor.u32 $0x5, v8  }
0x15e: {  	v17 =	vor.u32 $0x1, v19;
	v13 =	vor.u32 $0x2, v19;
	v20 =	vor.u32 $0x3, v19;
	v25 =	vld [tilespmem:s13+$0x30];
	[tilespmem:v14+s8+$0x0] =	vst.idx.msk $0xffff, v6  }
0x15f: {  	v10 =	vor.u32 $0x5, v19;
	v21 =	vld [tilespmem:s13+$0xFFFFFFB0];
	v6 =	vor.u32 $0x6, v8;
	[tilespmem:v15+s8+$0x0] =	vst.idx.msk $0xffff, v16;
	v15 =	vor.u32 $0x4, v19  }
0x160: {  	v14 =	vor.u32 $0x6, v19;
	[tilespmem:v19+s8+$0x0] =	vst.idx.msk $0xffff, v22;
	v8 =	vor.u32 $0x7, v19;
	v19 =	vor.u32 $0x6, v1;
	v16 =	vld [tilespmem:s11+$0x60]  }
0x161: {  	[tilespmem:v7+s8+$0x0] =	vst.idx.msk $0xffff, v18;
	v18 =	vld [tilespmem:s11+$0xFFFFFFE0]  }
0x162: {  	v24 =	vor.u32 $0x1, v7;
	v22 =	vld [tilespmem:s14+$0x10]  }
0x163: {  	v23 =	vld [tilespmem:s14+$0xFFFFFF90];
	[tilespmem:v26+s8+$0x0] =	vst.idx.msk $0xffff, v25  }
.LBB2_8:
0x164: {  	[tilespmem:v12+s8+$0x0] =	vst.idx.msk $0xffff, v21;
	v21 =	vld [tilespmem:s13+$0x40];
	v25 =	vor.u32 $0x4, v2;
	v12 =	vmov v20;
	s16 =	smov.u32 s15;
	s15 =	sadd.s32 $0x10, s15  }
0x165: {  	s17 =	sshrl.u32 s15, $0x7;
	s18 =	sand.u32 $0x70, s15;
	p0 =	slt.u32 s15, $0x3F0;
	v20 =	vld [tilespmem:s13+$0xFFFFFFC0];
	[tilespmem:v19+s8+$0x0] =	vst.idx.msk $0xffff, v16  }
0x166: {  	v19 =	vor.u32 $0x7, v1;
	v1 =	vmovc v2;
	v2 =	vmovc v7;
	v16 =	vmov s17;
	[tilespmem:v5+s8+$0x0] =	vst.idx.msk $0xffff, v18;
	v18 =	vld [tilespmem:s11+$0x70];
	v5 =	vmov v6  }
0x167: {  	v6 =	vmov v14;
	v7 =	vmul.u32 $0x440, v16;
	[tilespmem:v24+s8+$0x0] =	vst.idx.msk $0xffff, v22;
	v16 =	vld [tilespmem:s11+$0xFFFFFFF0];
	s11 =	smov.u32 s13;
	s13 =	smov.u32 s14  }
0x168: {  	v22 =	vor.u32 $0x2, v2;
	[tilespmem:v17+s8+$0x0] =	vst.idx.msk $0xffff, v23;
	v14 =	vld [tilespmem:s14+$0x20]  }
0x169: {  	v7 =	vbroadcast v7, $0x0;
	v23 =	vld [tilespmem:s14+$0xFFFFFFA0];
	[tilespmem:v25+s8+$0x0] =	vst.idx.msk $0xffff, v21  }
0x16a: {  	s16 =	sadd.s32 $0x18, s16;
	v25 =	vor.u32 $0x5, v1;
	[tilespmem:v11+s8+$0x0] =	vst.idx.msk $0xffff, v20;
	v24 =	vld [tilespmem:s11+$0x50];
	v11 =	vmov v15  }
0x16b: {  	s16 =	sand.u32 $0x78, s16;
	s14 =	sadd.s32 $0x100, s14;
	v7 =	vadd.s32 v0, v7;
	v26 =	vld [tilespmem:s11+$0xFFFFFFD0];
	[tilespmem:v19+s8+$0x0] =	vst.idx.msk $0xffff, v18  }
0x16c: {  	v27 =	vadd.s32 s18, v7;
	v18 =	vld [tilespmem:s14+$0x0];
	v7 =	vadd.s32 s16, v7;
	[tilespmem:v3+s8+$0x0] =	vst.idx.msk $0xffff, v16;
	v3 =	vmovc v4;
	v4 =	vmov v8  }
0x16d: {  	v28 =	vld [tilespmem:s14+$0xFFFFFF80];
	v17 =	vor.u32 $0x1, v27;
	v8 =	vor.u32 $0x2, v27;
	v20 =	vor.u32 $0x3, v27;
	[tilespmem:v22+s8+$0x0] =	vst.idx.msk $0xffff, v14  }
0x16e: {  	v30 =	vor.u32 $0x3, v2;
	v15 =	vor.u32 $0x4, v27;
	v22 =	vor.u32 $0x5, v27;
	[tilespmem:v13+s8+$0x0] =	vst.idx.msk $0xffff, v23;
	v29 =	vld [tilespmem:s13+$0x30];
	v13 =	vmovc v8  }
.Ltmp3:
0x16f: {  	v14 =	vor.u32 $0x6, v27;
	v8 =	vor.u32 $0x7, v27;
	v21 =	vld [tilespmem:s13+$0xFFFFFFB0];
	[tilespmem:v25+s8+$0x0] =	vst.idx.msk $0xffff, v24;
	(pc) =	sbr.rel @p0 .LBB2_8-.Ltmp3, $4  }
0x170: {  	v19 =	vor.u32 $0x6, v1;
	[tilespmem:v9+s8+$0x0] =	vst.idx.msk $0xffff, v26;
	v16 =	vld [tilespmem:s11+$0x60];
	v9 =	vmov v10;
	v10 =	vmov v22  }
0x171: {  	[tilespmem:v7+s8+$0x0] =	vst.idx.msk $0xffff, v18;
	v18 =	vld [tilespmem:s11+$0xFFFFFFE0]  }
0x172: {  	v24 =	vor.u32 $0x1, v7;
	[tilespmem:v27+s8+$0x0] =	vst.idx.msk $0xffff, v28;
	v22 =	vld [tilespmem:s14+$0x10]  }
0x173: {  	v23 =	vld [tilespmem:s14+$0xFFFFFF90];
	[tilespmem:v30+s8+$0x0] =	vst.idx.msk $0xffff, v29  }
0x174: {  	_ =	sdelay $0x3  }
0x175: {  	[tilespmem:v24+s8+$0x0] =	vst.idx.msk $0xffff, v22  }
0x176: {  	v40 =	vor.u32 $0x2, v7;
	[tilespmem:v17+s8+$0x0] =	vst.idx.msk $0xffff, v23;
	v39 =	vld [tilespmem:s14+$0x20]  }
0x177: {  	v23 =	vld [tilespmem:s14+$0xFFFFFFA0];
	_ =	sdelay $0x3  }
0x178: {  	[tilespmem:v40+s8+$0x0] =	vst.idx.msk $0xffff, v39  }
0x179: {  	v42 =	vor.u32 $0x3, v7;
	[tilespmem:v13+s8+$0x0] =	vst.idx.msk $0xffff, v23;
	v41 =	vld [tilespmem:s14+$0x30]  }
0x17a: {  	v43 =	vld [tilespmem:s14+$0xFFFFFFB0];
	_ =	sdelay $0x2  }
0x17b: {  	[tilespmem:v12+s8+$0x0] =	vst.idx.msk $0xffff, v21;
	v44 =	vld [tilespmem:s13+$0x40];
	v45 =	vor.u32 $0x4, v2  }
0x17c: {  	v46 =	vld [tilespmem:s13+$0xFFFFFFC0];
	[tilespmem:v42+s8+$0x0] =	vst.idx.msk $0xffff, v41  }
0x17d: {  	v47 =	vor.u32 $0x4, v7;
	[tilespmem:v20+s8+$0x0] =	vst.idx.msk $0xffff, v43;
	v13 =	vld [tilespmem:s14+$0x40]  }
0x17e: {  	v20 =	vld [tilespmem:s14+$0xFFFFFFC0];
	_ =	sdelay $0x1  }
0x17f: {  	[tilespmem:v45+s8+$0x0] =	vst.idx.msk $0xffff, v44  }
0x180: {  	v49 =	vor.u32 $0x5, v2;
	[tilespmem:v11+s8+$0x0] =	vst.idx.msk $0xffff, v46;
	v48 =	vld [tilespmem:s13+$0x50]  }
0x181: {  	v50 =	vld [tilespmem:s13+$0xFFFFFFD0];
	[tilespmem:v47+s8+$0x0] =	vst.idx.msk $0xffff, v13  }
0x182: {  	v51 =	vor.u32 $0x5, v7;
	[tilespmem:v15+s8+$0x0] =	vst.idx.msk $0xffff, v20;
	v13 =	vld [tilespmem:s14+$0x50]  }
0x183: {  	v52 =	vld [tilespmem:s14+$0xFFFFFFD0];
	_ =	sdelay $0x1  }
0x184: {  	[tilespmem:v49+s8+$0x0] =	vst.idx.msk $0xffff, v48  }
0x185: {  	v54 =	vor.u32 $0x6, v2;
	[tilespmem:v9+s8+$0x0] =	vst.idx.msk $0xffff, v50;
	v53 =	vld [tilespmem:s13+$0x60]  }
0x186: {  	v55 =	vld [tilespmem:s13+$0xFFFFFFE0];
	[tilespmem:v51+s8+$0x0] =	vst.idx.msk $0xffff, v13  }
0x187: {  	v57 =	vor.u32 $0x6, v7;
	[tilespmem:v10+s8+$0x0] =	vst.idx.msk $0xffff, v52;
	v56 =	vld [tilespmem:s14+$0x60]  }
0x188: {  	[tilespmem:v19+s8+$0x0] =	vst.idx.msk $0xffff, v16;
	v58 =	vld [tilespmem:s14+$0xFFFFFFE0]  }
0x189: {  	v1 =	vor.u32 $0x7, v1;
	[tilespmem:v5+s8+$0x0] =	vst.idx.msk $0xffff, v18;
	v59 =	vld [tilespmem:s11+$0x70]  }
0x18a: {  	v60 =	vld [tilespmem:s11+$0xFFFFFFF0];
	[tilespmem:v54+s8+$0x0] =	vst.idx.msk $0xffff, v53  }
0x18b: {  	v2 =	vor.u32 $0x7, v2;
	[tilespmem:v6+s8+$0x0] =	vst.idx.msk $0xffff, v55;
	v61 =	vld [tilespmem:s13+$0x70]  }
0x18c: {  	v62 =	vld [tilespmem:s13+$0xFFFFFFF0];
	[tilespmem:v57+s8+$0x0] =	vst.idx.msk $0xffff, v56  }
0x18d: {  	v63 =	vor.u32 $0x7, v7;
	[tilespmem:v14+s8+$0x0] =	vst.idx.msk $0xffff, v58;
	v10 =	vld [tilespmem:s14+$0x70]  }
0x18e: {  	[tilespmem:v1+s8+$0x0] =	vst.idx.msk $0xffff, v59;
	v1 =	vld [tilespmem:s14+$0xFFFFFFF0]  }
0x18f: {  	[tilespmem:v3+s8+$0x0] =	vst.idx.msk $0xffff, v60  }
0x190: {  	[tilespmem:v2+s8+$0x0] =	vst.idx.msk $0xffff, v61  }
0x191: {  	[tilespmem:v4+s8+$0x0] =	vst.idx.msk $0xffff, v62  }
0x192: {  	[tilespmem:v63+s8+$0x0] =	vst.idx.msk $0xffff, v10  }
0x193: {  	[tilespmem:v8+s8+$0x0] =	vst.idx.msk $0xffff, v1  }
0x194: {  	s18 =	simm.s32 $0xD480;
	s17 =	rddreg [dreg:$0xa]  }
0x195: {  	[hbm4b:s17+s4] =	stream.linear.scatter [tilespmem:s18], [sflag:$0x4], $0x80, $0x38;
	[tilespmem:$0x12100] =	vst v63  }
0x196: {  	s24 =	simm.s32 $0xD508;
	s25 =	sadd.s32 $0x10, s17  }
0x197: {  	[hbm4b:s25+s4] =	stream.linear.scatter [tilespmem:s24], [sflag:$0x4], $0x80, $0x38;
	[tilespmem:$0x12100] =	vst v63  }
0x198: {  	s26 =	simm.s32 $0xD590;
	s16 =	simm.s32 $0xD6A0;
	s28 =	sadd.s32 $0x20, s17  }
0x199: {  	[hbm4b:s28+s4] =	stream.linear.scatter [tilespmem:s26], [sflag:$0x4], $0x80, $0x38;
	[tilespmem:$0x12100] =	vst v63  }
0x19a: {  	s11 =	simm.s32 $0x440;
	s14 =	simm.s32 $0xD618;
	s15 =	sadd.s32 $0x30, s17  }
0x19b: {  	[hbm4b:s15+s4] =	stream.linear.scatter [tilespmem:s14], [sflag:$0x4], $0x80, $0x38;
	[tilespmem:$0x12100] =	vst v63  }
0x19c: {  	s18 =	sadd.s32 $0x40, s17;
	s13 =	sadd.s32 $0x8000, s17;
	s24 =	simm.s32 $0xD728  }
0x19d: {  	[hbm4b:s18+s4] =	stream.linear.scatter [tilespmem:s16], [sflag:$0x4], $0x80, $0x38;
	[tilespmem:$0x12100] =	vst v63  }
0x19e: {  	s25 =	sadd.s32 $0x50, s17;
	s26 =	simm.s32 $0xD7B0;
	s28 =	sadd.s32 $0x60, s17  }
0x19f: {  	[hbm4b:s25+s4] =	stream.linear.scatter [tilespmem:s24], [sflag:$0x4], $0x80, $0x38;
	[tilespmem:$0x12100] =	vst v63  }
0x1a0: {  	s14 =	simm.s32 $0x2200;
	s15 =	simm.s32 $0xD838;
	s16 =	sadd.s32 $0x70, s17  }
0x1a1: {  	[hbm4b:s28+s4] =	stream.linear.scatter [tilespmem:s26], [sflag:$0x4], $0x80, $0x38;
	[tilespmem:$0x12100] =	vst v63  }
.LBB2_10:
0x1a2: {  	[hbm4b:s16+s4] =	stream.linear.scatter [tilespmem:s15], [sflag:$0x4], $0x80, $0x38;
	[tilespmem:$0x12100] =	vst v63  }
0x1a3: {  	s15 =	smov.u32 s11;
	s11 =	smov.u32 s14  }
0x1a4: {  	s17 =	sadd.s32 $0x1100, s14;
	s11 =	sshra.s32 s11, $0x2;
	s16 =	sadd.s32 $0xD480, s15  }
0x1a5: {  	[hbm4b:s13+s4] =	stream.linear.scatter [tilespmem:s16], [sflag:$0x4], $0x80, $0x38;
	[tilespmem:$0x12100] =	vst v63  }
0x1a6: {  	p0 =	sne.s32 s14, $0x7700;
	s14 =	sadd.s32 $0xD508, s15;
	s16 =	sadd.s32 $0x10, s13  }
0x1a7: {  	[hbm4b:s16+s4] =	stream.linear.scatter [tilespmem:s14], [sflag:$0x4], $0x80, $0x38;
	[tilespmem:$0x12100] =	vst v63  }
0x1a8: {  	s14 =	sadd.s32 $0xD590, s15;
	s16 =	sadd.s32 $0x20, s13  }
0x1a9: {  	[hbm4b:s16+s4] =	stream.linear.scatter [tilespmem:s14], [sflag:$0x4], $0x80, $0x38;
	[tilespmem:$0x12100] =	vst v63  }
0x1aa: {  	s14 =	sadd.s32 $0xD618, s15;
	s16 =	sadd.s32 $0x30, s13  }
0x1ab: {  	[hbm4b:s16+s4] =	stream.linear.scatter [tilespmem:s14], [sflag:$0x4], $0x80, $0x38;
	[tilespmem:$0x12100] =	vst v63  }
0x1ac: {  	s14 =	sadd.s32 $0xD6A0, s15;
	s16 =	sadd.s32 $0x40, s13  }
0x1ad: {  	[hbm4b:s16+s4] =	stream.linear.scatter [tilespmem:s14], [sflag:$0x4], $0x80, $0x38;
	[tilespmem:$0x12100] =	vst v63  }
.Ltmp4:
0x1ae: {  	s14 =	sadd.s32 $0xD728, s15;
	s16 =	sadd.s32 $0x50, s13;
	(pc) =	sbr.rel @p0 .LBB2_10-.Ltmp4, $4  }
0x1af: {  	[hbm4b:s16+s4] =	stream.linear.scatter [tilespmem:s14], [sflag:$0x4], $0x80, $0x38;
	[tilespmem:$0x12100] =	vst v63  }
0x1b0: {  	s14 =	sadd.s32 $0xD7B0, s15;
	s16 =	sadd.s32 $0x60, s13;
	s15 =	sadd.s32 $0xD838, s15  }
0x1b1: {  	[hbm4b:s16+s4] =	stream.linear.scatter [tilespmem:s14], [sflag:$0x4], $0x80, $0x38;
	[tilespmem:$0x12100] =	vst v63  }
0x1b2: {  	s16 =	sadd.s32 $0x70, s13;
	s13 =	sadd.s32 $0x8000, s13;
	s14 =	smov.u32 s17  }
0x1b3: {  	[hbm4b:s16+s4] =	stream.linear.scatter [tilespmem:s15], [sflag:$0x4], $0x80, $0x38;
	[tilespmem:$0x12100] =	vst v63  }
0x1b4: {  	s14 =	sadd.s32 $0xD480, s11  }
0x1b5: {  	[hbm4b:s13+s4] =	stream.linear.scatter [tilespmem:s14], [sflag:$0x4], $0x80, $0x38;
	[tilespmem:$0x12100] =	vst v63  }
0x1b6: {  	s24 =	sadd.s32 $0xD508, s11;
	s25 =	sadd.s32 $0x10, s13  }
0x1b7: {  	[hbm4b:s25+s4] =	stream.linear.scatter [tilespmem:s24], [sflag:$0x4], $0x80, $0x38;
	[tilespmem:$0x12100] =	vst v63  }
0x1b8: {  	s26 =	sadd.s32 $0xD590, s11;
	s28 =	sadd.s32 $0x20, s13  }
0x1b9: {  	[hbm4b:s28+s4] =	stream.linear.scatter [tilespmem:s26], [sflag:$0x4], $0x80, $0x38;
	[tilespmem:$0x12100] =	vst v63  }
0x1ba: {  	s15 =	sadd.s32 $0xD618, s11;
	s16 =	sadd.s32 $0x30, s13  }
0x1bb: {  	[hbm4b:s16+s4] =	stream.linear.scatter [tilespmem:s15], [sflag:$0x4], $0x80, $0x38;
	[tilespmem:$0x12100] =	vst v63  }
0x1bc: {  	s17 =	sadd.s32 $0xD6A0, s11;
	s18 =	sadd.s32 $0x40, s13  }
0x1bd: {  	[hbm4b:s18+s4] =	stream.linear.scatter [tilespmem:s17], [sflag:$0x4], $0x80, $0x38;
	[tilespmem:$0x12100] =	vst v63  }
0x1be: {  	s24 =	sadd.s32 $0xD728, s11;
	s25 =	sadd.s32 $0x50, s13  }
0x1bf: {  	[hbm4b:s25+s4] =	stream.linear.scatter [tilespmem:s24], [sflag:$0x4], $0x80, $0x38;
	[tilespmem:$0x12100] =	vst v63  }
0x1c0: {  	s26 =	sadd.s32 $0xD7B0, s11;
	s28 =	sadd.s32 $0x60, s13  }
0x1c1: {  	[hbm4b:s28+s4] =	stream.linear.scatter [tilespmem:s26], [sflag:$0x4], $0x80, $0x38;
	[tilespmem:$0x12100] =	vst v63  }
0x1c2: {  	s16 =	sadd.s32 $0xD838, s11;
	s17 =	sadd.s32 $0x70, s13  }
0x1c3: {  	[hbm4b:s17+s4] =	stream.linear.scatter [tilespmem:s16], [sflag:$0x4], $0x80, $0x38;
	[tilespmem:$0x12100] =	vst v63  }
0x1c4: {  	s18 =	simm.s32 $0xFAC0;
	s17 =	rddreg [dreg:$0xb]  }
0x1c5: {  	[hbm4b:s17+s4] =	stream.linear.scatter [tilespmem:s18], [sflag:$0x4], $0x80, $0x38;
	[tilespmem:$0x12100] =	vst v63  }
0x1c6: {  	s24 =	simm.s32 $0xFB48;
	s25 =	sadd.s32 $0x10, s17  }
0x1c7: {  	[hbm4b:s25+s4] =	stream.linear.scatter [tilespmem:s24], [sflag:$0x4], $0x80, $0x38;
	[tilespmem:$0x12100] =	vst v63  }
0x1c8: {  	s14 =	simm.s32 $0xFC58;
	s26 =	simm.s32 $0xFBD0;
	s28 =	sadd.s32 $0x20, s17  }
0x1c9: {  	[hbm4b:s28+s4] =	stream.linear.scatter [tilespmem:s26], [sflag:$0x4], $0x80, $0x38;
	[tilespmem:$0x12100] =	vst v63  }
0x1ca: {  	s11 =	simm.s32 $0x440;
	s16 =	simm.s32 $0xFCE0;
	s15 =	sadd.s32 $0x30, s17  }
0x1cb: {  	[hbm4b:s15+s4] =	stream.linear.scatter [tilespmem:s14], [sflag:$0x4], $0x80, $0x38;
	[tilespmem:$0x12100] =	vst v63  }
0x1cc: {  	s13 =	sadd.s32 $0x8000, s17;
	s18 =	sadd.s32 $0x40, s17;
	s24 =	simm.s32 $0xFD68  }
0x1cd: {  	[hbm4b:s18+s4] =	stream.linear.scatter [tilespmem:s16], [sflag:$0x4], $0x80, $0x38;
	[tilespmem:$0x12100] =	vst v63  }
0x1ce: {  	s25 =	sadd.s32 $0x50, s17;
	s26 =	simm.s32 $0xFDF0;
	s28 =	sadd.s32 $0x60, s17  }
0x1cf: {  	[hbm4b:s25+s4] =	stream.linear.scatter [tilespmem:s24], [sflag:$0x4], $0x80, $0x38;
	[tilespmem:$0x12100] =	vst v63  }
0x1d0: {  	s14 =	simm.s32 $0x2200;
	s15 =	simm.s32 $0xFE78;
	s16 =	sadd.s32 $0x70, s17  }
0x1d1: {  	[hbm4b:s28+s4] =	stream.linear.scatter [tilespmem:s26], [sflag:$0x4], $0x80, $0x38;
	[tilespmem:$0x12100] =	vst v63  }
.LBB2_12:
0x1d2: {  	[hbm4b:s16+s4] =	stream.linear.scatter [tilespmem:s15], [sflag:$0x4], $0x80, $0x38;
	[tilespmem:$0x12100] =	vst v63  }
0x1d3: {  	s15 =	smov.u32 s11;
	s11 =	smov.u32 s14  }
0x1d4: {  	s17 =	sadd.s32 $0x1100, s14;
	s11 =	sshra.s32 s11, $0x2;
	s16 =	sadd.s32 $0xFAC0, s15  }
0x1d5: {  	[hbm4b:s13+s4] =	stream.linear.scatter [tilespmem:s16], [sflag:$0x4], $0x80, $0x38;
	[tilespmem:$0x12100] =	vst v63  }
0x1d6: {  	p0 =	sne.s32 s14, $0x7700;
	s14 =	sadd.s32 $0xFB48, s15;
	s16 =	sadd.s32 $0x10, s13  }
0x1d7: {  	[hbm4b:s16+s4] =	stream.linear.scatter [tilespmem:s14], [sflag:$0x4], $0x80, $0x38;
	[tilespmem:$0x12100] =	vst v63  }
0x1d8: {  	s14 =	sadd.s32 $0xFBD0, s15;
	s16 =	sadd.s32 $0x20, s13  }
0x1d9: {  	[hbm4b:s16+s4] =	stream.linear.scatter [tilespmem:s14], [sflag:$0x4], $0x80, $0x38;
	[tilespmem:$0x12100] =	vst v63  }
0x1da: {  	s14 =	sadd.s32 $0xFC58, s15;
	s16 =	sadd.s32 $0x30, s13  }
0x1db: {  	[hbm4b:s16+s4] =	stream.linear.scatter [tilespmem:s14], [sflag:$0x4], $0x80, $0x38;
	[tilespmem:$0x12100] =	vst v63  }
0x1dc: {  	s14 =	sadd.s32 $0xFCE0, s15;
	s16 =	sadd.s32 $0x40, s13  }
0x1dd: {  	[hbm4b:s16+s4] =	stream.linear.scatter [tilespmem:s14], [sflag:$0x4], $0x80, $0x38;
	[tilespmem:$0x12100] =	vst v63  }
.Ltmp5:
0x1de: {  	s14 =	sadd.s32 $0xFD68, s15;
	s16 =	sadd.s32 $0x50, s13;
	(pc) =	sbr.rel @p0 .LBB2_12-.Ltmp5, $4  }
0x1df: {  	[hbm4b:s16+s4] =	stream.linear.scatter [tilespmem:s14], [sflag:$0x4], $0x80, $0x38;
	[tilespmem:$0x12100] =	vst v63  }
0x1e0: {  	s14 =	sadd.s32 $0xFDF0, s15;
	s16 =	sadd.s32 $0x60, s13;
	s15 =	sadd.s32 $0xFE78, s15  }
0x1e1: {  	[hbm4b:s16+s4] =	stream.linear.scatter [tilespmem:s14], [sflag:$0x4], $0x80, $0x38;
	[tilespmem:$0x12100] =	vst v63  }
0x1e2: {  	s16 =	sadd.s32 $0x70, s13;
	s13 =	sadd.s32 $0x8000, s13;
	s14 =	smov.u32 s17  }
0x1e3: {  	[hbm4b:s16+s4] =	stream.linear.scatter [tilespmem:s15], [sflag:$0x4], $0x80, $0x38;
	[tilespmem:$0x12100] =	vst v63  }
0x1e4: {  	s14 =	sadd.s32 $0xFAC0, s11  }
0x1e5: {  	[hbm4b:s13+s4] =	stream.linear.scatter [tilespmem:s14], [sflag:$0x4], $0x80, $0x38;
	[tilespmem:$0x12100] =	vst v63  }
0x1e6: {  	s15 =	sadd.s32 $0xFB48, s11;
	s16 =	sadd.s32 $0x10, s13  }
0x1e7: {  	[hbm4b:s16+s4] =	stream.linear.scatter [tilespmem:s15], [sflag:$0x4], $0x80, $0x38;
	[tilespmem:$0x12100] =	vst v63  }
0x1e8: {  	s17 =	sadd.s32 $0xFBD0, s11;
	s18 =	sadd.s32 $0x20, s13  }
0x1e9: {  	[hbm4b:s18+s4] =	stream.linear.scatter [tilespmem:s17], [sflag:$0x4], $0x80, $0x38;
	[tilespmem:$0x12100] =	vst v63  }
0x1ea: {  	s24 =	sadd.s32 $0xFC58, s11;
	s25 =	sadd.s32 $0x30, s13  }
0x1eb: {  	[hbm4b:s25+s4] =	stream.linear.scatter [tilespmem:s24], [sflag:$0x4], $0x80, $0x38;
	[tilespmem:$0x12100] =	vst v63  }
0x1ec: {  	s26 =	sadd.s32 $0xFCE0, s11;
	s28 =	sadd.s32 $0x40, s13  }
0x1ed: {  	[hbm4b:s28+s4] =	stream.linear.scatter [tilespmem:s26], [sflag:$0x4], $0x80, $0x38;
	[tilespmem:$0x12100] =	vst v63  }
0x1ee: {  	s16 =	sadd.s32 $0xFD68, s11;
	s17 =	sadd.s32 $0x50, s13  }
0x1ef: {  	[hbm4b:s17+s4] =	stream.linear.scatter [tilespmem:s16], [sflag:$0x4], $0x80, $0x38;
	[tilespmem:$0x12100] =	vst v63  }
0x1f0: {  	s18 =	sadd.s32 $0xFDF0, s11;
	s24 =	sadd.s32 $0x60, s13  }
0x1f1: {  	[hbm4b:s24+s4] =	stream.linear.scatter [tilespmem:s18], [sflag:$0x4], $0x80, $0x38;
	[tilespmem:$0x12100] =	vst v63  }
0x1f2: {  	s25 =	sadd.s32 $0xFE78, s11;
	s26 =	sadd.s32 $0x70, s13  }
0x1f3: {  	[hbm4b:s26+s4] =	stream.linear.scatter [tilespmem:s25], [sflag:$0x4], $0x80, $0x38;
	[tilespmem:$0x12100] =	vst v63  }
0x1f4: {  	_ =	swait.ge [sflag:s9], $0x400  }
0x1f5: {  	[sflag:s9] =	ssyncset.done $0x0  }
0x1f6: {  	s28 =	simm.s32 $0x4800;
	[sflag:s9] =	ssyncadd.s32 $0xFFFFFC00  }
0x1f7: {  	[tilespmem:s28], [sflag:$0x2] =	stream.indirect.gather [hbm4b:s5+s23], $0x10, s21, s23, $0xb8;
	[tilespmem:$0x12100] =	vst v63  }
0x1f8: {  	s14 =	simm.s32 $0x5000;
	s13 =	simm.s32 $0x480  }
0x1f9: {  	[tilespmem:s14], [sflag:$0x2] =	stream.indirect.gather [hbm4b:s5+s23], $0x10, s13, s23, $0xb8;
	[tilespmem:$0x12100] =	vst v63  }
0x1fa: {  	s15 =	simm.s32 $0x500;
	s16 =	simm.s32 $0x5800  }
0x1fb: {  	[tilespmem:s16], [sflag:$0x2] =	stream.indirect.gather [hbm4b:s5+s23], $0x10, s15, s23, $0xb8;
	[tilespmem:$0x12100] =	vst v63  }
0x1fc: {  	s17 =	simm.s32 $0x580;
	s18 =	simm.s32 $0x6000  }
0x1fd: {  	[tilespmem:s18], [sflag:$0x2] =	stream.indirect.gather [hbm4b:s5+s23], $0x10, s17, s23, $0xb8;
	[tilespmem:$0x12100] =	vst v63  }
0x1fe: {  	s24 =	simm.s32 $0x600;
	s25 =	simm.s32 $0x6800  }
0x1ff: {  	[tilespmem:s25], [sflag:$0x2] =	stream.indirect.gather [hbm4b:s5+s23], $0x10, s24, s23, $0xb8;
	[tilespmem:$0x12100] =	vst v63  }
0x200: {  	s26 =	simm.s32 $0x680;
	s28 =	simm.s32 $0x7000  }
0x201: {  	[tilespmem:s28], [sflag:$0x2] =	stream.indirect.gather [hbm4b:s5+s23], $0x10, s26, s23, $0xb8;
	[tilespmem:$0x12100] =	vst v63  }
0x202: {  	_ = 	snop  }
0x203: {  	[tilespmem:s30], [sflag:$0x2] =	stream.indirect.gather [hbm4b:s5+s23], $0x10, s29, s23, $0xb8;
	[tilespmem:$0x12100] =	vst v63  }
0x204: {  	s11 =	simm.s32 $0x1  }
0x205: {  	[tilespmem:s1], [sflag:$0x2] =	stream.indirect.gather [hbm4b:s5+s23], $0x10, s31, s23, $0xb8;
	[tilespmem:$0x12100] =	vst v63  }
.LBB2_14:
0x206: {  	_ =	swait.ge [sflag:s0], $0x800  }
0x207: {  	[sflag:s0] =	ssyncset.done $0x0  }
0x208: {  	[sflag:s0] =	ssyncadd.s32 $0xFFFFF800  }
0x209: {  	_ =	swait.ge [sflag:s0], $0x800  }
0x20a: {  	[sflag:s0] =	ssyncset.done $0x0  }
0x20b: {  	[sflag:s0] =	ssyncadd.s32 $0xFFFFF800  }
0x20c: {  	_ =	swait.ge [sflag:s0], $0x800  }
0x20d: {  	[sflag:s0] =	ssyncset.done $0x0  }
0x20e: {  	[sflag:s0] =	ssyncadd.s32 $0xFFFFF800  }
0x20f: {  	_ =	swait.ge [sflag:s0], $0x800  }
0x210: {  	[sflag:s0] =	ssyncset.done $0x0  }
0x211: {  	[sflag:s0] =	ssyncadd.s32 $0xFFFFF800  }
0x212: {  	_ =	swait.ge [sflag:s0], $0x800  }
0x213: {  	[sflag:s0] =	ssyncset.done $0x0  }
0x214: {  	[sflag:s0] =	ssyncadd.s32 $0xFFFFF800  }
0x215: {  	_ =	swait.ge [sflag:s0], $0x800  }
0x216: {  	[sflag:s0] =	ssyncset.done $0x0  }
0x217: {  	[sflag:s0] =	ssyncadd.s32 $0xFFFFF800  }
0x218: {  	_ =	swait.ge [sflag:s0], $0x800  }
0x219: {  	[sflag:s0] =	ssyncset.done $0x0  }
0x21a: {  	s13 =	sshll.u32 s11, $0x1;
	[sflag:s0] =	ssyncadd.s32 $0xFFFFF800  }
0x21b: {  	s15 =	sadd.s32 s2, s13;
	_ =	swait.ge [sflag:s0], $0x800  }
0x21c: {  	s14 =	sshll.u32 s15, $0x7;
	[sflag:s0] =	ssyncset.done $0x0  }
0x21d: {  	s17 =	simm.s32 $0x0;
	s16 =	sadd.s32 s20, s14;
	[sflag:s0] =	ssyncadd.s32 $0xFFFFF800  }
0x21e: {  	[tilespmem:s4], [sflag:$0x5] =	stream.linear.gather [hbm4b:s16+s4], $0x400, $0x38;
	[tilespmem:$0x12100] =	vst v63  }
0x21f: {  	v1 =	vmov s17;
	_ =	swait.ge [sflag:s12], $0x2000  }
0x220: {  	v1 =	vmul.u32 $0x440, v1;
	[sflag:s12] =	ssyncset.done $0x0  }
0x221: {  	[sflag:s12] =	ssyncadd.s32 $0xFFFFE000  }
0x222: {  	v1 =	vbroadcast v1, $0x0;
	_ =	swait.ge [sflag:s12], $0x2000  }
0x223: {  	s18 =	simm.s32 $0x0;
	s17 =	simm.s32 $0x8;
	[sflag:s12] =	ssyncset.done $0x0  }
0x224: {  	s17 =	sand.u32 $0x78, s17;
	v2 =	vadd.s32 v0, v1;
	s16 =	simm.s32 $0x880;
	[sflag:s12] =	ssyncadd.s32 $0xFFFFE000  }
0x225: {  	s18 =	sand.u32 $0x70, s18;
	v1 =	vadd.s32 s17, v2;
	v3 =	vld [tilespmem:s16+$0x0]  }
0x226: {  	v4 =	vadd.s32 s18, v2;
	v2 =	vld [tilespmem:s16+$0xFFFFFF80];
	_ =	sdelay $0x3  }
0x227: {  	[tilespmem:v1+s6+$0x0] =	vst.idx.msk $0xffff, v3  }
0x228: {  	[tilespmem:v4+s6+$0x0] =	vst.idx.msk $0xffff, v2;
	v3 =	vor.u32 $0x1, v1;
	v2 =	vld [tilespmem:s16+$0x10]  }
0x229: {  	v5 =	vor.u32 $0x1, v4;
	v6 =	vld [tilespmem:s16+$0xFFFFFF90];
	_ =	sdelay $0x1  }
0x22a: {  	s18 =	simm.s32 $0x0  }
0x22b: {  	v7 =	vmov s18  }
0x22c: {  	v7 =	vmul.u32 $0x440, v7;
	[tilespmem:v3+s6+$0x0] =	vst.idx.msk $0xffff, v2  }
0x22d: {  	[tilespmem:v5+s6+$0x0] =	vst.idx.msk $0xffff, v6;
	v5 =	vor.u32 $0x2, v1;
	v3 =	vld [tilespmem:s16+$0x20]  }
0x22e: {  	v6 =	vor.u32 $0x2, v4;
	v2 =	vbroadcast v7, $0x0;
	v7 =	vld [tilespmem:s16+$0xFFFFFFA0]  }
0x22f: {  	s24 =	simm.s32 $0x18  }
0x230: {  	s25 =	simm.s32 $0x10;
	s24 =	sand.u32 $0x78, s24;
	s17 =	simm.s32 $0x980;
	v8 =	vadd.s32 v0, v2  }
0x231: {  	s18 =	sand.u32 $0x70, s25;
	v9 =	vld [tilespmem:s17+$0x0];
	v2 =	vadd.s32 s24, v8  }
0x232: {  	v10 =	vld [tilespmem:s17+$0xFFFFFF80];
	v8 =	vadd.s32 s18, v8;
	[tilespmem:v5+s6+$0x0] =	vst.idx.msk $0xffff, v3  }
0x233: {  	[tilespmem:v6+s6+$0x0] =	vst.idx.msk $0xffff, v7;
	v5 =	vor.u32 $0x3, v1;
	v3 =	vld [tilespmem:s16+$0x30]  }
0x234: {  	v6 =	vor.u32 $0x3, v4;
	v7 =	vld [tilespmem:s16+$0xFFFFFFB0];
	_ =	sdelay $0x1  }
0x235: {  	[tilespmem:v2+s6+$0x0] =	vst.idx.msk $0xffff, v9  }
0x236: {  	[tilespmem:v8+s6+$0x0] =	vst.idx.msk $0xffff, v10;
	v10 =	vor.u32 $0x1, v2;
	v9 =	vld [tilespmem:s17+$0x10]  }
0x237: {  	v11 =	vor.u32 $0x1, v8;
	v12 =	vld [tilespmem:s17+$0xFFFFFF90];
	[tilespmem:v5+s6+$0x0] =	vst.idx.msk $0xffff, v3  }
0x238: {  	[tilespmem:v6+s6+$0x0] =	vst.idx.msk $0xffff, v7;
	v5 =	vor.u32 $0x4, v1;
	v3 =	vld [tilespmem:s16+$0x40]  }
0x239: {  	s26 =	simm.s32 $0x0;
	v6 =	vor.u32 $0x4, v4;
	v7 =	vld [tilespmem:s16+$0xFFFFFFC0]  }
0x23a: {  	v13 =	vmov s26  }
0x23b: {  	v13 =	vmul.u32 $0x440, v13;
	[tilespmem:v10+s6+$0x0] =	vst.idx.msk $0xffff, v9  }
0x23c: {  	[tilespmem:v11+s6+$0x0] =	vst.idx.msk $0xffff, v12;
	v10 =	vor.u32 $0x2, v2;
	v9 =	vld [tilespmem:s17+$0x20]  }
0x23d: {  	v11 =	vor.u32 $0x2, v8;
	v12 =	vbroadcast v13, $0x0;
	v13 =	vld [tilespmem:s17+$0xFFFFFFA0];
	[tilespmem:v5+s6+$0x0] =	vst.idx.msk $0xffff, v3  }
0x23e: {  	v14 =	vor.u32 $0x5, v1;
	s24 =	simm.s32 $0x20;
	[tilespmem:v6+s6+$0x0] =	vst.idx.msk $0xffff, v7;
	v6 =	vld [tilespmem:s16+$0x50]  }
0x23f: {  	s28 =	simm.s32 $0x28;
	v15 =	vor.u32 $0x5, v4;
	s18 =	simm.s32 $0xA80;
	s26 =	sand.u32 $0x70, s24;
	v3 =	vadd.s32 v0, v12;
	v16 =	vld [tilespmem:s16+$0xFFFFFFD0]  }
0x240: {  	s25 =	sand.u32 $0x78, s28;
	v22 =	vld [tilespmem:s18+$0xFFFFFF80];
	v26 =	vor.u32 $0x3, v2;
	v5 =	vor.u32 $0x6, v4;
	v19 =	vadd.s32 s26, v3  }
0x241: {  	v18 =	vld [tilespmem:s18+$0x0];
	v12 =	vor.u32 $0x3, v8;
	v7 =	vadd.s32 s25, v3;
	v3 =	vor.u32 $0x7, v4;
	[tilespmem:v10+s6+$0x0] =	vst.idx.msk $0xffff, v9  }
0x242: {  	v4 =	vor.u32 $0x7, v8;
	[tilespmem:v11+s6+$0x0] =	vst.idx.msk $0xffff, v13;
	v11 =	vor.u32 $0x4, v8;
	v9 =	vor.u32 $0x5, v8  }
0x243: {  	v17 =	vor.u32 $0x1, v19;
	v13 =	vor.u32 $0x2, v19;
	v20 =	vor.u32 $0x3, v19;
	v25 =	vld [tilespmem:s17+$0x30];
	[tilespmem:v14+s6+$0x0] =	vst.idx.msk $0xffff, v6  }
0x244: {  	v10 =	vor.u32 $0x5, v19;
	v21 =	vld [tilespmem:s17+$0xFFFFFFB0];
	v6 =	vor.u32 $0x6, v8;
	[tilespmem:v15+s6+$0x0] =	vst.idx.msk $0xffff, v16;
	v15 =	vor.u32 $0x4, v19  }
0x245: {  	v14 =	vor.u32 $0x6, v19;
	[tilespmem:v19+s6+$0x0] =	vst.idx.msk $0xffff, v22;
	v8 =	vor.u32 $0x7, v19;
	v19 =	vor.u32 $0x6, v1;
	v16 =	vld [tilespmem:s16+$0x60]  }
0x246: {  	[tilespmem:v7+s6+$0x0] =	vst.idx.msk $0xffff, v18;
	v18 =	vld [tilespmem:s16+$0xFFFFFFE0]  }
0x247: {  	v24 =	vor.u32 $0x1, v7;
	v22 =	vld [tilespmem:s18+$0x10]  }
0x248: {  	v23 =	vld [tilespmem:s18+$0xFFFFFF90];
	[tilespmem:v26+s6+$0x0] =	vst.idx.msk $0xffff, v25  }
.LBB2_15:
0x249: {  	[tilespmem:v12+s6+$0x0] =	vst.idx.msk $0xffff, v21;
	v21 =	vld [tilespmem:s17+$0x40];
	v25 =	vor.u32 $0x4, v2;
	v12 =	vmov v20;
	s25 =	smov.u32 s24;
	s24 =	sadd.s32 $0x10, s24  }
0x24a: {  	s26 =	sshrl.u32 s24, $0x7;
	s28 =	sand.u32 $0x70, s24;
	p0 =	slt.u32 s24, $0x3F0;
	v20 =	vld [tilespmem:s17+$0xFFFFFFC0];
	[tilespmem:v19+s6+$0x0] =	vst.idx.msk $0xffff, v16  }
0x24b: {  	v19 =	vor.u32 $0x7, v1;
	v1 =	vmovc v2;
	v2 =	vmovc v7;
	v16 =	vmov s26;
	[tilespmem:v5+s6+$0x0] =	vst.idx.msk $0xffff, v18;
	v18 =	vld [tilespmem:s16+$0x70];
	v5 =	vmov v6  }
0x24c: {  	v6 =	vmov v14;
	v7 =	vmul.u32 $0x440, v16;
	[tilespmem:v24+s6+$0x0] =	vst.idx.msk $0xffff, v22;
	v16 =	vld [tilespmem:s16+$0xFFFFFFF0];
	s16 =	smov.u32 s17;
	s17 =	smov.u32 s18  }
0x24d: {  	v22 =	vor.u32 $0x2, v2;
	[tilespmem:v17+s6+$0x0] =	vst.idx.msk $0xffff, v23;
	v14 =	vld [tilespmem:s18+$0x20]  }
0x24e: {  	v7 =	vbroadcast v7, $0x0;
	v23 =	vld [tilespmem:s18+$0xFFFFFFA0];
	[tilespmem:v25+s6+$0x0] =	vst.idx.msk $0xffff, v21  }
0x24f: {  	s25 =	sadd.s32 $0x18, s25;
	v25 =	vor.u32 $0x5, v1;
	[tilespmem:v11+s6+$0x0] =	vst.idx.msk $0xffff, v20;
	v24 =	vld [tilespmem:s16+$0x50];
	v11 =	vmov v15  }
0x250: {  	s25 =	sand.u32 $0x78, s25;
	s18 =	sadd.s32 $0x100, s18;
	v7 =	vadd.s32 v0, v7;
	v26 =	vld [tilespmem:s16+$0xFFFFFFD0];
	[tilespmem:v19+s6+$0x0] =	vst.idx.msk $0xffff, v18  }
0x251: {  	v27 =	vadd.s32 s28, v7;
	v18 =	vld [tilespmem:s18+$0x0];
	v7 =	vadd.s32 s25, v7;
	[tilespmem:v3+s6+$0x0] =	vst.idx.msk $0xffff, v16;
	v3 =	vmovc v4;
	v4 =	vmov v8  }
0x252: {  	v28 =	vld [tilespmem:s18+$0xFFFFFF80];
	v17 =	vor.u32 $0x1, v27;
	v8 =	vor.u32 $0x2, v27;
	v20 =	vor.u32 $0x3, v27;
	[tilespmem:v22+s6+$0x0] =	vst.idx.msk $0xffff, v14  }
0x253: {  	v30 =	vor.u32 $0x3, v2;
	v15 =	vor.u32 $0x4, v27;
	v22 =	vor.u32 $0x5, v27;
	[tilespmem:v13+s6+$0x0] =	vst.idx.msk $0xffff, v23;
	v29 =	vld [tilespmem:s17+$0x30];
	v13 =	vmovc v8  }
.Ltmp6:
0x254: {  	v14 =	vor.u32 $0x6, v27;
	v8 =	vor.u32 $0x7, v27;
	v21 =	vld [tilespmem:s17+$0xFFFFFFB0];
	[tilespmem:v25+s6+$0x0] =	vst.idx.msk $0xffff, v24;
	(pc) =	sbr.rel @p0 .LBB2_15-.Ltmp6, $4  }
0x255: {  	v19 =	vor.u32 $0x6, v1;
	[tilespmem:v9+s6+$0x0] =	vst.idx.msk $0xffff, v26;
	v16 =	vld [tilespmem:s16+$0x60];
	v9 =	vmov v10;
	v10 =	vmov v22  }
0x256: {  	[tilespmem:v7+s6+$0x0] =	vst.idx.msk $0xffff, v18;
	v18 =	vld [tilespmem:s16+$0xFFFFFFE0]  }
0x257: {  	v24 =	vor.u32 $0x1, v7;
	[tilespmem:v27+s6+$0x0] =	vst.idx.msk $0xffff, v28;
	v22 =	vld [tilespmem:s18+$0x10]  }
0x258: {  	v23 =	vld [tilespmem:s18+$0xFFFFFF90];
	[tilespmem:v30+s6+$0x0] =	vst.idx.msk $0xffff, v29  }
0x259: {  	_ =	sdelay $0x3  }
0x25a: {  	[tilespmem:v24+s6+$0x0] =	vst.idx.msk $0xffff, v22  }
0x25b: {  	v40 =	vor.u32 $0x2, v7;
	[tilespmem:v17+s6+$0x0] =	vst.idx.msk $0xffff, v23;
	v39 =	vld [tilespmem:s18+$0x20]  }
0x25c: {  	v23 =	vld [tilespmem:s18+$0xFFFFFFA0];
	_ =	sdelay $0x3  }
0x25d: {  	[tilespmem:v40+s6+$0x0] =	vst.idx.msk $0xffff, v39  }
0x25e: {  	v42 =	vor.u32 $0x3, v7;
	[tilespmem:v13+s6+$0x0] =	vst.idx.msk $0xffff, v23;
	v41 =	vld [tilespmem:s18+$0x30]  }
0x25f: {  	v43 =	vld [tilespmem:s18+$0xFFFFFFB0];
	_ =	sdelay $0x2  }
0x260: {  	[tilespmem:v12+s6+$0x0] =	vst.idx.msk $0xffff, v21;
	v44 =	vld [tilespmem:s17+$0x40];
	v45 =	vor.u32 $0x4, v2  }
0x261: {  	v46 =	vld [tilespmem:s17+$0xFFFFFFC0];
	[tilespmem:v42+s6+$0x0] =	vst.idx.msk $0xffff, v41  }
0x262: {  	v47 =	vor.u32 $0x4, v7;
	[tilespmem:v20+s6+$0x0] =	vst.idx.msk $0xffff, v43;
	v13 =	vld [tilespmem:s18+$0x40]  }
0x263: {  	v20 =	vld [tilespmem:s18+$0xFFFFFFC0];
	_ =	sdelay $0x1  }
0x264: {  	[tilespmem:v45+s6+$0x0] =	vst.idx.msk $0xffff, v44  }
0x265: {  	v49 =	vor.u32 $0x5, v2;
	[tilespmem:v11+s6+$0x0] =	vst.idx.msk $0xffff, v46;
	v48 =	vld [tilespmem:s17+$0x50]  }
0x266: {  	v50 =	vld [tilespmem:s17+$0xFFFFFFD0];
	[tilespmem:v47+s6+$0x0] =	vst.idx.msk $0xffff, v13  }
0x267: {  	v51 =	vor.u32 $0x5, v7;
	[tilespmem:v15+s6+$0x0] =	vst.idx.msk $0xffff, v20;
	v13 =	vld [tilespmem:s18+$0x50]  }
0x268: {  	v52 =	vld [tilespmem:s18+$0xFFFFFFD0];
	_ =	sdelay $0x1  }
0x269: {  	[tilespmem:v49+s6+$0x0] =	vst.idx.msk $0xffff, v48  }
0x26a: {  	v54 =	vor.u32 $0x6, v2;
	[tilespmem:v9+s6+$0x0] =	vst.idx.msk $0xffff, v50;
	v53 =	vld [tilespmem:s17+$0x60]  }
0x26b: {  	v55 =	vld [tilespmem:s17+$0xFFFFFFE0];
	[tilespmem:v51+s6+$0x0] =	vst.idx.msk $0xffff, v13  }
0x26c: {  	v57 =	vor.u32 $0x6, v7;
	[tilespmem:v10+s6+$0x0] =	vst.idx.msk $0xffff, v52;
	v56 =	vld [tilespmem:s18+$0x60]  }
0x26d: {  	[tilespmem:v19+s6+$0x0] =	vst.idx.msk $0xffff, v16;
	v58 =	vld [tilespmem:s18+$0xFFFFFFE0]  }
0x26e: {  	v1 =	vor.u32 $0x7, v1;
	[tilespmem:v5+s6+$0x0] =	vst.idx.msk $0xffff, v18;
	v59 =	vld [tilespmem:s16+$0x70]  }
0x26f: {  	v60 =	vld [tilespmem:s16+$0xFFFFFFF0];
	[tilespmem:v54+s6+$0x0] =	vst.idx.msk $0xffff, v53  }
0x270: {  	v2 =	vor.u32 $0x7, v2;
	[tilespmem:v6+s6+$0x0] =	vst.idx.msk $0xffff, v55;
	v61 =	vld [tilespmem:s17+$0x70]  }
0x271: {  	v62 =	vld [tilespmem:s17+$0xFFFFFFF0];
	[tilespmem:v57+s6+$0x0] =	vst.idx.msk $0xffff, v56  }
0x272: {  	v63 =	vor.u32 $0x7, v7;
	[tilespmem:v14+s6+$0x0] =	vst.idx.msk $0xffff, v58;
	v10 =	vld [tilespmem:s18+$0x70]  }
0x273: {  	[tilespmem:v1+s6+$0x0] =	vst.idx.msk $0xffff, v59;
	v1 =	vld [tilespmem:s18+$0xFFFFFFF0]  }
0x274: {  	[tilespmem:v3+s6+$0x0] =	vst.idx.msk $0xffff, v60  }
0x275: {  	s15 =	sshll.u32 s15, $0xB;
	[tilespmem:v2+s6+$0x0] =	vst.idx.msk $0xffff, v61  }
0x276: {  	s14 =	sand.u32 $0x3F00, s14;
	s15 =	sand.u32 $0xFFC0000, s15;
	[tilespmem:v4+s6+$0x0] =	vst.idx.msk $0xffff, v62  }
0x277: {  	s14 =	sor.u32 s14, s15;
	[tilespmem:v63+s6+$0x0] =	vst.idx.msk $0xffff, v10  }
0x278: {  	s28 =	simm.s32 $0x8800;
	s16 =	sadd.s32 s3, s14;
	[tilespmem:v8+s6+$0x0] =	vst.idx.msk $0xffff, v1  }
0x279: {  	[hbm4b:s16+s4] =	stream.linear.scatter [tilespmem:s28], [sflag:$0x3], $0x80, $0x38;
	[tilespmem:$0x12100] =	vst v63  }
0x27a: {  	s17 =	simm.s32 $0x8888;
	s18 =	sadd.s32 $0x10, s16  }
0x27b: {  	[hbm4b:s18+s4] =	stream.linear.scatter [tilespmem:s17], [sflag:$0x3], $0x80, $0x38;
	[tilespmem:$0x12100] =	vst v63  }
0x27c: {  	s24 =	simm.s32 $0x8910;
	s26 =	simm.s32 $0x8998;
	s25 =	sadd.s32 $0x20, s16  }
0x27d: {  	[hbm4b:s25+s4] =	stream.linear.scatter [tilespmem:s24], [sflag:$0x3], $0x80, $0x38;
	[tilespmem:$0x12100] =	vst v63  }
0x27e: {  	s15 =	simm.s32 $0x440;
	s28 =	sadd.s32 $0x30, s16;
	s17 =	simm.s32 $0x8A20  }
0x27f: {  	[hbm4b:s28+s4] =	stream.linear.scatter [tilespmem:s26], [sflag:$0x3], $0x80, $0x38;
	[tilespmem:$0x12100] =	vst v63  }
0x280: {  	s18 =	sadd.s32 $0x40, s16;
	s24 =	simm.s32 $0x8AA8;
	s25 =	sadd.s32 $0x50, s16  }
0x281: {  	[hbm4b:s18+s4] =	stream.linear.scatter [tilespmem:s17], [sflag:$0x3], $0x80, $0x38;
	[tilespmem:$0x12100] =	vst v63  }
0x282: {  	s26 =	simm.s32 $0x8B30;
	s28 =	sadd.s32 $0x60, s16;
	s17 =	simm.s32 $0x2200  }
0x283: {  	[hbm4b:s25+s4] =	stream.linear.scatter [tilespmem:s24], [sflag:$0x3], $0x80, $0x38;
	[tilespmem:$0x12100] =	vst v63  }
0x284: {  	s18 =	simm.s32 $0x8BB8;
	s24 =	sadd.s32 $0x70, s16;
	s16 =	sadd.s32 $0x8000, s16  }
0x285: {  	[hbm4b:s28+s4] =	stream.linear.scatter [tilespmem:s26], [sflag:$0x3], $0x80, $0x38;
	[tilespmem:$0x12100] =	vst v63  }
.LBB2_17:
0x286: {  	[hbm4b:s24+s4] =	stream.linear.scatter [tilespmem:s18], [sflag:$0x3], $0x80, $0x38;
	[tilespmem:$0x12100] =	vst v63  }
0x287: {  	s18 =	smov.u32 s15;
	s15 =	smov.u32 s17  }
0x288: {  	s25 =	sadd.s32 $0x1100, s17;
	s15 =	sshra.s32 s15, $0x2;
	s24 =	sadd.s32 $0x8800, s18  }
0x289: {  	[hbm4b:s16+s4] =	stream.linear.scatter [tilespmem:s24], [sflag:$0x3], $0x80, $0x38;
	[tilespmem:$0x12100] =	vst v63  }
0x28a: {  	p0 =	sne.s32 s17, $0x7700;
	s17 =	sadd.s32 $0x8888, s18;
	s24 =	sadd.s32 $0x10, s16  }
0x28b: {  	[hbm4b:s24+s4] =	stream.linear.scatter [tilespmem:s17], [sflag:$0x3], $0x80, $0x38;
	[tilespmem:$0x12100] =	vst v63  }
0x28c: {  	s17 =	sadd.s32 $0x8910, s18;
	s24 =	sadd.s32 $0x20, s16  }
0x28d: {  	[hbm4b:s24+s4] =	stream.linear.scatter [tilespmem:s17], [sflag:$0x3], $0x80, $0x38;
	[tilespmem:$0x12100] =	vst v63  }
0x28e: {  	s17 =	sadd.s32 $0x8998, s18;
	s24 =	sadd.s32 $0x30, s16  }
0x28f: {  	[hbm4b:s24+s4] =	stream.linear.scatter [tilespmem:s17], [sflag:$0x3], $0x80, $0x38;
	[tilespmem:$0x12100] =	vst v63  }
0x290: {  	s17 =	sadd.s32 $0x8A20, s18;
	s24 =	sadd.s32 $0x40, s16  }
0x291: {  	[hbm4b:s24+s4] =	stream.linear.scatter [tilespmem:s17], [sflag:$0x3], $0x80, $0x38;
	[tilespmem:$0x12100] =	vst v63  }
.Ltmp7:
0x292: {  	s17 =	sadd.s32 $0x8AA8, s18;
	s24 =	sadd.s32 $0x50, s16;
	(pc) =	sbr.rel @p0 .LBB2_17-.Ltmp7, $4  }
0x293: {  	[hbm4b:s24+s4] =	stream.linear.scatter [tilespmem:s17], [sflag:$0x3], $0x80, $0x38;
	[tilespmem:$0x12100] =	vst v63  }
0x294: {  	s17 =	sadd.s32 $0x8B30, s18;
	s24 =	sadd.s32 $0x60, s16;
	s18 =	sadd.s32 $0x8BB8, s18  }
0x295: {  	[hbm4b:s24+s4] =	stream.linear.scatter [tilespmem:s17], [sflag:$0x3], $0x80, $0x38;
	[tilespmem:$0x12100] =	vst v63  }
0x296: {  	s24 =	sadd.s32 $0x70, s16;
	s16 =	sadd.s32 $0x8000, s16;
	s17 =	smov.u32 s25  }
0x297: {  	[hbm4b:s24+s4] =	stream.linear.scatter [tilespmem:s18], [sflag:$0x3], $0x80, $0x38;
	[tilespmem:$0x12100] =	vst v63  }
0x298: {  	s17 =	sadd.s32 $0x8800, s15  }
0x299: {  	[hbm4b:s16+s4] =	stream.linear.scatter [tilespmem:s17], [sflag:$0x3], $0x80, $0x38;
	[tilespmem:$0x12100] =	vst v63  }
0x29a: {  	s26 =	sadd.s32 $0x8888, s15;
	s28 =	sadd.s32 $0x10, s16  }
0x29b: {  	[hbm4b:s28+s4] =	stream.linear.scatter [tilespmem:s26], [sflag:$0x3], $0x80, $0x38;
	[tilespmem:$0x12100] =	vst v63  }
0x29c: {  	s24 =	sadd.s32 $0x8910, s15;
	s25 =	sadd.s32 $0x20, s16  }
0x29d: {  	[hbm4b:s25+s4] =	stream.linear.scatter [tilespmem:s24], [sflag:$0x3], $0x80, $0x38;
	[tilespmem:$0x12100] =	vst v63  }
0x29e: {  	s26 =	sadd.s32 $0x8998, s15;
	s28 =	sadd.s32 $0x30, s16  }
0x29f: {  	[hbm4b:s28+s4] =	stream.linear.scatter [tilespmem:s26], [sflag:$0x3], $0x80, $0x38;
	[tilespmem:$0x12100] =	vst v63  }
0x2a0: {  	s24 =	sadd.s32 $0x8A20, s15;
	s25 =	sadd.s32 $0x40, s16  }
0x2a1: {  	[hbm4b:s25+s4] =	stream.linear.scatter [tilespmem:s24], [sflag:$0x3], $0x80, $0x38;
	[tilespmem:$0x12100] =	vst v63  }
0x2a2: {  	s26 =	sadd.s32 $0x8AA8, s15;
	s28 =	sadd.s32 $0x50, s16  }
0x2a3: {  	[hbm4b:s28+s4] =	stream.linear.scatter [tilespmem:s26], [sflag:$0x3], $0x80, $0x38;
	[tilespmem:$0x12100] =	vst v63  }
0x2a4: {  	s24 =	sadd.s32 $0x8B30, s15;
	s25 =	sadd.s32 $0x60, s16  }
0x2a5: {  	[hbm4b:s25+s4] =	stream.linear.scatter [tilespmem:s24], [sflag:$0x3], $0x80, $0x38;
	[tilespmem:$0x12100] =	vst v63  }
0x2a6: {  	s26 =	sadd.s32 $0x8BB8, s15;
	s28 =	sadd.s32 $0x70, s16  }
0x2a7: {  	[hbm4b:s28+s4] =	stream.linear.scatter [tilespmem:s26], [sflag:$0x3], $0x80, $0x38;
	[tilespmem:$0x12100] =	vst v63  }
0x2a8: {  	s15 =	sadd.s32 s14, s10;
	s16 =	simm.s32 $0xAE40  }
0x2a9: {  	[hbm4b:s15+s4] =	stream.linear.scatter [tilespmem:s16], [sflag:$0x3], $0x80, $0x38;
	[tilespmem:$0x12100] =	vst v63  }
0x2aa: {  	s17 =	simm.s32 $0xAEC8;
	s18 =	sadd.s32 $0x10, s15  }
0x2ab: {  	[hbm4b:s18+s4] =	stream.linear.scatter [tilespmem:s17], [sflag:$0x3], $0x80, $0x38;
	[tilespmem:$0x12100] =	vst v63  }
0x2ac: {  	s14 =	simm.s32 $0x440;
	s24 =	simm.s32 $0xAF50;
	s25 =	sadd.s32 $0x20, s15  }
0x2ad: {  	[hbm4b:s25+s4] =	stream.linear.scatter [tilespmem:s24], [sflag:$0x3], $0x80, $0x38;
	[tilespmem:$0x12100] =	vst v63  }
0x2ae: {  	s26 =	simm.s32 $0xAFD8;
	s28 =	sadd.s32 $0x30, s15;
	s16 =	simm.s32 $0x2200  }
0x2af: {  	[hbm4b:s28+s4] =	stream.linear.scatter [tilespmem:s26], [sflag:$0x3], $0x80, $0x38;
	[tilespmem:$0x12100] =	vst v63  }
0x2b0: {  	s17 =	simm.s32 $0xB060;
	s18 =	sadd.s32 $0x40, s15;
	s24 =	simm.s32 $0xB0E8  }
0x2b1: {  	[hbm4b:s18+s4] =	stream.linear.scatter [tilespmem:s17], [sflag:$0x3], $0x80, $0x38;
	[tilespmem:$0x12100] =	vst v63  }
0x2b2: {  	s25 =	sadd.s32 $0x50, s15;
	s26 =	simm.s32 $0xB170;
	s28 =	sadd.s32 $0x60, s15  }
0x2b3: {  	[hbm4b:s25+s4] =	stream.linear.scatter [tilespmem:s24], [sflag:$0x3], $0x80, $0x38;
	[tilespmem:$0x12100] =	vst v63  }
0x2b4: {  	s17 =	simm.s32 $0xB1F8;
	s18 =	sadd.s32 $0x70, s15;
	s15 =	sadd.s32 $0x8000, s15  }
0x2b5: {  	[hbm4b:s28+s4] =	stream.linear.scatter [tilespmem:s26], [sflag:$0x3], $0x80, $0x38;
	[tilespmem:$0x12100] =	vst v63  }
.LBB2_19:
0x2b6: {  	[hbm4b:s18+s4] =	stream.linear.scatter [tilespmem:s17], [sflag:$0x3], $0x80, $0x38;
	[tilespmem:$0x12100] =	vst v63  }
0x2b7: {  	s17 =	smov.u32 s14;
	s14 =	smov.u32 s16  }
0x2b8: {  	s24 =	sadd.s32 $0x1100, s16;
	s14 =	sshra.s32 s14, $0x2;
	s18 =	sadd.s32 $0xAE40, s17  }
0x2b9: {  	[hbm4b:s15+s4] =	stream.linear.scatter [tilespmem:s18], [sflag:$0x3], $0x80, $0x38;
	[tilespmem:$0x12100] =	vst v63  }
0x2ba: {  	p0 =	sne.s32 s16, $0x7700;
	s16 =	sadd.s32 $0xAEC8, s17;
	s18 =	sadd.s32 $0x10, s15  }
0x2bb: {  	[hbm4b:s18+s4] =	stream.linear.scatter [tilespmem:s16], [sflag:$0x3], $0x80, $0x38;
	[tilespmem:$0x12100] =	vst v63  }
0x2bc: {  	s16 =	sadd.s32 $0xAF50, s17;
	s18 =	sadd.s32 $0x20, s15  }
0x2bd: {  	[hbm4b:s18+s4] =	stream.linear.scatter [tilespmem:s16], [sflag:$0x3], $0x80, $0x38;
	[tilespmem:$0x12100] =	vst v63  }
0x2be: {  	s16 =	sadd.s32 $0xAFD8, s17;
	s18 =	sadd.s32 $0x30, s15  }
0x2bf: {  	[hbm4b:s18+s4] =	stream.linear.scatter [tilespmem:s16], [sflag:$0x3], $0x80, $0x38;
	[tilespmem:$0x12100] =	vst v63  }
0x2c0: {  	s16 =	sadd.s32 $0xB060, s17;
	s18 =	sadd.s32 $0x40, s15  }
0x2c1: {  	[hbm4b:s18+s4] =	stream.linear.scatter [tilespmem:s16], [sflag:$0x3], $0x80, $0x38;
	[tilespmem:$0x12100] =	vst v63  }
.Ltmp8:
0x2c2: {  	s16 =	sadd.s32 $0xB0E8, s17;
	s18 =	sadd.s32 $0x50, s15;
	(pc) =	sbr.rel @p0 .LBB2_19-.Ltmp8, $4  }
0x2c3: {  	[hbm4b:s18+s4] =	stream.linear.scatter [tilespmem:s16], [sflag:$0x3], $0x80, $0x38;
	[tilespmem:$0x12100] =	vst v63  }
0x2c4: {  	s16 =	sadd.s32 $0xB170, s17;
	s18 =	sadd.s32 $0x60, s15;
	s17 =	sadd.s32 $0xB1F8, s17  }
0x2c5: {  	[hbm4b:s18+s4] =	stream.linear.scatter [tilespmem:s16], [sflag:$0x3], $0x80, $0x38;
	[tilespmem:$0x12100] =	vst v63  }
0x2c6: {  	s18 =	sadd.s32 $0x70, s15;
	s15 =	sadd.s32 $0x8000, s15;
	s16 =	smov.u32 s24  }
0x2c7: {  	[hbm4b:s18+s4] =	stream.linear.scatter [tilespmem:s17], [sflag:$0x3], $0x80, $0x38;
	[tilespmem:$0x12100] =	vst v63  }
0x2c8: {  	s16 =	sadd.s32 $0xAE40, s14  }
0x2c9: {  	[hbm4b:s15+s4] =	stream.linear.scatter [tilespmem:s16], [sflag:$0x3], $0x80, $0x38;
	[tilespmem:$0x12100] =	vst v63  }
0x2ca: {  	s17 =	sadd.s32 $0xAEC8, s14;
	s18 =	sadd.s32 $0x10, s15  }
0x2cb: {  	[hbm4b:s18+s4] =	stream.linear.scatter [tilespmem:s17], [sflag:$0x3], $0x80, $0x38;
	[tilespmem:$0x12100] =	vst v63  }
0x2cc: {  	s24 =	sadd.s32 $0xAF50, s14;
	s25 =	sadd.s32 $0x20, s15  }
0x2cd: {  	[hbm4b:s25+s4] =	stream.linear.scatter [tilespmem:s24], [sflag:$0x3], $0x80, $0x38;
	[tilespmem:$0x12100] =	vst v63  }
0x2ce: {  	s26 =	sadd.s32 $0xAFD8, s14;
	s28 =	sadd.s32 $0x30, s15  }
0x2cf: {  	[hbm4b:s28+s4] =	stream.linear.scatter [tilespmem:s26], [sflag:$0x3], $0x80, $0x38;
	[tilespmem:$0x12100] =	vst v63  }
0x2d0: {  	s17 =	sadd.s32 $0xB060, s14;
	s18 =	sadd.s32 $0x40, s15  }
0x2d1: {  	[hbm4b:s18+s4] =	stream.linear.scatter [tilespmem:s17], [sflag:$0x3], $0x80, $0x38;
	[tilespmem:$0x12100] =	vst v63  }
0x2d2: {  	s24 =	sadd.s32 $0xB0E8, s14;
	s25 =	sadd.s32 $0x50, s15  }
0x2d3: {  	[hbm4b:s25+s4] =	stream.linear.scatter [tilespmem:s24], [sflag:$0x3], $0x80, $0x38;
	[tilespmem:$0x12100] =	vst v63  }
0x2d4: {  	s26 =	sadd.s32 $0xB170, s14;
	s28 =	sadd.s32 $0x60, s15  }
0x2d5: {  	[hbm4b:s28+s4] =	stream.linear.scatter [tilespmem:s26], [sflag:$0x3], $0x80, $0x38;
	[tilespmem:$0x12100] =	vst v63  }
0x2d6: {  	s17 =	sadd.s32 $0xB1F8, s14;
	s18 =	sadd.s32 $0x70, s15  }
0x2d7: {  	[hbm4b:s18+s4] =	stream.linear.scatter [tilespmem:s17], [sflag:$0x3], $0x80, $0x38;
	[tilespmem:$0x12100] =	vst v63  }
0x2d8: {  	_ =	swait.ge [sflag:s22], $0x400  }
0x2d9: {  	[sflag:s22] =	ssyncset.done $0x0  }
0x2da: {  	s24 =	simm.s32 $0x800;
	[sflag:s22] =	ssyncadd.s32 $0xFFFFFC00  }
0x2db: {  	[tilespmem:s24], [sflag:$0x1] =	stream.indirect.gather [hbm4b:s5+s23], $0x10, s4, s23, $0xb8;
	[tilespmem:$0x12100] =	vst v63  }
0x2dc: {  	s25 =	simm.s32 $0x1000  }
0x2dd: {  	[tilespmem:s25], [sflag:$0x1] =	stream.indirect.gather [hbm4b:s5+s23], $0x10, s23, s23, $0xb8;
	[tilespmem:$0x12100] =	vst v63  }
0x2de: {  	s26 =	simm.s32 $0x100;
	s28 =	simm.s32 $0x1800  }
0x2df: {  	[tilespmem:s28], [sflag:$0x1] =	stream.indirect.gather [hbm4b:s5+s23], $0x10, s26, s23, $0xb8;
	[tilespmem:$0x12100] =	vst v63  }
0x2e0: {  	s16 =	simm.s32 $0x2000;
	s15 =	simm.s32 $0x180  }
0x2e1: {  	[tilespmem:s16], [sflag:$0x1] =	stream.indirect.gather [hbm4b:s5+s23], $0x10, s15, s23, $0xb8;
	[tilespmem:$0x12100] =	vst v63  }
0x2e2: {  	s17 =	simm.s32 $0x200;
	s18 =	simm.s32 $0x2800  }
0x2e3: {  	[tilespmem:s18], [sflag:$0x1] =	stream.indirect.gather [hbm4b:s5+s23], $0x10, s17, s23, $0xb8;
	[tilespmem:$0x12100] =	vst v63  }
0x2e4: {  	s24 =	simm.s32 $0x280;
	s25 =	simm.s32 $0x3000  }
0x2e5: {  	[tilespmem:s25], [sflag:$0x1] =	stream.indirect.gather [hbm4b:s5+s23], $0x10, s24, s23, $0xb8;
	[tilespmem:$0x12100] =	vst v63  }
0x2e6: {  	s26 =	simm.s32 $0x300;
	s28 =	simm.s32 $0x3800  }
0x2e7: {  	[tilespmem:s28], [sflag:$0x1] =	stream.indirect.gather [hbm4b:s5+s23], $0x10, s26, s23, $0xb8;
	[tilespmem:$0x12100] =	vst v63  }
0x2e8: {  	s16 =	simm.s32 $0x380;
	s17 =	simm.s32 $0x4000  }
0x2e9: {  	[tilespmem:s17], [sflag:$0x1] =	stream.indirect.gather [hbm4b:s5+s23], $0x10, s16, s23, $0xb8;
	[tilespmem:$0x12100] =	vst v63  }
0x2ea: {  	_ =	swait.ge [sflag:s7], $0x800  }
0x2eb: {  	[sflag:s7] =	ssyncset.done $0x0  }
0x2ec: {  	[sflag:s7] =	ssyncadd.s32 $0xFFFFF800  }
0x2ed: {  	_ =	swait.ge [sflag:s7], $0x800  }
0x2ee: {  	[sflag:s7] =	ssyncset.done $0x0  }
0x2ef: {  	[sflag:s7] =	ssyncadd.s32 $0xFFFFF800  }
0x2f0: {  	_ =	swait.ge [sflag:s7], $0x800  }
0x2f1: {  	[sflag:s7] =	ssyncset.done $0x0  }
0x2f2: {  	[sflag:s7] =	ssyncadd.s32 $0xFFFFF800  }
0x2f3: {  	_ =	swait.ge [sflag:s7], $0x800  }
0x2f4: {  	[sflag:s7] =	ssyncset.done $0x0  }
0x2f5: {  	[sflag:s7] =	ssyncadd.s32 $0xFFFFF800  }
0x2f6: {  	_ =	swait.ge [sflag:s7], $0x800  }
0x2f7: {  	[sflag:s7] =	ssyncset.done $0x0  }
0x2f8: {  	[sflag:s7] =	ssyncadd.s32 $0xFFFFF800  }
0x2f9: {  	_ =	swait.ge [sflag:s7], $0x800  }
0x2fa: {  	[sflag:s7] =	ssyncset.done $0x0  }
0x2fb: {  	[sflag:s7] =	ssyncadd.s32 $0xFFFFF800  }
0x2fc: {  	_ =	swait.ge [sflag:s7], $0x800  }
0x2fd: {  	[sflag:s7] =	ssyncset.done $0x0  }
0x2fe: {  	s13 =	sadd.s32 s13, s2;
	[sflag:s7] =	ssyncadd.s32 $0xFFFFF800  }
0x2ff: {  	s14 =	sadd.s32 $0x1, s13;
	_ =	swait.ge [sflag:s7], $0x800  }
0x300: {  	s13 =	sshll.u32 s14, $0x7;
	[sflag:s7] =	ssyncset.done $0x0  }
0x301: {  	s18 =	sadd.s32 s20, s13;
	s24 =	simm.s32 $0x0;
	[sflag:s7] =	ssyncadd.s32 $0xFFFFF800  }
0x302: {  	[tilespmem:s21], [sflag:$0x6] =	stream.linear.gather [hbm4b:s18+s4], $0x400, $0x38;
	[tilespmem:$0x12100] =	vst v63  }
0x303: {  	v1 =	vmov s24;
	_ =	swait.ge [sflag:s19], $0x2000  }
0x304: {  	v1 =	vmul.u32 $0x440, v1;
	[sflag:s19] =	ssyncset.done $0x0  }
0x305: {  	[sflag:s19] =	ssyncadd.s32 $0xFFFFE000  }
0x306: {  	v1 =	vbroadcast v1, $0x0;
	_ =	swait.ge [sflag:s19], $0x2000  }
0x307: {  	s15 =	simm.s32 $0x4880;
	s25 =	simm.s32 $0x8;
	[sflag:s19] =	ssyncset.done $0x0  }
0x308: {  	s26 =	simm.s32 $0x0;
	s16 =	sand.u32 $0x78, s25;
	v2 =	vadd.s32 v0, v1;
	[sflag:s19] =	ssyncadd.s32 $0xFFFFE000  }
0x309: {  	s17 =	sand.u32 $0x70, s26;
	v1 =	vadd.s32 s16, v2;
	v3 =	vld [tilespmem:s15+$0x0]  }
0x30a: {  	v4 =	vadd.s32 s17, v2;
	v2 =	vld [tilespmem:s15+$0xFFFFFF80];
	_ =	sdelay $0x3  }
0x30b: {  	[tilespmem:v1+s8+$0x0] =	vst.idx.msk $0xffff, v3  }
0x30c: {  	[tilespmem:v4+s8+$0x0] =	vst.idx.msk $0xffff, v2;
	v3 =	vor.u32 $0x1, v1;
	v2 =	vld [tilespmem:s15+$0x10]  }
0x30d: {  	v5 =	vor.u32 $0x1, v4;
	v6 =	vld [tilespmem:s15+$0xFFFFFF90];
	_ =	sdelay $0x1  }
0x30e: {  	s28 =	simm.s32 $0x0  }
0x30f: {  	v7 =	vmov s28  }
0x310: {  	v7 =	vmul.u32 $0x440, v7;
	[tilespmem:v3+s8+$0x0] =	vst.idx.msk $0xffff, v2  }
0x311: {  	[tilespmem:v5+s8+$0x0] =	vst.idx.msk $0xffff, v6;
	v5 =	vor.u32 $0x2, v1;
	v3 =	vld [tilespmem:s15+$0x20]  }
0x312: {  	v6 =	vor.u32 $0x2, v4;
	v2 =	vbroadcast v7, $0x0;
	v7 =	vld [tilespmem:s15+$0xFFFFFFA0]  }
0x313: {  	s17 =	simm.s32 $0x18  }
0x314: {  	s16 =	simm.s32 $0x4980;
	s24 =	sand.u32 $0x78, s17;
	s18 =	simm.s32 $0x10;
	v8 =	vadd.s32 v0, v2  }
0x315: {  	s17 =	sand.u32 $0x70, s18;
	v9 =	vld [tilespmem:s16+$0x0];
	v2 =	vadd.s32 s24, v8  }
0x316: {  	v10 =	vld [tilespmem:s16+$0xFFFFFF80];
	v8 =	vadd.s32 s17, v8;
	[tilespmem:v5+s8+$0x0] =	vst.idx.msk $0xffff, v3  }
0x317: {  	[tilespmem:v6+s8+$0x0] =	vst.idx.msk $0xffff, v7;
	v5 =	vor.u32 $0x3, v1;
	v3 =	vld [tilespmem:s15+$0x30]  }
0x318: {  	v6 =	vor.u32 $0x3, v4;
	v7 =	vld [tilespmem:s15+$0xFFFFFFB0];
	_ =	sdelay $0x1  }
0x319: {  	[tilespmem:v2+s8+$0x0] =	vst.idx.msk $0xffff, v9  }
0x31a: {  	[tilespmem:v8+s8+$0x0] =	vst.idx.msk $0xffff, v10;
	v10 =	vor.u32 $0x1, v2;
	v9 =	vld [tilespmem:s16+$0x10]  }
0x31b: {  	v11 =	vor.u32 $0x1, v8;
	v12 =	vld [tilespmem:s16+$0xFFFFFF90];
	[tilespmem:v5+s8+$0x0] =	vst.idx.msk $0xffff, v3  }
0x31c: {  	[tilespmem:v6+s8+$0x0] =	vst.idx.msk $0xffff, v7;
	v5 =	vor.u32 $0x4, v1;
	v3 =	vld [tilespmem:s15+$0x40]  }
0x31d: {  	s25 =	simm.s32 $0x0;
	v6 =	vor.u32 $0x4, v4;
	v7 =	vld [tilespmem:s15+$0xFFFFFFC0]  }
0x31e: {  	v13 =	vmov s25  }
0x31f: {  	v13 =	vmul.u32 $0x440, v13;
	[tilespmem:v10+s8+$0x0] =	vst.idx.msk $0xffff, v9  }
0x320: {  	[tilespmem:v11+s8+$0x0] =	vst.idx.msk $0xffff, v12;
	v10 =	vor.u32 $0x2, v2;
	v9 =	vld [tilespmem:s16+$0x20]  }
0x321: {  	v11 =	vor.u32 $0x2, v8;
	v12 =	vbroadcast v13, $0x0;
	v13 =	vld [tilespmem:s16+$0xFFFFFFA0];
	[tilespmem:v5+s8+$0x0] =	vst.idx.msk $0xffff, v3  }
0x322: {  	v14 =	vor.u32 $0x5, v1;
	s18 =	simm.s32 $0x20;
	[tilespmem:v6+s8+$0x0] =	vst.idx.msk $0xffff, v7;
	v6 =	vld [tilespmem:s15+$0x50]  }
0x323: {  	s26 =	simm.s32 $0x28;
	v15 =	vor.u32 $0x5, v4;
	s28 =	sand.u32 $0x70, s18;
	s17 =	simm.s32 $0x4A80;
	v3 =	vadd.s32 v0, v12;
	v16 =	vld [tilespmem:s15+$0xFFFFFFD0]  }
0x324: {  	s24 =	sand.u32 $0x78, s26;
	v22 =	vld [tilespmem:s17+$0xFFFFFF80];
	v26 =	vor.u32 $0x3, v2;
	v5 =	vor.u32 $0x6, v4;
	v19 =	vadd.s32 s28, v3  }
0x325: {  	v18 =	vld [tilespmem:s17+$0x0];
	v12 =	vor.u32 $0x3, v8;
	v7 =	vadd.s32 s24, v3;
	v3 =	vor.u32 $0x7, v4;
	[tilespmem:v10+s8+$0x0] =	vst.idx.msk $0xffff, v9  }
0x326: {  	v4 =	vor.u32 $0x7, v8;
	[tilespmem:v11+s8+$0x0] =	vst.idx.msk $0xffff, v13;
	v11 =	vor.u32 $0x4, v8;
	v9 =	vor.u32 $0x5, v8  }
0x327: {  	v17 =	vor.u32 $0x1, v19;
	v13 =	vor.u32 $0x2, v19;
	v20 =	vor.u32 $0x3, v19;
	v25 =	vld [tilespmem:s16+$0x30];
	[tilespmem:v14+s8+$0x0] =	vst.idx.msk $0xffff, v6  }
0x328: {  	v10 =	vor.u32 $0x5, v19;
	v21 =	vld [tilespmem:s16+$0xFFFFFFB0];
	v6 =	vor.u32 $0x6, v8;
	[tilespmem:v15+s8+$0x0] =	vst.idx.msk $0xffff, v16;
	v15 =	vor.u32 $0x4, v19  }
0x329: {  	v14 =	vor.u32 $0x6, v19;
	[tilespmem:v19+s8+$0x0] =	vst.idx.msk $0xffff, v22;
	v8 =	vor.u32 $0x7, v19;
	v19 =	vor.u32 $0x6, v1;
	v16 =	vld [tilespmem:s15+$0x60]  }
0x32a: {  	[tilespmem:v7+s8+$0x0] =	vst.idx.msk $0xffff, v18;
	v18 =	vld [tilespmem:s15+$0xFFFFFFE0]  }
0x32b: {  	v24 =	vor.u32 $0x1, v7;
	v22 =	vld [tilespmem:s17+$0x10]  }
0x32c: {  	v23 =	vld [tilespmem:s17+$0xFFFFFF90];
	[tilespmem:v26+s8+$0x0] =	vst.idx.msk $0xffff, v25  }
.LBB2_21:
0x32d: {  	[tilespmem:v12+s8+$0x0] =	vst.idx.msk $0xffff, v21;
	v21 =	vld [tilespmem:s16+$0x40];
	v25 =	vor.u32 $0x4, v2;
	v12 =	vmov v20;
	s24 =	smov.u32 s18;
	s18 =	sadd.s32 $0x10, s18  }
0x32e: {  	s25 =	sshrl.u32 s18, $0x7;
	s26 =	sand.u32 $0x70, s18;
	p0 =	slt.u32 s18, $0x3F0;
	v20 =	vld [tilespmem:s16+$0xFFFFFFC0];
	[tilespmem:v19+s8+$0x0] =	vst.idx.msk $0xffff, v16  }
0x32f: {  	v19 =	vor.u32 $0x7, v1;
	v1 =	vmovc v2;
	v2 =	vmovc v7;
	v16 =	vmov s25;
	[tilespmem:v5+s8+$0x0] =	vst.idx.msk $0xffff, v18;
	v18 =	vld [tilespmem:s15+$0x70];
	v5 =	vmov v6  }
0x330: {  	v6 =	vmov v14;
	v7 =	vmul.u32 $0x440, v16;
	[tilespmem:v24+s8+$0x0] =	vst.idx.msk $0xffff, v22;
	v16 =	vld [tilespmem:s15+$0xFFFFFFF0];
	s15 =	smov.u32 s16;
	s16 =	smov.u32 s17  }
0x331: {  	v22 =	vor.u32 $0x2, v2;
	[tilespmem:v17+s8+$0x0] =	vst.idx.msk $0xffff, v23;
	v14 =	vld [tilespmem:s17+$0x20]  }
0x332: {  	v7 =	vbroadcast v7, $0x0;
	v23 =	vld [tilespmem:s17+$0xFFFFFFA0];
	[tilespmem:v25+s8+$0x0] =	vst.idx.msk $0xffff, v21  }
0x333: {  	s24 =	sadd.s32 $0x18, s24;
	v25 =	vor.u32 $0x5, v1;
	[tilespmem:v11+s8+$0x0] =	vst.idx.msk $0xffff, v20;
	v24 =	vld [tilespmem:s15+$0x50];
	v11 =	vmov v15  }
0x334: {  	s24 =	sand.u32 $0x78, s24;
	s17 =	sadd.s32 $0x100, s17;
	v7 =	vadd.s32 v0, v7;
	v26 =	vld [tilespmem:s15+$0xFFFFFFD0];
	[tilespmem:v19+s8+$0x0] =	vst.idx.msk $0xffff, v18  }
0x335: {  	v27 =	vadd.s32 s26, v7;
	v18 =	vld [tilespmem:s17+$0x0];
	v7 =	vadd.s32 s24, v7;
	[tilespmem:v3+s8+$0x0] =	vst.idx.msk $0xffff, v16;
	v3 =	vmovc v4;
	v4 =	vmov v8  }
0x336: {  	v28 =	vld [tilespmem:s17+$0xFFFFFF80];
	v17 =	vor.u32 $0x1, v27;
	v8 =	vor.u32 $0x2, v27;
	v20 =	vor.u32 $0x3, v27;
	[tilespmem:v22+s8+$0x0] =	vst.idx.msk $0xffff, v14  }
0x337: {  	v30 =	vor.u32 $0x3, v2;
	v15 =	vor.u32 $0x4, v27;
	v22 =	vor.u32 $0x5, v27;
	[tilespmem:v13+s8+$0x0] =	vst.idx.msk $0xffff, v23;
	v29 =	vld [tilespmem:s16+$0x30];
	v13 =	vmovc v8  }
.Ltmp9:
0x338: {  	v14 =	vor.u32 $0x6, v27;
	v8 =	vor.u32 $0x7, v27;
	v21 =	vld [tilespmem:s16+$0xFFFFFFB0];
	[tilespmem:v25+s8+$0x0] =	vst.idx.msk $0xffff, v24;
	(pc) =	sbr.rel @p0 .LBB2_21-.Ltmp9, $4  }
0x339: {  	v19 =	vor.u32 $0x6, v1;
	[tilespmem:v9+s8+$0x0] =	vst.idx.msk $0xffff, v26;
	v16 =	vld [tilespmem:s15+$0x60];
	v9 =	vmov v10;
	v10 =	vmov v22  }
0x33a: {  	[tilespmem:v7+s8+$0x0] =	vst.idx.msk $0xffff, v18;
	v18 =	vld [tilespmem:s15+$0xFFFFFFE0]  }
0x33b: {  	v24 =	vor.u32 $0x1, v7;
	[tilespmem:v27+s8+$0x0] =	vst.idx.msk $0xffff, v28;
	v22 =	vld [tilespmem:s17+$0x10]  }
0x33c: {  	v23 =	vld [tilespmem:s17+$0xFFFFFF90];
	[tilespmem:v30+s8+$0x0] =	vst.idx.msk $0xffff, v29  }
0x33d: {  	_ =	sdelay $0x3  }
0x33e: {  	[tilespmem:v24+s8+$0x0] =	vst.idx.msk $0xffff, v22  }
0x33f: {  	v40 =	vor.u32 $0x2, v7;
	[tilespmem:v17+s8+$0x0] =	vst.idx.msk $0xffff, v23;
	v39 =	vld [tilespmem:s17+$0x20]  }
0x340: {  	v23 =	vld [tilespmem:s17+$0xFFFFFFA0];
	_ =	sdelay $0x3  }
0x341: {  	[tilespmem:v40+s8+$0x0] =	vst.idx.msk $0xffff, v39  }
0x342: {  	v42 =	vor.u32 $0x3, v7;
	[tilespmem:v13+s8+$0x0] =	vst.idx.msk $0xffff, v23;
	v41 =	vld [tilespmem:s17+$0x30]  }
0x343: {  	v43 =	vld [tilespmem:s17+$0xFFFFFFB0];
	_ =	sdelay $0x2  }
0x344: {  	[tilespmem:v12+s8+$0x0] =	vst.idx.msk $0xffff, v21;
	v44 =	vld [tilespmem:s16+$0x40];
	v45 =	vor.u32 $0x4, v2  }
0x345: {  	v46 =	vld [tilespmem:s16+$0xFFFFFFC0];
	[tilespmem:v42+s8+$0x0] =	vst.idx.msk $0xffff, v41  }
0x346: {  	v47 =	vor.u32 $0x4, v7;
	[tilespmem:v20+s8+$0x0] =	vst.idx.msk $0xffff, v43;
	v13 =	vld [tilespmem:s17+$0x40]  }
0x347: {  	v20 =	vld [tilespmem:s17+$0xFFFFFFC0];
	_ =	sdelay $0x1  }
0x348: {  	[tilespmem:v45+s8+$0x0] =	vst.idx.msk $0xffff, v44  }
0x349: {  	v49 =	vor.u32 $0x5, v2;
	[tilespmem:v11+s8+$0x0] =	vst.idx.msk $0xffff, v46;
	v48 =	vld [tilespmem:s16+$0x50]  }
0x34a: {  	v50 =	vld [tilespmem:s16+$0xFFFFFFD0];
	[tilespmem:v47+s8+$0x0] =	vst.idx.msk $0xffff, v13  }
0x34b: {  	v51 =	vor.u32 $0x5, v7;
	[tilespmem:v15+s8+$0x0] =	vst.idx.msk $0xffff, v20;
	v13 =	vld [tilespmem:s17+$0x50]  }
0x34c: {  	v52 =	vld [tilespmem:s17+$0xFFFFFFD0];
	_ =	sdelay $0x1  }
0x34d: {  	[tilespmem:v49+s8+$0x0] =	vst.idx.msk $0xffff, v48  }
0x34e: {  	v54 =	vor.u32 $0x6, v2;
	[tilespmem:v9+s8+$0x0] =	vst.idx.msk $0xffff, v50;
	v53 =	vld [tilespmem:s16+$0x60]  }
0x34f: {  	v55 =	vld [tilespmem:s16+$0xFFFFFFE0];
	[tilespmem:v51+s8+$0x0] =	vst.idx.msk $0xffff, v13  }
0x350: {  	v57 =	vor.u32 $0x6, v7;
	[tilespmem:v10+s8+$0x0] =	vst.idx.msk $0xffff, v52;
	v56 =	vld [tilespmem:s17+$0x60]  }
0x351: {  	[tilespmem:v19+s8+$0x0] =	vst.idx.msk $0xffff, v16;
	v58 =	vld [tilespmem:s17+$0xFFFFFFE0]  }
0x352: {  	v1 =	vor.u32 $0x7, v1;
	[tilespmem:v5+s8+$0x0] =	vst.idx.msk $0xffff, v18;
	v59 =	vld [tilespmem:s15+$0x70]  }
0x353: {  	v60 =	vld [tilespmem:s15+$0xFFFFFFF0];
	[tilespmem:v54+s8+$0x0] =	vst.idx.msk $0xffff, v53  }
0x354: {  	v2 =	vor.u32 $0x7, v2;
	[tilespmem:v6+s8+$0x0] =	vst.idx.msk $0xffff, v55;
	v61 =	vld [tilespmem:s16+$0x70]  }
0x355: {  	v62 =	vld [tilespmem:s16+$0xFFFFFFF0];
	[tilespmem:v57+s8+$0x0] =	vst.idx.msk $0xffff, v56  }
0x356: {  	v63 =	vor.u32 $0x7, v7;
	[tilespmem:v14+s8+$0x0] =	vst.idx.msk $0xffff, v58;
	v10 =	vld [tilespmem:s17+$0x70]  }
0x357: {  	[tilespmem:v1+s8+$0x0] =	vst.idx.msk $0xffff, v59;
	v1 =	vld [tilespmem:s17+$0xFFFFFFF0]  }
0x358: {  	[tilespmem:v3+s8+$0x0] =	vst.idx.msk $0xffff, v60  }
0x359: {  	s14 =	sshll.u32 s14, $0xB;
	[tilespmem:v2+s8+$0x0] =	vst.idx.msk $0xffff, v61  }
0x35a: {  	s13 =	sand.u32 $0x3F80, s13;
	s14 =	sand.u32 $0xFFC0000, s14;
	[tilespmem:v4+s8+$0x0] =	vst.idx.msk $0xffff, v62  }
0x35b: {  	s13 =	sor.u32 s13, s14;
	[tilespmem:v63+s8+$0x0] =	vst.idx.msk $0xffff, v10  }
0x35c: {  	s15 =	sadd.s32 s3, s13;
	s16 =	simm.s32 $0xD480;
	[tilespmem:v8+s8+$0x0] =	vst.idx.msk $0xffff, v1  }
0x35d: {  	[hbm4b:s15+s4] =	stream.linear.scatter [tilespmem:s16], [sflag:$0x4], $0x80, $0x38;
	[tilespmem:$0x12100] =	vst v63  }
0x35e: {  	s18 =	sadd.s32 $0x10, s15;
	s17 =	simm.s32 $0xD508  }
0x35f: {  	[hbm4b:s18+s4] =	stream.linear.scatter [tilespmem:s17], [sflag:$0x4], $0x80, $0x38;
	[tilespmem:$0x12100] =	vst v63  }
0x360: {  	s24 =	simm.s32 $0xD590;
	s26 =	simm.s32 $0xD618;
	s25 =	sadd.s32 $0x20, s15  }
0x361: {  	[hbm4b:s25+s4] =	stream.linear.scatter [tilespmem:s24], [sflag:$0x4], $0x80, $0x38;
	[tilespmem:$0x12100] =	vst v63  }
0x362: {  	s14 =	simm.s32 $0x440;
	s28 =	sadd.s32 $0x30, s15;
	s16 =	simm.s32 $0x2200  }
0x363: {  	[hbm4b:s28+s4] =	stream.linear.scatter [tilespmem:s26], [sflag:$0x4], $0x80, $0x38;
	[tilespmem:$0x12100] =	vst v63  }
0x364: {  	s17 =	simm.s32 $0xD6A0;
	s18 =	sadd.s32 $0x40, s15;
	s24 =	simm.s32 $0xD728  }
0x365: {  	[hbm4b:s18+s4] =	stream.linear.scatter [tilespmem:s17], [sflag:$0x4], $0x80, $0x38;
	[tilespmem:$0x12100] =	vst v63  }
0x366: {  	s25 =	sadd.s32 $0x50, s15;
	s26 =	simm.s32 $0xD7B0;
	s28 =	sadd.s32 $0x60, s15  }
0x367: {  	[hbm4b:s25+s4] =	stream.linear.scatter [tilespmem:s24], [sflag:$0x4], $0x80, $0x38;
	[tilespmem:$0x12100] =	vst v63  }
0x368: {  	s17 =	simm.s32 $0xD838;
	s18 =	sadd.s32 $0x70, s15;
	s15 =	sadd.s32 $0x8000, s15  }
0x369: {  	[hbm4b:s28+s4] =	stream.linear.scatter [tilespmem:s26], [sflag:$0x4], $0x80, $0x38;
	[tilespmem:$0x12100] =	vst v63  }
.LBB2_23:
0x36a: {  	[hbm4b:s18+s4] =	stream.linear.scatter [tilespmem:s17], [sflag:$0x4], $0x80, $0x38;
	[tilespmem:$0x12100] =	vst v63  }
0x36b: {  	s17 =	smov.u32 s14;
	s14 =	smov.u32 s16  }
0x36c: {  	s24 =	sadd.s32 $0x1100, s16;
	s14 =	sshra.s32 s14, $0x2;
	s18 =	sadd.s32 $0xD480, s17  }
0x36d: {  	[hbm4b:s15+s4] =	stream.linear.scatter [tilespmem:s18], [sflag:$0x4], $0x80, $0x38;
	[tilespmem:$0x12100] =	vst v63  }
0x36e: {  	p0 =	sne.s32 s16, $0x7700;
	s16 =	sadd.s32 $0xD508, s17;
	s18 =	sadd.s32 $0x10, s15  }
0x36f: {  	[hbm4b:s18+s4] =	stream.linear.scatter [tilespmem:s16], [sflag:$0x4], $0x80, $0x38;
	[tilespmem:$0x12100] =	vst v63  }
0x370: {  	s16 =	sadd.s32 $0xD590, s17;
	s18 =	sadd.s32 $0x20, s15  }
0x371: {  	[hbm4b:s18+s4] =	stream.linear.scatter [tilespmem:s16], [sflag:$0x4], $0x80, $0x38;
	[tilespmem:$0x12100] =	vst v63  }
0x372: {  	s16 =	sadd.s32 $0xD618, s17;
	s18 =	sadd.s32 $0x30, s15  }
0x373: {  	[hbm4b:s18+s4] =	stream.linear.scatter [tilespmem:s16], [sflag:$0x4], $0x80, $0x38;
	[tilespmem:$0x12100] =	vst v63  }
0x374: {  	s16 =	sadd.s32 $0xD6A0, s17;
	s18 =	sadd.s32 $0x40, s15  }
0x375: {  	[hbm4b:s18+s4] =	stream.linear.scatter [tilespmem:s16], [sflag:$0x4], $0x80, $0x38;
	[tilespmem:$0x12100] =	vst v63  }
.Ltmp10:
0x376: {  	s16 =	sadd.s32 $0xD728, s17;
	s18 =	sadd.s32 $0x50, s15;
	(pc) =	sbr.rel @p0 .LBB2_23-.Ltmp10, $4  }
0x377: {  	[hbm4b:s18+s4] =	stream.linear.scatter [tilespmem:s16], [sflag:$0x4], $0x80, $0x38;
	[tilespmem:$0x12100] =	vst v63  }
0x378: {  	s16 =	sadd.s32 $0xD7B0, s17;
	s18 =	sadd.s32 $0x60, s15;
	s17 =	sadd.s32 $0xD838, s17  }
0x379: {  	[hbm4b:s18+s4] =	stream.linear.scatter [tilespmem:s16], [sflag:$0x4], $0x80, $0x38;
	[tilespmem:$0x12100] =	vst v63  }
0x37a: {  	s18 =	sadd.s32 $0x70, s15;
	s15 =	sadd.s32 $0x8000, s15;
	s16 =	smov.u32 s24  }
0x37b: {  	[hbm4b:s18+s4] =	stream.linear.scatter [tilespmem:s17], [sflag:$0x4], $0x80, $0x38;
	[tilespmem:$0x12100] =	vst v63  }
0x37c: {  	s16 =	sadd.s32 $0xD480, s14  }
0x37d: {  	[hbm4b:s15+s4] =	stream.linear.scatter [tilespmem:s16], [sflag:$0x4], $0x80, $0x38;
	[tilespmem:$0x12100] =	vst v63  }
0x37e: {  	s17 =	sadd.s32 $0xD508, s14;
	s18 =	sadd.s32 $0x10, s15  }
0x37f: {  	[hbm4b:s18+s4] =	stream.linear.scatter [tilespmem:s17], [sflag:$0x4], $0x80, $0x38;
	[tilespmem:$0x12100] =	vst v63  }
0x380: {  	s24 =	sadd.s32 $0xD590, s14;
	s25 =	sadd.s32 $0x20, s15  }
0x381: {  	[hbm4b:s25+s4] =	stream.linear.scatter [tilespmem:s24], [sflag:$0x4], $0x80, $0x38;
	[tilespmem:$0x12100] =	vst v63  }
0x382: {  	s26 =	sadd.s32 $0xD618, s14;
	s28 =	sadd.s32 $0x30, s15  }
0x383: {  	[hbm4b:s28+s4] =	stream.linear.scatter [tilespmem:s26], [sflag:$0x4], $0x80, $0x38;
	[tilespmem:$0x12100] =	vst v63  }
0x384: {  	s17 =	sadd.s32 $0xD6A0, s14;
	s18 =	sadd.s32 $0x40, s15  }
0x385: {  	[hbm4b:s18+s4] =	stream.linear.scatter [tilespmem:s17], [sflag:$0x4], $0x80, $0x38;
	[tilespmem:$0x12100] =	vst v63  }
0x386: {  	s24 =	sadd.s32 $0xD728, s14;
	s25 =	sadd.s32 $0x50, s15  }
0x387: {  	[hbm4b:s25+s4] =	stream.linear.scatter [tilespmem:s24], [sflag:$0x4], $0x80, $0x38;
	[tilespmem:$0x12100] =	vst v63  }
0x388: {  	s26 =	sadd.s32 $0xD7B0, s14;
	s28 =	sadd.s32 $0x60, s15  }
0x389: {  	[hbm4b:s28+s4] =	stream.linear.scatter [tilespmem:s26], [sflag:$0x4], $0x80, $0x38;
	[tilespmem:$0x12100] =	vst v63  }
0x38a: {  	s16 =	sadd.s32 $0xD838, s14;
	s17 =	sadd.s32 $0x70, s15  }
0x38b: {  	[hbm4b:s17+s4] =	stream.linear.scatter [tilespmem:s16], [sflag:$0x4], $0x80, $0x38;
	[tilespmem:$0x12100] =	vst v63  }
0x38c: {  	s14 =	sadd.s32 s13, s10;
	s18 =	simm.s32 $0xFAC0  }
0x38d: {  	[hbm4b:s14+s4] =	stream.linear.scatter [tilespmem:s18], [sflag:$0x4], $0x80, $0x38;
	[tilespmem:$0x12100] =	vst v63  }
0x38e: {  	s24 =	simm.s32 $0xFB48;
	s25 =	sadd.s32 $0x10, s14  }
0x38f: {  	[hbm4b:s25+s4] =	stream.linear.scatter [tilespmem:s24], [sflag:$0x4], $0x80, $0x38;
	[tilespmem:$0x12100] =	vst v63  }
0x390: {  	s13 =	simm.s32 $0x440;
	s26 =	simm.s32 $0xFBD0;
	s28 =	sadd.s32 $0x20, s14  }
0x391: {  	[hbm4b:s28+s4] =	stream.linear.scatter [tilespmem:s26], [sflag:$0x4], $0x80, $0x38;
	[tilespmem:$0x12100] =	vst v63  }
0x392: {  	s15 =	simm.s32 $0xFC58;
	s16 =	sadd.s32 $0x30, s14;
	s17 =	simm.s32 $0xFCE0  }
0x393: {  	[hbm4b:s16+s4] =	stream.linear.scatter [tilespmem:s15], [sflag:$0x4], $0x80, $0x38;
	[tilespmem:$0x12100] =	vst v63  }
0x394: {  	s18 =	sadd.s32 $0x40, s14;
	s24 =	simm.s32 $0xFD68;
	s25 =	sadd.s32 $0x50, s14  }
0x395: {  	[hbm4b:s18+s4] =	stream.linear.scatter [tilespmem:s17], [sflag:$0x4], $0x80, $0x38;
	[tilespmem:$0x12100] =	vst v63  }
0x396: {  	s26 =	simm.s32 $0xFDF0;
	s28 =	sadd.s32 $0x60, s14;
	s15 =	simm.s32 $0x2200  }
0x397: {  	[hbm4b:s25+s4] =	stream.linear.scatter [tilespmem:s24], [sflag:$0x4], $0x80, $0x38;
	[tilespmem:$0x12100] =	vst v63  }
0x398: {  	s16 =	simm.s32 $0xFE78;
	s17 =	sadd.s32 $0x70, s14;
	s14 =	sadd.s32 $0x8000, s14  }
0x399: {  	[hbm4b:s28+s4] =	stream.linear.scatter [tilespmem:s26], [sflag:$0x4], $0x80, $0x38;
	[tilespmem:$0x12100] =	vst v63  }
.LBB2_25:
0x39a: {  	[hbm4b:s17+s4] =	stream.linear.scatter [tilespmem:s16], [sflag:$0x4], $0x80, $0x38;
	[tilespmem:$0x12100] =	vst v63  }
0x39b: {  	s16 =	smov.u32 s13;
	s13 =	smov.u32 s15  }
0x39c: {  	s18 =	sadd.s32 $0x1100, s15;
	s13 =	sshra.s32 s13, $0x2;
	s17 =	sadd.s32 $0xFAC0, s16  }
0x39d: {  	[hbm4b:s14+s4] =	stream.linear.scatter [tilespmem:s17], [sflag:$0x4], $0x80, $0x38;
	[tilespmem:$0x12100] =	vst v63  }
0x39e: {  	p0 =	sne.s32 s15, $0x7700;
	s15 =	sadd.s32 $0xFB48, s16;
	s17 =	sadd.s32 $0x10, s14  }
0x39f: {  	[hbm4b:s17+s4] =	stream.linear.scatter [tilespmem:s15], [sflag:$0x4], $0x80, $0x38;
	[tilespmem:$0x12100] =	vst v63  }
0x3a0: {  	s15 =	sadd.s32 $0xFBD0, s16;
	s17 =	sadd.s32 $0x20, s14  }
0x3a1: {  	[hbm4b:s17+s4] =	stream.linear.scatter [tilespmem:s15], [sflag:$0x4], $0x80, $0x38;
	[tilespmem:$0x12100] =	vst v63  }
0x3a2: {  	s15 =	sadd.s32 $0xFC58, s16;
	s17 =	sadd.s32 $0x30, s14  }
0x3a3: {  	[hbm4b:s17+s4] =	stream.linear.scatter [tilespmem:s15], [sflag:$0x4], $0x80, $0x38;
	[tilespmem:$0x12100] =	vst v63  }
0x3a4: {  	s15 =	sadd.s32 $0xFCE0, s16;
	s17 =	sadd.s32 $0x40, s14  }
0x3a5: {  	[hbm4b:s17+s4] =	stream.linear.scatter [tilespmem:s15], [sflag:$0x4], $0x80, $0x38;
	[tilespmem:$0x12100] =	vst v63  }
.Ltmp11:
0x3a6: {  	s15 =	sadd.s32 $0xFD68, s16;
	s17 =	sadd.s32 $0x50, s14;
	(pc) =	sbr.rel @p0 .LBB2_25-.Ltmp11, $4  }
0x3a7: {  	[hbm4b:s17+s4] =	stream.linear.scatter [tilespmem:s15], [sflag:$0x4], $0x80, $0x38;
	[tilespmem:$0x12100] =	vst v63  }
0x3a8: {  	s15 =	sadd.s32 $0xFDF0, s16;
	s17 =	sadd.s32 $0x60, s14;
	s16 =	sadd.s32 $0xFE78, s16  }
0x3a9: {  	[hbm4b:s17+s4] =	stream.linear.scatter [tilespmem:s15], [sflag:$0x4], $0x80, $0x38;
	[tilespmem:$0x12100] =	vst v63  }
0x3aa: {  	s17 =	sadd.s32 $0x70, s14;
	s14 =	sadd.s32 $0x8000, s14;
	s15 =	smov.u32 s18  }
0x3ab: {  	[hbm4b:s17+s4] =	stream.linear.scatter [tilespmem:s16], [sflag:$0x4], $0x80, $0x38;
	[tilespmem:$0x12100] =	vst v63  }
0x3ac: {  	s15 =	sadd.s32 $0xFAC0, s13  }
0x3ad: {  	[hbm4b:s14+s4] =	stream.linear.scatter [tilespmem:s15], [sflag:$0x4], $0x80, $0x38;
	[tilespmem:$0x12100] =	vst v63  }
0x3ae: {  	s24 =	sadd.s32 $0xFB48, s13;
	s25 =	sadd.s32 $0x10, s14  }
0x3af: {  	[hbm4b:s25+s4] =	stream.linear.scatter [tilespmem:s24], [sflag:$0x4], $0x80, $0x38;
	[tilespmem:$0x12100] =	vst v63  }
0x3b0: {  	s26 =	sadd.s32 $0xFBD0, s13;
	s28 =	sadd.s32 $0x20, s14  }
0x3b1: {  	[hbm4b:s28+s4] =	stream.linear.scatter [tilespmem:s26], [sflag:$0x4], $0x80, $0x38;
	[tilespmem:$0x12100] =	vst v63  }
0x3b2: {  	s17 =	sadd.s32 $0xFC58, s13;
	s18 =	sadd.s32 $0x30, s14  }
0x3b3: {  	[hbm4b:s18+s4] =	stream.linear.scatter [tilespmem:s17], [sflag:$0x4], $0x80, $0x38;
	[tilespmem:$0x12100] =	vst v63  }
0x3b4: {  	s24 =	sadd.s32 $0xFCE0, s13;
	s25 =	sadd.s32 $0x40, s14  }
0x3b5: {  	[hbm4b:s25+s4] =	stream.linear.scatter [tilespmem:s24], [sflag:$0x4], $0x80, $0x38;
	[tilespmem:$0x12100] =	vst v63  }
0x3b6: {  	s26 =	sadd.s32 $0xFD68, s13;
	s28 =	sadd.s32 $0x50, s14  }
0x3b7: {  	[hbm4b:s28+s4] =	stream.linear.scatter [tilespmem:s26], [sflag:$0x4], $0x80, $0x38;
	[tilespmem:$0x12100] =	vst v63  }
0x3b8: {  	s16 =	sadd.s32 $0xFDF0, s13;
	s17 =	sadd.s32 $0x60, s14  }
0x3b9: {  	[hbm4b:s17+s4] =	stream.linear.scatter [tilespmem:s16], [sflag:$0x4], $0x80, $0x38;
	[tilespmem:$0x12100] =	vst v63  }
0x3ba: {  	s18 =	sadd.s32 $0xFE78, s13;
	s24 =	sadd.s32 $0x70, s14  }
0x3bb: {  	[hbm4b:s24+s4] =	stream.linear.scatter [tilespmem:s18], [sflag:$0x4], $0x80, $0x38;
	[tilespmem:$0x12100] =	vst v63  }
0x3bc: {  	_ =	swait.ge [sflag:s9], $0x400  }
0x3bd: {  	[sflag:s9] =	ssyncset.done $0x0  }
0x3be: {  	s25 =	simm.s32 $0x4800;
	[sflag:s9] =	ssyncadd.s32 $0xFFFFFC00  }
0x3bf: {  	[tilespmem:s25], [sflag:$0x2] =	stream.indirect.gather [hbm4b:s5+s23], $0x10, s21, s23, $0xb8;
	[tilespmem:$0x12100] =	vst v63  }
0x3c0: {  	s26 =	simm.s32 $0x480;
	s28 =	simm.s32 $0x5000  }
0x3c1: {  	[tilespmem:s28], [sflag:$0x2] =	stream.indirect.gather [hbm4b:s5+s23], $0x10, s26, s23, $0xb8;
	[tilespmem:$0x12100] =	vst v63  }
0x3c2: {  	s15 =	simm.s32 $0x500;
	s16 =	simm.s32 $0x5800  }
0x3c3: {  	[tilespmem:s16], [sflag:$0x2] =	stream.indirect.gather [hbm4b:s5+s23], $0x10, s15, s23, $0xb8;
	[tilespmem:$0x12100] =	vst v63  }
0x3c4: {  	s17 =	simm.s32 $0x580;
	s18 =	simm.s32 $0x6000  }
0x3c5: {  	[tilespmem:s18], [sflag:$0x2] =	stream.indirect.gather [hbm4b:s5+s23], $0x10, s17, s23, $0xb8;
	[tilespmem:$0x12100] =	vst v63  }
0x3c6: {  	s11 =	sadd.s32 $0x1, s11;
	s24 =	simm.s32 $0x600;
	s25 =	simm.s32 $0x6800  }
0x3c7: {  	[tilespmem:s25], [sflag:$0x2] =	stream.indirect.gather [hbm4b:s5+s23], $0x10, s24, s23, $0xb8;
	[tilespmem:$0x12100] =	vst v63  }
0x3c8: {  	p0 =	sne.s32 s11, $0x31;
	s26 =	simm.s32 $0x680;
	s28 =	simm.s32 $0x7000  }
0x3c9: {  	[tilespmem:s28], [sflag:$0x2] =	stream.indirect.gather [hbm4b:s5+s23], $0x10, s26, s23, $0xb8;
	[tilespmem:$0x12100] =	vst v63  }
.Ltmp12:
0x3ca: {  	_ = 	snop;
	(pc) =	sbr.rel @p0 .LBB2_14-.Ltmp12, $4  }
0x3cb: {  	_ = 	snop  }
0x3cc: {  	[tilespmem:s30], [sflag:$0x2] =	stream.indirect.gather [hbm4b:s5+s23], $0x10, s29, s23, $0xb8;
	[tilespmem:$0x12100] =	vst v63  }
0x3cd: {  	_ = 	snop  }
0x3ce: {  	[tilespmem:s1], [sflag:$0x2] =	stream.indirect.gather [hbm4b:s5+s23], $0x10, s31, s23, $0xb8;
	[tilespmem:$0x12100] =	vst v63  }
0x3cf: {  	_ =	swait.ge [sflag:s0], $0x800  }
0x3d0: {  	[sflag:s0] =	ssyncset.done $0x0  }
0x3d1: {  	[sflag:s0] =	ssyncadd.s32 $0xFFFFF800  }
0x3d2: {  	_ =	swait.ge [sflag:s0], $0x800  }
0x3d3: {  	[sflag:s0] =	ssyncset.done $0x0  }
0x3d4: {  	[sflag:s0] =	ssyncadd.s32 $0xFFFFF800  }
0x3d5: {  	_ =	swait.ge [sflag:s0], $0x800  }
0x3d6: {  	[sflag:s0] =	ssyncset.done $0x0  }
0x3d7: {  	[sflag:s0] =	ssyncadd.s32 $0xFFFFF800  }
0x3d8: {  	_ =	swait.ge [sflag:s0], $0x800  }
0x3d9: {  	[sflag:s0] =	ssyncset.done $0x0  }
0x3da: {  	[sflag:s0] =	ssyncadd.s32 $0xFFFFF800  }
0x3db: {  	_ =	swait.ge [sflag:s0], $0x800  }
0x3dc: {  	[sflag:s0] =	ssyncset.done $0x0  }
0x3dd: {  	[sflag:s0] =	ssyncadd.s32 $0xFFFFF800  }
0x3de: {  	_ =	swait.ge [sflag:s0], $0x800  }
0x3df: {  	[sflag:s0] =	ssyncset.done $0x0  }
0x3e0: {  	[sflag:s0] =	ssyncadd.s32 $0xFFFFF800  }
0x3e1: {  	_ =	swait.ge [sflag:s0], $0x800  }
0x3e2: {  	[sflag:s0] =	ssyncset.done $0x0  }
0x3e3: {  	[sflag:s0] =	ssyncadd.s32 $0xFFFFF800  }
0x3e4: {  	_ =	swait.ge [sflag:s0], $0x800  }
0x3e5: {  	[sflag:s0] =	ssyncset.done $0x0  }
0x3e6: {  	s11 =	simm.s32 $0x0;
	[sflag:s0] =	ssyncadd.s32 $0xFFFFF800  }
0x3e7: {  	v1 =	vmov s11;
	_ =	swait.ge [sflag:s12], $0x2000  }
0x3e8: {  	v1 =	vmul.u32 $0x440, v1;
	[sflag:s12] =	ssyncset.done $0x0  }
0x3e9: {  	[sflag:s12] =	ssyncadd.s32 $0xFFFFE000  }
0x3ea: {  	v1 =	vbroadcast v1, $0x0;
	_ =	swait.ge [sflag:s12], $0x2000  }
0x3eb: {  	s13 =	simm.s32 $0x8;
	s14 =	simm.s32 $0x0;
	[sflag:s12] =	ssyncset.done $0x0  }
0x3ec: {  	s11 =	simm.s32 $0x880;
	s13 =	sand.u32 $0x78, s13;
	v2 =	vadd.s32 v0, v1;
	[sflag:s12] =	ssyncadd.s32 $0xFFFFE000  }
0x3ed: {  	s14 =	sand.u32 $0x70, s14;
	v1 =	vadd.s32 s13, v2;
	v3 =	vld [tilespmem:s11+$0x0]  }
0x3ee: {  	v4 =	vadd.s32 s14, v2;
	v2 =	vld [tilespmem:s11+$0xFFFFFF80];
	_ =	sdelay $0x3  }
0x3ef: {  	[tilespmem:v1+s6+$0x0] =	vst.idx.msk $0xffff, v3  }
0x3f0: {  	[tilespmem:v4+s6+$0x0] =	vst.idx.msk $0xffff, v2;
	v3 =	vor.u32 $0x1, v1;
	v2 =	vld [tilespmem:s11+$0x10]  }
0x3f1: {  	v5 =	vor.u32 $0x1, v4;
	v6 =	vld [tilespmem:s11+$0xFFFFFF90];
	_ =	sdelay $0x1  }
0x3f2: {  	s18 =	simm.s32 $0x0  }
0x3f3: {  	v7 =	vmov s18  }
0x3f4: {  	v7 =	vmul.u32 $0x440, v7;
	[tilespmem:v3+s6+$0x0] =	vst.idx.msk $0xffff, v2  }
0x3f5: {  	[tilespmem:v5+s6+$0x0] =	vst.idx.msk $0xffff, v6;
	v5 =	vor.u32 $0x2, v1;
	v3 =	vld [tilespmem:s11+$0x20]  }
0x3f6: {  	v6 =	vor.u32 $0x2, v4;
	v2 =	vbroadcast v7, $0x0;
	v7 =	vld [tilespmem:s11+$0xFFFFFFA0]  }
0x3f7: {  	s24 =	simm.s32 $0x18  }
0x3f8: {  	s25 =	simm.s32 $0x10;
	s15 =	sand.u32 $0x78, s24;
	s13 =	simm.s32 $0x980;
	v8 =	vadd.s32 v0, v2  }
0x3f9: {  	s14 =	sand.u32 $0x70, s25;
	v9 =	vld [tilespmem:s13+$0x0];
	v2 =	vadd.s32 s15, v8  }
0x3fa: {  	v10 =	vld [tilespmem:s13+$0xFFFFFF80];
	v8 =	vadd.s32 s14, v8;
	[tilespmem:v5+s6+$0x0] =	vst.idx.msk $0xffff, v3  }
0x3fb: {  	[tilespmem:v6+s6+$0x0] =	vst.idx.msk $0xffff, v7;
	v5 =	vor.u32 $0x3, v1;
	v3 =	vld [tilespmem:s11+$0x30]  }
0x3fc: {  	v6 =	vor.u32 $0x3, v4;
	v7 =	vld [tilespmem:s11+$0xFFFFFFB0];
	_ =	sdelay $0x1  }
0x3fd: {  	[tilespmem:v2+s6+$0x0] =	vst.idx.msk $0xffff, v9  }
0x3fe: {  	[tilespmem:v8+s6+$0x0] =	vst.idx.msk $0xffff, v10;
	v10 =	vor.u32 $0x1, v2;
	v9 =	vld [tilespmem:s13+$0x10]  }
0x3ff: {  	v11 =	vor.u32 $0x1, v8;
	v12 =	vld [tilespmem:s13+$0xFFFFFF90];
	[tilespmem:v5+s6+$0x0] =	vst.idx.msk $0xffff, v3  }
0x400: {  	[tilespmem:v6+s6+$0x0] =	vst.idx.msk $0xffff, v7;
	v5 =	vor.u32 $0x4, v1;
	v3 =	vld [tilespmem:s11+$0x40]  }
0x401: {  	s26 =	simm.s32 $0x0;
	v6 =	vor.u32 $0x4, v4;
	v7 =	vld [tilespmem:s11+$0xFFFFFFC0]  }
0x402: {  	v13 =	vmov s26  }
0x403: {  	v13 =	vmul.u32 $0x440, v13;
	[tilespmem:v10+s6+$0x0] =	vst.idx.msk $0xffff, v9  }
0x404: {  	[tilespmem:v11+s6+$0x0] =	vst.idx.msk $0xffff, v12;
	v10 =	vor.u32 $0x2, v2;
	v9 =	vld [tilespmem:s13+$0x20]  }
0x405: {  	v11 =	vor.u32 $0x2, v8;
	v12 =	vbroadcast v13, $0x0;
	v13 =	vld [tilespmem:s13+$0xFFFFFFA0];
	[tilespmem:v5+s6+$0x0] =	vst.idx.msk $0xffff, v3  }
0x406: {  	v14 =	vor.u32 $0x5, v1;
	s15 =	simm.s32 $0x20;
	[tilespmem:v6+s6+$0x0] =	vst.idx.msk $0xffff, v7;
	v6 =	vld [tilespmem:s11+$0x50]  }
0x407: {  	s28 =	simm.s32 $0x28;
	v15 =	vor.u32 $0x5, v4;
	s14 =	simm.s32 $0xA80;
	s17 =	sand.u32 $0x70, s15;
	v3 =	vadd.s32 v0, v12;
	v16 =	vld [tilespmem:s11+$0xFFFFFFD0]  }
0x408: {  	s16 =	sand.u32 $0x78, s28;
	v22 =	vld [tilespmem:s14+$0xFFFFFF80];
	v26 =	vor.u32 $0x3, v2;
	v5 =	vor.u32 $0x6, v4;
	v19 =	vadd.s32 s17, v3  }
0x409: {  	v18 =	vld [tilespmem:s14+$0x0];
	v12 =	vor.u32 $0x3, v8;
	v7 =	vadd.s32 s16, v3;
	v3 =	vor.u32 $0x7, v4;
	[tilespmem:v10+s6+$0x0] =	vst.idx.msk $0xffff, v9  }
0x40a: {  	v4 =	vor.u32 $0x7, v8;
	[tilespmem:v11+s6+$0x0] =	vst.idx.msk $0xffff, v13;
	v11 =	vor.u32 $0x4, v8;
	v9 =	vor.u32 $0x5, v8  }
0x40b: {  	v17 =	vor.u32 $0x1, v19;
	v13 =	vor.u32 $0x2, v19;
	v20 =	vor.u32 $0x3, v19;
	v25 =	vld [tilespmem:s13+$0x30];
	[tilespmem:v14+s6+$0x0] =	vst.idx.msk $0xffff, v6  }
0x40c: {  	v10 =	vor.u32 $0x5, v19;
	v21 =	vld [tilespmem:s13+$0xFFFFFFB0];
	v6 =	vor.u32 $0x6, v8;
	[tilespmem:v15+s6+$0x0] =	vst.idx.msk $0xffff, v16;
	v15 =	vor.u32 $0x4, v19  }
0x40d: {  	v14 =	vor.u32 $0x6, v19;
	[tilespmem:v19+s6+$0x0] =	vst.idx.msk $0xffff, v22;
	v8 =	vor.u32 $0x7, v19;
	v19 =	vor.u32 $0x6, v1;
	v16 =	vld [tilespmem:s11+$0x60]  }
0x40e: {  	[tilespmem:v7+s6+$0x0] =	vst.idx.msk $0xffff, v18;
	v18 =	vld [tilespmem:s11+$0xFFFFFFE0]  }
0x40f: {  	v24 =	vor.u32 $0x1, v7;
	v22 =	vld [tilespmem:s14+$0x10]  }
0x410: {  	v23 =	vld [tilespmem:s14+$0xFFFFFF90];
	[tilespmem:v26+s6+$0x0] =	vst.idx.msk $0xffff, v25  }
.LBB2_28:
0x411: {  	[tilespmem:v12+s6+$0x0] =	vst.idx.msk $0xffff, v21;
	v21 =	vld [tilespmem:s13+$0x40];
	v25 =	vor.u32 $0x4, v2;
	v12 =	vmov v20;
	s16 =	smov.u32 s15;
	s15 =	sadd.s32 $0x10, s15  }
0x412: {  	s17 =	sshrl.u32 s15, $0x7;
	s18 =	sand.u32 $0x70, s15;
	p0 =	slt.u32 s15, $0x3F0;
	v20 =	vld [tilespmem:s13+$0xFFFFFFC0];
	[tilespmem:v19+s6+$0x0] =	vst.idx.msk $0xffff, v16  }
0x413: {  	v19 =	vor.u32 $0x7, v1;
	v1 =	vmovc v2;
	v2 =	vmovc v7;
	v16 =	vmov s17;
	[tilespmem:v5+s6+$0x0] =	vst.idx.msk $0xffff, v18;
	v18 =	vld [tilespmem:s11+$0x70];
	v5 =	vmov v6  }
0x414: {  	v6 =	vmov v14;
	v7 =	vmul.u32 $0x440, v16;
	[tilespmem:v24+s6+$0x0] =	vst.idx.msk $0xffff, v22;
	v16 =	vld [tilespmem:s11+$0xFFFFFFF0];
	s11 =	smov.u32 s13;
	s13 =	smov.u32 s14  }
0x415: {  	v22 =	vor.u32 $0x2, v2;
	[tilespmem:v17+s6+$0x0] =	vst.idx.msk $0xffff, v23;
	v14 =	vld [tilespmem:s14+$0x20]  }
0x416: {  	v7 =	vbroadcast v7, $0x0;
	v23 =	vld [tilespmem:s14+$0xFFFFFFA0];
	[tilespmem:v25+s6+$0x0] =	vst.idx.msk $0xffff, v21  }
0x417: {  	s16 =	sadd.s32 $0x18, s16;
	v25 =	vor.u32 $0x5, v1;
	[tilespmem:v11+s6+$0x0] =	vst.idx.msk $0xffff, v20;
	v24 =	vld [tilespmem:s11+$0x50];
	v11 =	vmov v15  }
0x418: {  	s16 =	sand.u32 $0x78, s16;
	s14 =	sadd.s32 $0x100, s14;
	v7 =	vadd.s32 v0, v7;
	v26 =	vld [tilespmem:s11+$0xFFFFFFD0];
	[tilespmem:v19+s6+$0x0] =	vst.idx.msk $0xffff, v18  }
0x419: {  	v27 =	vadd.s32 s18, v7;
	v18 =	vld [tilespmem:s14+$0x0];
	v7 =	vadd.s32 s16, v7;
	[tilespmem:v3+s6+$0x0] =	vst.idx.msk $0xffff, v16;
	v3 =	vmovc v4;
	v4 =	vmov v8  }
0x41a: {  	v28 =	vld [tilespmem:s14+$0xFFFFFF80];
	v17 =	vor.u32 $0x1, v27;
	v8 =	vor.u32 $0x2, v27;
	v20 =	vor.u32 $0x3, v27;
	[tilespmem:v22+s6+$0x0] =	vst.idx.msk $0xffff, v14  }
0x41b: {  	v30 =	vor.u32 $0x3, v2;
	v15 =	vor.u32 $0x4, v27;
	v22 =	vor.u32 $0x5, v27;
	[tilespmem:v13+s6+$0x0] =	vst.idx.msk $0xffff, v23;
	v29 =	vld [tilespmem:s13+$0x30];
	v13 =	vmovc v8  }
.Ltmp13:
0x41c: {  	v14 =	vor.u32 $0x6, v27;
	v8 =	vor.u32 $0x7, v27;
	v21 =	vld [tilespmem:s13+$0xFFFFFFB0];
	[tilespmem:v25+s6+$0x0] =	vst.idx.msk $0xffff, v24;
	(pc) =	sbr.rel @p0 .LBB2_28-.Ltmp13, $4  }
0x41d: {  	v19 =	vor.u32 $0x6, v1;
	[tilespmem:v9+s6+$0x0] =	vst.idx.msk $0xffff, v26;
	v16 =	vld [tilespmem:s11+$0x60];
	v9 =	vmov v10;
	v10 =	vmov v22  }
0x41e: {  	[tilespmem:v7+s6+$0x0] =	vst.idx.msk $0xffff, v18;
	v18 =	vld [tilespmem:s11+$0xFFFFFFE0]  }
0x41f: {  	v24 =	vor.u32 $0x1, v7;
	[tilespmem:v27+s6+$0x0] =	vst.idx.msk $0xffff, v28;
	v22 =	vld [tilespmem:s14+$0x10]  }
0x420: {  	v23 =	vld [tilespmem:s14+$0xFFFFFF90];
	[tilespmem:v30+s6+$0x0] =	vst.idx.msk $0xffff, v29  }
0x421: {  	_ =	sdelay $0x3  }
0x422: {  	[tilespmem:v24+s6+$0x0] =	vst.idx.msk $0xffff, v22  }
0x423: {  	v40 =	vor.u32 $0x2, v7;
	[tilespmem:v17+s6+$0x0] =	vst.idx.msk $0xffff, v23;
	v39 =	vld [tilespmem:s14+$0x20]  }
0x424: {  	v23 =	vld [tilespmem:s14+$0xFFFFFFA0];
	_ =	sdelay $0x3  }
0x425: {  	[tilespmem:v40+s6+$0x0] =	vst.idx.msk $0xffff, v39  }
0x426: {  	v42 =	vor.u32 $0x3, v7;
	[tilespmem:v13+s6+$0x0] =	vst.idx.msk $0xffff, v23;
	v41 =	vld [tilespmem:s14+$0x30]  }
0x427: {  	v43 =	vld [tilespmem:s14+$0xFFFFFFB0];
	_ =	sdelay $0x2  }
0x428: {  	[tilespmem:v12+s6+$0x0] =	vst.idx.msk $0xffff, v21;
	v44 =	vld [tilespmem:s13+$0x40];
	v45 =	vor.u32 $0x4, v2  }
0x429: {  	v46 =	vld [tilespmem:s13+$0xFFFFFFC0];
	[tilespmem:v42+s6+$0x0] =	vst.idx.msk $0xffff, v41  }
0x42a: {  	v47 =	vor.u32 $0x4, v7;
	[tilespmem:v20+s6+$0x0] =	vst.idx.msk $0xffff, v43;
	v13 =	vld [tilespmem:s14+$0x40]  }
0x42b: {  	v20 =	vld [tilespmem:s14+$0xFFFFFFC0];
	_ =	sdelay $0x1  }
0x42c: {  	[tilespmem:v45+s6+$0x0] =	vst.idx.msk $0xffff, v44  }
0x42d: {  	v49 =	vor.u32 $0x5, v2;
	[tilespmem:v11+s6+$0x0] =	vst.idx.msk $0xffff, v46;
	v48 =	vld [tilespmem:s13+$0x50]  }
0x42e: {  	v50 =	vld [tilespmem:s13+$0xFFFFFFD0];
	[tilespmem:v47+s6+$0x0] =	vst.idx.msk $0xffff, v13  }
0x42f: {  	v51 =	vor.u32 $0x5, v7;
	[tilespmem:v15+s6+$0x0] =	vst.idx.msk $0xffff, v20;
	v13 =	vld [tilespmem:s14+$0x50]  }
0x430: {  	v52 =	vld [tilespmem:s14+$0xFFFFFFD0];
	_ =	sdelay $0x1  }
0x431: {  	[tilespmem:v49+s6+$0x0] =	vst.idx.msk $0xffff, v48  }
0x432: {  	v54 =	vor.u32 $0x6, v2;
	[tilespmem:v9+s6+$0x0] =	vst.idx.msk $0xffff, v50;
	v53 =	vld [tilespmem:s13+$0x60]  }
0x433: {  	v55 =	vld [tilespmem:s13+$0xFFFFFFE0];
	[tilespmem:v51+s6+$0x0] =	vst.idx.msk $0xffff, v13  }
0x434: {  	v57 =	vor.u32 $0x6, v7;
	[tilespmem:v10+s6+$0x0] =	vst.idx.msk $0xffff, v52;
	v56 =	vld [tilespmem:s14+$0x60]  }
0x435: {  	[tilespmem:v19+s6+$0x0] =	vst.idx.msk $0xffff, v16;
	v58 =	vld [tilespmem:s14+$0xFFFFFFE0]  }
0x436: {  	v1 =	vor.u32 $0x7, v1;
	[tilespmem:v5+s6+$0x0] =	vst.idx.msk $0xffff, v18;
	v59 =	vld [tilespmem:s11+$0x70]  }
0x437: {  	v60 =	vld [tilespmem:s11+$0xFFFFFFF0];
	[tilespmem:v54+s6+$0x0] =	vst.idx.msk $0xffff, v53  }
0x438: {  	v2 =	vor.u32 $0x7, v2;
	[tilespmem:v6+s6+$0x0] =	vst.idx.msk $0xffff, v55;
	v61 =	vld [tilespmem:s13+$0x70]  }
0x439: {  	v62 =	vld [tilespmem:s13+$0xFFFFFFF0];
	[tilespmem:v57+s6+$0x0] =	vst.idx.msk $0xffff, v56  }
0x43a: {  	v63 =	vor.u32 $0x7, v7;
	[tilespmem:v14+s6+$0x0] =	vst.idx.msk $0xffff, v58;
	v10 =	vld [tilespmem:s14+$0x70]  }
0x43b: {  	[tilespmem:v1+s6+$0x0] =	vst.idx.msk $0xffff, v59;
	v1 =	vld [tilespmem:s14+$0xFFFFFFF0]  }
0x43c: {  	[tilespmem:v3+s6+$0x0] =	vst.idx.msk $0xffff, v60  }
0x43d: {  	[tilespmem:v2+s6+$0x0] =	vst.idx.msk $0xffff, v61  }
0x43e: {  	[tilespmem:v4+s6+$0x0] =	vst.idx.msk $0xffff, v62  }
0x43f: {  	[tilespmem:v63+s6+$0x0] =	vst.idx.msk $0xffff, v10  }
0x440: {  	[tilespmem:v8+s6+$0x0] =	vst.idx.msk $0xffff, v1  }
0x441: {  	s18 =	simm.s32 $0x8800;
	s17 =	rddreg [dreg:$0xc]  }
0x442: {  	[hbm4b:s17+s4] =	stream.linear.scatter [tilespmem:s18], [sflag:$0x3], $0x80, $0x38;
	[tilespmem:$0x12100] =	vst v63  }
0x443: {  	s24 =	simm.s32 $0x8888;
	s25 =	sadd.s32 $0x10, s17  }
0x444: {  	[hbm4b:s25+s4] =	stream.linear.scatter [tilespmem:s24], [sflag:$0x3], $0x80, $0x38;
	[tilespmem:$0x12100] =	vst v63  }
0x445: {  	s26 =	simm.s32 $0x8910;
	s16 =	simm.s32 $0x8A20;
	s28 =	sadd.s32 $0x20, s17  }
0x446: {  	[hbm4b:s28+s4] =	stream.linear.scatter [tilespmem:s26], [sflag:$0x3], $0x80, $0x38;
	[tilespmem:$0x12100] =	vst v63  }
0x447: {  	s11 =	simm.s32 $0x440;
	s14 =	simm.s32 $0x8998;
	s15 =	sadd.s32 $0x30, s17  }
0x448: {  	[hbm4b:s15+s4] =	stream.linear.scatter [tilespmem:s14], [sflag:$0x3], $0x80, $0x38;
	[tilespmem:$0x12100] =	vst v63  }
0x449: {  	s18 =	sadd.s32 $0x40, s17;
	s13 =	sadd.s32 $0x8000, s17;
	s24 =	simm.s32 $0x8AA8  }
0x44a: {  	[hbm4b:s18+s4] =	stream.linear.scatter [tilespmem:s16], [sflag:$0x3], $0x80, $0x38;
	[tilespmem:$0x12100] =	vst v63  }
0x44b: {  	s25 =	sadd.s32 $0x50, s17;
	s26 =	simm.s32 $0x8B30;
	s28 =	sadd.s32 $0x60, s17  }
0x44c: {  	[hbm4b:s25+s4] =	stream.linear.scatter [tilespmem:s24], [sflag:$0x3], $0x80, $0x38;
	[tilespmem:$0x12100] =	vst v63  }
0x44d: {  	s14 =	simm.s32 $0x2200;
	s15 =	simm.s32 $0x8BB8;
	s16 =	sadd.s32 $0x70, s17  }
0x44e: {  	[hbm4b:s28+s4] =	stream.linear.scatter [tilespmem:s26], [sflag:$0x3], $0x80, $0x38;
	[tilespmem:$0x12100] =	vst v63  }
.LBB2_30:
0x44f: {  	[hbm4b:s16+s4] =	stream.linear.scatter [tilespmem:s15], [sflag:$0x3], $0x80, $0x38;
	[tilespmem:$0x12100] =	vst v63  }
0x450: {  	s15 =	smov.u32 s11;
	s11 =	smov.u32 s14  }
0x451: {  	s17 =	sadd.s32 $0x1100, s14;
	s11 =	sshra.s32 s11, $0x2;
	s16 =	sadd.s32 $0x8800, s15  }
0x452: {  	[hbm4b:s13+s4] =	stream.linear.scatter [tilespmem:s16], [sflag:$0x3], $0x80, $0x38;
	[tilespmem:$0x12100] =	vst v63  }
0x453: {  	p0 =	sne.s32 s14, $0x7700;
	s14 =	sadd.s32 $0x8888, s15;
	s16 =	sadd.s32 $0x10, s13  }
0x454: {  	[hbm4b:s16+s4] =	stream.linear.scatter [tilespmem:s14], [sflag:$0x3], $0x80, $0x38;
	[tilespmem:$0x12100] =	vst v63  }
0x455: {  	s14 =	sadd.s32 $0x8910, s15;
	s16 =	sadd.s32 $0x20, s13  }
0x456: {  	[hbm4b:s16+s4] =	stream.linear.scatter [tilespmem:s14], [sflag:$0x3], $0x80, $0x38;
	[tilespmem:$0x12100] =	vst v63  }
0x457: {  	s14 =	sadd.s32 $0x8998, s15;
	s16 =	sadd.s32 $0x30, s13  }
0x458: {  	[hbm4b:s16+s4] =	stream.linear.scatter [tilespmem:s14], [sflag:$0x3], $0x80, $0x38;
	[tilespmem:$0x12100] =	vst v63  }
0x459: {  	s14 =	sadd.s32 $0x8A20, s15;
	s16 =	sadd.s32 $0x40, s13  }
0x45a: {  	[hbm4b:s16+s4] =	stream.linear.scatter [tilespmem:s14], [sflag:$0x3], $0x80, $0x38;
	[tilespmem:$0x12100] =	vst v63  }
.Ltmp14:
0x45b: {  	s14 =	sadd.s32 $0x8AA8, s15;
	s16 =	sadd.s32 $0x50, s13;
	(pc) =	sbr.rel @p0 .LBB2_30-.Ltmp14, $4  }
0x45c: {  	[hbm4b:s16+s4] =	stream.linear.scatter [tilespmem:s14], [sflag:$0x3], $0x80, $0x38;
	[tilespmem:$0x12100] =	vst v63  }
0x45d: {  	s14 =	sadd.s32 $0x8B30, s15;
	s16 =	sadd.s32 $0x60, s13;
	s15 =	sadd.s32 $0x8BB8, s15  }
0x45e: {  	[hbm4b:s16+s4] =	stream.linear.scatter [tilespmem:s14], [sflag:$0x3], $0x80, $0x38;
	[tilespmem:$0x12100] =	vst v63  }
0x45f: {  	s16 =	sadd.s32 $0x70, s13;
	s13 =	sadd.s32 $0x8000, s13;
	s14 =	smov.u32 s17  }
0x460: {  	[hbm4b:s16+s4] =	stream.linear.scatter [tilespmem:s15], [sflag:$0x3], $0x80, $0x38;
	[tilespmem:$0x12100] =	vst v63  }
0x461: {  	s14 =	sadd.s32 $0x8800, s11  }
0x462: {  	[hbm4b:s13+s4] =	stream.linear.scatter [tilespmem:s14], [sflag:$0x3], $0x80, $0x38;
	[tilespmem:$0x12100] =	vst v63  }
0x463: {  	s24 =	sadd.s32 $0x8888, s11;
	s25 =	sadd.s32 $0x10, s13  }
0x464: {  	[hbm4b:s25+s4] =	stream.linear.scatter [tilespmem:s24], [sflag:$0x3], $0x80, $0x38;
	[tilespmem:$0x12100] =	vst v63  }
0x465: {  	s26 =	sadd.s32 $0x8910, s11;
	s28 =	sadd.s32 $0x20, s13  }
0x466: {  	[hbm4b:s28+s4] =	stream.linear.scatter [tilespmem:s26], [sflag:$0x3], $0x80, $0x38;
	[tilespmem:$0x12100] =	vst v63  }
0x467: {  	s15 =	sadd.s32 $0x8998, s11;
	s16 =	sadd.s32 $0x30, s13  }
0x468: {  	[hbm4b:s16+s4] =	stream.linear.scatter [tilespmem:s15], [sflag:$0x3], $0x80, $0x38;
	[tilespmem:$0x12100] =	vst v63  }
0x469: {  	s17 =	sadd.s32 $0x8A20, s11;
	s18 =	sadd.s32 $0x40, s13  }
0x46a: {  	[hbm4b:s18+s4] =	stream.linear.scatter [tilespmem:s17], [sflag:$0x3], $0x80, $0x38;
	[tilespmem:$0x12100] =	vst v63  }
0x46b: {  	s24 =	sadd.s32 $0x8AA8, s11;
	s25 =	sadd.s32 $0x50, s13  }
0x46c: {  	[hbm4b:s25+s4] =	stream.linear.scatter [tilespmem:s24], [sflag:$0x3], $0x80, $0x38;
	[tilespmem:$0x12100] =	vst v63  }
0x46d: {  	s26 =	sadd.s32 $0x8B30, s11;
	s28 =	sadd.s32 $0x60, s13  }
0x46e: {  	[hbm4b:s28+s4] =	stream.linear.scatter [tilespmem:s26], [sflag:$0x3], $0x80, $0x38;
	[tilespmem:$0x12100] =	vst v63  }
0x46f: {  	s16 =	sadd.s32 $0x8BB8, s11;
	s17 =	sadd.s32 $0x70, s13  }
0x470: {  	[hbm4b:s17+s4] =	stream.linear.scatter [tilespmem:s16], [sflag:$0x3], $0x80, $0x38;
	[tilespmem:$0x12100] =	vst v63  }
0x471: {  	s18 =	simm.s32 $0xAE40;
	s17 =	rddreg [dreg:$0xd]  }
0x472: {  	[hbm4b:s17+s4] =	stream.linear.scatter [tilespmem:s18], [sflag:$0x3], $0x80, $0x38;
	[tilespmem:$0x12100] =	vst v63  }
0x473: {  	s24 =	simm.s32 $0xAEC8;
	s25 =	sadd.s32 $0x10, s17  }
0x474: {  	[hbm4b:s25+s4] =	stream.linear.scatter [tilespmem:s24], [sflag:$0x3], $0x80, $0x38;
	[tilespmem:$0x12100] =	vst v63  }
0x475: {  	s14 =	simm.s32 $0xAFD8;
	s26 =	simm.s32 $0xAF50;
	s28 =	sadd.s32 $0x20, s17  }
0x476: {  	[hbm4b:s28+s4] =	stream.linear.scatter [tilespmem:s26], [sflag:$0x3], $0x80, $0x38;
	[tilespmem:$0x12100] =	vst v63  }
0x477: {  	s11 =	simm.s32 $0x440;
	s16 =	simm.s32 $0xB060;
	s15 =	sadd.s32 $0x30, s17  }
0x478: {  	[hbm4b:s15+s4] =	stream.linear.scatter [tilespmem:s14], [sflag:$0x3], $0x80, $0x38;
	[tilespmem:$0x12100] =	vst v63  }
0x479: {  	s13 =	sadd.s32 $0x8000, s17;
	s18 =	sadd.s32 $0x40, s17;
	s24 =	simm.s32 $0xB0E8  }
0x47a: {  	[hbm4b:s18+s4] =	stream.linear.scatter [tilespmem:s16], [sflag:$0x3], $0x80, $0x38;
	[tilespmem:$0x12100] =	vst v63  }
0x47b: {  	s25 =	sadd.s32 $0x50, s17;
	s26 =	simm.s32 $0xB170;
	s28 =	sadd.s32 $0x60, s17  }
0x47c: {  	[hbm4b:s25+s4] =	stream.linear.scatter [tilespmem:s24], [sflag:$0x3], $0x80, $0x38;
	[tilespmem:$0x12100] =	vst v63  }
0x47d: {  	s14 =	simm.s32 $0x2200;
	s15 =	simm.s32 $0xB1F8;
	s16 =	sadd.s32 $0x70, s17  }
0x47e: {  	[hbm4b:s28+s4] =	stream.linear.scatter [tilespmem:s26], [sflag:$0x3], $0x80, $0x38;
	[tilespmem:$0x12100] =	vst v63  }
.LBB2_32:
0x47f: {  	[hbm4b:s16+s4] =	stream.linear.scatter [tilespmem:s15], [sflag:$0x3], $0x80, $0x38;
	[tilespmem:$0x12100] =	vst v63  }
0x480: {  	s15 =	smov.u32 s11;
	s11 =	smov.u32 s14  }
0x481: {  	s17 =	sadd.s32 $0x1100, s14;
	s11 =	sshra.s32 s11, $0x2;
	s16 =	sadd.s32 $0xAE40, s15  }
0x482: {  	[hbm4b:s13+s4] =	stream.linear.scatter [tilespmem:s16], [sflag:$0x3], $0x80, $0x38;
	[tilespmem:$0x12100] =	vst v63  }
0x483: {  	p0 =	sne.s32 s14, $0x7700;
	s14 =	sadd.s32 $0xAEC8, s15;
	s16 =	sadd.s32 $0x10, s13  }
0x484: {  	[hbm4b:s16+s4] =	stream.linear.scatter [tilespmem:s14], [sflag:$0x3], $0x80, $0x38;
	[tilespmem:$0x12100] =	vst v63  }
0x485: {  	s14 =	sadd.s32 $0xAF50, s15;
	s16 =	sadd.s32 $0x20, s13  }
0x486: {  	[hbm4b:s16+s4] =	stream.linear.scatter [tilespmem:s14], [sflag:$0x3], $0x80, $0x38;
	[tilespmem:$0x12100] =	vst v63  }
0x487: {  	s14 =	sadd.s32 $0xAFD8, s15;
	s16 =	sadd.s32 $0x30, s13  }
0x488: {  	[hbm4b:s16+s4] =	stream.linear.scatter [tilespmem:s14], [sflag:$0x3], $0x80, $0x38;
	[tilespmem:$0x12100] =	vst v63  }
0x489: {  	s14 =	sadd.s32 $0xB060, s15;
	s16 =	sadd.s32 $0x40, s13  }
0x48a: {  	[hbm4b:s16+s4] =	stream.linear.scatter [tilespmem:s14], [sflag:$0x3], $0x80, $0x38;
	[tilespmem:$0x12100] =	vst v63  }
.Ltmp15:
0x48b: {  	s14 =	sadd.s32 $0xB0E8, s15;
	s16 =	sadd.s32 $0x50, s13;
	(pc) =	sbr.rel @p0 .LBB2_32-.Ltmp15, $4  }
0x48c: {  	[hbm4b:s16+s4] =	stream.linear.scatter [tilespmem:s14], [sflag:$0x3], $0x80, $0x38;
	[tilespmem:$0x12100] =	vst v63  }
0x48d: {  	s14 =	sadd.s32 $0xB170, s15;
	s16 =	sadd.s32 $0x60, s13;
	s15 =	sadd.s32 $0xB1F8, s15  }
0x48e: {  	[hbm4b:s16+s4] =	stream.linear.scatter [tilespmem:s14], [sflag:$0x3], $0x80, $0x38;
	[tilespmem:$0x12100] =	vst v63  }
0x48f: {  	s16 =	sadd.s32 $0x70, s13;
	s13 =	sadd.s32 $0x8000, s13;
	s14 =	smov.u32 s17  }
0x490: {  	[hbm4b:s16+s4] =	stream.linear.scatter [tilespmem:s15], [sflag:$0x3], $0x80, $0x38;
	[tilespmem:$0x12100] =	vst v63  }
0x491: {  	s14 =	sadd.s32 $0xAE40, s11  }
0x492: {  	[hbm4b:s13+s4] =	stream.linear.scatter [tilespmem:s14], [sflag:$0x3], $0x80, $0x38;
	[tilespmem:$0x12100] =	vst v63  }
0x493: {  	s17 =	sadd.s32 $0xAEC8, s11;
	s18 =	sadd.s32 $0x10, s13  }
0x494: {  	[hbm4b:s18+s4] =	stream.linear.scatter [tilespmem:s17], [sflag:$0x3], $0x80, $0x38;
	[tilespmem:$0x12100] =	vst v63  }
0x495: {  	s24 =	sadd.s32 $0xAF50, s11;
	s25 =	sadd.s32 $0x20, s13  }
0x496: {  	[hbm4b:s25+s4] =	stream.linear.scatter [tilespmem:s24], [sflag:$0x3], $0x80, $0x38;
	[tilespmem:$0x12100] =	vst v63  }
0x497: {  	s26 =	sadd.s32 $0xAFD8, s11;
	s28 =	sadd.s32 $0x30, s13  }
0x498: {  	[hbm4b:s28+s4] =	stream.linear.scatter [tilespmem:s26], [sflag:$0x3], $0x80, $0x38;
	[tilespmem:$0x12100] =	vst v63  }
0x499: {  	s15 =	sadd.s32 $0xB060, s11;
	s16 =	sadd.s32 $0x40, s13  }
0x49a: {  	[hbm4b:s16+s4] =	stream.linear.scatter [tilespmem:s15], [sflag:$0x3], $0x80, $0x38;
	[tilespmem:$0x12100] =	vst v63  }
0x49b: {  	s17 =	sadd.s32 $0xB0E8, s11;
	s18 =	sadd.s32 $0x50, s13  }
0x49c: {  	[hbm4b:s18+s4] =	stream.linear.scatter [tilespmem:s17], [sflag:$0x3], $0x80, $0x38;
	[tilespmem:$0x12100] =	vst v63  }
0x49d: {  	s24 =	sadd.s32 $0xB170, s11;
	s25 =	sadd.s32 $0x60, s13  }
0x49e: {  	[hbm4b:s25+s4] =	stream.linear.scatter [tilespmem:s24], [sflag:$0x3], $0x80, $0x38;
	[tilespmem:$0x12100] =	vst v63  }
0x49f: {  	s26 =	sadd.s32 $0xB1F8, s11;
	s28 =	sadd.s32 $0x70, s13  }
0x4a0: {  	[hbm4b:s28+s4] =	stream.linear.scatter [tilespmem:s26], [sflag:$0x3], $0x80, $0x38;
	[tilespmem:$0x12100] =	vst v63  }
0x4a1: {  	_ =	swait.ge [sflag:s7], $0x800  }
0x4a2: {  	[sflag:s7] =	ssyncset.done $0x0  }
0x4a3: {  	[sflag:s7] =	ssyncadd.s32 $0xFFFFF800  }
0x4a4: {  	_ =	swait.ge [sflag:s7], $0x800  }
0x4a5: {  	[sflag:s7] =	ssyncset.done $0x0  }
0x4a6: {  	[sflag:s7] =	ssyncadd.s32 $0xFFFFF800  }
0x4a7: {  	_ =	swait.ge [sflag:s7], $0x800  }
0x4a8: {  	[sflag:s7] =	ssyncset.done $0x0  }
0x4a9: {  	[sflag:s7] =	ssyncadd.s32 $0xFFFFF800  }
0x4aa: {  	_ =	swait.ge [sflag:s7], $0x800  }
0x4ab: {  	[sflag:s7] =	ssyncset.done $0x0  }
0x4ac: {  	[sflag:s7] =	ssyncadd.s32 $0xFFFFF800  }
0x4ad: {  	_ =	swait.ge [sflag:s7], $0x800  }
0x4ae: {  	[sflag:s7] =	ssyncset.done $0x0  }
0x4af: {  	[sflag:s7] =	ssyncadd.s32 $0xFFFFF800  }
0x4b0: {  	_ =	swait.ge [sflag:s7], $0x800  }
0x4b1: {  	[sflag:s7] =	ssyncset.done $0x0  }
0x4b2: {  	[sflag:s7] =	ssyncadd.s32 $0xFFFFF800  }
0x4b3: {  	_ =	swait.ge [sflag:s7], $0x800  }
0x4b4: {  	[sflag:s7] =	ssyncset.done $0x0  }
0x4b5: {  	[sflag:s7] =	ssyncadd.s32 $0xFFFFF800  }
0x4b6: {  	_ =	swait.ge [sflag:s7], $0x800  }
0x4b7: {  	[sflag:s7] =	ssyncset.done $0x0  }
0x4b8: {  	s13 =	simm.s32 $0x0;
	[sflag:s7] =	ssyncadd.s32 $0xFFFFF800  }
0x4b9: {  	v1 =	vmov s13;
	_ =	swait.ge [sflag:s19], $0x2000  }
0x4ba: {  	v1 =	vmul.u32 $0x440, v1;
	[sflag:s19] =	ssyncset.done $0x0  }
0x4bb: {  	[sflag:s19] =	ssyncadd.s32 $0xFFFFE000  }
0x4bc: {  	v1 =	vbroadcast v1, $0x0;
	_ =	swait.ge [sflag:s19], $0x2000  }
0x4bd: {  	s14 =	simm.s32 $0x8;
	s11 =	simm.s32 $0x4880;
	[sflag:s19] =	ssyncset.done $0x0  }
0x4be: {  	s13 =	sand.u32 $0x78, s14;
	s15 =	simm.s32 $0x0;
	v2 =	vadd.s32 v0, v1;
	[sflag:s19] =	ssyncadd.s32 $0xFFFFE000  }
0x4bf: {  	s14 =	sand.u32 $0x70, s15;
	v1 =	vadd.s32 s13, v2;
	v3 =	vld [tilespmem:s11+$0x0]  }
0x4c0: {  	v4 =	vadd.s32 s14, v2;
	v2 =	vld [tilespmem:s11+$0xFFFFFF80];
	_ =	sdelay $0x3  }
0x4c1: {  	[tilespmem:v1+s8+$0x0] =	vst.idx.msk $0xffff, v3  }
0x4c2: {  	[tilespmem:v4+s8+$0x0] =	vst.idx.msk $0xffff, v2;
	v3 =	vor.u32 $0x1, v1;
	v2 =	vld [tilespmem:s11+$0x10]  }
0x4c3: {  	v5 =	vor.u32 $0x1, v4;
	v6 =	vld [tilespmem:s11+$0xFFFFFF90];
	_ =	sdelay $0x1  }
0x4c4: {  	s16 =	simm.s32 $0x0  }
0x4c5: {  	v7 =	vmov s16  }
0x4c6: {  	v7 =	vmul.u32 $0x440, v7;
	[tilespmem:v3+s8+$0x0] =	vst.idx.msk $0xffff, v2  }
0x4c7: {  	[tilespmem:v5+s8+$0x0] =	vst.idx.msk $0xffff, v6;
	v5 =	vor.u32 $0x2, v1;
	v3 =	vld [tilespmem:s11+$0x20]  }
0x4c8: {  	v6 =	vor.u32 $0x2, v4;
	v2 =	vbroadcast v7, $0x0;
	v7 =	vld [tilespmem:s11+$0xFFFFFFA0]  }
0x4c9: {  	s17 =	simm.s32 $0x18  }
0x4ca: {  	s18 =	simm.s32 $0x10;
	s24 =	sand.u32 $0x78, s17;
	s13 =	simm.s32 $0x4980;
	v8 =	vadd.s32 v0, v2  }
0x4cb: {  	s14 =	sand.u32 $0x70, s18;
	v9 =	vld [tilespmem:s13+$0x0];
	v2 =	vadd.s32 s24, v8  }
0x4cc: {  	v10 =	vld [tilespmem:s13+$0xFFFFFF80];
	v8 =	vadd.s32 s14, v8;
	[tilespmem:v5+s8+$0x0] =	vst.idx.msk $0xffff, v3  }
0x4cd: {  	[tilespmem:v6+s8+$0x0] =	vst.idx.msk $0xffff, v7;
	v5 =	vor.u32 $0x3, v1;
	v3 =	vld [tilespmem:s11+$0x30]  }
0x4ce: {  	v6 =	vor.u32 $0x3, v4;
	v7 =	vld [tilespmem:s11+$0xFFFFFFB0];
	_ =	sdelay $0x1  }
0x4cf: {  	[tilespmem:v2+s8+$0x0] =	vst.idx.msk $0xffff, v9  }
0x4d0: {  	[tilespmem:v8+s8+$0x0] =	vst.idx.msk $0xffff, v10;
	v10 =	vor.u32 $0x1, v2;
	v9 =	vld [tilespmem:s13+$0x10]  }
0x4d1: {  	v11 =	vor.u32 $0x1, v8;
	v12 =	vld [tilespmem:s13+$0xFFFFFF90];
	[tilespmem:v5+s8+$0x0] =	vst.idx.msk $0xffff, v3  }
0x4d2: {  	[tilespmem:v6+s8+$0x0] =	vst.idx.msk $0xffff, v7;
	v5 =	vor.u32 $0x4, v1;
	v3 =	vld [tilespmem:s11+$0x40]  }
0x4d3: {  	s25 =	simm.s32 $0x0;
	v6 =	vor.u32 $0x4, v4;
	v7 =	vld [tilespmem:s11+$0xFFFFFFC0]  }
0x4d4: {  	v13 =	vmov s25  }
0x4d5: {  	v13 =	vmul.u32 $0x440, v13;
	[tilespmem:v10+s8+$0x0] =	vst.idx.msk $0xffff, v9  }
0x4d6: {  	[tilespmem:v11+s8+$0x0] =	vst.idx.msk $0xffff, v12;
	v10 =	vor.u32 $0x2, v2;
	v9 =	vld [tilespmem:s13+$0x20]  }
0x4d7: {  	v11 =	vor.u32 $0x2, v8;
	v12 =	vbroadcast v13, $0x0;
	v13 =	vld [tilespmem:s13+$0xFFFFFFA0];
	[tilespmem:v5+s8+$0x0] =	vst.idx.msk $0xffff, v3  }
0x4d8: {  	s15 =	simm.s32 $0x20;
	v14 =	vor.u32 $0x5, v1;
	[tilespmem:v6+s8+$0x0] =	vst.idx.msk $0xffff, v7;
	v6 =	vld [tilespmem:s11+$0x50]  }
0x4d9: {  	s17 =	sand.u32 $0x70, s15;
	s26 =	simm.s32 $0x28;
	v15 =	vor.u32 $0x5, v4;
	s14 =	simm.s32 $0x4A80;
	v3 =	vadd.s32 v0, v12;
	v16 =	vld [tilespmem:s11+$0xFFFFFFD0]  }
0x4da: {  	s28 =	sand.u32 $0x78, s26;
	v22 =	vld [tilespmem:s14+$0xFFFFFF80];
	v26 =	vor.u32 $0x3, v2;
	v5 =	vor.u32 $0x6, v4;
	v19 =	vadd.s32 s17, v3  }
0x4db: {  	v18 =	vld [tilespmem:s14+$0x0];
	v12 =	vor.u32 $0x3, v8;
	v7 =	vadd.s32 s28, v3;
	v3 =	vor.u32 $0x7, v4;
	[tilespmem:v10+s8+$0x0] =	vst.idx.msk $0xffff, v9  }
0x4dc: {  	v4 =	vor.u32 $0x7, v8;
	[tilespmem:v11+s8+$0x0] =	vst.idx.msk $0xffff, v13;
	v11 =	vor.u32 $0x4, v8;
	v9 =	vor.u32 $0x5, v8  }
0x4dd: {  	v17 =	vor.u32 $0x1, v19;
	v13 =	vor.u32 $0x2, v19;
	v20 =	vor.u32 $0x3, v19;
	v25 =	vld [tilespmem:s13+$0x30];
	[tilespmem:v14+s8+$0x0] =	vst.idx.msk $0xffff, v6  }
0x4de: {  	v10 =	vor.u32 $0x5, v19;
	v21 =	vld [tilespmem:s13+$0xFFFFFFB0];
	v6 =	vor.u32 $0x6, v8;
	[tilespmem:v15+s8+$0x0] =	vst.idx.msk $0xffff, v16;
	v15 =	vor.u32 $0x4, v19  }
0x4df: {  	v14 =	vor.u32 $0x6, v19;
	[tilespmem:v19+s8+$0x0] =	vst.idx.msk $0xffff, v22;
	v8 =	vor.u32 $0x7, v19;
	v19 =	vor.u32 $0x6, v1;
	v16 =	vld [tilespmem:s11+$0x60]  }
0x4e0: {  	[tilespmem:v7+s8+$0x0] =	vst.idx.msk $0xffff, v18;
	v18 =	vld [tilespmem:s11+$0xFFFFFFE0]  }
0x4e1: {  	v24 =	vor.u32 $0x1, v7;
	v22 =	vld [tilespmem:s14+$0x10]  }
0x4e2: {  	v23 =	vld [tilespmem:s14+$0xFFFFFF90];
	[tilespmem:v26+s8+$0x0] =	vst.idx.msk $0xffff, v25  }
.LBB2_34:
0x4e3: {  	[tilespmem:v12+s8+$0x0] =	vst.idx.msk $0xffff, v21;
	v21 =	vld [tilespmem:s13+$0x40];
	v25 =	vor.u32 $0x4, v2;
	v12 =	vmov v20;
	s16 =	smov.u32 s15;
	s15 =	sadd.s32 $0x10, s15  }
0x4e4: {  	s17 =	sshrl.u32 s15, $0x7;
	s18 =	sand.u32 $0x70, s15;
	p0 =	slt.u32 s15, $0x3F0;
	v20 =	vld [tilespmem:s13+$0xFFFFFFC0];
	[tilespmem:v19+s8+$0x0] =	vst.idx.msk $0xffff, v16  }
0x4e5: {  	v19 =	vor.u32 $0x7, v1;
	v1 =	vmovc v2;
	v2 =	vmovc v7;
	v16 =	vmov s17;
	[tilespmem:v5+s8+$0x0] =	vst.idx.msk $0xffff, v18;
	v18 =	vld [tilespmem:s11+$0x70];
	v5 =	vmov v6  }
0x4e6: {  	v6 =	vmov v14;
	v7 =	vmul.u32 $0x440, v16;
	[tilespmem:v24+s8+$0x0] =	vst.idx.msk $0xffff, v22;
	v16 =	vld [tilespmem:s11+$0xFFFFFFF0];
	s11 =	smov.u32 s13;
	s13 =	smov.u32 s14  }
0x4e7: {  	v22 =	vor.u32 $0x2, v2;
	[tilespmem:v17+s8+$0x0] =	vst.idx.msk $0xffff, v23;
	v14 =	vld [tilespmem:s14+$0x20]  }
0x4e8: {  	v7 =	vbroadcast v7, $0x0;
	v23 =	vld [tilespmem:s14+$0xFFFFFFA0];
	[tilespmem:v25+s8+$0x0] =	vst.idx.msk $0xffff, v21  }
0x4e9: {  	s16 =	sadd.s32 $0x18, s16;
	v25 =	vor.u32 $0x5, v1;
	[tilespmem:v11+s8+$0x0] =	vst.idx.msk $0xffff, v20;
	v24 =	vld [tilespmem:s11+$0x50];
	v11 =	vmov v15  }
0x4ea: {  	s16 =	sand.u32 $0x78, s16;
	s14 =	sadd.s32 $0x100, s14;
	v7 =	vadd.s32 v0, v7;
	v26 =	vld [tilespmem:s11+$0xFFFFFFD0];
	[tilespmem:v19+s8+$0x0] =	vst.idx.msk $0xffff, v18  }
0x4eb: {  	v27 =	vadd.s32 s18, v7;
	v18 =	vld [tilespmem:s14+$0x0];
	v7 =	vadd.s32 s16, v7;
	[tilespmem:v3+s8+$0x0] =	vst.idx.msk $0xffff, v16;
	v3 =	vmovc v4;
	v4 =	vmov v8  }
0x4ec: {  	v28 =	vld [tilespmem:s14+$0xFFFFFF80];
	v17 =	vor.u32 $0x1, v27;
	v8 =	vor.u32 $0x2, v27;
	v20 =	vor.u32 $0x3, v27;
	[tilespmem:v22+s8+$0x0] =	vst.idx.msk $0xffff, v14  }
0x4ed: {  	v30 =	vor.u32 $0x3, v2;
	v15 =	vor.u32 $0x4, v27;
	v22 =	vor.u32 $0x5, v27;
	[tilespmem:v13+s8+$0x0] =	vst.idx.msk $0xffff, v23;
	v29 =	vld [tilespmem:s13+$0x30];
	v13 =	vmovc v8  }
.Ltmp16:
0x4ee: {  	v14 =	vor.u32 $0x6, v27;
	v8 =	vor.u32 $0x7, v27;
	v21 =	vld [tilespmem:s13+$0xFFFFFFB0];
	[tilespmem:v25+s8+$0x0] =	vst.idx.msk $0xffff, v24;
	(pc) =	sbr.rel @p0 .LBB2_34-.Ltmp16, $4  }
0x4ef: {  	v19 =	vor.u32 $0x6, v1;
	[tilespmem:v9+s8+$0x0] =	vst.idx.msk $0xffff, v26;
	v16 =	vld [tilespmem:s11+$0x60];
	v9 =	vmov v10;
	v10 =	vmov v22  }
0x4f0: {  	[tilespmem:v7+s8+$0x0] =	vst.idx.msk $0xffff, v18;
	v18 =	vld [tilespmem:s11+$0xFFFFFFE0]  }
0x4f1: {  	v24 =	vor.u32 $0x1, v7;
	[tilespmem:v27+s8+$0x0] =	vst.idx.msk $0xffff, v28;
	v22 =	vld [tilespmem:s14+$0x10]  }
0x4f2: {  	v23 =	vld [tilespmem:s14+$0xFFFFFF90];
	[tilespmem:v30+s8+$0x0] =	vst.idx.msk $0xffff, v29  }
0x4f3: {  	_ =	sdelay $0x3  }
0x4f4: {  	[tilespmem:v24+s8+$0x0] =	vst.idx.msk $0xffff, v22  }
0x4f5: {  	v40 =	vor.u32 $0x2, v7;
	[tilespmem:v17+s8+$0x0] =	vst.idx.msk $0xffff, v23;
	v39 =	vld [tilespmem:s14+$0x20]  }
0x4f6: {  	v23 =	vld [tilespmem:s14+$0xFFFFFFA0];
	_ =	sdelay $0x3  }
0x4f7: {  	[tilespmem:v40+s8+$0x0] =	vst.idx.msk $0xffff, v39  }
0x4f8: {  	v42 =	vor.u32 $0x3, v7;
	[tilespmem:v13+s8+$0x0] =	vst.idx.msk $0xffff, v23;
	v41 =	vld [tilespmem:s14+$0x30]  }
0x4f9: {  	v43 =	vld [tilespmem:s14+$0xFFFFFFB0];
	_ =	sdelay $0x2  }
0x4fa: {  	[tilespmem:v12+s8+$0x0] =	vst.idx.msk $0xffff, v21;
	v44 =	vld [tilespmem:s13+$0x40];
	v45 =	vor.u32 $0x4, v2  }
0x4fb: {  	v46 =	vld [tilespmem:s13+$0xFFFFFFC0];
	[tilespmem:v42+s8+$0x0] =	vst.idx.msk $0xffff, v41  }
0x4fc: {  	v47 =	vor.u32 $0x4, v7;
	[tilespmem:v20+s8+$0x0] =	vst.idx.msk $0xffff, v43;
	v13 =	vld [tilespmem:s14+$0x40]  }
0x4fd: {  	v20 =	vld [tilespmem:s14+$0xFFFFFFC0];
	_ =	sdelay $0x1  }
0x4fe: {  	[tilespmem:v45+s8+$0x0] =	vst.idx.msk $0xffff, v44  }
0x4ff: {  	v49 =	vor.u32 $0x5, v2;
	[tilespmem:v11+s8+$0x0] =	vst.idx.msk $0xffff, v46;
	v48 =	vld [tilespmem:s13+$0x50]  }
0x500: {  	v50 =	vld [tilespmem:s13+$0xFFFFFFD0];
	[tilespmem:v47+s8+$0x0] =	vst.idx.msk $0xffff, v13  }
0x501: {  	v51 =	vor.u32 $0x5, v7;
	[tilespmem:v15+s8+$0x0] =	vst.idx.msk $0xffff, v20;
	v13 =	vld [tilespmem:s14+$0x50]  }
0x502: {  	v52 =	vld [tilespmem:s14+$0xFFFFFFD0];
	_ =	sdelay $0x1  }
0x503: {  	[tilespmem:v49+s8+$0x0] =	vst.idx.msk $0xffff, v48  }
0x504: {  	v54 =	vor.u32 $0x6, v2;
	[tilespmem:v9+s8+$0x0] =	vst.idx.msk $0xffff, v50;
	v53 =	vld [tilespmem:s13+$0x60]  }
0x505: {  	v55 =	vld [tilespmem:s13+$0xFFFFFFE0];
	[tilespmem:v51+s8+$0x0] =	vst.idx.msk $0xffff, v13  }
0x506: {  	v57 =	vor.u32 $0x6, v7;
	[tilespmem:v10+s8+$0x0] =	vst.idx.msk $0xffff, v52;
	v56 =	vld [tilespmem:s14+$0x60]  }
0x507: {  	[tilespmem:v19+s8+$0x0] =	vst.idx.msk $0xffff, v16;
	v58 =	vld [tilespmem:s14+$0xFFFFFFE0]  }
0x508: {  	v1 =	vor.u32 $0x7, v1;
	[tilespmem:v5+s8+$0x0] =	vst.idx.msk $0xffff, v18;
	v59 =	vld [tilespmem:s11+$0x70]  }
0x509: {  	v60 =	vld [tilespmem:s11+$0xFFFFFFF0];
	[tilespmem:v54+s8+$0x0] =	vst.idx.msk $0xffff, v53  }
0x50a: {  	v2 =	vor.u32 $0x7, v2;
	[tilespmem:v6+s8+$0x0] =	vst.idx.msk $0xffff, v55;
	v61 =	vld [tilespmem:s13+$0x70]  }
0x50b: {  	v62 =	vld [tilespmem:s13+$0xFFFFFFF0];
	[tilespmem:v57+s8+$0x0] =	vst.idx.msk $0xffff, v56  }
0x50c: {  	v63 =	vor.u32 $0x7, v7;
	[tilespmem:v14+s8+$0x0] =	vst.idx.msk $0xffff, v58;
	v10 =	vld [tilespmem:s14+$0x70]  }
0x50d: {  	[tilespmem:v1+s8+$0x0] =	vst.idx.msk $0xffff, v59;
	v1 =	vld [tilespmem:s14+$0xFFFFFFF0]  }
0x50e: {  	[tilespmem:v3+s8+$0x0] =	vst.idx.msk $0xffff, v60  }
0x50f: {  	[tilespmem:v2+s8+$0x0] =	vst.idx.msk $0xffff, v61  }
0x510: {  	[tilespmem:v4+s8+$0x0] =	vst.idx.msk $0xffff, v62  }
0x511: {  	[tilespmem:v63+s8+$0x0] =	vst.idx.msk $0xffff, v10  }
0x512: {  	[tilespmem:v8+s8+$0x0] =	vst.idx.msk $0xffff, v1  }
0x513: {  	s18 =	simm.s32 $0xD480;
	s17 =	rddreg [dreg:$0xe]  }
0x514: {  	[hbm4b:s17+s4] =	stream.linear.scatter [tilespmem:s18], [sflag:$0x4], $0x80, $0x38;
	[tilespmem:$0x12100] =	vst v63  }
0x515: {  	s24 =	simm.s32 $0xD508;
	s25 =	sadd.s32 $0x10, s17  }
0x516: {  	[hbm4b:s25+s4] =	stream.linear.scatter [tilespmem:s24], [sflag:$0x4], $0x80, $0x38;
	[tilespmem:$0x12100] =	vst v63  }
0x517: {  	s26 =	simm.s32 $0xD590;
	s16 =	simm.s32 $0xD6A0;
	s28 =	sadd.s32 $0x20, s17  }
0x518: {  	[hbm4b:s28+s4] =	stream.linear.scatter [tilespmem:s26], [sflag:$0x4], $0x80, $0x38;
	[tilespmem:$0x12100] =	vst v63  }
0x519: {  	s11 =	simm.s32 $0x440;
	s14 =	simm.s32 $0xD618;
	s15 =	sadd.s32 $0x30, s17  }
0x51a: {  	[hbm4b:s15+s4] =	stream.linear.scatter [tilespmem:s14], [sflag:$0x4], $0x80, $0x38;
	[tilespmem:$0x12100] =	vst v63  }
0x51b: {  	s18 =	sadd.s32 $0x40, s17;
	s13 =	sadd.s32 $0x8000, s17;
	s24 =	simm.s32 $0xD728  }
0x51c: {  	[hbm4b:s18+s4] =	stream.linear.scatter [tilespmem:s16], [sflag:$0x4], $0x80, $0x38;
	[tilespmem:$0x12100] =	vst v63  }
0x51d: {  	s25 =	sadd.s32 $0x50, s17;
	s26 =	simm.s32 $0xD7B0;
	s28 =	sadd.s32 $0x60, s17  }
0x51e: {  	[hbm4b:s25+s4] =	stream.linear.scatter [tilespmem:s24], [sflag:$0x4], $0x80, $0x38;
	[tilespmem:$0x12100] =	vst v63  }
0x51f: {  	s14 =	simm.s32 $0x2200;
	s15 =	simm.s32 $0xD838;
	s16 =	sadd.s32 $0x70, s17  }
0x520: {  	[hbm4b:s28+s4] =	stream.linear.scatter [tilespmem:s26], [sflag:$0x4], $0x80, $0x38;
	[tilespmem:$0x12100] =	vst v63  }
.LBB2_36:
0x521: {  	[hbm4b:s16+s4] =	stream.linear.scatter [tilespmem:s15], [sflag:$0x4], $0x80, $0x38;
	[tilespmem:$0x12100] =	vst v63  }
0x522: {  	s15 =	smov.u32 s11;
	s11 =	smov.u32 s14  }
0x523: {  	s17 =	sadd.s32 $0x1100, s14;
	s11 =	sshra.s32 s11, $0x2;
	s16 =	sadd.s32 $0xD480, s15  }
0x524: {  	[hbm4b:s13+s4] =	stream.linear.scatter [tilespmem:s16], [sflag:$0x4], $0x80, $0x38;
	[tilespmem:$0x12100] =	vst v63  }
0x525: {  	p0 =	sne.s32 s14, $0x7700;
	s14 =	sadd.s32 $0xD508, s15;
	s16 =	sadd.s32 $0x10, s13  }
0x526: {  	[hbm4b:s16+s4] =	stream.linear.scatter [tilespmem:s14], [sflag:$0x4], $0x80, $0x38;
	[tilespmem:$0x12100] =	vst v63  }
0x527: {  	s14 =	sadd.s32 $0xD590, s15;
	s16 =	sadd.s32 $0x20, s13  }
0x528: {  	[hbm4b:s16+s4] =	stream.linear.scatter [tilespmem:s14], [sflag:$0x4], $0x80, $0x38;
	[tilespmem:$0x12100] =	vst v63  }
0x529: {  	s14 =	sadd.s32 $0xD618, s15;
	s16 =	sadd.s32 $0x30, s13  }
0x52a: {  	[hbm4b:s16+s4] =	stream.linear.scatter [tilespmem:s14], [sflag:$0x4], $0x80, $0x38;
	[tilespmem:$0x12100] =	vst v63  }
0x52b: {  	s14 =	sadd.s32 $0xD6A0, s15;
	s16 =	sadd.s32 $0x40, s13  }
0x52c: {  	[hbm4b:s16+s4] =	stream.linear.scatter [tilespmem:s14], [sflag:$0x4], $0x80, $0x38;
	[tilespmem:$0x12100] =	vst v63  }
.Ltmp17:
0x52d: {  	s14 =	sadd.s32 $0xD728, s15;
	s16 =	sadd.s32 $0x50, s13;
	(pc) =	sbr.rel @p0 .LBB2_36-.Ltmp17, $4  }
0x52e: {  	[hbm4b:s16+s4] =	stream.linear.scatter [tilespmem:s14], [sflag:$0x4], $0x80, $0x38;
	[tilespmem:$0x12100] =	vst v63  }
0x52f: {  	s14 =	sadd.s32 $0xD7B0, s15;
	s16 =	sadd.s32 $0x60, s13;
	s15 =	sadd.s32 $0xD838, s15  }
0x530: {  	[hbm4b:s16+s4] =	stream.linear.scatter [tilespmem:s14], [sflag:$0x4], $0x80, $0x38;
	[tilespmem:$0x12100] =	vst v63  }
0x531: {  	s16 =	sadd.s32 $0x70, s13;
	s13 =	sadd.s32 $0x8000, s13;
	s14 =	smov.u32 s17  }
0x532: {  	[hbm4b:s16+s4] =	stream.linear.scatter [tilespmem:s15], [sflag:$0x4], $0x80, $0x38;
	[tilespmem:$0x12100] =	vst v63  }
0x533: {  	s14 =	sadd.s32 $0xD480, s11  }
0x534: {  	[hbm4b:s13+s4] =	stream.linear.scatter [tilespmem:s14], [sflag:$0x4], $0x80, $0x38;
	[tilespmem:$0x12100] =	vst v63  }
0x535: {  	s24 =	sadd.s32 $0xD508, s11;
	s25 =	sadd.s32 $0x10, s13  }
0x536: {  	[hbm4b:s25+s4] =	stream.linear.scatter [tilespmem:s24], [sflag:$0x4], $0x80, $0x38;
	[tilespmem:$0x12100] =	vst v63  }
0x537: {  	s26 =	sadd.s32 $0xD590, s11;
	s28 =	sadd.s32 $0x20, s13  }
0x538: {  	[hbm4b:s28+s4] =	stream.linear.scatter [tilespmem:s26], [sflag:$0x4], $0x80, $0x38;
	[tilespmem:$0x12100] =	vst v63  }
0x539: {  	s15 =	sadd.s32 $0xD618, s11;
	s16 =	sadd.s32 $0x30, s13  }
0x53a: {  	[hbm4b:s16+s4] =	stream.linear.scatter [tilespmem:s15], [sflag:$0x4], $0x80, $0x38;
	[tilespmem:$0x12100] =	vst v63  }
0x53b: {  	s17 =	sadd.s32 $0xD6A0, s11;
	s18 =	sadd.s32 $0x40, s13  }
0x53c: {  	[hbm4b:s18+s4] =	stream.linear.scatter [tilespmem:s17], [sflag:$0x4], $0x80, $0x38;
	[tilespmem:$0x12100] =	vst v63  }
0x53d: {  	s24 =	sadd.s32 $0xD728, s11;
	s25 =	sadd.s32 $0x50, s13  }
0x53e: {  	[hbm4b:s25+s4] =	stream.linear.scatter [tilespmem:s24], [sflag:$0x4], $0x80, $0x38;
	[tilespmem:$0x12100] =	vst v63  }
0x53f: {  	s26 =	sadd.s32 $0xD7B0, s11;
	s28 =	sadd.s32 $0x60, s13  }
0x540: {  	[hbm4b:s28+s4] =	stream.linear.scatter [tilespmem:s26], [sflag:$0x4], $0x80, $0x38;
	[tilespmem:$0x12100] =	vst v63  }
0x541: {  	s16 =	sadd.s32 $0xD838, s11;
	s17 =	sadd.s32 $0x70, s13  }
0x542: {  	[hbm4b:s17+s4] =	stream.linear.scatter [tilespmem:s16], [sflag:$0x4], $0x80, $0x38;
	[tilespmem:$0x12100] =	vst v63  }
0x543: {  	s18 =	simm.s32 $0xFAC0;
	s17 =	rddreg [dreg:$0xf]  }
0x544: {  	[hbm4b:s17+s4] =	stream.linear.scatter [tilespmem:s18], [sflag:$0x4], $0x80, $0x38;
	[tilespmem:$0x12100] =	vst v63  }
0x545: {  	s24 =	simm.s32 $0xFB48;
	s25 =	sadd.s32 $0x10, s17  }
0x546: {  	[hbm4b:s25+s4] =	stream.linear.scatter [tilespmem:s24], [sflag:$0x4], $0x80, $0x38;
	[tilespmem:$0x12100] =	vst v63  }
0x547: {  	s14 =	simm.s32 $0xFC58;
	s26 =	simm.s32 $0xFBD0;
	s28 =	sadd.s32 $0x20, s17  }
0x548: {  	[hbm4b:s28+s4] =	stream.linear.scatter [tilespmem:s26], [sflag:$0x4], $0x80, $0x38;
	[tilespmem:$0x12100] =	vst v63  }
0x549: {  	s11 =	simm.s32 $0x440;
	s16 =	simm.s32 $0xFCE0;
	s15 =	sadd.s32 $0x30, s17  }
0x54a: {  	[hbm4b:s15+s4] =	stream.linear.scatter [tilespmem:s14], [sflag:$0x4], $0x80, $0x38;
	[tilespmem:$0x12100] =	vst v63  }
0x54b: {  	s13 =	sadd.s32 $0x8000, s17;
	s18 =	sadd.s32 $0x40, s17;
	s24 =	simm.s32 $0xFD68  }
0x54c: {  	[hbm4b:s18+s4] =	stream.linear.scatter [tilespmem:s16], [sflag:$0x4], $0x80, $0x38;
	[tilespmem:$0x12100] =	vst v63  }
0x54d: {  	s25 =	sadd.s32 $0x50, s17;
	s26 =	simm.s32 $0xFDF0;
	s28 =	sadd.s32 $0x60, s17  }
0x54e: {  	[hbm4b:s25+s4] =	stream.linear.scatter [tilespmem:s24], [sflag:$0x4], $0x80, $0x38;
	[tilespmem:$0x12100] =	vst v63  }
0x54f: {  	s14 =	simm.s32 $0x2200;
	s15 =	simm.s32 $0xFE78;
	s16 =	sadd.s32 $0x70, s17  }
0x550: {  	[hbm4b:s28+s4] =	stream.linear.scatter [tilespmem:s26], [sflag:$0x4], $0x80, $0x38;
	[tilespmem:$0x12100] =	vst v63  }
.LBB2_38:
0x551: {  	[hbm4b:s16+s4] =	stream.linear.scatter [tilespmem:s15], [sflag:$0x4], $0x80, $0x38;
	[tilespmem:$0x12100] =	vst v63  }
0x552: {  	s15 =	smov.u32 s11;
	s11 =	smov.u32 s14  }
0x553: {  	s17 =	sadd.s32 $0x1100, s14;
	s11 =	sshra.s32 s11, $0x2;
	s16 =	sadd.s32 $0xFAC0, s15  }
0x554: {  	[hbm4b:s13+s4] =	stream.linear.scatter [tilespmem:s16], [sflag:$0x4], $0x80, $0x38;
	[tilespmem:$0x12100] =	vst v63  }
0x555: {  	p0 =	sne.s32 s14, $0x7700;
	s14 =	sadd.s32 $0xFB48, s15;
	s16 =	sadd.s32 $0x10, s13  }
0x556: {  	[hbm4b:s16+s4] =	stream.linear.scatter [tilespmem:s14], [sflag:$0x4], $0x80, $0x38;
	[tilespmem:$0x12100] =	vst v63  }
0x557: {  	s14 =	sadd.s32 $0xFBD0, s15;
	s16 =	sadd.s32 $0x20, s13  }
0x558: {  	[hbm4b:s16+s4] =	stream.linear.scatter [tilespmem:s14], [sflag:$0x4], $0x80, $0x38;
	[tilespmem:$0x12100] =	vst v63  }
0x559: {  	s14 =	sadd.s32 $0xFC58, s15;
	s16 =	sadd.s32 $0x30, s13  }
0x55a: {  	[hbm4b:s16+s4] =	stream.linear.scatter [tilespmem:s14], [sflag:$0x4], $0x80, $0x38;
	[tilespmem:$0x12100] =	vst v63  }
0x55b: {  	s14 =	sadd.s32 $0xFCE0, s15;
	s16 =	sadd.s32 $0x40, s13  }
0x55c: {  	[hbm4b:s16+s4] =	stream.linear.scatter [tilespmem:s14], [sflag:$0x4], $0x80, $0x38;
	[tilespmem:$0x12100] =	vst v63  }
.Ltmp18:
0x55d: {  	s14 =	sadd.s32 $0xFD68, s15;
	s16 =	sadd.s32 $0x50, s13;
	(pc) =	sbr.rel @p0 .LBB2_38-.Ltmp18, $4  }
0x55e: {  	[hbm4b:s16+s4] =	stream.linear.scatter [tilespmem:s14], [sflag:$0x4], $0x80, $0x38;
	[tilespmem:$0x12100] =	vst v63  }
0x55f: {  	s14 =	sadd.s32 $0xFDF0, s15;
	s16 =	sadd.s32 $0x60, s13;
	s15 =	sadd.s32 $0xFE78, s15  }
0x560: {  	[hbm4b:s16+s4] =	stream.linear.scatter [tilespmem:s14], [sflag:$0x4], $0x80, $0x38;
	[tilespmem:$0x12100] =	vst v63  }
0x561: {  	s16 =	sadd.s32 $0x70, s13;
	s13 =	sadd.s32 $0x8000, s13;
	s14 =	smov.u32 s17  }
0x562: {  	[hbm4b:s16+s4] =	stream.linear.scatter [tilespmem:s15], [sflag:$0x4], $0x80, $0x38;
	[tilespmem:$0x12100] =	vst v63  }
0x563: {  	s14 =	sadd.s32 $0xFAC0, s11  }
0x564: {  	[hbm4b:s13+s4] =	stream.linear.scatter [tilespmem:s14], [sflag:$0x4], $0x80, $0x38;
	[tilespmem:$0x12100] =	vst v63  }
0x565: {  	s15 =	sadd.s32 $0xFB48, s11;
	s16 =	sadd.s32 $0x10, s13  }
0x566: {  	[hbm4b:s16+s4] =	stream.linear.scatter [tilespmem:s15], [sflag:$0x4], $0x80, $0x38;
	[tilespmem:$0x12100] =	vst v63  }
0x567: {  	s17 =	sadd.s32 $0xFBD0, s11;
	s18 =	sadd.s32 $0x20, s13  }
0x568: {  	[hbm4b:s18+s4] =	stream.linear.scatter [tilespmem:s17], [sflag:$0x4], $0x80, $0x38;
	[tilespmem:$0x12100] =	vst v63  }
0x569: {  	s24 =	sadd.s32 $0xFC58, s11;
	s25 =	sadd.s32 $0x30, s13  }
0x56a: {  	[hbm4b:s25+s4] =	stream.linear.scatter [tilespmem:s24], [sflag:$0x4], $0x80, $0x38;
	[tilespmem:$0x12100] =	vst v63  }
0x56b: {  	s26 =	sadd.s32 $0xFCE0, s11;
	s28 =	sadd.s32 $0x40, s13  }
0x56c: {  	[hbm4b:s28+s4] =	stream.linear.scatter [tilespmem:s26], [sflag:$0x4], $0x80, $0x38;
	[tilespmem:$0x12100] =	vst v63  }
0x56d: {  	s15 =	sadd.s32 $0xFD68, s11;
	s16 =	sadd.s32 $0x50, s13  }
0x56e: {  	[hbm4b:s16+s4] =	stream.linear.scatter [tilespmem:s15], [sflag:$0x4], $0x80, $0x38;
	[tilespmem:$0x12100] =	vst v63  }
0x56f: {  	s17 =	sadd.s32 $0xFDF0, s11;
	s18 =	sadd.s32 $0x60, s13  }
0x570: {  	[hbm4b:s18+s4] =	stream.linear.scatter [tilespmem:s17], [sflag:$0x4], $0x80, $0x38;
	[tilespmem:$0x12100] =	vst v63  }
0x571: {  	s24 =	sadd.s32 $0xFE78, s11;
	s25 =	sadd.s32 $0x70, s13  }
0x572: {  	[hbm4b:s25+s4] =	stream.linear.scatter [tilespmem:s24], [sflag:$0x4], $0x80, $0x38;
	[tilespmem:$0x12100] =	vst v63  }
0x573: {  	_ =	swait.ge [sflag:s12], $0x2000  }
0x574: {  	[sflag:s12] =	ssyncset.done $0x0  }
0x575: {  	[sflag:s12] =	ssyncadd.s32 $0xFFFFE000  }
0x576: {  	_ =	swait.ge [sflag:s12], $0x2000  }
0x577: {  	[sflag:s12] =	ssyncset.done $0x0  }
0x578: {  	[sflag:s12] =	ssyncadd.s32 $0xFFFFE000  }
0x579: {  	_ =	swait.ge [sflag:s19], $0x2000  }
0x57a: {  	[sflag:s19] =	ssyncset.done $0x0  }
0x57b: {  	[sflag:s19] =	ssyncadd.s32 $0xFFFFE000  }
0x57c: {  	_ =	swait.ge [sflag:s19], $0x2000  }
0x57d: {  	s26 =	rddreg [dreg:$0x11]  }
0x57e: {  	s28 =	rddreg [dreg:$0x10];
	s13 =	sadd.s32 $0x1, s26  }
0x57f: {  	p0 =	sne.s32 s13, s28  }
.Ltmp19:
0x580: {  	_ = 	snop;
	(pc) =	sbr.rel @p0 .LBB2_1-.Ltmp19, $3  }
0x581: {  	_ =	sdelay $0x1  }
0x582: {  	[sflag:s19] =	ssyncset.done $0x0  }
0x583: {  	[sflag:s19] =	ssyncadd.s32 $0xFFFFE000  }
0x584: {  	_ =	sfence.sel $0x180000  }
0x585: {  	[bflag:$0x0] =	sbarrier.arrive $0xFFFF  }
0x586: {  	_ =	strace $0x90000047  }
0x587: {  	s0 =	stileid.u32;
	[bflag:$0x2] =	sbarrier.arrive $0xFFFF  }
0x588: {  	p0 =	sne.s32 s0, $0x0;
	s0 =	rddreg [dreg:$0x3]  }
0x589: {  	s0 =	sadd.s32 @!p0 $0x100000, s0  }
0x58a: {  	[sflag:s0] =	ssyncadd.tile.s32 @!p0 $0x1;
	_ =	shalt  }
.Lfunc_end2:
_tile_overlayer_lowered:
.L_overlay_start_2:
0x58b: {  	(tag) =	ssettag $0x2  }
0x58c: {  	s0 =	rddreg [dreg:$0x0];
	s2 =	stileid.u32  }
0x58d: {  	s1 =	rddreg [dreg:$0x1];
	p0 =	sne.s32 s2, $0x0  }
0x58e: {  	s3 =	rddreg [dreg:$0x2];
	[bflag:$0x3] =	sbarrier.arrive $0xFFFF;
	s2 =	simm.s32 @!p0 $0x1C07  }
0x58f: {  	[timem:s3], [sflag:s2] =	dma.local @!p0 [hbm:s0], s1  }
0x590: {  	s0 =	simm.s32 @!p0 $0x7  }
0x591: {  	_ =	swait.ge @!p0 [sflag:s0], s1  }
0x592: {  	s1 =	ssub.s32 @!p0 $0x0, s1;
	[sflag:s0] =	ssyncset.done @!p0 $0x0  }
0x593: {  	[sflag:s0] =	ssyncadd.s32 @!p0 s1  }
0x594: {  	[bflag:$0x3] =	sbarrier.arrive $0xFFFF  }
0x595: {  	_ =	shalt  }

</sc_bundles>
